<compile_context>
chip_gen: v7x
topology: tpu7x:2x2x1
jax: 0.10.2.dev20260603
libtpu: 0.0.44.dev20260713+nightly
codegen_flags: <defaults>
</compile_context>

<pallas_src>
import jax
import jax.numpy as jnp
import numpy as np
from jax import lax
from jax.experimental import pallas as pl
from jax.experimental.pallas import tpu as pltpu
from jax.experimental.pallas import tpu_sc as plsc

B, S, K, V, D = 1024, 50, 10, 1000000, 64
R = S * K
RP = 512
NCHUNK = RP // 128
NC, NS = 2, 16
NW = NC * NS
UPW = B // NW
TRASH = S
L = 16


def _body(ids_hbm, resp_hbm, tmap_hbm, table_hbm, item_out, user_out,
          idbuf, segidx, respv, cmref, tmapv, rows, segsh, segv, zbuf, ubuf,
          sem):
  sid = lax.axis_index("s")
  wid = sid * NC + lax.axis_index("c")
  base = wid * UPW

  zero16 = jnp.zeros((L,), jnp.float32)

  pltpu.sync_copy(tmap_hbm, tmapv)
  for s in range(S + 1):
    for c in range(D // L):
      zbuf[s, pl.ds(c * L, L)] = zero16
  pltpu.sync_copy(zbuf, segsh.at[sid])

  def one_user(i, carry_unused):
    b = base + i

    pltpu.sync_copy(ids_hbm.at[b], idbuf)
    pltpu.sync_copy(resp_hbm.at[b], respv)

    cps = []
    for j in range(NCHUNK):
      cps.append(pltpu.async_copy(
          table_hbm.at[idbuf.at[j]], rows.at[pl.ds(j * 128, 128)], sem))
    for cp in cps:
      cp.wait()

    carry = jnp.float32(0.0)
    for c in range(RP // L):
      rv = respv[pl.ds(c * L, L)]
      inc = plsc.cumsum(rv)
      cmref[pl.ds(c * L, L)] = carry + inc - rv
      carry = carry + jnp.sum(rv)
      tm = tmapv[pl.ds(c * L, L)]
      seg = jnp.where(rv > 0.0, tm, jnp.full((L,), TRASH, jnp.int32))
      segidx[c // 8, pl.ds((c % 8) * L, L)] = seg

    pltpu.sync_copy(rows.at[pl.ds(0, R)], item_out.at[b])

    for j in range(NCHUNK):
      pltpu.sync_copy(rows.at[pl.ds(j * 128, 128)],
                      segsh.at[sid].at[segidx.at[j]], add=True)
    pltpu.sync_copy(segsh.at[sid], segv)
    pltpu.sync_copy(zbuf, segsh.at[sid])

    acc = [zero16] * (D // L)
    for s in range(S):
      den = plsc.load_gather(cmref, [jnp.full((L,), 10 * s, jnp.int32)])
      den = jnp.maximum(den, 1.0)
      for c in range(D // L):
        acc[c] = acc[c] + segv[s, pl.ds(c * L, L)]
        ubuf[s, pl.ds(c * L, L)] = acc[c] / den

    pltpu.sync_copy(ubuf, user_out.at[b])
    return carry_unused

  lax.fori_loop(0, UPW, one_user, jnp.int32(0))


@jax.jit
def kernel(table, item_ids, responses):
  ids = item_ids.astype(jnp.int32).reshape(B, R)
  ids = jnp.pad(ids, ((0, 0), (0, RP - R))).reshape(B, NCHUNK, 128)
  respf = responses.astype(jnp.float32).reshape(B, R)
  respf = jnp.pad(respf, ((0, 0), (0, RP - R)))

  t = np.arange(RP) // K
  tmap = jnp.asarray(np.where(t < S - 1, t + 1, TRASH), dtype=jnp.int32)

  mesh = plsc.VectorSubcoreMesh(core_axis_name="c", subcore_axis_name="s")
  item_emb, user_emb = pl.kernel(
      _body,
      out_type=(
          jax.ShapeDtypeStruct((B, R, D), jnp.float32),
          jax.ShapeDtypeStruct((B, S, D), jnp.float32),
      ),
      mesh=mesh,
      compiler_params=pltpu.CompilerParams(
          needs_layout_passes=False, use_tc_tiling_on_sc=False),
      scratch_types=[
          pltpu.VMEM((NCHUNK, 128), jnp.int32),
          pltpu.VMEM((NCHUNK, 128), jnp.int32),
          pltpu.VMEM((RP,), jnp.float32),
          pltpu.VMEM((RP,), jnp.float32),
          pltpu.VMEM((RP,), jnp.int32),
          pltpu.VMEM((RP, D), jnp.float32),
          pltpu.VMEM_SHARED((NS, S + 1, D), jnp.float32),
          pltpu.VMEM((S + 1, D), jnp.float32),
          pltpu.VMEM((S + 1, D), jnp.float32),
          pltpu.VMEM((S, D), jnp.float32),
          pltpu.SemaphoreType.DMA,
      ],
  )(ids, respf, tmap, table)
  return item_emb.reshape(B, S, K, D), user_emb

# --- scband reference (transcript-rebuilt; emitter-appended) ---
"""Pipeline reference for scband-embedding-base-34179349741782 (READ-ONLY COPY).

The authoritative reference and input builder live on the scoring server;
editing this copy changes nothing except your own understanding.
"""

import jax, jax.numpy as jnp
import numpy as np

B, S, K, V, D = 1024, 50, 10, 1000000, 64

def setup_inputs(seed: int = 0) -> dict:
    key = jax.random.key(seed)
    k1, k2, k3 = jax.random.split(key, 3)
    item_ids = jax.random.randint(k1, (B, S, K), 0, V)
    responses = jax.random.randint(k2, (B, S, K), 0, 2)
    table = jax.random.normal(k3, (V, D), dtype=jnp.float32) * 0.02
    return {"table": table, "item_ids": item_ids, "responses": responses}

def reference(table, item_ids, responses):
    # item embeddings: (B, S, K, D) via gather
    item_emb = jnp.take(table, item_ids, axis=0)
    # shift item embeddings and responses by one interaction step
    emb_shift = jnp.concatenate([jnp.zeros_like(item_emb[:, :1]), item_emb[:, :-1]], axis=1)
    resp_shift = jnp.concatenate([jnp.zeros_like(responses[:, :1]), responses[:, :-1]], axis=1).astype(jnp.float32)
    # consumed item embeddings weighted by positive responses, summed over slate, cumsum over time
    consumed = (emb_shift * resp_shift[..., None]).sum(axis=-2)
    consumed = jnp.cumsum(consumed, axis=1)
    # mean aggregation: divide by cumulative number of positive responses where > 0
    total = jnp.cumsum(resp_shift.sum(axis=-1), axis=1)
    nnz = total > 0
    denom = jnp.where(nnz, total, 1.0)
    user_emb = jnp.where(nnz[..., None], consumed / denom[..., None], consumed)
    return (item_emb, user_emb)

if __name__ == "__main__":
    import jax
    _d = setup_inputs()
    print(jax.jit(kernel)(*tuple(_d.values())))

</pallas_src>

<mosaic_0001>
#map = affine_map<(d0, d1) -> (0, 0, 0)>
#map1 = affine_map<(d0, d1) -> (0, 0)>
#map2 = affine_map<(d0, d1) -> (0)>
module attributes {stable_mosaic.version = 14 : i64} {
  func.func @_body(%arg0: i32, %arg1: i32, %arg2: memref<1024x4x128xi32, #tpu.memory_space<hbm>>, %arg3: memref<1024x512xf32, #tpu.memory_space<hbm>>, %arg4: memref<512xi32, #tpu.memory_space<hbm>>, %arg5: memref<1000000x64xf32, #tpu.memory_space<hbm>>, %arg6: memref<1024x500x64xf32, #tpu.memory_space<hbm>>, %arg7: memref<1024x50x64xf32, #tpu.memory_space<hbm>>, %arg8: memref<4x128xi32, #tpu.memory_space<vmem>>, %arg9: memref<4x128xi32, #tpu.memory_space<vmem>>, %arg10: memref<512xf32, #tpu.memory_space<vmem>>, %arg11: memref<512xf32, #tpu.memory_space<vmem>>, %arg12: memref<512xi32, #tpu.memory_space<vmem>>, %arg13: memref<512x64xf32, #tpu.memory_space<vmem>>, %arg14: memref<16x51x64xf32, #tpu.memory_space<vmem_shared>>, %arg15: memref<51x64xf32, #tpu.memory_space<vmem>>, %arg16: memref<51x64xf32, #tpu.memory_space<vmem>>, %arg17: memref<50x64xf32, #tpu.memory_space<vmem>>, %arg18: memref<!tpu.dma_semaphore, #tpu.memory_space<semaphore_mem>>) attributes {dimension_semantics = [#tpu.dimension_semantics<core_parallel>, #tpu.dimension_semantics<subcore_parallel>], iteration_bounds = array<i64: 2, 16>, scalar_prefetch = 0 : i64, scratch_operands = 11 : i64, tpu.core_type = #tpu.core_type<sc_vector_subcore>, window_params = [{transform_indices = #map}, {transform_indices = #map1}, {transform_indices = #map2}, {transform_indices = #map1}, {transform_indices = #map}, {transform_indices = #map}]} {
    %mul3A = arith.constant 2 : i32
    %mul3A_0 = arith.muli %arg1, %mul3A : i32
    %add3A = arith.addi %mul3A_0, %arg0 : i32
    %mul3A_1 = arith.constant 32 : i32
    %mul3A_2 = arith.muli %add3A, %mul3A_1 : i32
    %broadcast_in_dim3A = arith.constant 0.000000e+00 : f32
    %broadcast_in_dim3A_3 = vector.broadcast %broadcast_in_dim3A : f32 to vector<16xf32>
    "tpu.region"() ({
      %run_scoped3A = tpu.sem_alloc : memref<!tpu.dma_semaphore, #tpu.memory_space<semaphore_mem>>
      tpu.enqueue_dma source(%arg4 : memref<512xi32, #tpu.memory_space<hbm>>) target(%arg12 : memref<512xi32, #tpu.memory_space<vmem>>) target_semaphore(%run_scoped3A : memref<!tpu.dma_semaphore, #tpu.memory_space<semaphore_mem>>)
      tpu.wait_dma2 semaphore(%run_scoped3A : memref<!tpu.dma_semaphore, #tpu.memory_space<semaphore_mem>>) src(%arg4 : memref<512xi32, #tpu.memory_space<hbm>>) dst(%arg12 : memref<512xi32, #tpu.memory_space<vmem>>)
      tpu.yield
    }) : () -> ()
    %swap3A = arith.constant 0 : i32
    %swap3A_4 = arith.index_cast %swap3A : i32 to index
    %swap3A_5 = arith.constant 0 : index
    %swap3A_6 = tpu.vector_load %arg16[%swap3A_4, %swap3A_5] {strides = array<i32>} : memref<51x64xf32, #tpu.memory_space<vmem>>, vector<16xf32>,
    tpu.vector_store %arg16[%swap3A_4, %swap3A_5], %broadcast_in_dim3A_3 {strides = array<i32>} : memref<51x64xf32, #tpu.memory_space<vmem>>, vector<16xf32>,
    %swap3A_7 = arith.constant 0 : i32
    %swap3A_8 = arith.index_cast %swap3A_7 : i32 to index
    %swap3A_9 = arith.constant 16 : index
    %swap3A_10 = tpu.vector_load %arg16[%swap3A_8, %swap3A_9] {strides = array<i32>} : memref<51x64xf32, #tpu.memory_space<vmem>>, vector<16xf32>,
    tpu.vector_store %arg16[%swap3A_8, %swap3A_9], %broadcast_in_dim3A_3 {strides = array<i32>} : memref<51x64xf32, #tpu.memory_space<vmem>>, vector<16xf32>,
    %swap3A_11 = arith.constant 0 : i32
    %swap3A_12 = arith.index_cast %swap3A_11 : i32 to index
    %swap3A_13 = arith.constant 32 : index
    %swap3A_14 = tpu.vector_load %arg16[%swap3A_12, %swap3A_13] {strides = array<i32>} : memref<51x64xf32, #tpu.memory_space<vmem>>, vector<16xf32>,
    tpu.vector_store %arg16[%swap3A_12, %swap3A_13], %broadcast_in_dim3A_3 {strides = array<i32>} : memref<51x64xf32, #tpu.memory_space<vmem>>, vector<16xf32>,
    %swap3A_15 = arith.constant 0 : i32
    %swap3A_16 = arith.index_cast %swap3A_15 : i32 to index
    %swap3A_17 = arith.constant 48 : index
    %swap3A_18 = tpu.vector_load %arg16[%swap3A_16, %swap3A_17] {strides = array<i32>} : memref<51x64xf32, #tpu.memory_space<vmem>>, vector<16xf32>,
    tpu.vector_store %arg16[%swap3A_16, %swap3A_17], %broadcast_in_dim3A_3 {strides = array<i32>} : memref<51x64xf32, #tpu.memory_space<vmem>>, vector<16xf32>,
    %swap3A_19 = arith.constant 1 : i32
    %swap3A_20 = arith.index_cast %swap3A_19 : i32 to index
    %swap3A_21 = arith.constant 0 : index
    %swap3A_22 = tpu.vector_load %arg16[%swap3A_20, %swap3A_21] {strides = array<i32>} : memref<51x64xf32, #tpu.memory_space<vmem>>, vector<16xf32>,
    tpu.vector_store %arg16[%swap3A_20, %swap3A_21], %broadcast_in_dim3A_3 {strides = array<i32>} : memref<51x64xf32, #tpu.memory_space<vmem>>, vector<16xf32>,
    %swap3A_23 = arith.constant 1 : i32
    %swap3A_24 = arith.index_cast %swap3A_23 : i32 to index
    %swap3A_25 = arith.constant 16 : index
    %swap3A_26 = tpu.vector_load %arg16[%swap3A_24, %swap3A_25] {strides = array<i32>} : memref<51x64xf32, #tpu.memory_space<vmem>>, vector<16xf32>,
    tpu.vector_store %arg16[%swap3A_24, %swap3A_25], %broadcast_in_dim3A_3 {strides = array<i32>} : memref<51x64xf32, #tpu.memory_space<vmem>>, vector<16xf32>,
    %swap3A_27 = arith.constant 1 : i32
    %swap3A_28 = arith.index_cast %swap3A_27 : i32 to index
    %swap3A_29 = arith.constant 32 : index
    %swap3A_30 = tpu.vector_load %arg16[%swap3A_28, %swap3A_29] {strides = array<i32>} : memref<51x64xf32, #tpu.memory_space<vmem>>, vector<16xf32>,
    tpu.vector_store %arg16[%swap3A_28, %swap3A_29], %broadcast_in_dim3A_3 {strides = array<i32>} : memref<51x64xf32, #tpu.memory_space<vmem>>, vector<16xf32>,
    %swap3A_31 = arith.constant 1 : i32
    %swap3A_32 = arith.index_cast %swap3A_31 : i32 to index
    %swap3A_33 = arith.constant 48 : index
    %swap3A_34 = tpu.vector_load %arg16[%swap3A_32, %swap3A_33] {strides = array<i32>} : memref<51x64xf32, #tpu.memory_space<vmem>>, vector<16xf32>,
    tpu.vector_store %arg16[%swap3A_32, %swap3A_33], %broadcast_in_dim3A_3 {strides = array<i32>} : memref<51x64xf32, #tpu.memory_space<vmem>>, vector<16xf32>,
    %swap3A_35 = arith.constant 2 : i32
    %swap3A_36 = arith.index_cast %swap3A_35 : i32 to index
    %swap3A_37 = arith.constant 0 : index
    %swap3A_38 = tpu.vector_load %arg16[%swap3A_36, %swap3A_37] {strides = array<i32>} : memref<51x64xf32, #tpu.memory_space<vmem>>, vector<16xf32>,
    tpu.vector_store %arg16[%swap3A_36, %swap3A_37], %broadcast_in_dim3A_3 {strides = array<i32>} : memref<51x64xf32, #tpu.memory_space<vmem>>, vector<16xf32>,
    %swap3A_39 = arith.constant 2 : i32
    %swap3A_40 = arith.index_cast %swap3A_39 : i32 to index
    %swap3A_41 = arith.constant 16 : index
    %swap3A_42 = tpu.vector_load %arg16[%swap3A_40, %swap3A_41] {strides = array<i32>} : memref<51x64xf32, #tpu.memory_space<vmem>>, vector<16xf32>,
    tpu.vector_store %arg16[%swap3A_40, %swap3A_41], %broadcast_in_dim3A_3 {strides = array<i32>} : memref<51x64xf32, #tpu.memory_space<vmem>>, vector<16xf32>,
    %swap3A_43 = arith.constant 2 : i32
    %swap3A_44 = arith.index_cast %swap3A_43 : i32 to index
    %swap3A_45 = arith.constant 32 : index
    %swap3A_46 = tpu.vector_load %arg16[%swap3A_44, %swap3A_45] {strides = array<i32>} : memref<51x64xf32, #tpu.memory_space<vmem>>, vector<16xf32>,
    tpu.vector_store %arg16[%swap3A_44, %swap3A_45], %broadcast_in_dim3A_3 {strides = array<i32>} : memref<51x64xf32, #tpu.memory_space<vmem>>, vector<16xf32>,
    %swap3A_47 = arith.constant 2 : i32
    %swap3A_48 = arith.index_cast %swap3A_47 : i32 to index
    %swap3A_49 = arith.constant 48 : index
    %swap3A_50 = tpu.vector_load %arg16[%swap3A_48, %swap3A_49] {strides = array<i32>} : memref<51x64xf32, #tpu.memory_space<vmem>>, vector<16xf32>,
    tpu.vector_store %arg16[%swap3A_48, %swap3A_49], %broadcast_in_dim3A_3 {strides = array<i32>} : memref<51x64xf32, #tpu.memory_space<vmem>>, vector<16xf32>,
    %swap3A_51 = arith.constant 3 : i32
    %swap3A_52 = arith.index_cast %swap3A_51 : i32 to index
    %swap3A_53 = arith.constant 0 : index
    %swap3A_54 = tpu.vector_load %arg16[%swap3A_52, %swap3A_53] {strides = array<i32>} : memref<51x64xf32, #tpu.memory_space<vmem>>, vector<16xf32>,
    tpu.vector_store %arg16[%swap3A_52, %swap3A_53], %broadcast_in_dim3A_3 {strides = array<i32>} : memref<51x64xf32, #tpu.memory_space<vmem>>, vector<16xf32>,
    %swap3A_55 = arith.constant 3 : i32
    %swap3A_56 = arith.index_cast %swap3A_55 : i32 to index
    %swap3A_57 = arith.constant 16 : index
    %swap3A_58 = tpu.vector_load %arg16[%swap3A_56, %swap3A_57] {strides = array<i32>} : memref<51x64xf32, #tpu.memory_space<vmem>>, vector<16xf32>,
    tpu.vector_store %arg16[%swap3A_56, %swap3A_57], %broadcast_in_dim3A_3 {strides = array<i32>} : memref<51x64xf32, #tpu.memory_space<vmem>>, vector<16xf32>,
    %swap3A_59 = arith.constant 3 : i32
    %swap3A_60 = arith.index_cast %swap3A_59 : i32 to index
    %swap3A_61 = arith.constant 32 : index
    %swap3A_62 = tpu.vector_load %arg16[%swap3A_60, %swap3A_61] {strides = array<i32>} : memref<51x64xf32, #tpu.memory_space<vmem>>, vector<16xf32>,
    tpu.vector_store %arg16[%swap3A_60, %swap3A_61], %broadcast_in_dim3A_3 {strides = array<i32>} : memref<51x64xf32, #tpu.memory_space<vmem>>, vector<16xf32>,
    %swap3A_63 = arith.constant 3 : i32
    %swap3A_64 = arith.index_cast %swap3A_63 : i32 to index
    %swap3A_65 = arith.constant 48 : index
    %swap3A_66 = tpu.vector_load %arg16[%swap3A_64, %swap3A_65] {strides = array<i32>} : memref<51x64xf32, #tpu.memory_space<vmem>>, vector<16xf32>,
    tpu.vector_store %arg16[%swap3A_64, %swap3A_65], %broadcast_in_dim3A_3 {strides = array<i32>} : memref<51x64xf32, #tpu.memory_space<vmem>>, vector<16xf32>,
    %swap3A_67 = arith.constant 4 : i32
    %swap3A_68 = arith.index_cast %swap3A_67 : i32 to index
    %swap3A_69 = arith.constant 0 : index
    %swap3A_70 = tpu.vector_load %arg16[%swap3A_68, %swap3A_69] {strides = array<i32>} : memref<51x64xf32, #tpu.memory_space<vmem>>, vector<16xf32>,
    tpu.vector_store %arg16[%swap3A_68, %swap3A_69], %broadcast_in_dim3A_3 {strides = array<i32>} : memref<51x64xf32, #tpu.memory_space<vmem>>, vector<16xf32>,
    %swap3A_71 = arith.constant 4 : i32
    %swap3A_72 = arith.index_cast %swap3A_71 : i32 to index
    %swap3A_73 = arith.constant 16 : index
    %swap3A_74 = tpu.vector_load %arg16[%swap3A_72, %swap3A_73] {strides = array<i32>} : memref<51x64xf32, #tpu.memory_space<vmem>>, vector<16xf32>,
    tpu.vector_store %arg16[%swap3A_72, %swap3A_73], %broadcast_in_dim3A_3 {strides = array<i32>} : memref<51x64xf32, #tpu.memory_space<vmem>>, vector<16xf32>,
    %swap3A_75 = arith.constant 4 : i32
    %swap3A_76 = arith.index_cast %swap3A_75 : i32 to index
    %swap3A_77 = arith.constant 32 : index
    %swap3A_78 = tpu.vector_load %arg16[%swap3A_76, %swap3A_77] {strides = array<i32>} : memref<51x64xf32, #tpu.memory_space<vmem>>, vector<16xf32>,
    tpu.vector_store %arg16[%swap3A_76, %swap3A_77], %broadcast_in_dim3A_3 {strides = array<i32>} : memref<51x64xf32, #tpu.memory_space<vmem>>, vector<16xf32>,
    %swap3A_79 = arith.constant 4 : i32
    %swap3A_80 = arith.index_cast %swap3A_79 : i32 to index
    %swap3A_81 = arith.constant 48 : index
    %swap3A_82 = tpu.vector_load %arg16[%swap3A_80, %swap3A_81] {strides = array<i32>} : memref<51x64xf32, #tpu.memory_space<vmem>>, vector<16xf32>,
    tpu.vector_store %arg16[%swap3A_80, %swap3A_81], %broadcast_in_dim3A_3 {strides = array<i32>} : memref<51x64xf32, #tpu.memory_space<vmem>>, vector<16xf32>,
    %swap3A_83 = arith.constant 5 : i32
    %swap3A_84 = arith.index_cast %swap3A_83 : i32 to index
    %swap3A_85 = arith.constant 0 : index
    %swap3A_86 = tpu.vector_load %arg16[%swap3A_84, %swap3A_85] {strides = array<i32>} : memref<51x64xf32, #tpu.memory_space<vmem>>, vector<16xf32>,
    tpu.vector_store %arg16[%swap3A_84, %swap3A_85], %broadcast_in_dim3A_3 {strides = array<i32>} : memref<51x64xf32, #tpu.memory_space<vmem>>, vector<16xf32>,
    %swap3A_87 = arith.constant 5 : i32
    %swap3A_88 = arith.index_cast %swap3A_87 : i32 to index
    %swap3A_89 = arith.constant 16 : index
    %swap3A_90 = tpu.vector_load %arg16[%swap3A_88, %swap3A_89] {strides = array<i32>} : memref<51x64xf32, #tpu.memory_space<vmem>>, vector<16xf32>,
    tpu.vector_store %arg16[%swap3A_88, %swap3A_89], %broadcast_in_dim3A_3 {strides = array<i32>} : memref<51x64xf32, #tpu.memory_space<vmem>>, vector<16xf32>,
    %swap3A_91 = arith.constant 5 : i32
    %swap3A_92 = arith.index_cast %swap3A_91 : i32 to index
    %swap3A_93 = arith.constant 32 : index
    %swap3A_94 = tpu.vector_load %arg16[%swap3A_92, %swap3A_93] {strides = array<i32>} : memref<51x64xf32, #tpu.memory_space<vmem>>, vector<16xf32>,
    tpu.vector_store %arg16[%swap3A_92, %swap3A_93], %broadcast_in_dim3A_3 {strides = array<i32>} : memref<51x64xf32, #tpu.memory_space<vmem>>, vector<16xf32>,
    %swap3A_95 = arith.constant 5 : i32
    %swap3A_96 = arith.index_cast %swap3A_95 : i32 to index
    %swap3A_97 = arith.constant 48 : index
    %swap3A_98 = tpu.vector_load %arg16[%swap3A_96, %swap3A_97] {strides = array<i32>} : memref<51x64xf32, #tpu.memory_space<vmem>>, vector<16xf32>,
    tpu.vector_store %arg16[%swap3A_96, %swap3A_97], %broadcast_in_dim3A_3 {strides = array<i32>} : memref<51x64xf32, #tpu.memory_space<vmem>>, vector<16xf32>,
    %swap3A_99 = arith.constant 6 : i32
    %swap3A_100 = arith.index_cast %swap3A_99 : i32 to index
    %swap3A_101 = arith.constant 0 : index
    %swap3A_102 = tpu.vector_load %arg16[%swap3A_100, %swap3A_101] {strides = array<i32>} : memref<51x64xf32, #tpu.memory_space<vmem>>, vector<16xf32>,
    tpu.vector_store %arg16[%swap3A_100, %swap3A_101], %broadcast_in_dim3A_3 {strides = array<i32>} : memref<51x64xf32, #tpu.memory_space<vmem>>, vector<16xf32>,
    %swap3A_103 = arith.constant 6 : i32
    %swap3A_104 = arith.index_cast %swap3A_103 : i32 to index
    %swap3A_105 = arith.constant 16 : index
    %swap3A_106 = tpu.vector_load %arg16[%swap3A_104, %swap3A_105] {strides = array<i32>} : memref<51x64xf32, #tpu.memory_space<vmem>>, vector<16xf32>,
    tpu.vector_store %arg16[%swap3A_104, %swap3A_105], %broadcast_in_dim3A_3 {strides = array<i32>} : memref<51x64xf32, #tpu.memory_space<vmem>>, vector<16xf32>,
    %swap3A_107 = arith.constant 6 : i32
    %swap3A_108 = arith.index_cast %swap3A_107 : i32 to index
    %swap3A_109 = arith.constant 32 : index
    %swap3A_110 = tpu.vector_load %arg16[%swap3A_108, %swap3A_109] {strides = array<i32>} : memref<51x64xf32, #tpu.memory_space<vmem>>, vector<16xf32>,
    tpu.vector_store %arg16[%swap3A_108, %swap3A_109], %broadcast_in_dim3A_3 {strides = array<i32>} : memref<51x64xf32, #tpu.memory_space<vmem>>, vector<16xf32>,
    %swap3A_111 = arith.constant 6 : i32
    %swap3A_112 = arith.index_cast %swap3A_111 : i32 to index
    %swap3A_113 = arith.constant 48 : index
    %swap3A_114 = tpu.vector_load %arg16[%swap3A_112, %swap3A_113] {strides = array<i32>} : memref<51x64xf32, #tpu.memory_space<vmem>>, vector<16xf32>,
    tpu.vector_store %arg16[%swap3A_112, %swap3A_113], %broadcast_in_dim3A_3 {strides = array<i32>} : memref<51x64xf32, #tpu.memory_space<vmem>>, vector<16xf32>,
    %swap3A_115 = arith.constant 7 : i32
    %swap3A_116 = arith.index_cast %swap3A_115 : i32 to index
    %swap3A_117 = arith.constant 0 : index
    %swap3A_118 = tpu.vector_load %arg16[%swap3A_116, %swap3A_117] {strides = array<i32>} : memref<51x64xf32, #tpu.memory_space<vmem>>, vector<16xf32>,
    tpu.vector_store %arg16[%swap3A_116, %swap3A_117], %broadcast_in_dim3A_3 {strides = array<i32>} : memref<51x64xf32, #tpu.memory_space<vmem>>, vector<16xf32>,
    %swap3A_119 = arith.constant 7 : i32
    %swap3A_120 = arith.index_cast %swap3A_119 : i32 to index
    %swap3A_121 = arith.constant 16 : index
    %swap3A_122 = tpu.vector_load %arg16[%swap3A_120, %swap3A_121] {strides = array<i32>} : memref<51x64xf32, #tpu.memory_space<vmem>>, vector<16xf32>,
    tpu.vector_store %arg16[%swap3A_120, %swap3A_121], %broadcast_in_dim3A_3 {strides = array<i32>} : memref<51x64xf32, #tpu.memory_space<vmem>>, vector<16xf32>,
    %swap3A_123 = arith.constant 7 : i32
    %swap3A_124 = arith.index_cast %swap3A_123 : i32 to index
    %swap3A_125 = arith.constant 32 : index
    %swap3A_126 = tpu.vector_load %arg16[%swap3A_124, %swap3A_125] {strides = array<i32>} : memref<51x64xf32, #tpu.memory_space<vmem>>, vector<16xf32>,
    tpu.vector_store %arg16[%swap3A_124, %swap3A_125], %broadcast_in_dim3A_3 {strides = array<i32>} : memref<51x64xf32, #tpu.memory_space<vmem>>, vector<16xf32>,
    %swap3A_127 = arith.constant 7 : i32
    %swap3A_128 = arith.index_cast %swap3A_127 : i32 to index
    %swap3A_129 = arith.constant 48 : index
    %swap3A_130 = tpu.vector_load %arg16[%swap3A_128, %swap3A_129] {strides = array<i32>} : memref<51x64xf32, #tpu.memory_space<vmem>>, vector<16xf32>,
    tpu.vector_store %arg16[%swap3A_128, %swap3A_129], %broadcast_in_dim3A_3 {strides = array<i32>} : memref<51x64xf32, #tpu.memory_space<vmem>>, vector<16xf32>,
    %swap3A_131 = arith.constant 8 : i32
    %swap3A_132 = arith.index_cast %swap3A_131 : i32 to index
    %swap3A_133 = arith.constant 0 : index
    %swap3A_134 = tpu.vector_load %arg16[%swap3A_132, %swap3A_133] {strides = array<i32>} : memref<51x64xf32, #tpu.memory_space<vmem>>, vector<16xf32>,
    tpu.vector_store %arg16[%swap3A_132, %swap3A_133], %broadcast_in_dim3A_3 {strides = array<i32>} : memref<51x64xf32, #tpu.memory_space<vmem>>, vector<16xf32>,
    %swap3A_135 = arith.constant 8 : i32
    %swap3A_136 = arith.index_cast %swap3A_135 : i32 to index
    %swap3A_137 = arith.constant 16 : index
    %swap3A_138 = tpu.vector_load %arg16[%swap3A_136, %swap3A_137] {strides = array<i32>} : memref<51x64xf32, #tpu.memory_space<vmem>>, vector<16xf32>,
    tpu.vector_store %arg16[%swap3A_136, %swap3A_137], %broadcast_in_dim3A_3 {strides = array<i32>} : memref<51x64xf32, #tpu.memory_space<vmem>>, vector<16xf32>,
    %swap3A_139 = arith.constant 8 : i32
    %swap3A_140 = arith.index_cast %swap3A_139 : i32 to index
    %swap3A_141 = arith.constant 32 : index
    %swap3A_142 = tpu.vector_load %arg16[%swap3A_140, %swap3A_141] {strides = array<i32>} : memref<51x64xf32, #tpu.memory_space<vmem>>, vector<16xf32>,
    tpu.vector_store %arg16[%swap3A_140, %swap3A_141], %broadcast_in_dim3A_3 {strides = array<i32>} : memref<51x64xf32, #tpu.memory_space<vmem>>, vector<16xf32>,
    %swap3A_143 = arith.constant 8 : i32
    %swap3A_144 = arith.index_cast %swap3A_143 : i32 to index
    %swap3A_145 = arith.constant 48 : index
    %swap3A_146 = tpu.vector_load %arg16[%swap3A_144, %swap3A_145] {strides = array<i32>} : memref<51x64xf32, #tpu.memory_space<vmem>>, vector<16xf32>,
    tpu.vector_store %arg16[%swap3A_144, %swap3A_145], %broadcast_in_dim3A_3 {strides = array<i32>} : memref<51x64xf32, #tpu.memory_space<vmem>>, vector<16xf32>,
    %swap3A_147 = arith.constant 9 : i32
    %swap3A_148 = arith.index_cast %swap3A_147 : i32 to index
    %swap3A_149 = arith.constant 0 : index
    %swap3A_150 = tpu.vector_load %arg16[%swap3A_148, %swap3A_149] {strides = array<i32>} : memref<51x64xf32, #tpu.memory_space<vmem>>, vector<16xf32>,
    tpu.vector_store %arg16[%swap3A_148, %swap3A_149], %broadcast_in_dim3A_3 {strides = array<i32>} : memref<51x64xf32, #tpu.memory_space<vmem>>, vector<16xf32>,
    %swap3A_151 = arith.constant 9 : i32
    %swap3A_152 = arith.index_cast %swap3A_151 : i32 to index
    %swap3A_153 = arith.constant 16 : index
    %swap3A_154 = tpu.vector_load %arg16[%swap3A_152, %swap3A_153] {strides = array<i32>} : memref<51x64xf32, #tpu.memory_space<vmem>>, vector<16xf32>,
    tpu.vector_store %arg16[%swap3A_152, %swap3A_153], %broadcast_in_dim3A_3 {strides = array<i32>} : memref<51x64xf32, #tpu.memory_space<vmem>>, vector<16xf32>,
    %swap3A_155 = arith.constant 9 : i32
    %swap3A_156 = arith.index_cast %swap3A_155 : i32 to index
    %swap3A_157 = arith.constant 32 : index
    %swap3A_158 = tpu.vector_load %arg16[%swap3A_156, %swap3A_157] {strides = array<i32>} : memref<51x64xf32, #tpu.memory_space<vmem>>, vector<16xf32>,
    tpu.vector_store %arg16[%swap3A_156, %swap3A_157], %broadcast_in_dim3A_3 {strides = array<i32>} : memref<51x64xf32, #tpu.memory_space<vmem>>, vector<16xf32>,
    %swap3A_159 = arith.constant 9 : i32
    %swap3A_160 = arith.index_cast %swap3A_159 : i32 to index
    %swap3A_161 = arith.constant 48 : index
    %swap3A_162 = tpu.vector_load %arg16[%swap3A_160, %swap3A_161] {strides = array<i32>} : memref<51x64xf32, #tpu.memory_space<vmem>>, vector<16xf32>,
    tpu.vector_store %arg16[%swap3A_160, %swap3A_161], %broadcast_in_dim3A_3 {strides = array<i32>} : memref<51x64xf32, #tpu.memory_space<vmem>>, vector<16xf32>,
    %swap3A_163 = arith.constant 10 : i32
    %swap3A_164 = arith.index_cast %swap3A_163 : i32 to index
    %swap3A_165 = arith.constant 0 : index
    %swap3A_166 = tpu.vector_load %arg16[%swap3A_164, %swap3A_165] {strides = array<i32>} : memref<51x64xf32, #tpu.memory_space<vmem>>, vector<16xf32>,
    tpu.vector_store %arg16[%swap3A_164, %swap3A_165], %broadcast_in_dim3A_3 {strides = array<i32>} : memref<51x64xf32, #tpu.memory_space<vmem>>, vector<16xf32>,
    %swap3A_167 = arith.constant 10 : i32
    %swap3A_168 = arith.index_cast %swap3A_167 : i32 to index
    %swap3A_169 = arith.constant 16 : index
    %swap3A_170 = tpu.vector_load %arg16[%swap3A_168, %swap3A_169] {strides = array<i32>} : memref<51x64xf32, #tpu.memory_space<vmem>>, vector<16xf32>,
    tpu.vector_store %arg16[%swap3A_168, %swap3A_169], %broadcast_in_dim3A_3 {strides = array<i32>} : memref<51x64xf32, #tpu.memory_space<vmem>>, vector<16xf32>,
    %swap3A_171 = arith.constant 10 : i32
    %swap3A_172 = arith.index_cast %swap3A_171 : i32 to index
    %swap3A_173 = arith.constant 32 : index
    %swap3A_174 = tpu.vector_load %arg16[%swap3A_172, %swap3A_173] {strides = array<i32>} : memref<51x64xf32, #tpu.memory_space<vmem>>, vector<16xf32>,
    tpu.vector_store %arg16[%swap3A_172, %swap3A_173], %broadcast_in_dim3A_3 {strides = array<i32>} : memref<51x64xf32, #tpu.memory_space<vmem>>, vector<16xf32>,
    %swap3A_175 = arith.constant 10 : i32
    %swap3A_176 = arith.index_cast %swap3A_175 : i32 to index
    %swap3A_177 = arith.constant 48 : index
    %swap3A_178 = tpu.vector_load %arg16[%swap3A_176, %swap3A_177] {strides = array<i32>} : memref<51x64xf32, #tpu.memory_space<vmem>>, vector<16xf32>,
    tpu.vector_store %arg16[%swap3A_176, %swap3A_177], %broadcast_in_dim3A_3 {strides = array<i32>} : memref<51x64xf32, #tpu.memory_space<vmem>>, vector<16xf32>,
    %swap3A_179 = arith.constant 11 : i32
    %swap3A_180 = arith.index_cast %swap3A_179 : i32 to index
    %swap3A_181 = arith.constant 0 : index
    %swap3A_182 = tpu.vector_load %arg16[%swap3A_180, %swap3A_181] {strides = array<i32>} : memref<51x64xf32, #tpu.memory_space<vmem>>, vector<16xf32>,
    tpu.vector_store %arg16[%swap3A_180, %swap3A_181], %broadcast_in_dim3A_3 {strides = array<i32>} : memref<51x64xf32, #tpu.memory_space<vmem>>, vector<16xf32>,
    %swap3A_183 = arith.constant 11 : i32
    %swap3A_184 = arith.index_cast %swap3A_183 : i32 to index
    %swap3A_185 = arith.constant 16 : index
    %swap3A_186 = tpu.vector_load %arg16[%swap3A_184, %swap3A_185] {strides = array<i32>} : memref<51x64xf32, #tpu.memory_space<vmem>>, vector<16xf32>,
    tpu.vector_store %arg16[%swap3A_184, %swap3A_185], %broadcast_in_dim3A_3 {strides = array<i32>} : memref<51x64xf32, #tpu.memory_space<vmem>>, vector<16xf32>,
    %swap3A_187 = arith.constant 11 : i32
    %swap3A_188 = arith.index_cast %swap3A_187 : i32 to index
    %swap3A_189 = arith.constant 32 : index
    %swap3A_190 = tpu.vector_load %arg16[%swap3A_188, %swap3A_189] {strides = array<i32>} : memref<51x64xf32, #tpu.memory_space<vmem>>, vector<16xf32>,
    tpu.vector_store %arg16[%swap3A_188, %swap3A_189], %broadcast_in_dim3A_3 {strides = array<i32>} : memref<51x64xf32, #tpu.memory_space<vmem>>, vector<16xf32>,
    %swap3A_191 = arith.constant 11 : i32
    %swap3A_192 = arith.index_cast %swap3A_191 : i32 to index
    %swap3A_193 = arith.constant 48 : index
    %swap3A_194 = tpu.vector_load %arg16[%swap3A_192, %swap3A_193] {strides = array<i32>} : memref<51x64xf32, #tpu.memory_space<vmem>>, vector<16xf32>,
    tpu.vector_store %arg16[%swap3A_192, %swap3A_193], %broadcast_in_dim3A_3 {strides = array<i32>} : memref<51x64xf32, #tpu.memory_space<vmem>>, vector<16xf32>,
    %swap3A_195 = arith.constant 12 : i32
    %swap3A_196 = arith.index_cast %swap3A_195 : i32 to index
    %swap3A_197 = arith.constant 0 : index
    %swap3A_198 = tpu.vector_load %arg16[%swap3A_196, %swap3A_197] {strides = array<i32>} : memref<51x64xf32, #tpu.memory_space<vmem>>, vector<16xf32>,
    tpu.vector_store %arg16[%swap3A_196, %swap3A_197], %broadcast_in_dim3A_3 {strides = array<i32>} : memref<51x64xf32, #tpu.memory_space<vmem>>, vector<16xf32>,
    %swap3A_199 = arith.constant 12 : i32
    %swap3A_200 = arith.index_cast %swap3A_199 : i32 to index
    %swap3A_201 = arith.constant 16 : index
    %swap3A_202 = tpu.vector_load %arg16[%swap3A_200, %swap3A_201] {strides = array<i32>} : memref<51x64xf32, #tpu.memory_space<vmem>>, vector<16xf32>,
    tpu.vector_store %arg16[%swap3A_200, %swap3A_201], %broadcast_in_dim3A_3 {strides = array<i32>} : memref<51x64xf32, #tpu.memory_space<vmem>>, vector<16xf32>,
    %swap3A_203 = arith.constant 12 : i32
    %swap3A_204 = arith.index_cast %swap3A_203 : i32 to index
    %swap3A_205 = arith.constant 32 : index
    %swap3A_206 = tpu.vector_load %arg16[%swap3A_204, %swap3A_205] {strides = array<i32>} : memref<51x64xf32, #tpu.memory_space<vmem>>, vector<16xf32>,
    tpu.vector_store %arg16[%swap3A_204, %swap3A_205], %broadcast_in_dim3A_3 {strides = array<i32>} : memref<51x64xf32, #tpu.memory_space<vmem>>, vector<16xf32>,
    %swap3A_207 = arith.constant 12 : i32
    %swap3A_208 = arith.index_cast %swap3A_207 : i32 to index
    %swap3A_209 = arith.constant 48 : index
    %swap3A_210 = tpu.vector_load %arg16[%swap3A_208, %swap3A_209] {strides = array<i32>} : memref<51x64xf32, #tpu.memory_space<vmem>>, vector<16xf32>,
    tpu.vector_store %arg16[%swap3A_208, %swap3A_209], %broadcast_in_dim3A_3 {strides = array<i32>} : memref<51x64xf32, #tpu.memory_space<vmem>>, vector<16xf32>,
    %swap3A_211 = arith.constant 13 : i32
    %swap3A_212 = arith.index_cast %swap3A_211 : i32 to index
    %swap3A_213 = arith.constant 0 : index
    %swap3A_214 = tpu.vector_load %arg16[%swap3A_212, %swap3A_213] {strides = array<i32>} : memref<51x64xf32, #tpu.memory_space<vmem>>, vector<16xf32>,
    tpu.vector_store %arg16[%swap3A_212, %swap3A_213], %broadcast_in_dim3A_3 {strides = array<i32>} : memref<51x64xf32, #tpu.memory_space<vmem>>, vector<16xf32>,
    %swap3A_215 = arith.constant 13 : i32
    %swap3A_216 = arith.index_cast %swap3A_215 : i32 to index
    %swap3A_217 = arith.constant 16 : index
    %swap3A_218 = tpu.vector_load %arg16[%swap3A_216, %swap3A_217] {strides = array<i32>} : memref<51x64xf32, #tpu.memory_space<vmem>>, vector<16xf32>,
    tpu.vector_store %arg16[%swap3A_216, %swap3A_217], %broadcast_in_dim3A_3 {strides = array<i32>} : memref<51x64xf32, #tpu.memory_space<vmem>>, vector<16xf32>,
    %swap3A_219 = arith.constant 13 : i32
    %swap3A_220 = arith.index_cast %swap3A_219 : i32 to index
    %swap3A_221 = arith.constant 32 : index
    %swap3A_222 = tpu.vector_load %arg16[%swap3A_220, %swap3A_221] {strides = array<i32>} : memref<51x64xf32, #tpu.memory_space<vmem>>, vector<16xf32>,
    tpu.vector_store %arg16[%swap3A_220, %swap3A_221], %broadcast_in_dim3A_3 {strides = array<i32>} : memref<51x64xf32, #tpu.memory_space<vmem>>, vector<16xf32>,
    %swap3A_223 = arith.constant 13 : i32
    %swap3A_224 = arith.index_cast %swap3A_223 : i32 to index
    %swap3A_225 = arith.constant 48 : index
    %swap3A_226 = tpu.vector_load %arg16[%swap3A_224, %swap3A_225] {strides = array<i32>} : memref<51x64xf32, #tpu.memory_space<vmem>>, vector<16xf32>,
    tpu.vector_store %arg16[%swap3A_224, %swap3A_225], %broadcast_in_dim3A_3 {strides = array<i32>} : memref<51x64xf32, #tpu.memory_space<vmem>>, vector<16xf32>,
    %swap3A_227 = arith.constant 14 : i32
    %swap3A_228 = arith.index_cast %swap3A_227 : i32 to index
    %swap3A_229 = arith.constant 0 : index
    %swap3A_230 = tpu.vector_load %arg16[%swap3A_228, %swap3A_229] {strides = array<i32>} : memref<51x64xf32, #tpu.memory_space<vmem>>, vector<16xf32>,
    tpu.vector_store %arg16[%swap3A_228, %swap3A_229], %broadcast_in_dim3A_3 {strides = array<i32>} : memref<51x64xf32, #tpu.memory_space<vmem>>, vector<16xf32>,
    %swap3A_231 = arith.constant 14 : i32
    %swap3A_232 = arith.index_cast %swap3A_231 : i32 to index
    %swap3A_233 = arith.constant 16 : index
    %swap3A_234 = tpu.vector_load %arg16[%swap3A_232, %swap3A_233] {strides = array<i32>} : memref<51x64xf32, #tpu.memory_space<vmem>>, vector<16xf32>,
    tpu.vector_store %arg16[%swap3A_232, %swap3A_233], %broadcast_in_dim3A_3 {strides = array<i32>} : memref<51x64xf32, #tpu.memory_space<vmem>>, vector<16xf32>,
    %swap3A_235 = arith.constant 14 : i32
    %swap3A_236 = arith.index_cast %swap3A_235 : i32 to index
    %swap3A_237 = arith.constant 32 : index
    %swap3A_238 = tpu.vector_load %arg16[%swap3A_236, %swap3A_237] {strides = array<i32>} : memref<51x64xf32, #tpu.memory_space<vmem>>, vector<16xf32>,
    tpu.vector_store %arg16[%swap3A_236, %swap3A_237], %broadcast_in_dim3A_3 {strides = array<i32>} : memref<51x64xf32, #tpu.memory_space<vmem>>, vector<16xf32>,
    %swap3A_239 = arith.constant 14 : i32
    %swap3A_240 = arith.index_cast %swap3A_239 : i32 to index
    %swap3A_241 = arith.constant 48 : index
    %swap3A_242 = tpu.vector_load %arg16[%swap3A_240, %swap3A_241] {strides = array<i32>} : memref<51x64xf32, #tpu.memory_space<vmem>>, vector<16xf32>,
    tpu.vector_store %arg16[%swap3A_240, %swap3A_241], %broadcast_in_dim3A_3 {strides = array<i32>} : memref<51x64xf32, #tpu.memory_space<vmem>>, vector<16xf32>,
    %swap3A_243 = arith.constant 15 : i32
    %swap3A_244 = arith.index_cast %swap3A_243 : i32 to index
    %swap3A_245 = arith.constant 0 : index
    %swap3A_246 = tpu.vector_load %arg16[%swap3A_244, %swap3A_245] {strides = array<i32>} : memref<51x64xf32, #tpu.memory_space<vmem>>, vector<16xf32>,
    tpu.vector_store %arg16[%swap3A_244, %swap3A_245], %broadcast_in_dim3A_3 {strides = array<i32>} : memref<51x64xf32, #tpu.memory_space<vmem>>, vector<16xf32>,
    %swap3A_247 = arith.constant 15 : i32
    %swap3A_248 = arith.index_cast %swap3A_247 : i32 to index
    %swap3A_249 = arith.constant 16 : index
    %swap3A_250 = tpu.vector_load %arg16[%swap3A_248, %swap3A_249] {strides = array<i32>} : memref<51x64xf32, #tpu.memory_space<vmem>>, vector<16xf32>,
    tpu.vector_store %arg16[%swap3A_248, %swap3A_249], %broadcast_in_dim3A_3 {strides = array<i32>} : memref<51x64xf32, #tpu.memory_space<vmem>>, vector<16xf32>,
    %swap3A_251 = arith.constant 15 : i32
    %swap3A_252 = arith.index_cast %swap3A_251 : i32 to index
    %swap3A_253 = arith.constant 32 : index
    %swap3A_254 = tpu.vector_load %arg16[%swap3A_252, %swap3A_253] {strides = array<i32>} : memref<51x64xf32, #tpu.memory_space<vmem>>, vector<16xf32>,
    tpu.vector_store %arg16[%swap3A_252, %swap3A_253], %broadcast_in_dim3A_3 {strides = array<i32>} : memref<51x64xf32, #tpu.memory_space<vmem>>, vector<16xf32>,
    %swap3A_255 = arith.constant 15 : i32
    %swap3A_256 = arith.index_cast %swap3A_255 : i32 to index
    %swap3A_257 = arith.constant 48 : index
    %swap3A_258 = tpu.vector_load %arg16[%swap3A_256, %swap3A_257] {strides = array<i32>} : memref<51x64xf32, #tpu.memory_space<vmem>>, vector<16xf32>,
    tpu.vector_store %arg16[%swap3A_256, %swap3A_257], %broadcast_in_dim3A_3 {strides = array<i32>} : memref<51x64xf32, #tpu.memory_space<vmem>>, vector<16xf32>,
    %swap3A_259 = arith.constant 16 : i32
    %swap3A_260 = arith.index_cast %swap3A_259 : i32 to index
    %swap3A_261 = arith.constant 0 : index
    %swap3A_262 = tpu.vector_load %arg16[%swap3A_260, %swap3A_261] {strides = array<i32>} : memref<51x64xf32, #tpu.memory_space<vmem>>, vector<16xf32>,
    tpu.vector_store %arg16[%swap3A_260, %swap3A_261], %broadcast_in_dim3A_3 {strides = array<i32>} : memref<51x64xf32, #tpu.memory_space<vmem>>, vector<16xf32>,
    %swap3A_263 = arith.constant 16 : i32
    %swap3A_264 = arith.index_cast %swap3A_263 : i32 to index
    %swap3A_265 = arith.constant 16 : index
    %swap3A_266 = tpu.vector_load %arg16[%swap3A_264, %swap3A_265] {strides = array<i32>} : memref<51x64xf32, #tpu.memory_space<vmem>>, vector<16xf32>,
    tpu.vector_store %arg16[%swap3A_264, %swap3A_265], %broadcast_in_dim3A_3 {strides = array<i32>} : memref<51x64xf32, #tpu.memory_space<vmem>>, vector<16xf32>,
    %swap3A_267 = arith.constant 16 : i32
    %swap3A_268 = arith.index_cast %swap3A_267 : i32 to index
    %swap3A_269 = arith.constant 32 : index
    %swap3A_270 = tpu.vector_load %arg16[%swap3A_268, %swap3A_269] {strides = array<i32>} : memref<51x64xf32, #tpu.memory_space<vmem>>, vector<16xf32>,
    tpu.vector_store %arg16[%swap3A_268, %swap3A_269], %broadcast_in_dim3A_3 {strides = array<i32>} : memref<51x64xf32, #tpu.memory_space<vmem>>, vector<16xf32>,
    %swap3A_271 = arith.constant 16 : i32
    %swap3A_272 = arith.index_cast %swap3A_271 : i32 to index
    %swap3A_273 = arith.constant 48 : index
    %swap3A_274 = tpu.vector_load %arg16[%swap3A_272, %swap3A_273] {strides = array<i32>} : memref<51x64xf32, #tpu.memory_space<vmem>>, vector<16xf32>,
    tpu.vector_store %arg16[%swap3A_272, %swap3A_273], %broadcast_in_dim3A_3 {strides = array<i32>} : memref<51x64xf32, #tpu.memory_space<vmem>>, vector<16xf32>,
    %swap3A_275 = arith.constant 17 : i32
    %swap3A_276 = arith.index_cast %swap3A_275 : i32 to index
    %swap3A_277 = arith.constant 0 : index
    %swap3A_278 = tpu.vector_load %arg16[%swap3A_276, %swap3A_277] {strides = array<i32>} : memref<51x64xf32, #tpu.memory_space<vmem>>, vector<16xf32>,
    tpu.vector_store %arg16[%swap3A_276, %swap3A_277], %broadcast_in_dim3A_3 {strides = array<i32>} : memref<51x64xf32, #tpu.memory_space<vmem>>, vector<16xf32>,
    %swap3A_279 = arith.constant 17 : i32
    %swap3A_280 = arith.index_cast %swap3A_279 : i32 to index
    %swap3A_281 = arith.constant 16 : index
    %swap3A_282 = tpu.vector_load %arg16[%swap3A_280, %swap3A_281] {strides = array<i32>} : memref<51x64xf32, #tpu.memory_space<vmem>>, vector<16xf32>,
    tpu.vector_store %arg16[%swap3A_280, %swap3A_281], %broadcast_in_dim3A_3 {strides = array<i32>} : memref<51x64xf32, #tpu.memory_space<vmem>>, vector<16xf32>,
    %swap3A_283 = arith.constant 17 : i32
    %swap3A_284 = arith.index_cast %swap3A_283 : i32 to index
    %swap3A_285 = arith.constant 32 : index
    %swap3A_286 = tpu.vector_load %arg16[%swap3A_284, %swap3A_285] {strides = array<i32>} : memref<51x64xf32, #tpu.memory_space<vmem>>, vector<16xf32>,
    tpu.vector_store %arg16[%swap3A_284, %swap3A_285], %broadcast_in_dim3A_3 {strides = array<i32>} : memref<51x64xf32, #tpu.memory_space<vmem>>, vector<16xf32>,
    %swap3A_287 = arith.constant 17 : i32
    %swap3A_288 = arith.index_cast %swap3A_287 : i32 to index
    %swap3A_289 = arith.constant 48 : index
    %swap3A_290 = tpu.vector_load %arg16[%swap3A_288, %swap3A_289] {strides = array<i32>} : memref<51x64xf32, #tpu.memory_space<vmem>>, vector<16xf32>,
    tpu.vector_store %arg16[%swap3A_288, %swap3A_289], %broadcast_in_dim3A_3 {strides = array<i32>} : memref<51x64xf32, #tpu.memory_space<vmem>>, vector<16xf32>,
    %swap3A_291 = arith.constant 18 : i32
    %swap3A_292 = arith.index_cast %swap3A_291 : i32 to index
    %swap3A_293 = arith.constant 0 : index
    %swap3A_294 = tpu.vector_load %arg16[%swap3A_292, %swap3A_293] {strides = array<i32>} : memref<51x64xf32, #tpu.memory_space<vmem>>, vector<16xf32>,
    tpu.vector_store %arg16[%swap3A_292, %swap3A_293], %broadcast_in_dim3A_3 {strides = array<i32>} : memref<51x64xf32, #tpu.memory_space<vmem>>, vector<16xf32>,
    %swap3A_295 = arith.constant 18 : i32
    %swap3A_296 = arith.index_cast %swap3A_295 : i32 to index
    %swap3A_297 = arith.constant 16 : index
    %swap3A_298 = tpu.vector_load %arg16[%swap3A_296, %swap3A_297] {strides = array<i32>} : memref<51x64xf32, #tpu.memory_space<vmem>>, vector<16xf32>,
    tpu.vector_store %arg16[%swap3A_296, %swap3A_297], %broadcast_in_dim3A_3 {strides = array<i32>} : memref<51x64xf32, #tpu.memory_space<vmem>>, vector<16xf32>,
    %swap3A_299 = arith.constant 18 : i32
    %swap3A_300 = arith.index_cast %swap3A_299 : i32 to index
    %swap3A_301 = arith.constant 32 : index
    %swap3A_302 = tpu.vector_load %arg16[%swap3A_300, %swap3A_301] {strides = array<i32>} : memref<51x64xf32, #tpu.memory_space<vmem>>, vector<16xf32>,
    tpu.vector_store %arg16[%swap3A_300, %swap3A_301], %broadcast_in_dim3A_3 {strides = array<i32>} : memref<51x64xf32, #tpu.memory_space<vmem>>, vector<16xf32>,
    %swap3A_303 = arith.constant 18 : i32
    %swap3A_304 = arith.index_cast %swap3A_303 : i32 to index
    %swap3A_305 = arith.constant 48 : index
    %swap3A_306 = tpu.vector_load %arg16[%swap3A_304, %swap3A_305] {strides = array<i32>} : memref<51x64xf32, #tpu.memory_space<vmem>>, vector<16xf32>,
    tpu.vector_store %arg16[%swap3A_304, %swap3A_305], %broadcast_in_dim3A_3 {strides = array<i32>} : memref<51x64xf32, #tpu.memory_space<vmem>>, vector<16xf32>,
    %swap3A_307 = arith.constant 19 : i32
    %swap3A_308 = arith.index_cast %swap3A_307 : i32 to index
    %swap3A_309 = arith.constant 0 : index
    %swap3A_310 = tpu.vector_load %arg16[%swap3A_308, %swap3A_309] {strides = array<i32>} : memref<51x64xf32, #tpu.memory_space<vmem>>, vector<16xf32>,
    tpu.vector_store %arg16[%swap3A_308, %swap3A_309], %broadcast_in_dim3A_3 {strides = array<i32>} : memref<51x64xf32, #tpu.memory_space<vmem>>, vector<16xf32>,
    %swap3A_311 = arith.constant 19 : i32
    %swap3A_312 = arith.index_cast %swap3A_311 : i32 to index
    %swap3A_313 = arith.constant 16 : index
    %swap3A_314 = tpu.vector_load %arg16[%swap3A_312, %swap3A_313] {strides = array<i32>} : memref<51x64xf32, #tpu.memory_space<vmem>>, vector<16xf32>,
    tpu.vector_store %arg16[%swap3A_312, %swap3A_313], %broadcast_in_dim3A_3 {strides = array<i32>} : memref<51x64xf32, #tpu.memory_space<vmem>>, vector<16xf32>,
    %swap3A_315 = arith.constant 19 : i32
    %swap3A_316 = arith.index_cast %swap3A_315 : i32 to index
    %swap3A_317 = arith.constant 32 : index
    %swap3A_318 = tpu.vector_load %arg16[%swap3A_316, %swap3A_317] {strides = array<i32>} : memref<51x64xf32, #tpu.memory_space<vmem>>, vector<16xf32>,
    tpu.vector_store %arg16[%swap3A_316, %swap3A_317], %broadcast_in_dim3A_3 {strides = array<i32>} : memref<51x64xf32, #tpu.memory_space<vmem>>, vector<16xf32>,
    %swap3A_319 = arith.constant 19 : i32
    %swap3A_320 = arith.index_cast %swap3A_319 : i32 to index
    %swap3A_321 = arith.constant 48 : index
    %swap3A_322 = tpu.vector_load %arg16[%swap3A_320, %swap3A_321] {strides = array<i32>} : memref<51x64xf32, #tpu.memory_space<vmem>>, vector<16xf32>,
    tpu.vector_store %arg16[%swap3A_320, %swap3A_321], %broadcast_in_dim3A_3 {strides = array<i32>} : memref<51x64xf32, #tpu.memory_space<vmem>>, vector<16xf32>,
    %swap3A_323 = arith.constant 20 : i32
    %swap3A_324 = arith.index_cast %swap3A_323 : i32 to index
    %swap3A_325 = arith.constant 0 : index
    %swap3A_326 = tpu.vector_load %arg16[%swap3A_324, %swap3A_325] {strides = array<i32>} : memref<51x64xf32, #tpu.memory_space<vmem>>, vector<16xf32>,
    tpu.vector_store %arg16[%swap3A_324, %swap3A_325], %broadcast_in_dim3A_3 {strides = array<i32>} : memref<51x64xf32, #tpu.memory_space<vmem>>, vector<16xf32>,
    %swap3A_327 = arith.constant 20 : i32
    %swap3A_328 = arith.index_cast %swap3A_327 : i32 to index
    %swap3A_329 = arith.constant 16 : index
    %swap3A_330 = tpu.vector_load %arg16[%swap3A_328, %swap3A_329] {strides = array<i32>} : memref<51x64xf32, #tpu.memory_space<vmem>>, vector<16xf32>,
    tpu.vector_store %arg16[%swap3A_328, %swap3A_329], %broadcast_in_dim3A_3 {strides = array<i32>} : memref<51x64xf32, #tpu.memory_space<vmem>>, vector<16xf32>,
    %swap3A_331 = arith.constant 20 : i32
    %swap3A_332 = arith.index_cast %swap3A_331 : i32 to index
    %swap3A_333 = arith.constant 32 : index
    %swap3A_334 = tpu.vector_load %arg16[%swap3A_332, %swap3A_333] {strides = array<i32>} : memref<51x64xf32, #tpu.memory_space<vmem>>, vector<16xf32>,
    tpu.vector_store %arg16[%swap3A_332, %swap3A_333], %broadcast_in_dim3A_3 {strides = array<i32>} : memref<51x64xf32, #tpu.memory_space<vmem>>, vector<16xf32>,
    %swap3A_335 = arith.constant 20 : i32
    %swap3A_336 = arith.index_cast %swap3A_335 : i32 to index
    %swap3A_337 = arith.constant 48 : index
    %swap3A_338 = tpu.vector_load %arg16[%swap3A_336, %swap3A_337] {strides = array<i32>} : memref<51x64xf32, #tpu.memory_space<vmem>>, vector<16xf32>,
    tpu.vector_store %arg16[%swap3A_336, %swap3A_337], %broadcast_in_dim3A_3 {strides = array<i32>} : memref<51x64xf32, #tpu.memory_space<vmem>>, vector<16xf32>,
    %swap3A_339 = arith.constant 21 : i32
    %swap3A_340 = arith.index_cast %swap3A_339 : i32 to index
    %swap3A_341 = arith.constant 0 : index
    %swap3A_342 = tpu.vector_load %arg16[%swap3A_340, %swap3A_341] {strides = array<i32>} : memref<51x64xf32, #tpu.memory_space<vmem>>, vector<16xf32>,
    tpu.vector_store %arg16[%swap3A_340, %swap3A_341], %broadcast_in_dim3A_3 {strides = array<i32>} : memref<51x64xf32, #tpu.memory_space<vmem>>, vector<16xf32>,
    %swap3A_343 = arith.constant 21 : i32
    %swap3A_344 = arith.index_cast %swap3A_343 : i32 to index
    %swap3A_345 = arith.constant 16 : index
    %swap3A_346 = tpu.vector_load %arg16[%swap3A_344, %swap3A_345] {strides = array<i32>} : memref<51x64xf32, #tpu.memory_space<vmem>>, vector<16xf32>,
    tpu.vector_store %arg16[%swap3A_344, %swap3A_345], %broadcast_in_dim3A_3 {strides = array<i32>} : memref<51x64xf32, #tpu.memory_space<vmem>>, vector<16xf32>,
    %swap3A_347 = arith.constant 21 : i32
    %swap3A_348 = arith.index_cast %swap3A_347 : i32 to index
    %swap3A_349 = arith.constant 32 : index
    %swap3A_350 = tpu.vector_load %arg16[%swap3A_348, %swap3A_349] {strides = array<i32>} : memref<51x64xf32, #tpu.memory_space<vmem>>, vector<16xf32>,
    tpu.vector_store %arg16[%swap3A_348, %swap3A_349], %broadcast_in_dim3A_3 {strides = array<i32>} : memref<51x64xf32, #tpu.memory_space<vmem>>, vector<16xf32>,
    %swap3A_351 = arith.constant 21 : i32
    %swap3A_352 = arith.index_cast %swap3A_351 : i32 to index
    %swap3A_353 = arith.constant 48 : index
    %swap3A_354 = tpu.vector_load %arg16[%swap3A_352, %swap3A_353] {strides = array<i32>} : memref<51x64xf32, #tpu.memory_space<vmem>>, vector<16xf32>,
    tpu.vector_store %arg16[%swap3A_352, %swap3A_353], %broadcast_in_dim3A_3 {strides = array<i32>} : memref<51x64xf32, #tpu.memory_space<vmem>>, vector<16xf32>,
    %swap3A_355 = arith.constant 22 : i32
    %swap3A_356 = arith.index_cast %swap3A_355 : i32 to index
    %swap3A_357 = arith.constant 0 : index
    %swap3A_358 = tpu.vector_load %arg16[%swap3A_356, %swap3A_357] {strides = array<i32>} : memref<51x64xf32, #tpu.memory_space<vmem>>, vector<16xf32>,
    tpu.vector_store %arg16[%swap3A_356, %swap3A_357], %broadcast_in_dim3A_3 {strides = array<i32>} : memref<51x64xf32, #tpu.memory_space<vmem>>, vector<16xf32>,
    %swap3A_359 = arith.constant 22 : i32
    %swap3A_360 = arith.index_cast %swap3A_359 : i32 to index
    %swap3A_361 = arith.constant 16 : index
    %swap3A_362 = tpu.vector_load %arg16[%swap3A_360, %swap3A_361] {strides = array<i32>} : memref<51x64xf32, #tpu.memory_space<vmem>>, vector<16xf32>,
    tpu.vector_store %arg16[%swap3A_360, %swap3A_361], %broadcast_in_dim3A_3 {strides = array<i32>} : memref<51x64xf32, #tpu.memory_space<vmem>>, vector<16xf32>,
    %swap3A_363 = arith.constant 22 : i32
    %swap3A_364 = arith.index_cast %swap3A_363 : i32 to index
    %swap3A_365 = arith.constant 32 : index
    %swap3A_366 = tpu.vector_load %arg16[%swap3A_364, %swap3A_365] {strides = array<i32>} : memref<51x64xf32, #tpu.memory_space<vmem>>, vector<16xf32>,
    tpu.vector_store %arg16[%swap3A_364, %swap3A_365], %broadcast_in_dim3A_3 {strides = array<i32>} : memref<51x64xf32, #tpu.memory_space<vmem>>, vector<16xf32>,
    %swap3A_367 = arith.constant 22 : i32
    %swap3A_368 = arith.index_cast %swap3A_367 : i32 to index
    %swap3A_369 = arith.constant 48 : index
    %swap3A_370 = tpu.vector_load %arg16[%swap3A_368, %swap3A_369] {strides = array<i32>} : memref<51x64xf32, #tpu.memory_space<vmem>>, vector<16xf32>,
    tpu.vector_store %arg16[%swap3A_368, %swap3A_369], %broadcast_in_dim3A_3 {strides = array<i32>} : memref<51x64xf32, #tpu.memory_space<vmem>>, vector<16xf32>,
    %swap3A_371 = arith.constant 23 : i32
    %swap3A_372 = arith.index_cast %swap3A_371 : i32 to index
    %swap3A_373 = arith.constant 0 : index
    %swap3A_374 = tpu.vector_load %arg16[%swap3A_372, %swap3A_373] {strides = array<i32>} : memref<51x64xf32, #tpu.memory_space<vmem>>, vector<16xf32>,
    tpu.vector_store %arg16[%swap3A_372, %swap3A_373], %broadcast_in_dim3A_3 {strides = array<i32>} : memref<51x64xf32, #tpu.memory_space<vmem>>, vector<16xf32>,
    %swap3A_375 = arith.constant 23 : i32
    %swap3A_376 = arith.index_cast %swap3A_375 : i32 to index
    %swap3A_377 = arith.constant 16 : index
    %swap3A_378 = tpu.vector_load %arg16[%swap3A_376, %swap3A_377] {strides = array<i32>} : memref<51x64xf32, #tpu.memory_space<vmem>>, vector<16xf32>,
    tpu.vector_store %arg16[%swap3A_376, %swap3A_377], %broadcast_in_dim3A_3 {strides = array<i32>} : memref<51x64xf32, #tpu.memory_space<vmem>>, vector<16xf32>,
    %swap3A_379 = arith.constant 23 : i32
    %swap3A_380 = arith.index_cast %swap3A_379 : i32 to index
    %swap3A_381 = arith.constant 32 : index
    %swap3A_382 = tpu.vector_load %arg16[%swap3A_380, %swap3A_381] {strides = array<i32>} : memref<51x64xf32, #tpu.memory_space<vmem>>, vector<16xf32>,
    tpu.vector_store %arg16[%swap3A_380, %swap3A_381], %broadcast_in_dim3A_3 {strides = array<i32>} : memref<51x64xf32, #tpu.memory_space<vmem>>, vector<16xf32>,
    %swap3A_383 = arith.constant 23 : i32
    %swap3A_384 = arith.index_cast %swap3A_383 : i32 to index
    %swap3A_385 = arith.constant 48 : index
    %swap3A_386 = tpu.vector_load %arg16[%swap3A_384, %swap3A_385] {strides = array<i32>} : memref<51x64xf32, #tpu.memory_space<vmem>>, vector<16xf32>,
    tpu.vector_store %arg16[%swap3A_384, %swap3A_385], %broadcast_in_dim3A_3 {strides = array<i32>} : memref<51x64xf32, #tpu.memory_space<vmem>>, vector<16xf32>,
    %swap3A_387 = arith.constant 24 : i32
    %swap3A_388 = arith.index_cast %swap3A_387 : i32 to index
    %swap3A_389 = arith.constant 0 : index
    %swap3A_390 = tpu.vector_load %arg16[%swap3A_388, %swap3A_389] {strides = array<i32>} : memref<51x64xf32, #tpu.memory_space<vmem>>, vector<16xf32>,
    tpu.vector_store %arg16[%swap3A_388, %swap3A_389], %broadcast_in_dim3A_3 {strides = array<i32>} : memref<51x64xf32, #tpu.memory_space<vmem>>, vector<16xf32>,
    %swap3A_391 = arith.constant 24 : i32
    %swap3A_392 = arith.index_cast %swap3A_391 : i32 to index
    %swap3A_393 = arith.constant 16 : index
    %swap3A_394 = tpu.vector_load %arg16[%swap3A_392, %swap3A_393] {strides = array<i32>} : memref<51x64xf32, #tpu.memory_space<vmem>>, vector<16xf32>,
    tpu.vector_store %arg16[%swap3A_392, %swap3A_393], %broadcast_in_dim3A_3 {strides = array<i32>} : memref<51x64xf32, #tpu.memory_space<vmem>>, vector<16xf32>,
    %swap3A_395 = arith.constant 24 : i32
    %swap3A_396 = arith.index_cast %swap3A_395 : i32 to index
    %swap3A_397 = arith.constant 32 : index
    %swap3A_398 = tpu.vector_load %arg16[%swap3A_396, %swap3A_397] {strides = array<i32>} : memref<51x64xf32, #tpu.memory_space<vmem>>, vector<16xf32>,
    tpu.vector_store %arg16[%swap3A_396, %swap3A_397], %broadcast_in_dim3A_3 {strides = array<i32>} : memref<51x64xf32, #tpu.memory_space<vmem>>, vector<16xf32>,
    %swap3A_399 = arith.constant 24 : i32
    %swap3A_400 = arith.index_cast %swap3A_399 : i32 to index
    %swap3A_401 = arith.constant 48 : index
    %swap3A_402 = tpu.vector_load %arg16[%swap3A_400, %swap3A_401] {strides = array<i32>} : memref<51x64xf32, #tpu.memory_space<vmem>>, vector<16xf32>,
    tpu.vector_store %arg16[%swap3A_400, %swap3A_401], %broadcast_in_dim3A_3 {strides = array<i32>} : memref<51x64xf32, #tpu.memory_space<vmem>>, vector<16xf32>,
    %swap3A_403 = arith.constant 25 : i32
    %swap3A_404 = arith.index_cast %swap3A_403 : i32 to index
    %swap3A_405 = arith.constant 0 : index
    %swap3A_406 = tpu.vector_load %arg16[%swap3A_404, %swap3A_405] {strides = array<i32>} : memref<51x64xf32, #tpu.memory_space<vmem>>, vector<16xf32>,
    tpu.vector_store %arg16[%swap3A_404, %swap3A_405], %broadcast_in_dim3A_3 {strides = array<i32>} : memref<51x64xf32, #tpu.memory_space<vmem>>, vector<16xf32>,
    %swap3A_407 = arith.constant 25 : i32
    %swap3A_408 = arith.index_cast %swap3A_407 : i32 to index
    %swap3A_409 = arith.constant 16 : index
    %swap3A_410 = tpu.vector_load %arg16[%swap3A_408, %swap3A_409] {strides = array<i32>} : memref<51x64xf32, #tpu.memory_space<vmem>>, vector<16xf32>,
    tpu.vector_store %arg16[%swap3A_408, %swap3A_409], %broadcast_in_dim3A_3 {strides = array<i32>} : memref<51x64xf32, #tpu.memory_space<vmem>>, vector<16xf32>,
    %swap3A_411 = arith.constant 25 : i32
    %swap3A_412 = arith.index_cast %swap3A_411 : i32 to index
    %swap3A_413 = arith.constant 32 : index
    %swap3A_414 = tpu.vector_load %arg16[%swap3A_412, %swap3A_413] {strides = array<i32>} : memref<51x64xf32, #tpu.memory_space<vmem>>, vector<16xf32>,
    tpu.vector_store %arg16[%swap3A_412, %swap3A_413], %broadcast_in_dim3A_3 {strides = array<i32>} : memref<51x64xf32, #tpu.memory_space<vmem>>, vector<16xf32>,
    %swap3A_415 = arith.constant 25 : i32
    %swap3A_416 = arith.index_cast %swap3A_415 : i32 to index
    %swap3A_417 = arith.constant 48 : index
    %swap3A_418 = tpu.vector_load %arg16[%swap3A_416, %swap3A_417] {strides = array<i32>} : memref<51x64xf32, #tpu.memory_space<vmem>>, vector<16xf32>,
    tpu.vector_store %arg16[%swap3A_416, %swap3A_417], %broadcast_in_dim3A_3 {strides = array<i32>} : memref<51x64xf32, #tpu.memory_space<vmem>>, vector<16xf32>,
    %swap3A_419 = arith.constant 26 : i32
    %swap3A_420 = arith.index_cast %swap3A_419 : i32 to index
    %swap3A_421 = arith.constant 0 : index
    %swap3A_422 = tpu.vector_load %arg16[%swap3A_420, %swap3A_421] {strides = array<i32>} : memref<51x64xf32, #tpu.memory_space<vmem>>, vector<16xf32>,
    tpu.vector_store %arg16[%swap3A_420, %swap3A_421], %broadcast_in_dim3A_3 {strides = array<i32>} : memref<51x64xf32, #tpu.memory_space<vmem>>, vector<16xf32>,
    %swap3A_423 = arith.constant 26 : i32
    %swap3A_424 = arith.index_cast %swap3A_423 : i32 to index
    %swap3A_425 = arith.constant 16 : index
    %swap3A_426 = tpu.vector_load %arg16[%swap3A_424, %swap3A_425] {strides = array<i32>} : memref<51x64xf32, #tpu.memory_space<vmem>>, vector<16xf32>,
    tpu.vector_store %arg16[%swap3A_424, %swap3A_425], %broadcast_in_dim3A_3 {strides = array<i32>} : memref<51x64xf32, #tpu.memory_space<vmem>>, vector<16xf32>,
    %swap3A_427 = arith.constant 26 : i32
    %swap3A_428 = arith.index_cast %swap3A_427 : i32 to index
    %swap3A_429 = arith.constant 32 : index
    %swap3A_430 = tpu.vector_load %arg16[%swap3A_428, %swap3A_429] {strides = array<i32>} : memref<51x64xf32, #tpu.memory_space<vmem>>, vector<16xf32>,
    tpu.vector_store %arg16[%swap3A_428, %swap3A_429], %broadcast_in_dim3A_3 {strides = array<i32>} : memref<51x64xf32, #tpu.memory_space<vmem>>, vector<16xf32>,
    %swap3A_431 = arith.constant 26 : i32
    %swap3A_432 = arith.index_cast %swap3A_431 : i32 to index
    %swap3A_433 = arith.constant 48 : index
    %swap3A_434 = tpu.vector_load %arg16[%swap3A_432, %swap3A_433] {strides = array<i32>} : memref<51x64xf32, #tpu.memory_space<vmem>>, vector<16xf32>,
    tpu.vector_store %arg16[%swap3A_432, %swap3A_433], %broadcast_in_dim3A_3 {strides = array<i32>} : memref<51x64xf32, #tpu.memory_space<vmem>>, vector<16xf32>,
    %swap3A_435 = arith.constant 27 : i32
    %swap3A_436 = arith.index_cast %swap3A_435 : i32 to index
    %swap3A_437 = arith.constant 0 : index
    %swap3A_438 = tpu.vector_load %arg16[%swap3A_436, %swap3A_437] {strides = array<i32>} : memref<51x64xf32, #tpu.memory_space<vmem>>, vector<16xf32>,
    tpu.vector_store %arg16[%swap3A_436, %swap3A_437], %broadcast_in_dim3A_3 {strides = array<i32>} : memref<51x64xf32, #tpu.memory_space<vmem>>, vector<16xf32>,
    %swap3A_439 = arith.constant 27 : i32
    %swap3A_440 = arith.index_cast %swap3A_439 : i32 to index
    %swap3A_441 = arith.constant 16 : index
    %swap3A_442 = tpu.vector_load %arg16[%swap3A_440, %swap3A_441] {strides = array<i32>} : memref<51x64xf32, #tpu.memory_space<vmem>>, vector<16xf32>,
    tpu.vector_store %arg16[%swap3A_440, %swap3A_441], %broadcast_in_dim3A_3 {strides = array<i32>} : memref<51x64xf32, #tpu.memory_space<vmem>>, vector<16xf32>,
    %swap3A_443 = arith.constant 27 : i32
    %swap3A_444 = arith.index_cast %swap3A_443 : i32 to index
    %swap3A_445 = arith.constant 32 : index
    %swap3A_446 = tpu.vector_load %arg16[%swap3A_444, %swap3A_445] {strides = array<i32>} : memref<51x64xf32, #tpu.memory_space<vmem>>, vector<16xf32>,
    tpu.vector_store %arg16[%swap3A_444, %swap3A_445], %broadcast_in_dim3A_3 {strides = array<i32>} : memref<51x64xf32, #tpu.memory_space<vmem>>, vector<16xf32>,
    %swap3A_447 = arith.constant 27 : i32
    %swap3A_448 = arith.index_cast %swap3A_447 : i32 to index
    %swap3A_449 = arith.constant 48 : index
    %swap3A_450 = tpu.vector_load %arg16[%swap3A_448, %swap3A_449] {strides = array<i32>} : memref<51x64xf32, #tpu.memory_space<vmem>>, vector<16xf32>,
    tpu.vector_store %arg16[%swap3A_448, %swap3A_449], %broadcast_in_dim3A_3 {strides = array<i32>} : memref<51x64xf32, #tpu.memory_space<vmem>>, vector<16xf32>,
    %swap3A_451 = arith.constant 28 : i32
    %swap3A_452 = arith.index_cast %swap3A_451 : i32 to index
    %swap3A_453 = arith.constant 0 : index
    %swap3A_454 = tpu.vector_load %arg16[%swap3A_452, %swap3A_453] {strides = array<i32>} : memref<51x64xf32, #tpu.memory_space<vmem>>, vector<16xf32>,
    tpu.vector_store %arg16[%swap3A_452, %swap3A_453], %broadcast_in_dim3A_3 {strides = array<i32>} : memref<51x64xf32, #tpu.memory_space<vmem>>, vector<16xf32>,
    %swap3A_455 = arith.constant 28 : i32
    %swap3A_456 = arith.index_cast %swap3A_455 : i32 to index
    %swap3A_457 = arith.constant 16 : index
    %swap3A_458 = tpu.vector_load %arg16[%swap3A_456, %swap3A_457] {strides = array<i32>} : memref<51x64xf32, #tpu.memory_space<vmem>>, vector<16xf32>,
    tpu.vector_store %arg16[%swap3A_456, %swap3A_457], %broadcast_in_dim3A_3 {strides = array<i32>} : memref<51x64xf32, #tpu.memory_space<vmem>>, vector<16xf32>,
    %swap3A_459 = arith.constant 28 : i32
    %swap3A_460 = arith.index_cast %swap3A_459 : i32 to index
    %swap3A_461 = arith.constant 32 : index
    %swap3A_462 = tpu.vector_load %arg16[%swap3A_460, %swap3A_461] {strides = array<i32>} : memref<51x64xf32, #tpu.memory_space<vmem>>, vector<16xf32>,
    tpu.vector_store %arg16[%swap3A_460, %swap3A_461], %broadcast_in_dim3A_3 {strides = array<i32>} : memref<51x64xf32, #tpu.memory_space<vmem>>, vector<16xf32>,
    %swap3A_463 = arith.constant 28 : i32
    %swap3A_464 = arith.index_cast %swap3A_463 : i32 to index
    %swap3A_465 = arith.constant 48 : index
    %swap3A_466 = tpu.vector_load %arg16[%swap3A_464, %swap3A_465] {strides = array<i32>} : memref<51x64xf32, #tpu.memory_space<vmem>>, vector<16xf32>,
    tpu.vector_store %arg16[%swap3A_464, %swap3A_465], %broadcast_in_dim3A_3 {strides = array<i32>} : memref<51x64xf32, #tpu.memory_space<vmem>>, vector<16xf32>,
    %swap3A_467 = arith.constant 29 : i32
    %swap3A_468 = arith.index_cast %swap3A_467 : i32 to index
    %swap3A_469 = arith.constant 0 : index
    %swap3A_470 = tpu.vector_load %arg16[%swap3A_468, %swap3A_469] {strides = array<i32>} : memref<51x64xf32, #tpu.memory_space<vmem>>, vector<16xf32>,
    tpu.vector_store %arg16[%swap3A_468, %swap3A_469], %broadcast_in_dim3A_3 {strides = array<i32>} : memref<51x64xf32, #tpu.memory_space<vmem>>, vector<16xf32>,
    %swap3A_471 = arith.constant 29 : i32
    %swap3A_472 = arith.index_cast %swap3A_471 : i32 to index
    %swap3A_473 = arith.constant 16 : index
    %swap3A_474 = tpu.vector_load %arg16[%swap3A_472, %swap3A_473] {strides = array<i32>} : memref<51x64xf32, #tpu.memory_space<vmem>>, vector<16xf32>,
    tpu.vector_store %arg16[%swap3A_472, %swap3A_473], %broadcast_in_dim3A_3 {strides = array<i32>} : memref<51x64xf32, #tpu.memory_space<vmem>>, vector<16xf32>,
    %swap3A_475 = arith.constant 29 : i32
    %swap3A_476 = arith.index_cast %swap3A_475 : i32 to index
    %swap3A_477 = arith.constant 32 : index
    %swap3A_478 = tpu.vector_load %arg16[%swap3A_476, %swap3A_477] {strides = array<i32>} : memref<51x64xf32, #tpu.memory_space<vmem>>, vector<16xf32>,
    tpu.vector_store %arg16[%swap3A_476, %swap3A_477], %broadcast_in_dim3A_3 {strides = array<i32>} : memref<51x64xf32, #tpu.memory_space<vmem>>, vector<16xf32>,
    %swap3A_479 = arith.constant 29 : i32
    %swap3A_480 = arith.index_cast %swap3A_479 : i32 to index
    %swap3A_481 = arith.constant 48 : index
    %swap3A_482 = tpu.vector_load %arg16[%swap3A_480, %swap3A_481] {strides = array<i32>} : memref<51x64xf32, #tpu.memory_space<vmem>>, vector<16xf32>,
    tpu.vector_store %arg16[%swap3A_480, %swap3A_481], %broadcast_in_dim3A_3 {strides = array<i32>} : memref<51x64xf32, #tpu.memory_space<vmem>>, vector<16xf32>,
    %swap3A_483 = arith.constant 30 : i32
    %swap3A_484 = arith.index_cast %swap3A_483 : i32 to index
    %swap3A_485 = arith.constant 0 : index
    %swap3A_486 = tpu.vector_load %arg16[%swap3A_484, %swap3A_485] {strides = array<i32>} : memref<51x64xf32, #tpu.memory_space<vmem>>, vector<16xf32>,
    tpu.vector_store %arg16[%swap3A_484, %swap3A_485], %broadcast_in_dim3A_3 {strides = array<i32>} : memref<51x64xf32, #tpu.memory_space<vmem>>, vector<16xf32>,
    %swap3A_487 = arith.constant 30 : i32
    %swap3A_488 = arith.index_cast %swap3A_487 : i32 to index
    %swap3A_489 = arith.constant 16 : index
    %swap3A_490 = tpu.vector_load %arg16[%swap3A_488, %swap3A_489] {strides = array<i32>} : memref<51x64xf32, #tpu.memory_space<vmem>>, vector<16xf32>,
    tpu.vector_store %arg16[%swap3A_488, %swap3A_489], %broadcast_in_dim3A_3 {strides = array<i32>} : memref<51x64xf32, #tpu.memory_space<vmem>>, vector<16xf32>,
    %swap3A_491 = arith.constant 30 : i32
    %swap3A_492 = arith.index_cast %swap3A_491 : i32 to index
    %swap3A_493 = arith.constant 32 : index
    %swap3A_494 = tpu.vector_load %arg16[%swap3A_492, %swap3A_493] {strides = array<i32>} : memref<51x64xf32, #tpu.memory_space<vmem>>, vector<16xf32>,
    tpu.vector_store %arg16[%swap3A_492, %swap3A_493], %broadcast_in_dim3A_3 {strides = array<i32>} : memref<51x64xf32, #tpu.memory_space<vmem>>, vector<16xf32>,
    %swap3A_495 = arith.constant 30 : i32
    %swap3A_496 = arith.index_cast %swap3A_495 : i32 to index
    %swap3A_497 = arith.constant 48 : index
    %swap3A_498 = tpu.vector_load %arg16[%swap3A_496, %swap3A_497] {strides = array<i32>} : memref<51x64xf32, #tpu.memory_space<vmem>>, vector<16xf32>,
    tpu.vector_store %arg16[%swap3A_496, %swap3A_497], %broadcast_in_dim3A_3 {strides = array<i32>} : memref<51x64xf32, #tpu.memory_space<vmem>>, vector<16xf32>,
    %swap3A_499 = arith.constant 31 : i32
    %swap3A_500 = arith.index_cast %swap3A_499 : i32 to index
    %swap3A_501 = arith.constant 0 : index
    %swap3A_502 = tpu.vector_load %arg16[%swap3A_500, %swap3A_501] {strides = array<i32>} : memref<51x64xf32, #tpu.memory_space<vmem>>, vector<16xf32>,
    tpu.vector_store %arg16[%swap3A_500, %swap3A_501], %broadcast_in_dim3A_3 {strides = array<i32>} : memref<51x64xf32, #tpu.memory_space<vmem>>, vector<16xf32>,
    %swap3A_503 = arith.constant 31 : i32
    %swap3A_504 = arith.index_cast %swap3A_503 : i32 to index
    %swap3A_505 = arith.constant 16 : index
    %swap3A_506 = tpu.vector_load %arg16[%swap3A_504, %swap3A_505] {strides = array<i32>} : memref<51x64xf32, #tpu.memory_space<vmem>>, vector<16xf32>,
    tpu.vector_store %arg16[%swap3A_504, %swap3A_505], %broadcast_in_dim3A_3 {strides = array<i32>} : memref<51x64xf32, #tpu.memory_space<vmem>>, vector<16xf32>,
    %swap3A_507 = arith.constant 31 : i32
    %swap3A_508 = arith.index_cast %swap3A_507 : i32 to index
    %swap3A_509 = arith.constant 32 : index
    %swap3A_510 = tpu.vector_load %arg16[%swap3A_508, %swap3A_509] {strides = array<i32>} : memref<51x64xf32, #tpu.memory_space<vmem>>, vector<16xf32>,
    tpu.vector_store %arg16[%swap3A_508, %swap3A_509], %broadcast_in_dim3A_3 {strides = array<i32>} : memref<51x64xf32, #tpu.memory_space<vmem>>, vector<16xf32>,
    %swap3A_511 = arith.constant 31 : i32
    %swap3A_512 = arith.index_cast %swap3A_511 : i32 to index
    %swap3A_513 = arith.constant 48 : index
    %swap3A_514 = tpu.vector_load %arg16[%swap3A_512, %swap3A_513] {strides = array<i32>} : memref<51x64xf32, #tpu.memory_space<vmem>>, vector<16xf32>,
    tpu.vector_store %arg16[%swap3A_512, %swap3A_513], %broadcast_in_dim3A_3 {strides = array<i32>} : memref<51x64xf32, #tpu.memory_space<vmem>>, vector<16xf32>,
    %swap3A_515 = arith.constant 32 : i32
    %swap3A_516 = arith.index_cast %swap3A_515 : i32 to index
    %swap3A_517 = arith.constant 0 : index
    %swap3A_518 = tpu.vector_load %arg16[%swap3A_516, %swap3A_517] {strides = array<i32>} : memref<51x64xf32, #tpu.memory_space<vmem>>, vector<16xf32>,
    tpu.vector_store %arg16[%swap3A_516, %swap3A_517], %broadcast_in_dim3A_3 {strides = array<i32>} : memref<51x64xf32, #tpu.memory_space<vmem>>, vector<16xf32>,
    %swap3A_519 = arith.constant 32 : i32
    %swap3A_520 = arith.index_cast %swap3A_519 : i32 to index
    %swap3A_521 = arith.constant 16 : index
    %swap3A_522 = tpu.vector_load %arg16[%swap3A_520, %swap3A_521] {strides = array<i32>} : memref<51x64xf32, #tpu.memory_space<vmem>>, vector<16xf32>,
    tpu.vector_store %arg16[%swap3A_520, %swap3A_521], %broadcast_in_dim3A_3 {strides = array<i32>} : memref<51x64xf32, #tpu.memory_space<vmem>>, vector<16xf32>,
    %swap3A_523 = arith.constant 32 : i32
    %swap3A_524 = arith.index_cast %swap3A_523 : i32 to index
    %swap3A_525 = arith.constant 32 : index
    %swap3A_526 = tpu.vector_load %arg16[%swap3A_524, %swap3A_525] {strides = array<i32>} : memref<51x64xf32, #tpu.memory_space<vmem>>, vector<16xf32>,
    tpu.vector_store %arg16[%swap3A_524, %swap3A_525], %broadcast_in_dim3A_3 {strides = array<i32>} : memref<51x64xf32, #tpu.memory_space<vmem>>, vector<16xf32>,
    %swap3A_527 = arith.constant 32 : i32
    %swap3A_528 = arith.index_cast %swap3A_527 : i32 to index
    %swap3A_529 = arith.constant 48 : index
    %swap3A_530 = tpu.vector_load %arg16[%swap3A_528, %swap3A_529] {strides = array<i32>} : memref<51x64xf32, #tpu.memory_space<vmem>>, vector<16xf32>,
    tpu.vector_store %arg16[%swap3A_528, %swap3A_529], %broadcast_in_dim3A_3 {strides = array<i32>} : memref<51x64xf32, #tpu.memory_space<vmem>>, vector<16xf32>,
    %swap3A_531 = arith.constant 33 : i32
    %swap3A_532 = arith.index_cast %swap3A_531 : i32 to index
    %swap3A_533 = arith.constant 0 : index
    %swap3A_534 = tpu.vector_load %arg16[%swap3A_532, %swap3A_533] {strides = array<i32>} : memref<51x64xf32, #tpu.memory_space<vmem>>, vector<16xf32>,
    tpu.vector_store %arg16[%swap3A_532, %swap3A_533], %broadcast_in_dim3A_3 {strides = array<i32>} : memref<51x64xf32, #tpu.memory_space<vmem>>, vector<16xf32>,
    %swap3A_535 = arith.constant 33 : i32
    %swap3A_536 = arith.index_cast %swap3A_535 : i32 to index
    %swap3A_537 = arith.constant 16 : index
    %swap3A_538 = tpu.vector_load %arg16[%swap3A_536, %swap3A_537] {strides = array<i32>} : memref<51x64xf32, #tpu.memory_space<vmem>>, vector<16xf32>,
    tpu.vector_store %arg16[%swap3A_536, %swap3A_537], %broadcast_in_dim3A_3 {strides = array<i32>} : memref<51x64xf32, #tpu.memory_space<vmem>>, vector<16xf32>,
    %swap3A_539 = arith.constant 33 : i32
    %swap3A_540 = arith.index_cast %swap3A_539 : i32 to index
    %swap3A_541 = arith.constant 32 : index
    %swap3A_542 = tpu.vector_load %arg16[%swap3A_540, %swap3A_541] {strides = array<i32>} : memref<51x64xf32, #tpu.memory_space<vmem>>, vector<16xf32>,
    tpu.vector_store %arg16[%swap3A_540, %swap3A_541], %broadcast_in_dim3A_3 {strides = array<i32>} : memref<51x64xf32, #tpu.memory_space<vmem>>, vector<16xf32>,
    %swap3A_543 = arith.constant 33 : i32
    %swap3A_544 = arith.index_cast %swap3A_543 : i32 to index
    %swap3A_545 = arith.constant 48 : index
    %swap3A_546 = tpu.vector_load %arg16[%swap3A_544, %swap3A_545] {strides = array<i32>} : memref<51x64xf32, #tpu.memory_space<vmem>>, vector<16xf32>,
    tpu.vector_store %arg16[%swap3A_544, %swap3A_545], %broadcast_in_dim3A_3 {strides = array<i32>} : memref<51x64xf32, #tpu.memory_space<vmem>>, vector<16xf32>,
    %swap3A_547 = arith.constant 34 : i32
    %swap3A_548 = arith.index_cast %swap3A_547 : i32 to index
    %swap3A_549 = arith.constant 0 : index
    %swap3A_550 = tpu.vector_load %arg16[%swap3A_548, %swap3A_549] {strides = array<i32>} : memref<51x64xf32, #tpu.memory_space<vmem>>, vector<16xf32>,
    tpu.vector_store %arg16[%swap3A_548, %swap3A_549], %broadcast_in_dim3A_3 {strides = array<i32>} : memref<51x64xf32, #tpu.memory_space<vmem>>, vector<16xf32>,
    %swap3A_551 = arith.constant 34 : i32
    %swap3A_552 = arith.index_cast %swap3A_551 : i32 to index
    %swap3A_553 = arith.constant 16 : index
    %swap3A_554 = tpu.vector_load %arg16[%swap3A_552, %swap3A_553] {strides = array<i32>} : memref<51x64xf32, #tpu.memory_space<vmem>>, vector<16xf32>,
    tpu.vector_store %arg16[%swap3A_552, %swap3A_553], %broadcast_in_dim3A_3 {strides = array<i32>} : memref<51x64xf32, #tpu.memory_space<vmem>>, vector<16xf32>,
    %swap3A_555 = arith.constant 34 : i32
    %swap3A_556 = arith.index_cast %swap3A_555 : i32 to index
    %swap3A_557 = arith.constant 32 : index
    %swap3A_558 = tpu.vector_load %arg16[%swap3A_556, %swap3A_557] {strides = array<i32>} : memref<51x64xf32, #tpu.memory_space<vmem>>, vector<16xf32>,
    tpu.vector_store %arg16[%swap3A_556, %swap3A_557], %broadcast_in_dim3A_3 {strides = array<i32>} : memref<51x64xf32, #tpu.memory_space<vmem>>, vector<16xf32>,
    %swap3A_559 = arith.constant 34 : i32
    %swap3A_560 = arith.index_cast %swap3A_559 : i32 to index
    %swap3A_561 = arith.constant 48 : index
    %swap3A_562 = tpu.vector_load %arg16[%swap3A_560, %swap3A_561] {strides = array<i32>} : memref<51x64xf32, #tpu.memory_space<vmem>>, vector<16xf32>,
    tpu.vector_store %arg16[%swap3A_560, %swap3A_561], %broadcast_in_dim3A_3 {strides = array<i32>} : memref<51x64xf32, #tpu.memory_space<vmem>>, vector<16xf32>,
    %swap3A_563 = arith.constant 35 : i32
    %swap3A_564 = arith.index_cast %swap3A_563 : i32 to index
    %swap3A_565 = arith.constant 0 : index
    %swap3A_566 = tpu.vector_load %arg16[%swap3A_564, %swap3A_565] {strides = array<i32>} : memref<51x64xf32, #tpu.memory_space<vmem>>, vector<16xf32>,
    tpu.vector_store %arg16[%swap3A_564, %swap3A_565], %broadcast_in_dim3A_3 {strides = array<i32>} : memref<51x64xf32, #tpu.memory_space<vmem>>, vector<16xf32>,
    %swap3A_567 = arith.constant 35 : i32
    %swap3A_568 = arith.index_cast %swap3A_567 : i32 to index
    %swap3A_569 = arith.constant 16 : index
    %swap3A_570 = tpu.vector_load %arg16[%swap3A_568, %swap3A_569] {strides = array<i32>} : memref<51x64xf32, #tpu.memory_space<vmem>>, vector<16xf32>,
    tpu.vector_store %arg16[%swap3A_568, %swap3A_569], %broadcast_in_dim3A_3 {strides = array<i32>} : memref<51x64xf32, #tpu.memory_space<vmem>>, vector<16xf32>,
    %swap3A_571 = arith.constant 35 : i32
    %swap3A_572 = arith.index_cast %swap3A_571 : i32 to index
    %swap3A_573 = arith.constant 32 : index
    %swap3A_574 = tpu.vector_load %arg16[%swap3A_572, %swap3A_573] {strides = array<i32>} : memref<51x64xf32, #tpu.memory_space<vmem>>, vector<16xf32>,
    tpu.vector_store %arg16[%swap3A_572, %swap3A_573], %broadcast_in_dim3A_3 {strides = array<i32>} : memref<51x64xf32, #tpu.memory_space<vmem>>, vector<16xf32>,
    %swap3A_575 = arith.constant 35 : i32
    %swap3A_576 = arith.index_cast %swap3A_575 : i32 to index
    %swap3A_577 = arith.constant 48 : index
    %swap3A_578 = tpu.vector_load %arg16[%swap3A_576, %swap3A_577] {strides = array<i32>} : memref<51x64xf32, #tpu.memory_space<vmem>>, vector<16xf32>,
    tpu.vector_store %arg16[%swap3A_576, %swap3A_577], %broadcast_in_dim3A_3 {strides = array<i32>} : memref<51x64xf32, #tpu.memory_space<vmem>>, vector<16xf32>,
    %swap3A_579 = arith.constant 36 : i32
    %swap3A_580 = arith.index_cast %swap3A_579 : i32 to index
    %swap3A_581 = arith.constant 0 : index
    %swap3A_582 = tpu.vector_load %arg16[%swap3A_580, %swap3A_581] {strides = array<i32>} : memref<51x64xf32, #tpu.memory_space<vmem>>, vector<16xf32>,
    tpu.vector_store %arg16[%swap3A_580, %swap3A_581], %broadcast_in_dim3A_3 {strides = array<i32>} : memref<51x64xf32, #tpu.memory_space<vmem>>, vector<16xf32>,
    %swap3A_583 = arith.constant 36 : i32
    %swap3A_584 = arith.index_cast %swap3A_583 : i32 to index
    %swap3A_585 = arith.constant 16 : index
    %swap3A_586 = tpu.vector_load %arg16[%swap3A_584, %swap3A_585] {strides = array<i32>} : memref<51x64xf32, #tpu.memory_space<vmem>>, vector<16xf32>,
    tpu.vector_store %arg16[%swap3A_584, %swap3A_585], %broadcast_in_dim3A_3 {strides = array<i32>} : memref<51x64xf32, #tpu.memory_space<vmem>>, vector<16xf32>,
    %swap3A_587 = arith.constant 36 : i32
    %swap3A_588 = arith.index_cast %swap3A_587 : i32 to index
    %swap3A_589 = arith.constant 32 : index
    %swap3A_590 = tpu.vector_load %arg16[%swap3A_588, %swap3A_589] {strides = array<i32>} : memref<51x64xf32, #tpu.memory_space<vmem>>, vector<16xf32>,
    tpu.vector_store %arg16[%swap3A_588, %swap3A_589], %broadcast_in_dim3A_3 {strides = array<i32>} : memref<51x64xf32, #tpu.memory_space<vmem>>, vector<16xf32>,
    %swap3A_591 = arith.constant 36 : i32
    %swap3A_592 = arith.index_cast %swap3A_591 : i32 to index
    %swap3A_593 = arith.constant 48 : index
    %swap3A_594 = tpu.vector_load %arg16[%swap3A_592, %swap3A_593] {strides = array<i32>} : memref<51x64xf32, #tpu.memory_space<vmem>>, vector<16xf32>,
    tpu.vector_store %arg16[%swap3A_592, %swap3A_593], %broadcast_in_dim3A_3 {strides = array<i32>} : memref<51x64xf32, #tpu.memory_space<vmem>>, vector<16xf32>,
    %swap3A_595 = arith.constant 37 : i32
    %swap3A_596 = arith.index_cast %swap3A_595 : i32 to index
    %swap3A_597 = arith.constant 0 : index
    %swap3A_598 = tpu.vector_load %arg16[%swap3A_596, %swap3A_597] {strides = array<i32>} : memref<51x64xf32, #tpu.memory_space<vmem>>, vector<16xf32>,
    tpu.vector_store %arg16[%swap3A_596, %swap3A_597], %broadcast_in_dim3A_3 {strides = array<i32>} : memref<51x64xf32, #tpu.memory_space<vmem>>, vector<16xf32>,
    %swap3A_599 = arith.constant 37 : i32
    %swap3A_600 = arith.index_cast %swap3A_599 : i32 to index
    %swap3A_601 = arith.constant 16 : index
    %swap3A_602 = tpu.vector_load %arg16[%swap3A_600, %swap3A_601] {strides = array<i32>} : memref<51x64xf32, #tpu.memory_space<vmem>>, vector<16xf32>,
    tpu.vector_store %arg16[%swap3A_600, %swap3A_601], %broadcast_in_dim3A_3 {strides = array<i32>} : memref<51x64xf32, #tpu.memory_space<vmem>>, vector<16xf32>,
    %swap3A_603 = arith.constant 37 : i32
    %swap3A_604 = arith.index_cast %swap3A_603 : i32 to index
    %swap3A_605 = arith.constant 32 : index
    %swap3A_606 = tpu.vector_load %arg16[%swap3A_604, %swap3A_605] {strides = array<i32>} : memref<51x64xf32, #tpu.memory_space<vmem>>, vector<16xf32>,
    tpu.vector_store %arg16[%swap3A_604, %swap3A_605], %broadcast_in_dim3A_3 {strides = array<i32>} : memref<51x64xf32, #tpu.memory_space<vmem>>, vector<16xf32>,
    %swap3A_607 = arith.constant 37 : i32
    %swap3A_608 = arith.index_cast %swap3A_607 : i32 to index
    %swap3A_609 = arith.constant 48 : index
    %swap3A_610 = tpu.vector_load %arg16[%swap3A_608, %swap3A_609] {strides = array<i32>} : memref<51x64xf32, #tpu.memory_space<vmem>>, vector<16xf32>,
    tpu.vector_store %arg16[%swap3A_608, %swap3A_609], %broadcast_in_dim3A_3 {strides = array<i32>} : memref<51x64xf32, #tpu.memory_space<vmem>>, vector<16xf32>,
    %swap3A_611 = arith.constant 38 : i32
    %swap3A_612 = arith.index_cast %swap3A_611 : i32 to index
    %swap3A_613 = arith.constant 0 : index
    %swap3A_614 = tpu.vector_load %arg16[%swap3A_612, %swap3A_613] {strides = array<i32>} : memref<51x64xf32, #tpu.memory_space<vmem>>, vector<16xf32>,
    tpu.vector_store %arg16[%swap3A_612, %swap3A_613], %broadcast_in_dim3A_3 {strides = array<i32>} : memref<51x64xf32, #tpu.memory_space<vmem>>, vector<16xf32>,
    %swap3A_615 = arith.constant 38 : i32
    %swap3A_616 = arith.index_cast %swap3A_615 : i32 to index
    %swap3A_617 = arith.constant 16 : index
    %swap3A_618 = tpu.vector_load %arg16[%swap3A_616, %swap3A_617] {strides = array<i32>} : memref<51x64xf32, #tpu.memory_space<vmem>>, vector<16xf32>,
    tpu.vector_store %arg16[%swap3A_616, %swap3A_617], %broadcast_in_dim3A_3 {strides = array<i32>} : memref<51x64xf32, #tpu.memory_space<vmem>>, vector<16xf32>,
    %swap3A_619 = arith.constant 38 : i32
    %swap3A_620 = arith.index_cast %swap3A_619 : i32 to index
    %swap3A_621 = arith.constant 32 : index
    %swap3A_622 = tpu.vector_load %arg16[%swap3A_620, %swap3A_621] {strides = array<i32>} : memref<51x64xf32, #tpu.memory_space<vmem>>, vector<16xf32>,
    tpu.vector_store %arg16[%swap3A_620, %swap3A_621], %broadcast_in_dim3A_3 {strides = array<i32>} : memref<51x64xf32, #tpu.memory_space<vmem>>, vector<16xf32>,
    %swap3A_623 = arith.constant 38 : i32
    %swap3A_624 = arith.index_cast %swap3A_623 : i32 to index
    %swap3A_625 = arith.constant 48 : index
    %swap3A_626 = tpu.vector_load %arg16[%swap3A_624, %swap3A_625] {strides = array<i32>} : memref<51x64xf32, #tpu.memory_space<vmem>>, vector<16xf32>,
    tpu.vector_store %arg16[%swap3A_624, %swap3A_625], %broadcast_in_dim3A_3 {strides = array<i32>} : memref<51x64xf32, #tpu.memory_space<vmem>>, vector<16xf32>,
    %swap3A_627 = arith.constant 39 : i32
    %swap3A_628 = arith.index_cast %swap3A_627 : i32 to index
    %swap3A_629 = arith.constant 0 : index
    %swap3A_630 = tpu.vector_load %arg16[%swap3A_628, %swap3A_629] {strides = array<i32>} : memref<51x64xf32, #tpu.memory_space<vmem>>, vector<16xf32>,
    tpu.vector_store %arg16[%swap3A_628, %swap3A_629], %broadcast_in_dim3A_3 {strides = array<i32>} : memref<51x64xf32, #tpu.memory_space<vmem>>, vector<16xf32>,
    %swap3A_631 = arith.constant 39 : i32
    %swap3A_632 = arith.index_cast %swap3A_631 : i32 to index
    %swap3A_633 = arith.constant 16 : index
    %swap3A_634 = tpu.vector_load %arg16[%swap3A_632, %swap3A_633] {strides = array<i32>} : memref<51x64xf32, #tpu.memory_space<vmem>>, vector<16xf32>,
    tpu.vector_store %arg16[%swap3A_632, %swap3A_633], %broadcast_in_dim3A_3 {strides = array<i32>} : memref<51x64xf32, #tpu.memory_space<vmem>>, vector<16xf32>,
    %swap3A_635 = arith.constant 39 : i32
    %swap3A_636 = arith.index_cast %swap3A_635 : i32 to index
    %swap3A_637 = arith.constant 32 : index
    %swap3A_638 = tpu.vector_load %arg16[%swap3A_636, %swap3A_637] {strides = array<i32>} : memref<51x64xf32, #tpu.memory_space<vmem>>, vector<16xf32>,
    tpu.vector_store %arg16[%swap3A_636, %swap3A_637], %broadcast_in_dim3A_3 {strides = array<i32>} : memref<51x64xf32, #tpu.memory_space<vmem>>, vector<16xf32>,
    %swap3A_639 = arith.constant 39 : i32
    %swap3A_640 = arith.index_cast %swap3A_639 : i32 to index
    %swap3A_641 = arith.constant 48 : index
    %swap3A_642 = tpu.vector_load %arg16[%swap3A_640, %swap3A_641] {strides = array<i32>} : memref<51x64xf32, #tpu.memory_space<vmem>>, vector<16xf32>,
    tpu.vector_store %arg16[%swap3A_640, %swap3A_641], %broadcast_in_dim3A_3 {strides = array<i32>} : memref<51x64xf32, #tpu.memory_space<vmem>>, vector<16xf32>,
    %swap3A_643 = arith.constant 40 : i32
    %swap3A_644 = arith.index_cast %swap3A_643 : i32 to index
    %swap3A_645 = arith.constant 0 : index
    %swap3A_646 = tpu.vector_load %arg16[%swap3A_644, %swap3A_645] {strides = array<i32>} : memref<51x64xf32, #tpu.memory_space<vmem>>, vector<16xf32>,
    tpu.vector_store %arg16[%swap3A_644, %swap3A_645], %broadcast_in_dim3A_3 {strides = array<i32>} : memref<51x64xf32, #tpu.memory_space<vmem>>, vector<16xf32>,
    %swap3A_647 = arith.constant 40 : i32
    %swap3A_648 = arith.index_cast %swap3A_647 : i32 to index
    %swap3A_649 = arith.constant 16 : index
    %swap3A_650 = tpu.vector_load %arg16[%swap3A_648, %swap3A_649] {strides = array<i32>} : memref<51x64xf32, #tpu.memory_space<vmem>>, vector<16xf32>,
    tpu.vector_store %arg16[%swap3A_648, %swap3A_649], %broadcast_in_dim3A_3 {strides = array<i32>} : memref<51x64xf32, #tpu.memory_space<vmem>>, vector<16xf32>,
    %swap3A_651 = arith.constant 40 : i32
    %swap3A_652 = arith.index_cast %swap3A_651 : i32 to index
    %swap3A_653 = arith.constant 32 : index
    %swap3A_654 = tpu.vector_load %arg16[%swap3A_652, %swap3A_653] {strides = array<i32>} : memref<51x64xf32, #tpu.memory_space<vmem>>, vector<16xf32>,
    tpu.vector_store %arg16[%swap3A_652, %swap3A_653], %broadcast_in_dim3A_3 {strides = array<i32>} : memref<51x64xf32, #tpu.memory_space<vmem>>, vector<16xf32>,
    %swap3A_655 = arith.constant 40 : i32
    %swap3A_656 = arith.index_cast %swap3A_655 : i32 to index
    %swap3A_657 = arith.constant 48 : index
    %swap3A_658 = tpu.vector_load %arg16[%swap3A_656, %swap3A_657] {strides = array<i32>} : memref<51x64xf32, #tpu.memory_space<vmem>>, vector<16xf32>,
    tpu.vector_store %arg16[%swap3A_656, %swap3A_657], %broadcast_in_dim3A_3 {strides = array<i32>} : memref<51x64xf32, #tpu.memory_space<vmem>>, vector<16xf32>,
    %swap3A_659 = arith.constant 41 : i32
    %swap3A_660 = arith.index_cast %swap3A_659 : i32 to index
    %swap3A_661 = arith.constant 0 : index
    %swap3A_662 = tpu.vector_load %arg16[%swap3A_660, %swap3A_661] {strides = array<i32>} : memref<51x64xf32, #tpu.memory_space<vmem>>, vector<16xf32>,
    tpu.vector_store %arg16[%swap3A_660, %swap3A_661], %broadcast_in_dim3A_3 {strides = array<i32>} : memref<51x64xf32, #tpu.memory_space<vmem>>, vector<16xf32>,
    %swap3A_663 = arith.constant 41 : i32
    %swap3A_664 = arith.index_cast %swap3A_663 : i32 to index
    %swap3A_665 = arith.constant 16 : index
    %swap3A_666 = tpu.vector_load %arg16[%swap3A_664, %swap3A_665] {strides = array<i32>} : memref<51x64xf32, #tpu.memory_space<vmem>>, vector<16xf32>,
    tpu.vector_store %arg16[%swap3A_664, %swap3A_665], %broadcast_in_dim3A_3 {strides = array<i32>} : memref<51x64xf32, #tpu.memory_space<vmem>>, vector<16xf32>,
    %swap3A_667 = arith.constant 41 : i32
    %swap3A_668 = arith.index_cast %swap3A_667 : i32 to index
    %swap3A_669 = arith.constant 32 : index
    %swap3A_670 = tpu.vector_load %arg16[%swap3A_668, %swap3A_669] {strides = array<i32>} : memref<51x64xf32, #tpu.memory_space<vmem>>, vector<16xf32>,
    tpu.vector_store %arg16[%swap3A_668, %swap3A_669], %broadcast_in_dim3A_3 {strides = array<i32>} : memref<51x64xf32, #tpu.memory_space<vmem>>, vector<16xf32>,
    %swap3A_671 = arith.constant 41 : i32
    %swap3A_672 = arith.index_cast %swap3A_671 : i32 to index
    %swap3A_673 = arith.constant 48 : index
    %swap3A_674 = tpu.vector_load %arg16[%swap3A_672, %swap3A_673] {strides = array<i32>} : memref<51x64xf32, #tpu.memory_space<vmem>>, vector<16xf32>,
    tpu.vector_store %arg16[%swap3A_672, %swap3A_673], %broadcast_in_dim3A_3 {strides = array<i32>} : memref<51x64xf32, #tpu.memory_space<vmem>>, vector<16xf32>,
    %swap3A_675 = arith.constant 42 : i32
    %swap3A_676 = arith.index_cast %swap3A_675 : i32 to index
    %swap3A_677 = arith.constant 0 : index
    %swap3A_678 = tpu.vector_load %arg16[%swap3A_676, %swap3A_677] {strides = array<i32>} : memref<51x64xf32, #tpu.memory_space<vmem>>, vector<16xf32>,
    tpu.vector_store %arg16[%swap3A_676, %swap3A_677], %broadcast_in_dim3A_3 {strides = array<i32>} : memref<51x64xf32, #tpu.memory_space<vmem>>, vector<16xf32>,
    %swap3A_679 = arith.constant 42 : i32
    %swap3A_680 = arith.index_cast %swap3A_679 : i32 to index
    %swap3A_681 = arith.constant 16 : index
    %swap3A_682 = tpu.vector_load %arg16[%swap3A_680, %swap3A_681] {strides = array<i32>} : memref<51x64xf32, #tpu.memory_space<vmem>>, vector<16xf32>,
    tpu.vector_store %arg16[%swap3A_680, %swap3A_681], %broadcast_in_dim3A_3 {strides = array<i32>} : memref<51x64xf32, #tpu.memory_space<vmem>>, vector<16xf32>,
    %swap3A_683 = arith.constant 42 : i32
    %swap3A_684 = arith.index_cast %swap3A_683 : i32 to index
    %swap3A_685 = arith.constant 32 : index
    %swap3A_686 = tpu.vector_load %arg16[%swap3A_684, %swap3A_685] {strides = array<i32>} : memref<51x64xf32, #tpu.memory_space<vmem>>, vector<16xf32>,
    tpu.vector_store %arg16[%swap3A_684, %swap3A_685], %broadcast_in_dim3A_3 {strides = array<i32>} : memref<51x64xf32, #tpu.memory_space<vmem>>, vector<16xf32>,
    %swap3A_687 = arith.constant 42 : i32
    %swap3A_688 = arith.index_cast %swap3A_687 : i32 to index
    %swap3A_689 = arith.constant 48 : index
    %swap3A_690 = tpu.vector_load %arg16[%swap3A_688, %swap3A_689] {strides = array<i32>} : memref<51x64xf32, #tpu.memory_space<vmem>>, vector<16xf32>,
    tpu.vector_store %arg16[%swap3A_688, %swap3A_689], %broadcast_in_dim3A_3 {strides = array<i32>} : memref<51x64xf32, #tpu.memory_space<vmem>>, vector<16xf32>,
    %swap3A_691 = arith.constant 43 : i32
    %swap3A_692 = arith.index_cast %swap3A_691 : i32 to index
    %swap3A_693 = arith.constant 0 : index
    %swap3A_694 = tpu.vector_load %arg16[%swap3A_692, %swap3A_693] {strides = array<i32>} : memref<51x64xf32, #tpu.memory_space<vmem>>, vector<16xf32>,
    tpu.vector_store %arg16[%swap3A_692, %swap3A_693], %broadcast_in_dim3A_3 {strides = array<i32>} : memref<51x64xf32, #tpu.memory_space<vmem>>, vector<16xf32>,
    %swap3A_695 = arith.constant 43 : i32
    %swap3A_696 = arith.index_cast %swap3A_695 : i32 to index
    %swap3A_697 = arith.constant 16 : index
    %swap3A_698 = tpu.vector_load %arg16[%swap3A_696, %swap3A_697] {strides = array<i32>} : memref<51x64xf32, #tpu.memory_space<vmem>>, vector<16xf32>,
    tpu.vector_store %arg16[%swap3A_696, %swap3A_697], %broadcast_in_dim3A_3 {strides = array<i32>} : memref<51x64xf32, #tpu.memory_space<vmem>>, vector<16xf32>,
    %swap3A_699 = arith.constant 43 : i32
    %swap3A_700 = arith.index_cast %swap3A_699 : i32 to index
    %swap3A_701 = arith.constant 32 : index
    %swap3A_702 = tpu.vector_load %arg16[%swap3A_700, %swap3A_701] {strides = array<i32>} : memref<51x64xf32, #tpu.memory_space<vmem>>, vector<16xf32>,
    tpu.vector_store %arg16[%swap3A_700, %swap3A_701], %broadcast_in_dim3A_3 {strides = array<i32>} : memref<51x64xf32, #tpu.memory_space<vmem>>, vector<16xf32>,
    %swap3A_703 = arith.constant 43 : i32
    %swap3A_704 = arith.index_cast %swap3A_703 : i32 to index
    %swap3A_705 = arith.constant 48 : index
    %swap3A_706 = tpu.vector_load %arg16[%swap3A_704, %swap3A_705] {strides = array<i32>} : memref<51x64xf32, #tpu.memory_space<vmem>>, vector<16xf32>,
    tpu.vector_store %arg16[%swap3A_704, %swap3A_705], %broadcast_in_dim3A_3 {strides = array<i32>} : memref<51x64xf32, #tpu.memory_space<vmem>>, vector<16xf32>,
    %swap3A_707 = arith.constant 44 : i32
    %swap3A_708 = arith.index_cast %swap3A_707 : i32 to index
    %swap3A_709 = arith.constant 0 : index
    %swap3A_710 = tpu.vector_load %arg16[%swap3A_708, %swap3A_709] {strides = array<i32>} : memref<51x64xf32, #tpu.memory_space<vmem>>, vector<16xf32>,
    tpu.vector_store %arg16[%swap3A_708, %swap3A_709], %broadcast_in_dim3A_3 {strides = array<i32>} : memref<51x64xf32, #tpu.memory_space<vmem>>, vector<16xf32>,
    %swap3A_711 = arith.constant 44 : i32
    %swap3A_712 = arith.index_cast %swap3A_711 : i32 to index
    %swap3A_713 = arith.constant 16 : index
    %swap3A_714 = tpu.vector_load %arg16[%swap3A_712, %swap3A_713] {strides = array<i32>} : memref<51x64xf32, #tpu.memory_space<vmem>>, vector<16xf32>,
    tpu.vector_store %arg16[%swap3A_712, %swap3A_713], %broadcast_in_dim3A_3 {strides = array<i32>} : memref<51x64xf32, #tpu.memory_space<vmem>>, vector<16xf32>,
    %swap3A_715 = arith.constant 44 : i32
    %swap3A_716 = arith.index_cast %swap3A_715 : i32 to index
    %swap3A_717 = arith.constant 32 : index
    %swap3A_718 = tpu.vector_load %arg16[%swap3A_716, %swap3A_717] {strides = array<i32>} : memref<51x64xf32, #tpu.memory_space<vmem>>, vector<16xf32>,
    tpu.vector_store %arg16[%swap3A_716, %swap3A_717], %broadcast_in_dim3A_3 {strides = array<i32>} : memref<51x64xf32, #tpu.memory_space<vmem>>, vector<16xf32>,
    %swap3A_719 = arith.constant 44 : i32
    %swap3A_720 = arith.index_cast %swap3A_719 : i32 to index
    %swap3A_721 = arith.constant 48 : index
    %swap3A_722 = tpu.vector_load %arg16[%swap3A_720, %swap3A_721] {strides = array<i32>} : memref<51x64xf32, #tpu.memory_space<vmem>>, vector<16xf32>,
    tpu.vector_store %arg16[%swap3A_720, %swap3A_721], %broadcast_in_dim3A_3 {strides = array<i32>} : memref<51x64xf32, #tpu.memory_space<vmem>>, vector<16xf32>,
    %swap3A_723 = arith.constant 45 : i32
    %swap3A_724 = arith.index_cast %swap3A_723 : i32 to index
    %swap3A_725 = arith.constant 0 : index
    %swap3A_726 = tpu.vector_load %arg16[%swap3A_724, %swap3A_725] {strides = array<i32>} : memref<51x64xf32, #tpu.memory_space<vmem>>, vector<16xf32>,
    tpu.vector_store %arg16[%swap3A_724, %swap3A_725], %broadcast_in_dim3A_3 {strides = array<i32>} : memref<51x64xf32, #tpu.memory_space<vmem>>, vector<16xf32>,
    %swap3A_727 = arith.constant 45 : i32
    %swap3A_728 = arith.index_cast %swap3A_727 : i32 to index
    %swap3A_729 = arith.constant 16 : index
    %swap3A_730 = tpu.vector_load %arg16[%swap3A_728, %swap3A_729] {strides = array<i32>} : memref<51x64xf32, #tpu.memory_space<vmem>>, vector<16xf32>,
    tpu.vector_store %arg16[%swap3A_728, %swap3A_729], %broadcast_in_dim3A_3 {strides = array<i32>} : memref<51x64xf32, #tpu.memory_space<vmem>>, vector<16xf32>,
    %swap3A_731 = arith.constant 45 : i32
    %swap3A_732 = arith.index_cast %swap3A_731 : i32 to index
    %swap3A_733 = arith.constant 32 : index
    %swap3A_734 = tpu.vector_load %arg16[%swap3A_732, %swap3A_733] {strides = array<i32>} : memref<51x64xf32, #tpu.memory_space<vmem>>, vector<16xf32>,
    tpu.vector_store %arg16[%swap3A_732, %swap3A_733], %broadcast_in_dim3A_3 {strides = array<i32>} : memref<51x64xf32, #tpu.memory_space<vmem>>, vector<16xf32>,
    %swap3A_735 = arith.constant 45 : i32
    %swap3A_736 = arith.index_cast %swap3A_735 : i32 to index
    %swap3A_737 = arith.constant 48 : index
    %swap3A_738 = tpu.vector_load %arg16[%swap3A_736, %swap3A_737] {strides = array<i32>} : memref<51x64xf32, #tpu.memory_space<vmem>>, vector<16xf32>,
    tpu.vector_store %arg16[%swap3A_736, %swap3A_737], %broadcast_in_dim3A_3 {strides = array<i32>} : memref<51x64xf32, #tpu.memory_space<vmem>>, vector<16xf32>,
    %swap3A_739 = arith.constant 46 : i32
    %swap3A_740 = arith.index_cast %swap3A_739 : i32 to index
    %swap3A_741 = arith.constant 0 : index
    %swap3A_742 = tpu.vector_load %arg16[%swap3A_740, %swap3A_741] {strides = array<i32>} : memref<51x64xf32, #tpu.memory_space<vmem>>, vector<16xf32>,
    tpu.vector_store %arg16[%swap3A_740, %swap3A_741], %broadcast_in_dim3A_3 {strides = array<i32>} : memref<51x64xf32, #tpu.memory_space<vmem>>, vector<16xf32>,
    %swap3A_743 = arith.constant 46 : i32
    %swap3A_744 = arith.index_cast %swap3A_743 : i32 to index
    %swap3A_745 = arith.constant 16 : index
    %swap3A_746 = tpu.vector_load %arg16[%swap3A_744, %swap3A_745] {strides = array<i32>} : memref<51x64xf32, #tpu.memory_space<vmem>>, vector<16xf32>,
    tpu.vector_store %arg16[%swap3A_744, %swap3A_745], %broadcast_in_dim3A_3 {strides = array<i32>} : memref<51x64xf32, #tpu.memory_space<vmem>>, vector<16xf32>,
    %swap3A_747 = arith.constant 46 : i32
    %swap3A_748 = arith.index_cast %swap3A_747 : i32 to index
    %swap3A_749 = arith.constant 32 : index
    %swap3A_750 = tpu.vector_load %arg16[%swap3A_748, %swap3A_749] {strides = array<i32>} : memref<51x64xf32, #tpu.memory_space<vmem>>, vector<16xf32>,
    tpu.vector_store %arg16[%swap3A_748, %swap3A_749], %broadcast_in_dim3A_3 {strides = array<i32>} : memref<51x64xf32, #tpu.memory_space<vmem>>, vector<16xf32>,
    %swap3A_751 = arith.constant 46 : i32
    %swap3A_752 = arith.index_cast %swap3A_751 : i32 to index
    %swap3A_753 = arith.constant 48 : index
    %swap3A_754 = tpu.vector_load %arg16[%swap3A_752, %swap3A_753] {strides = array<i32>} : memref<51x64xf32, #tpu.memory_space<vmem>>, vector<16xf32>,
    tpu.vector_store %arg16[%swap3A_752, %swap3A_753], %broadcast_in_dim3A_3 {strides = array<i32>} : memref<51x64xf32, #tpu.memory_space<vmem>>, vector<16xf32>,
    %swap3A_755 = arith.constant 47 : i32
    %swap3A_756 = arith.index_cast %swap3A_755 : i32 to index
    %swap3A_757 = arith.constant 0 : index
    %swap3A_758 = tpu.vector_load %arg16[%swap3A_756, %swap3A_757] {strides = array<i32>} : memref<51x64xf32, #tpu.memory_space<vmem>>, vector<16xf32>,
    tpu.vector_store %arg16[%swap3A_756, %swap3A_757], %broadcast_in_dim3A_3 {strides = array<i32>} : memref<51x64xf32, #tpu.memory_space<vmem>>, vector<16xf32>,
    %swap3A_759 = arith.constant 47 : i32
    %swap3A_760 = arith.index_cast %swap3A_759 : i32 to index
    %swap3A_761 = arith.constant 16 : index
    %swap3A_762 = tpu.vector_load %arg16[%swap3A_760, %swap3A_761] {strides = array<i32>} : memref<51x64xf32, #tpu.memory_space<vmem>>, vector<16xf32>,
    tpu.vector_store %arg16[%swap3A_760, %swap3A_761], %broadcast_in_dim3A_3 {strides = array<i32>} : memref<51x64xf32, #tpu.memory_space<vmem>>, vector<16xf32>,
    %swap3A_763 = arith.constant 47 : i32
    %swap3A_764 = arith.index_cast %swap3A_763 : i32 to index
    %swap3A_765 = arith.constant 32 : index
    %swap3A_766 = tpu.vector_load %arg16[%swap3A_764, %swap3A_765] {strides = array<i32>} : memref<51x64xf32, #tpu.memory_space<vmem>>, vector<16xf32>,
    tpu.vector_store %arg16[%swap3A_764, %swap3A_765], %broadcast_in_dim3A_3 {strides = array<i32>} : memref<51x64xf32, #tpu.memory_space<vmem>>, vector<16xf32>,
    %swap3A_767 = arith.constant 47 : i32
    %swap3A_768 = arith.index_cast %swap3A_767 : i32 to index
    %swap3A_769 = arith.constant 48 : index
    %swap3A_770 = tpu.vector_load %arg16[%swap3A_768, %swap3A_769] {strides = array<i32>} : memref<51x64xf32, #tpu.memory_space<vmem>>, vector<16xf32>,
    tpu.vector_store %arg16[%swap3A_768, %swap3A_769], %broadcast_in_dim3A_3 {strides = array<i32>} : memref<51x64xf32, #tpu.memory_space<vmem>>, vector<16xf32>,
    %swap3A_771 = arith.constant 48 : i32
    %swap3A_772 = arith.index_cast %swap3A_771 : i32 to index
    %swap3A_773 = arith.constant 0 : index
    %swap3A_774 = tpu.vector_load %arg16[%swap3A_772, %swap3A_773] {strides = array<i32>} : memref<51x64xf32, #tpu.memory_space<vmem>>, vector<16xf32>,
    tpu.vector_store %arg16[%swap3A_772, %swap3A_773], %broadcast_in_dim3A_3 {strides = array<i32>} : memref<51x64xf32, #tpu.memory_space<vmem>>, vector<16xf32>,
    %swap3A_775 = arith.constant 48 : i32
    %swap3A_776 = arith.index_cast %swap3A_775 : i32 to index
    %swap3A_777 = arith.constant 16 : index
    %swap3A_778 = tpu.vector_load %arg16[%swap3A_776, %swap3A_777] {strides = array<i32>} : memref<51x64xf32, #tpu.memory_space<vmem>>, vector<16xf32>,
    tpu.vector_store %arg16[%swap3A_776, %swap3A_777], %broadcast_in_dim3A_3 {strides = array<i32>} : memref<51x64xf32, #tpu.memory_space<vmem>>, vector<16xf32>,
    %swap3A_779 = arith.constant 48 : i32
    %swap3A_780 = arith.index_cast %swap3A_779 : i32 to index
    %swap3A_781 = arith.constant 32 : index
    %swap3A_782 = tpu.vector_load %arg16[%swap3A_780, %swap3A_781] {strides = array<i32>} : memref<51x64xf32, #tpu.memory_space<vmem>>, vector<16xf32>,
    tpu.vector_store %arg16[%swap3A_780, %swap3A_781], %broadcast_in_dim3A_3 {strides = array<i32>} : memref<51x64xf32, #tpu.memory_space<vmem>>, vector<16xf32>,
    %swap3A_783 = arith.constant 48 : i32
    %swap3A_784 = arith.index_cast %swap3A_783 : i32 to index
    %swap3A_785 = arith.constant 48 : index
    %swap3A_786 = tpu.vector_load %arg16[%swap3A_784, %swap3A_785] {strides = array<i32>} : memref<51x64xf32, #tpu.memory_space<vmem>>, vector<16xf32>,
    tpu.vector_store %arg16[%swap3A_784, %swap3A_785], %broadcast_in_dim3A_3 {strides = array<i32>} : memref<51x64xf32, #tpu.memory_space<vmem>>, vector<16xf32>,
    %swap3A_787 = arith.constant 49 : i32
    %swap3A_788 = arith.index_cast %swap3A_787 : i32 to index
    %swap3A_789 = arith.constant 0 : index
    %swap3A_790 = tpu.vector_load %arg16[%swap3A_788, %swap3A_789] {strides = array<i32>} : memref<51x64xf32, #tpu.memory_space<vmem>>, vector<16xf32>,
    tpu.vector_store %arg16[%swap3A_788, %swap3A_789], %broadcast_in_dim3A_3 {strides = array<i32>} : memref<51x64xf32, #tpu.memory_space<vmem>>, vector<16xf32>,
    %swap3A_791 = arith.constant 49 : i32
    %swap3A_792 = arith.index_cast %swap3A_791 : i32 to index
    %swap3A_793 = arith.constant 16 : index
    %swap3A_794 = tpu.vector_load %arg16[%swap3A_792, %swap3A_793] {strides = array<i32>} : memref<51x64xf32, #tpu.memory_space<vmem>>, vector<16xf32>,
    tpu.vector_store %arg16[%swap3A_792, %swap3A_793], %broadcast_in_dim3A_3 {strides = array<i32>} : memref<51x64xf32, #tpu.memory_space<vmem>>, vector<16xf32>,
    %swap3A_795 = arith.constant 49 : i32
    %swap3A_796 = arith.index_cast %swap3A_795 : i32 to index
    %swap3A_797 = arith.constant 32 : index
    %swap3A_798 = tpu.vector_load %arg16[%swap3A_796, %swap3A_797] {strides = array<i32>} : memref<51x64xf32, #tpu.memory_space<vmem>>, vector<16xf32>,
    tpu.vector_store %arg16[%swap3A_796, %swap3A_797], %broadcast_in_dim3A_3 {strides = array<i32>} : memref<51x64xf32, #tpu.memory_space<vmem>>, vector<16xf32>,
    %swap3A_799 = arith.constant 49 : i32
    %swap3A_800 = arith.index_cast %swap3A_799 : i32 to index
    %swap3A_801 = arith.constant 48 : index
    %swap3A_802 = tpu.vector_load %arg16[%swap3A_800, %swap3A_801] {strides = array<i32>} : memref<51x64xf32, #tpu.memory_space<vmem>>, vector<16xf32>,
    tpu.vector_store %arg16[%swap3A_800, %swap3A_801], %broadcast_in_dim3A_3 {strides = array<i32>} : memref<51x64xf32, #tpu.memory_space<vmem>>, vector<16xf32>,
    %swap3A_803 = arith.constant 50 : i32
    %swap3A_804 = arith.index_cast %swap3A_803 : i32 to index
    %swap3A_805 = arith.constant 0 : index
    %swap3A_806 = tpu.vector_load %arg16[%swap3A_804, %swap3A_805] {strides = array<i32>} : memref<51x64xf32, #tpu.memory_space<vmem>>, vector<16xf32>,
    tpu.vector_store %arg16[%swap3A_804, %swap3A_805], %broadcast_in_dim3A_3 {strides = array<i32>} : memref<51x64xf32, #tpu.memory_space<vmem>>, vector<16xf32>,
    %swap3A_807 = arith.constant 50 : i32
    %swap3A_808 = arith.index_cast %swap3A_807 : i32 to index
    %swap3A_809 = arith.constant 16 : index
    %swap3A_810 = tpu.vector_load %arg16[%swap3A_808, %swap3A_809] {strides = array<i32>} : memref<51x64xf32, #tpu.memory_space<vmem>>, vector<16xf32>,
    tpu.vector_store %arg16[%swap3A_808, %swap3A_809], %broadcast_in_dim3A_3 {strides = array<i32>} : memref<51x64xf32, #tpu.memory_space<vmem>>, vector<16xf32>,
    %swap3A_811 = arith.constant 50 : i32
    %swap3A_812 = arith.index_cast %swap3A_811 : i32 to index
    %swap3A_813 = arith.constant 32 : index
    %swap3A_814 = tpu.vector_load %arg16[%swap3A_812, %swap3A_813] {strides = array<i32>} : memref<51x64xf32, #tpu.memory_space<vmem>>, vector<16xf32>,
    tpu.vector_store %arg16[%swap3A_812, %swap3A_813], %broadcast_in_dim3A_3 {strides = array<i32>} : memref<51x64xf32, #tpu.memory_space<vmem>>, vector<16xf32>,
    %swap3A_815 = arith.constant 50 : i32
    %swap3A_816 = arith.index_cast %swap3A_815 : i32 to index
    %swap3A_817 = arith.constant 48 : index
    %swap3A_818 = tpu.vector_load %arg16[%swap3A_816, %swap3A_817] {strides = array<i32>} : memref<51x64xf32, #tpu.memory_space<vmem>>, vector<16xf32>,
    tpu.vector_store %arg16[%swap3A_816, %swap3A_817], %broadcast_in_dim3A_3 {strides = array<i32>} : memref<51x64xf32, #tpu.memory_space<vmem>>, vector<16xf32>,
    "tpu.region"() ({
      %run_scoped3A = tpu.sem_alloc : memref<!tpu.dma_semaphore, #tpu.memory_space<semaphore_mem>>
      %dma_start3A = arith.constant 0 : i32
      %dma_start3A_824 = arith.constant 0 : i32
      %dma_start3A_825 = tpu.memref_slice %arg14[%arg1, %dma_start3A, %dma_start3A_824] : memref<16x51x64xf32, #tpu.memory_space<vmem_shared>> -> memref<1x51x64xf32, #tpu.memory_space<vmem_shared>>
      %dma_start3A_826 = tpu.memref_squeeze %dma_start3A_825 : memref<1x51x64xf32, #tpu.memory_space<vmem_shared>> -> memref<51x64xf32, #tpu.memory_space<vmem_shared>>
      %dma_start3A_827 = arith.constant 0 : i32
      %dma_start3A_828 = arith.constant 0 : i32
      %dma_start3A_829 = tpu.memref_slice %arg14[%arg1, %dma_start3A_827, %dma_start3A_828] : memref<16x51x64xf32, #tpu.memory_space<vmem_shared>> -> memref<1x51x64xf32, #tpu.memory_space<vmem_shared>>
      %dma_start3A_830 = tpu.memref_squeeze %dma_start3A_829 : memref<1x51x64xf32, #tpu.memory_space<vmem_shared>> -> memref<51x64xf32, #tpu.memory_space<vmem_shared>>
      tpu.enqueue_dma source(%arg16 : memref<51x64xf32, #tpu.memory_space<vmem>>) target(%dma_start3A_830 : memref<51x64xf32, #tpu.memory_space<vmem_shared>>) target_semaphore(%run_scoped3A : memref<!tpu.dma_semaphore, #tpu.memory_space<semaphore_mem>>)
      %dma_wait3A = arith.constant 0 : i32
      %dma_wait3A_831 = arith.constant 0 : i32
      %dma_wait3A_832 = tpu.memref_slice %arg14[%arg1, %dma_wait3A, %dma_wait3A_831] : memref<16x51x64xf32, #tpu.memory_space<vmem_shared>> -> memref<1x51x64xf32, #tpu.memory_space<vmem_shared>>
      %dma_wait3A_833 = tpu.memref_squeeze %dma_wait3A_832 : memref<1x51x64xf32, #tpu.memory_space<vmem_shared>> -> memref<51x64xf32, #tpu.memory_space<vmem_shared>>
      %dma_wait3A_834 = arith.constant 0 : i32
      %dma_wait3A_835 = arith.constant 0 : i32
      %dma_wait3A_836 = tpu.memref_slice %arg14[%arg1, %dma_wait3A_834, %dma_wait3A_835] : memref<16x51x64xf32, #tpu.memory_space<vmem_shared>> -> memref<1x51x64xf32, #tpu.memory_space<vmem_shared>>
      %dma_wait3A_837 = tpu.memref_squeeze %dma_wait3A_836 : memref<1x51x64xf32, #tpu.memory_space<vmem_shared>> -> memref<51x64xf32, #tpu.memory_space<vmem_shared>>
      tpu.wait_dma2 semaphore(%run_scoped3A : memref<!tpu.dma_semaphore, #tpu.memory_space<semaphore_mem>>) src(%arg16 : memref<51x64xf32, #tpu.memory_space<vmem>>) dst(%dma_wait3A_837 : memref<51x64xf32, #tpu.memory_space<vmem_shared>>)
      tpu.yield
    }) : () -> ()
    %scan3A = arith.constant 0 : i32
    %scan3A_819 = arith.constant 0 : i32
    %scan3A_820 = arith.constant 32 : i32
    %scan3A_821 = arith.addi %scan3A_819, %scan3A_820 : i32
    %scan3A_822 = arith.constant 1 : i32
    scf.for %scan3A_824 = %scan3A_819 to %scan3A_821 step %scan3A_822  : i32 {
      %add3A_825 = arith.addi %mul3A_2, %scan3A_824 : i32
      "tpu.region"() ({
        %run_scoped3A_4064 = tpu.sem_alloc : memref<!tpu.dma_semaphore, #tpu.memory_space<semaphore_mem>>
        %dma_start3A_4065 = arith.constant 0 : i32
        %dma_start3A_4066 = arith.constant 0 : i32
        %dma_start3A_4067 = tpu.memref_slice %arg2[%add3A_825, %dma_start3A_4065, %dma_start3A_4066] : memref<1024x4x128xi32, #tpu.memory_space<hbm>> -> memref<1x4x128xi32, #tpu.memory_space<hbm>>
        %dma_start3A_4068 = tpu.memref_squeeze %dma_start3A_4067 : memref<1x4x128xi32, #tpu.memory_space<hbm>> -> memref<4x128xi32, #tpu.memory_space<hbm>>
        %dma_start3A_4069 = arith.constant 0 : i32
        %dma_start3A_4070 = arith.constant 0 : i32
        %dma_start3A_4071 = tpu.memref_slice %arg2[%add3A_825, %dma_start3A_4069, %dma_start3A_4070] : memref<1024x4x128xi32, #tpu.memory_space<hbm>> -> memref<1x4x128xi32, #tpu.memory_space<hbm>>
        %dma_start3A_4072 = tpu.memref_squeeze %dma_start3A_4071 : memref<1x4x128xi32, #tpu.memory_space<hbm>> -> memref<4x128xi32, #tpu.memory_space<hbm>>
        tpu.enqueue_dma source(%dma_start3A_4072 : memref<4x128xi32, #tpu.memory_space<hbm>>) target(%arg8 : memref<4x128xi32, #tpu.memory_space<vmem>>) target_semaphore(%run_scoped3A_4064 : memref<!tpu.dma_semaphore, #tpu.memory_space<semaphore_mem>>)
        %dma_wait3A_4073 = arith.constant 0 : i32
        %dma_wait3A_4074 = arith.constant 0 : i32
        %dma_wait3A_4075 = tpu.memref_slice %arg2[%add3A_825, %dma_wait3A_4073, %dma_wait3A_4074] : memref<1024x4x128xi32, #tpu.memory_space<hbm>> -> memref<1x4x128xi32, #tpu.memory_space<hbm>>
        %dma_wait3A_4076 = tpu.memref_squeeze %dma_wait3A_4075 : memref<1x4x128xi32, #tpu.memory_space<hbm>> -> memref<4x128xi32, #tpu.memory_space<hbm>>
        %dma_wait3A_4077 = arith.constant 0 : i32
        %dma_wait3A_4078 = arith.constant 0 : i32
        %dma_wait3A_4079 = tpu.memref_slice %arg2[%add3A_825, %dma_wait3A_4077, %dma_wait3A_4078] : memref<1024x4x128xi32, #tpu.memory_space<hbm>> -> memref<1x4x128xi32, #tpu.memory_space<hbm>>
        %dma_wait3A_4080 = tpu.memref_squeeze %dma_wait3A_4079 : memref<1x4x128xi32, #tpu.memory_space<hbm>> -> memref<4x128xi32, #tpu.memory_space<hbm>>
        tpu.wait_dma2 semaphore(%run_scoped3A_4064 : memref<!tpu.dma_semaphore, #tpu.memory_space<semaphore_mem>>) src(%dma_wait3A_4080 : memref<4x128xi32, #tpu.memory_space<hbm>>) dst(%arg8 : memref<4x128xi32, #tpu.memory_space<vmem>>)
        tpu.yield
      }) : () -> ()
      "tpu.region"() ({
        %run_scoped3A_4064 = tpu.sem_alloc : memref<!tpu.dma_semaphore, #tpu.memory_space<semaphore_mem>>
        %dma_start3A_4065 = arith.constant 0 : i32
        %dma_start3A_4066 = tpu.memref_slice %arg3[%add3A_825, %dma_start3A_4065] : memref<1024x512xf32, #tpu.memory_space<hbm>> -> memref<1x512xf32, #tpu.memory_space<hbm>>
        %dma_start3A_4067 = tpu.memref_squeeze %dma_start3A_4066 : memref<1x512xf32, #tpu.memory_space<hbm>> -> memref<512xf32, #tpu.memory_space<hbm>>
        %dma_start3A_4068 = arith.constant 0 : i32
        %dma_start3A_4069 = tpu.memref_slice %arg3[%add3A_825, %dma_start3A_4068] : memref<1024x512xf32, #tpu.memory_space<hbm>> -> memref<1x512xf32, #tpu.memory_space<hbm>>
        %dma_start3A_4070 = tpu.memref_squeeze %dma_start3A_4069 : memref<1x512xf32, #tpu.memory_space<hbm>> -> memref<512xf32, #tpu.memory_space<hbm>>
        tpu.enqueue_dma source(%dma_start3A_4070 : memref<512xf32, #tpu.memory_space<hbm>>) target(%arg10 : memref<512xf32, #tpu.memory_space<vmem>>) target_semaphore(%run_scoped3A_4064 : memref<!tpu.dma_semaphore, #tpu.memory_space<semaphore_mem>>)
        %dma_wait3A_4071 = arith.constant 0 : i32
        %dma_wait3A_4072 = tpu.memref_slice %arg3[%add3A_825, %dma_wait3A_4071] : memref<1024x512xf32, #tpu.memory_space<hbm>> -> memref<1x512xf32, #tpu.memory_space<hbm>>
        %dma_wait3A_4073 = tpu.memref_squeeze %dma_wait3A_4072 : memref<1x512xf32, #tpu.memory_space<hbm>> -> memref<512xf32, #tpu.memory_space<hbm>>
        %dma_wait3A_4074 = arith.constant 0 : i32
        %dma_wait3A_4075 = tpu.memref_slice %arg3[%add3A_825, %dma_wait3A_4074] : memref<1024x512xf32, #tpu.memory_space<hbm>> -> memref<1x512xf32, #tpu.memory_space<hbm>>
        %dma_wait3A_4076 = tpu.memref_squeeze %dma_wait3A_4075 : memref<1x512xf32, #tpu.memory_space<hbm>> -> memref<512xf32, #tpu.memory_space<hbm>>
        tpu.wait_dma2 semaphore(%run_scoped3A_4064 : memref<!tpu.dma_semaphore, #tpu.memory_space<semaphore_mem>>) src(%dma_wait3A_4076 : memref<512xf32, #tpu.memory_space<hbm>>) dst(%arg10 : memref<512xf32, #tpu.memory_space<vmem>>)
        tpu.yield
      }) : () -> ()
      %dma_start3A = arith.constant 0 : i32
      %dma_start3A_826 = arith.constant 0 : i32
      %dma_start3A_827 = arith.constant 0 : i32
      %dma_start3A_828 = tpu.memref_slice %arg13[%dma_start3A_826, %dma_start3A_827] : memref<512x64xf32, #tpu.memory_space<vmem>> -> memref<128x64xf32, #tpu.memory_space<vmem>>
      %dma_start3A_829 = arith.constant 0 : i32
      %dma_start3A_830 = tpu.memref_slice %arg8[%dma_start3A, %dma_start3A_829] : memref<4x128xi32, #tpu.memory_space<vmem>> -> memref<1x128xi32, #tpu.memory_space<vmem>>
      %dma_start3A_831 = tpu.memref_squeeze %dma_start3A_830 : memref<1x128xi32, #tpu.memory_space<vmem>> -> memref<128xi32, #tpu.memory_space<vmem>>
      %dma_start3A_832 = arith.constant 0 : i32
      %dma_start3A_833 = arith.constant 0 : i32
      %dma_start3A_834 = tpu.memref_slice %arg5[%dma_start3A_832, %dma_start3A_833] : memref<1000000x64xf32, #tpu.memory_space<hbm>> -> memref<1000000x64xf32, #tpu.memory_space<hbm>>
      tpu.enqueue_indirect_dma source(%dma_start3A_834 : memref<1000000x64xf32, #tpu.memory_space<hbm>>) target(%dma_start3A_828 : memref<128x64xf32, #tpu.memory_space<vmem>>) offsets(%dma_start3A_831 : memref<128xi32, #tpu.memory_space<vmem>>) semaphore(%arg18 : memref<!tpu.dma_semaphore, #tpu.memory_space<semaphore_mem>>)
      %dma_start3A_835 = arith.constant 1 : i32
      %dma_start3A_836 = arith.constant 128 : i32
      %dma_start3A_837 = arith.constant 0 : i32
      %dma_start3A_838 = tpu.memref_slice %arg13[%dma_start3A_836, %dma_start3A_837] : memref<512x64xf32, #tpu.memory_space<vmem>> -> memref<128x64xf32, #tpu.memory_space<vmem>>
      %dma_start3A_839 = arith.constant 0 : i32
      %dma_start3A_840 = tpu.memref_slice %arg8[%dma_start3A_835, %dma_start3A_839] : memref<4x128xi32, #tpu.memory_space<vmem>> -> memref<1x128xi32, #tpu.memory_space<vmem>>
      %dma_start3A_841 = tpu.memref_squeeze %dma_start3A_840 : memref<1x128xi32, #tpu.memory_space<vmem>> -> memref<128xi32, #tpu.memory_space<vmem>>
      %dma_start3A_842 = arith.constant 0 : i32
      %dma_start3A_843 = arith.constant 0 : i32
      %dma_start3A_844 = tpu.memref_slice %arg5[%dma_start3A_842, %dma_start3A_843] : memref<1000000x64xf32, #tpu.memory_space<hbm>> -> memref<1000000x64xf32, #tpu.memory_space<hbm>>
      tpu.enqueue_indirect_dma source(%dma_start3A_844 : memref<1000000x64xf32, #tpu.memory_space<hbm>>) target(%dma_start3A_838 : memref<128x64xf32, #tpu.memory_space<vmem>>) offsets(%dma_start3A_841 : memref<128xi32, #tpu.memory_space<vmem>>) semaphore(%arg18 : memref<!tpu.dma_semaphore, #tpu.memory_space<semaphore_mem>>)
      %dma_start3A_845 = arith.constant 2 : i32
      %dma_start3A_846 = arith.constant 256 : i32
      %dma_start3A_847 = arith.constant 0 : i32
      %dma_start3A_848 = tpu.memref_slice %arg13[%dma_start3A_846, %dma_start3A_847] : memref<512x64xf32, #tpu.memory_space<vmem>> -> memref<128x64xf32, #tpu.memory_space<vmem>>
      %dma_start3A_849 = arith.constant 0 : i32
      %dma_start3A_850 = tpu.memref_slice %arg8[%dma_start3A_845, %dma_start3A_849] : memref<4x128xi32, #tpu.memory_space<vmem>> -> memref<1x128xi32, #tpu.memory_space<vmem>>
      %dma_start3A_851 = tpu.memref_squeeze %dma_start3A_850 : memref<1x128xi32, #tpu.memory_space<vmem>> -> memref<128xi32, #tpu.memory_space<vmem>>
      %dma_start3A_852 = arith.constant 0 : i32
      %dma_start3A_853 = arith.constant 0 : i32
      %dma_start3A_854 = tpu.memref_slice %arg5[%dma_start3A_852, %dma_start3A_853] : memref<1000000x64xf32, #tpu.memory_space<hbm>> -> memref<1000000x64xf32, #tpu.memory_space<hbm>>
      tpu.enqueue_indirect_dma source(%dma_start3A_854 : memref<1000000x64xf32, #tpu.memory_space<hbm>>) target(%dma_start3A_848 : memref<128x64xf32, #tpu.memory_space<vmem>>) offsets(%dma_start3A_851 : memref<128xi32, #tpu.memory_space<vmem>>) semaphore(%arg18 : memref<!tpu.dma_semaphore, #tpu.memory_space<semaphore_mem>>)
      %dma_start3A_855 = arith.constant 3 : i32
      %dma_start3A_856 = arith.constant 384 : i32
      %dma_start3A_857 = arith.constant 0 : i32
      %dma_start3A_858 = tpu.memref_slice %arg13[%dma_start3A_856, %dma_start3A_857] : memref<512x64xf32, #tpu.memory_space<vmem>> -> memref<128x64xf32, #tpu.memory_space<vmem>>
      %dma_start3A_859 = arith.constant 0 : i32
      %dma_start3A_860 = tpu.memref_slice %arg8[%dma_start3A_855, %dma_start3A_859] : memref<4x128xi32, #tpu.memory_space<vmem>> -> memref<1x128xi32, #tpu.memory_space<vmem>>
      %dma_start3A_861 = tpu.memref_squeeze %dma_start3A_860 : memref<1x128xi32, #tpu.memory_space<vmem>> -> memref<128xi32, #tpu.memory_space<vmem>>
      %dma_start3A_862 = arith.constant 0 : i32
      %dma_start3A_863 = arith.constant 0 : i32
      %dma_start3A_864 = tpu.memref_slice %arg5[%dma_start3A_862, %dma_start3A_863] : memref<1000000x64xf32, #tpu.memory_space<hbm>> -> memref<1000000x64xf32, #tpu.memory_space<hbm>>
      tpu.enqueue_indirect_dma source(%dma_start3A_864 : memref<1000000x64xf32, #tpu.memory_space<hbm>>) target(%dma_start3A_858 : memref<128x64xf32, #tpu.memory_space<vmem>>) offsets(%dma_start3A_861 : memref<128xi32, #tpu.memory_space<vmem>>) semaphore(%arg18 : memref<!tpu.dma_semaphore, #tpu.memory_space<semaphore_mem>>)
      %dma_wait3A = arith.constant 0 : i32
      %dma_wait3A_865 = arith.constant 0 : i32
      %dma_wait3A_866 = arith.constant 0 : i32
      %dma_wait3A_867 = tpu.memref_slice %arg13[%dma_wait3A_865, %dma_wait3A_866] : memref<512x64xf32, #tpu.memory_space<vmem>> -> memref<128x64xf32, #tpu.memory_space<vmem>>
      %dma_wait3A_868 = arith.constant 0 : i32
      %dma_wait3A_869 = tpu.memref_slice %arg8[%dma_wait3A, %dma_wait3A_868] : memref<4x128xi32, #tpu.memory_space<vmem>> -> memref<1x128xi32, #tpu.memory_space<vmem>>
      %dma_wait3A_870 = tpu.memref_squeeze %dma_wait3A_869 : memref<1x128xi32, #tpu.memory_space<vmem>> -> memref<128xi32, #tpu.memory_space<vmem>>
      %dma_wait3A_871 = arith.constant 0 : i32
      %dma_wait3A_872 = arith.constant 0 : i32
      %dma_wait3A_873 = tpu.memref_slice %arg5[%dma_wait3A_871, %dma_wait3A_872] : memref<1000000x64xf32, #tpu.memory_space<hbm>> -> memref<1000000x64xf32, #tpu.memory_space<hbm>>
      tpu.wait_indirect_dma semaphore(%arg18 : memref<!tpu.dma_semaphore, #tpu.memory_space<semaphore_mem>>) src(%dma_wait3A_873 : memref<1000000x64xf32, #tpu.memory_space<hbm>>) dst(%dma_wait3A_867 : memref<128x64xf32, #tpu.memory_space<vmem>>)
      %dma_wait3A_874 = arith.constant 1 : i32
      %dma_wait3A_875 = arith.constant 128 : i32
      %dma_wait3A_876 = arith.constant 0 : i32
      %dma_wait3A_877 = tpu.memref_slice %arg13[%dma_wait3A_875, %dma_wait3A_876] : memref<512x64xf32, #tpu.memory_space<vmem>> -> memref<128x64xf32, #tpu.memory_space<vmem>>
      %dma_wait3A_878 = arith.constant 0 : i32
      %dma_wait3A_879 = tpu.memref_slice %arg8[%dma_wait3A_874, %dma_wait3A_878] : memref<4x128xi32, #tpu.memory_space<vmem>> -> memref<1x128xi32, #tpu.memory_space<vmem>>
      %dma_wait3A_880 = tpu.memref_squeeze %dma_wait3A_879 : memref<1x128xi32, #tpu.memory_space<vmem>> -> memref<128xi32, #tpu.memory_space<vmem>>
      %dma_wait3A_881 = arith.constant 0 : i32
      %dma_wait3A_882 = arith.constant 0 : i32
      %dma_wait3A_883 = tpu.memref_slice %arg5[%dma_wait3A_881, %dma_wait3A_882] : memref<1000000x64xf32, #tpu.memory_space<hbm>> -> memref<1000000x64xf32, #tpu.memory_space<hbm>>
      tpu.wait_indirect_dma semaphore(%arg18 : memref<!tpu.dma_semaphore, #tpu.memory_space<semaphore_mem>>) src(%dma_wait3A_883 : memref<1000000x64xf32, #tpu.memory_space<hbm>>) dst(%dma_wait3A_877 : memref<128x64xf32, #tpu.memory_space<vmem>>)
      %dma_wait3A_884 = arith.constant 2 : i32
      %dma_wait3A_885 = arith.constant 256 : i32
      %dma_wait3A_886 = arith.constant 0 : i32
      %dma_wait3A_887 = tpu.memref_slice %arg13[%dma_wait3A_885, %dma_wait3A_886] : memref<512x64xf32, #tpu.memory_space<vmem>> -> memref<128x64xf32, #tpu.memory_space<vmem>>
      %dma_wait3A_888 = arith.constant 0 : i32
      %dma_wait3A_889 = tpu.memref_slice %arg8[%dma_wait3A_884, %dma_wait3A_888] : memref<4x128xi32, #tpu.memory_space<vmem>> -> memref<1x128xi32, #tpu.memory_space<vmem>>
      %dma_wait3A_890 = tpu.memref_squeeze %dma_wait3A_889 : memref<1x128xi32, #tpu.memory_space<vmem>> -> memref<128xi32, #tpu.memory_space<vmem>>
      %dma_wait3A_891 = arith.constant 0 : i32
      %dma_wait3A_892 = arith.constant 0 : i32
      %dma_wait3A_893 = tpu.memref_slice %arg5[%dma_wait3A_891, %dma_wait3A_892] : memref<1000000x64xf32, #tpu.memory_space<hbm>> -> memref<1000000x64xf32, #tpu.memory_space<hbm>>
      tpu.wait_indirect_dma semaphore(%arg18 : memref<!tpu.dma_semaphore, #tpu.memory_space<semaphore_mem>>) src(%dma_wait3A_893 : memref<1000000x64xf32, #tpu.memory_space<hbm>>) dst(%dma_wait3A_887 : memref<128x64xf32, #tpu.memory_space<vmem>>)
      %dma_wait3A_894 = arith.constant 3 : i32
      %dma_wait3A_895 = arith.constant 384 : i32
      %dma_wait3A_896 = arith.constant 0 : i32
      %dma_wait3A_897 = tpu.memref_slice %arg13[%dma_wait3A_895, %dma_wait3A_896] : memref<512x64xf32, #tpu.memory_space<vmem>> -> memref<128x64xf32, #tpu.memory_space<vmem>>
      %dma_wait3A_898 = arith.constant 0 : i32
      %dma_wait3A_899 = tpu.memref_slice %arg8[%dma_wait3A_894, %dma_wait3A_898] : memref<4x128xi32, #tpu.memory_space<vmem>> -> memref<1x128xi32, #tpu.memory_space<vmem>>
      %dma_wait3A_900 = tpu.memref_squeeze %dma_wait3A_899 : memref<1x128xi32, #tpu.memory_space<vmem>> -> memref<128xi32, #tpu.memory_space<vmem>>
      %dma_wait3A_901 = arith.constant 0 : i32
      %dma_wait3A_902 = arith.constant 0 : i32
      %dma_wait3A_903 = tpu.memref_slice %arg5[%dma_wait3A_901, %dma_wait3A_902] : memref<1000000x64xf32, #tpu.memory_space<hbm>> -> memref<1000000x64xf32, #tpu.memory_space<hbm>>
      tpu.wait_indirect_dma semaphore(%arg18 : memref<!tpu.dma_semaphore, #tpu.memory_space<semaphore_mem>>) src(%dma_wait3A_903 : memref<1000000x64xf32, #tpu.memory_space<hbm>>) dst(%dma_wait3A_897 : memref<128x64xf32, #tpu.memory_space<vmem>>)
      %get3A = arith.constant 0 : index
      %get3A_904 = tpu.vector_load %arg10[%get3A] {strides = array<i32>} : memref<512xf32, #tpu.memory_space<vmem>>, vector<16xf32>,
      %broadcast_in_dim3A_905 = arith.constant true
      %broadcast_in_dim3A_906 = vector.broadcast %broadcast_in_dim3A_905 : i1 to vector<16xi1>
      %masked_cumsum3A = tpu.scan <sum>, %get3A_904 masked %broadcast_in_dim3A_906 : vector<16xf32>, vector<16xi1> -> vector<16xf32>
      %add3A_907 = arith.constant 0.000000e+00 : f32
      %add3A_908 = vector.broadcast %add3A_907 : f32 to vector<16xf32>
      %add3A_909 = arith.addf %add3A_908, %masked_cumsum3A : vector<16xf32>
      %sub3A = arith.subf %add3A_909, %get3A_904 : vector<16xf32>
      %swap3A_910 = arith.constant 0 : index
      %swap3A_911 = tpu.vector_load %arg11[%swap3A_910] {strides = array<i32>} : memref<512xf32, #tpu.memory_space<vmem>>, vector<16xf32>,
      tpu.vector_store %arg11[%swap3A_910], %sub3A {strides = array<i32>} : memref<512xf32, #tpu.memory_space<vmem>>, vector<16xf32>,
      %reduce_sum3A = arith.constant true
      %reduce_sum3A_912 = vector.broadcast %reduce_sum3A : i1 to vector<16xi1>
      %reduce_sum3A_913 = tpu.scan <sum>, %get3A_904 masked %reduce_sum3A_912 : vector<16xf32>, vector<16xi1> -> vector<16xf32>
      %reduce_sum3A_914 = vector.extract %reduce_sum3A_913[15] : f32 from vector<16xf32>
      %add3A_915 = arith.constant 0.000000e+00 : f32
      %add3A_916 = arith.addf %add3A_915, %reduce_sum3A_914 : f32
      %get3A_917 = arith.constant 0 : index
      %get3A_918 = tpu.vector_load %arg12[%get3A_917] {strides = array<i32>} : memref<512xi32, #tpu.memory_space<vmem>>, vector<16xi32>,
      %gt3A = arith.constant 0.000000e+00 : f32
      %gt3A_919 = vector.broadcast %gt3A : f32 to vector<16xf32>
      %gt3A_920 = arith.cmpf ogt, %get3A_904, %gt3A_919 : vector<16xf32>
      %broadcast_in_dim3A_921 = arith.constant 50 : i32
      %broadcast_in_dim3A_922 = vector.broadcast %broadcast_in_dim3A_921 : i32 to vector<16xi32>
      %select_n3A = arith.select %gt3A_920, %get3A_918, %broadcast_in_dim3A_922 : vector<16xi1>, vector<16xi32>
      %swap3A_923 = arith.constant 0 : i32
      %swap3A_924 = arith.index_cast %swap3A_923 : i32 to index
      %swap3A_925 = arith.constant 0 : index
      %swap3A_926 = tpu.vector_load %arg9[%swap3A_924, %swap3A_925] {strides = array<i32>} : memref<4x128xi32, #tpu.memory_space<vmem>>, vector<16xi32>,
      tpu.vector_store %arg9[%swap3A_924, %swap3A_925], %select_n3A {strides = array<i32>} : memref<4x128xi32, #tpu.memory_space<vmem>>, vector<16xi32>,
      %get3A_927 = arith.constant 16 : index
      %get3A_928 = tpu.vector_load %arg10[%get3A_927] {strides = array<i32>} : memref<512xf32, #tpu.memory_space<vmem>>, vector<16xf32>,
      %broadcast_in_dim3A_929 = arith.constant true
      %broadcast_in_dim3A_930 = vector.broadcast %broadcast_in_dim3A_929 : i1 to vector<16xi1>
      %masked_cumsum3A_931 = tpu.scan <sum>, %get3A_928 masked %broadcast_in_dim3A_930 : vector<16xf32>, vector<16xi1> -> vector<16xf32>
      %add3A_932 = vector.broadcast %add3A_916 : f32 to vector<16xf32>
      %add3A_933 = arith.addf %add3A_932, %masked_cumsum3A_931 : vector<16xf32>
      %sub3A_934 = arith.subf %add3A_933, %get3A_928 : vector<16xf32>
      %swap3A_935 = arith.constant 16 : index
      %swap3A_936 = tpu.vector_load %arg11[%swap3A_935] {strides = array<i32>} : memref<512xf32, #tpu.memory_space<vmem>>, vector<16xf32>,
      tpu.vector_store %arg11[%swap3A_935], %sub3A_934 {strides = array<i32>} : memref<512xf32, #tpu.memory_space<vmem>>, vector<16xf32>,
      %reduce_sum3A_937 = arith.constant true
      %reduce_sum3A_938 = vector.broadcast %reduce_sum3A_937 : i1 to vector<16xi1>
      %reduce_sum3A_939 = tpu.scan <sum>, %get3A_928 masked %reduce_sum3A_938 : vector<16xf32>, vector<16xi1> -> vector<16xf32>
      %reduce_sum3A_940 = vector.extract %reduce_sum3A_939[15] : f32 from vector<16xf32>
      %add3A_941 = arith.addf %add3A_916, %reduce_sum3A_940 : f32
      %get3A_942 = arith.constant 16 : index
      %get3A_943 = tpu.vector_load %arg12[%get3A_942] {strides = array<i32>} : memref<512xi32, #tpu.memory_space<vmem>>, vector<16xi32>,
      %gt3A_944 = arith.constant 0.000000e+00 : f32
      %gt3A_945 = vector.broadcast %gt3A_944 : f32 to vector<16xf32>
      %gt3A_946 = arith.cmpf ogt, %get3A_928, %gt3A_945 : vector<16xf32>
      %broadcast_in_dim3A_947 = arith.constant 50 : i32
      %broadcast_in_dim3A_948 = vector.broadcast %broadcast_in_dim3A_947 : i32 to vector<16xi32>
      %select_n3A_949 = arith.select %gt3A_946, %get3A_943, %broadcast_in_dim3A_948 : vector<16xi1>, vector<16xi32>
      %swap3A_950 = arith.constant 0 : i32
      %swap3A_951 = arith.index_cast %swap3A_950 : i32 to index
      %swap3A_952 = arith.constant 16 : index
      %swap3A_953 = tpu.vector_load %arg9[%swap3A_951, %swap3A_952] {strides = array<i32>} : memref<4x128xi32, #tpu.memory_space<vmem>>, vector<16xi32>,
      tpu.vector_store %arg9[%swap3A_951, %swap3A_952], %select_n3A_949 {strides = array<i32>} : memref<4x128xi32, #tpu.memory_space<vmem>>, vector<16xi32>,
      %get3A_954 = arith.constant 32 : index
      %get3A_955 = tpu.vector_load %arg10[%get3A_954] {strides = array<i32>} : memref<512xf32, #tpu.memory_space<vmem>>, vector<16xf32>,
      %broadcast_in_dim3A_956 = arith.constant true
      %broadcast_in_dim3A_957 = vector.broadcast %broadcast_in_dim3A_956 : i1 to vector<16xi1>
      %masked_cumsum3A_958 = tpu.scan <sum>, %get3A_955 masked %broadcast_in_dim3A_957 : vector<16xf32>, vector<16xi1> -> vector<16xf32>
      %add3A_959 = vector.broadcast %add3A_941 : f32 to vector<16xf32>
      %add3A_960 = arith.addf %add3A_959, %masked_cumsum3A_958 : vector<16xf32>
      %sub3A_961 = arith.subf %add3A_960, %get3A_955 : vector<16xf32>
      %swap3A_962 = arith.constant 32 : index
      %swap3A_963 = tpu.vector_load %arg11[%swap3A_962] {strides = array<i32>} : memref<512xf32, #tpu.memory_space<vmem>>, vector<16xf32>,
      tpu.vector_store %arg11[%swap3A_962], %sub3A_961 {strides = array<i32>} : memref<512xf32, #tpu.memory_space<vmem>>, vector<16xf32>,
      %reduce_sum3A_964 = arith.constant true
      %reduce_sum3A_965 = vector.broadcast %reduce_sum3A_964 : i1 to vector<16xi1>
      %reduce_sum3A_966 = tpu.scan <sum>, %get3A_955 masked %reduce_sum3A_965 : vector<16xf32>, vector<16xi1> -> vector<16xf32>
      %reduce_sum3A_967 = vector.extract %reduce_sum3A_966[15] : f32 from vector<16xf32>
      %add3A_968 = arith.addf %add3A_941, %reduce_sum3A_967 : f32
      %get3A_969 = arith.constant 32 : index
      %get3A_970 = tpu.vector_load %arg12[%get3A_969] {strides = array<i32>} : memref<512xi32, #tpu.memory_space<vmem>>, vector<16xi32>,
      %gt3A_971 = arith.constant 0.000000e+00 : f32
      %gt3A_972 = vector.broadcast %gt3A_971 : f32 to vector<16xf32>
      %gt3A_973 = arith.cmpf ogt, %get3A_955, %gt3A_972 : vector<16xf32>
      %broadcast_in_dim3A_974 = arith.constant 50 : i32
      %broadcast_in_dim3A_975 = vector.broadcast %broadcast_in_dim3A_974 : i32 to vector<16xi32>
      %select_n3A_976 = arith.select %gt3A_973, %get3A_970, %broadcast_in_dim3A_975 : vector<16xi1>, vector<16xi32>
      %swap3A_977 = arith.constant 0 : i32
      %swap3A_978 = arith.index_cast %swap3A_977 : i32 to index
      %swap3A_979 = arith.constant 32 : index
      %swap3A_980 = tpu.vector_load %arg9[%swap3A_978, %swap3A_979] {strides = array<i32>} : memref<4x128xi32, #tpu.memory_space<vmem>>, vector<16xi32>,
      tpu.vector_store %arg9[%swap3A_978, %swap3A_979], %select_n3A_976 {strides = array<i32>} : memref<4x128xi32, #tpu.memory_space<vmem>>, vector<16xi32>,
      %get3A_981 = arith.constant 48 : index
      %get3A_982 = tpu.vector_load %arg10[%get3A_981] {strides = array<i32>} : memref<512xf32, #tpu.memory_space<vmem>>, vector<16xf32>,
      %broadcast_in_dim3A_983 = arith.constant true
      %broadcast_in_dim3A_984 = vector.broadcast %broadcast_in_dim3A_983 : i1 to vector<16xi1>
      %masked_cumsum3A_985 = tpu.scan <sum>, %get3A_982 masked %broadcast_in_dim3A_984 : vector<16xf32>, vector<16xi1> -> vector<16xf32>
      %add3A_986 = vector.broadcast %add3A_968 : f32 to vector<16xf32>
      %add3A_987 = arith.addf %add3A_986, %masked_cumsum3A_985 : vector<16xf32>
      %sub3A_988 = arith.subf %add3A_987, %get3A_982 : vector<16xf32>
      %swap3A_989 = arith.constant 48 : index
      %swap3A_990 = tpu.vector_load %arg11[%swap3A_989] {strides = array<i32>} : memref<512xf32, #tpu.memory_space<vmem>>, vector<16xf32>,
      tpu.vector_store %arg11[%swap3A_989], %sub3A_988 {strides = array<i32>} : memref<512xf32, #tpu.memory_space<vmem>>, vector<16xf32>,
      %reduce_sum3A_991 = arith.constant true
      %reduce_sum3A_992 = vector.broadcast %reduce_sum3A_991 : i1 to vector<16xi1>
      %reduce_sum3A_993 = tpu.scan <sum>, %get3A_982 masked %reduce_sum3A_992 : vector<16xf32>, vector<16xi1> -> vector<16xf32>
      %reduce_sum3A_994 = vector.extract %reduce_sum3A_993[15] : f32 from vector<16xf32>
      %add3A_995 = arith.addf %add3A_968, %reduce_sum3A_994 : f32
      %get3A_996 = arith.constant 48 : index
      %get3A_997 = tpu.vector_load %arg12[%get3A_996] {strides = array<i32>} : memref<512xi32, #tpu.memory_space<vmem>>, vector<16xi32>,
      %gt3A_998 = arith.constant 0.000000e+00 : f32
      %gt3A_999 = vector.broadcast %gt3A_998 : f32 to vector<16xf32>
      %gt3A_1000 = arith.cmpf ogt, %get3A_982, %gt3A_999 : vector<16xf32>
      %broadcast_in_dim3A_1001 = arith.constant 50 : i32
      %broadcast_in_dim3A_1002 = vector.broadcast %broadcast_in_dim3A_1001 : i32 to vector<16xi32>
      %select_n3A_1003 = arith.select %gt3A_1000, %get3A_997, %broadcast_in_dim3A_1002 : vector<16xi1>, vector<16xi32>
      %swap3A_1004 = arith.constant 0 : i32
      %swap3A_1005 = arith.index_cast %swap3A_1004 : i32 to index
      %swap3A_1006 = arith.constant 48 : index
      %swap3A_1007 = tpu.vector_load %arg9[%swap3A_1005, %swap3A_1006] {strides = array<i32>} : memref<4x128xi32, #tpu.memory_space<vmem>>, vector<16xi32>,
      tpu.vector_store %arg9[%swap3A_1005, %swap3A_1006], %select_n3A_1003 {strides = array<i32>} : memref<4x128xi32, #tpu.memory_space<vmem>>, vector<16xi32>,
      %get3A_1008 = arith.constant 64 : index
      %get3A_1009 = tpu.vector_load %arg10[%get3A_1008] {strides = array<i32>} : memref<512xf32, #tpu.memory_space<vmem>>, vector<16xf32>,
      %broadcast_in_dim3A_1010 = arith.constant true
      %broadcast_in_dim3A_1011 = vector.broadcast %broadcast_in_dim3A_1010 : i1 to vector<16xi1>
      %masked_cumsum3A_1012 = tpu.scan <sum>, %get3A_1009 masked %broadcast_in_dim3A_1011 : vector<16xf32>, vector<16xi1> -> vector<16xf32>
      %add3A_1013 = vector.broadcast %add3A_995 : f32 to vector<16xf32>
      %add3A_1014 = arith.addf %add3A_1013, %masked_cumsum3A_1012 : vector<16xf32>
      %sub3A_1015 = arith.subf %add3A_1014, %get3A_1009 : vector<16xf32>
      %swap3A_1016 = arith.constant 64 : index
      %swap3A_1017 = tpu.vector_load %arg11[%swap3A_1016] {strides = array<i32>} : memref<512xf32, #tpu.memory_space<vmem>>, vector<16xf32>,
      tpu.vector_store %arg11[%swap3A_1016], %sub3A_1015 {strides = array<i32>} : memref<512xf32, #tpu.memory_space<vmem>>, vector<16xf32>,
      %reduce_sum3A_1018 = arith.constant true
      %reduce_sum3A_1019 = vector.broadcast %reduce_sum3A_1018 : i1 to vector<16xi1>
      %reduce_sum3A_1020 = tpu.scan <sum>, %get3A_1009 masked %reduce_sum3A_1019 : vector<16xf32>, vector<16xi1> -> vector<16xf32>
      %reduce_sum3A_1021 = vector.extract %reduce_sum3A_1020[15] : f32 from vector<16xf32>
      %add3A_1022 = arith.addf %add3A_995, %reduce_sum3A_1021 : f32
      %get3A_1023 = arith.constant 64 : index
      %get3A_1024 = tpu.vector_load %arg12[%get3A_1023] {strides = array<i32>} : memref<512xi32, #tpu.memory_space<vmem>>, vector<16xi32>,
      %gt3A_1025 = arith.constant 0.000000e+00 : f32
      %gt3A_1026 = vector.broadcast %gt3A_1025 : f32 to vector<16xf32>
      %gt3A_1027 = arith.cmpf ogt, %get3A_1009, %gt3A_1026 : vector<16xf32>
      %broadcast_in_dim3A_1028 = arith.constant 50 : i32
      %broadcast_in_dim3A_1029 = vector.broadcast %broadcast_in_dim3A_1028 : i32 to vector<16xi32>
      %select_n3A_1030 = arith.select %gt3A_1027, %get3A_1024, %broadcast_in_dim3A_1029 : vector<16xi1>, vector<16xi32>
      %swap3A_1031 = arith.constant 0 : i32
      %swap3A_1032 = arith.index_cast %swap3A_1031 : i32 to index
      %swap3A_1033 = arith.constant 64 : index
      %swap3A_1034 = tpu.vector_load %arg9[%swap3A_1032, %swap3A_1033] {strides = array<i32>} : memref<4x128xi32, #tpu.memory_space<vmem>>, vector<16xi32>,
      tpu.vector_store %arg9[%swap3A_1032, %swap3A_1033], %select_n3A_1030 {strides = array<i32>} : memref<4x128xi32, #tpu.memory_space<vmem>>, vector<16xi32>,
      %get3A_1035 = arith.constant 80 : index
      %get3A_1036 = tpu.vector_load %arg10[%get3A_1035] {strides = array<i32>} : memref<512xf32, #tpu.memory_space<vmem>>, vector<16xf32>,
      %broadcast_in_dim3A_1037 = arith.constant true
      %broadcast_in_dim3A_1038 = vector.broadcast %broadcast_in_dim3A_1037 : i1 to vector<16xi1>
      %masked_cumsum3A_1039 = tpu.scan <sum>, %get3A_1036 masked %broadcast_in_dim3A_1038 : vector<16xf32>, vector<16xi1> -> vector<16xf32>
      %add3A_1040 = vector.broadcast %add3A_1022 : f32 to vector<16xf32>
      %add3A_1041 = arith.addf %add3A_1040, %masked_cumsum3A_1039 : vector<16xf32>
      %sub3A_1042 = arith.subf %add3A_1041, %get3A_1036 : vector<16xf32>
      %swap3A_1043 = arith.constant 80 : index
      %swap3A_1044 = tpu.vector_load %arg11[%swap3A_1043] {strides = array<i32>} : memref<512xf32, #tpu.memory_space<vmem>>, vector<16xf32>,
      tpu.vector_store %arg11[%swap3A_1043], %sub3A_1042 {strides = array<i32>} : memref<512xf32, #tpu.memory_space<vmem>>, vector<16xf32>,
      %reduce_sum3A_1045 = arith.constant true
      %reduce_sum3A_1046 = vector.broadcast %reduce_sum3A_1045 : i1 to vector<16xi1>
      %reduce_sum3A_1047 = tpu.scan <sum>, %get3A_1036 masked %reduce_sum3A_1046 : vector<16xf32>, vector<16xi1> -> vector<16xf32>
      %reduce_sum3A_1048 = vector.extract %reduce_sum3A_1047[15] : f32 from vector<16xf32>
      %add3A_1049 = arith.addf %add3A_1022, %reduce_sum3A_1048 : f32
      %get3A_1050 = arith.constant 80 : index
      %get3A_1051 = tpu.vector_load %arg12[%get3A_1050] {strides = array<i32>} : memref<512xi32, #tpu.memory_space<vmem>>, vector<16xi32>,
      %gt3A_1052 = arith.constant 0.000000e+00 : f32
      %gt3A_1053 = vector.broadcast %gt3A_1052 : f32 to vector<16xf32>
      %gt3A_1054 = arith.cmpf ogt, %get3A_1036, %gt3A_1053 : vector<16xf32>
      %broadcast_in_dim3A_1055 = arith.constant 50 : i32
      %broadcast_in_dim3A_1056 = vector.broadcast %broadcast_in_dim3A_1055 : i32 to vector<16xi32>
      %select_n3A_1057 = arith.select %gt3A_1054, %get3A_1051, %broadcast_in_dim3A_1056 : vector<16xi1>, vector<16xi32>
      %swap3A_1058 = arith.constant 0 : i32
      %swap3A_1059 = arith.index_cast %swap3A_1058 : i32 to index
      %swap3A_1060 = arith.constant 80 : index
      %swap3A_1061 = tpu.vector_load %arg9[%swap3A_1059, %swap3A_1060] {strides = array<i32>} : memref<4x128xi32, #tpu.memory_space<vmem>>, vector<16xi32>,
      tpu.vector_store %arg9[%swap3A_1059, %swap3A_1060], %select_n3A_1057 {strides = array<i32>} : memref<4x128xi32, #tpu.memory_space<vmem>>, vector<16xi32>,
      %get3A_1062 = arith.constant 96 : index
      %get3A_1063 = tpu.vector_load %arg10[%get3A_1062] {strides = array<i32>} : memref<512xf32, #tpu.memory_space<vmem>>, vector<16xf32>,
      %broadcast_in_dim3A_1064 = arith.constant true
      %broadcast_in_dim3A_1065 = vector.broadcast %broadcast_in_dim3A_1064 : i1 to vector<16xi1>
      %masked_cumsum3A_1066 = tpu.scan <sum>, %get3A_1063 masked %broadcast_in_dim3A_1065 : vector<16xf32>, vector<16xi1> -> vector<16xf32>
      %add3A_1067 = vector.broadcast %add3A_1049 : f32 to vector<16xf32>
      %add3A_1068 = arith.addf %add3A_1067, %masked_cumsum3A_1066 : vector<16xf32>
      %sub3A_1069 = arith.subf %add3A_1068, %get3A_1063 : vector<16xf32>
      %swap3A_1070 = arith.constant 96 : index
      %swap3A_1071 = tpu.vector_load %arg11[%swap3A_1070] {strides = array<i32>} : memref<512xf32, #tpu.memory_space<vmem>>, vector<16xf32>,
      tpu.vector_store %arg11[%swap3A_1070], %sub3A_1069 {strides = array<i32>} : memref<512xf32, #tpu.memory_space<vmem>>, vector<16xf32>,
      %reduce_sum3A_1072 = arith.constant true
      %reduce_sum3A_1073 = vector.broadcast %reduce_sum3A_1072 : i1 to vector<16xi1>
      %reduce_sum3A_1074 = tpu.scan <sum>, %get3A_1063 masked %reduce_sum3A_1073 : vector<16xf32>, vector<16xi1> -> vector<16xf32>
      %reduce_sum3A_1075 = vector.extract %reduce_sum3A_1074[15] : f32 from vector<16xf32>
      %add3A_1076 = arith.addf %add3A_1049, %reduce_sum3A_1075 : f32
      %get3A_1077 = arith.constant 96 : index
      %get3A_1078 = tpu.vector_load %arg12[%get3A_1077] {strides = array<i32>} : memref<512xi32, #tpu.memory_space<vmem>>, vector<16xi32>,
      %gt3A_1079 = arith.constant 0.000000e+00 : f32
      %gt3A_1080 = vector.broadcast %gt3A_1079 : f32 to vector<16xf32>
      %gt3A_1081 = arith.cmpf ogt, %get3A_1063, %gt3A_1080 : vector<16xf32>
      %broadcast_in_dim3A_1082 = arith.constant 50 : i32
      %broadcast_in_dim3A_1083 = vector.broadcast %broadcast_in_dim3A_1082 : i32 to vector<16xi32>
      %select_n3A_1084 = arith.select %gt3A_1081, %get3A_1078, %broadcast_in_dim3A_1083 : vector<16xi1>, vector<16xi32>
      %swap3A_1085 = arith.constant 0 : i32
      %swap3A_1086 = arith.index_cast %swap3A_1085 : i32 to index
      %swap3A_1087 = arith.constant 96 : index
      %swap3A_1088 = tpu.vector_load %arg9[%swap3A_1086, %swap3A_1087] {strides = array<i32>} : memref<4x128xi32, #tpu.memory_space<vmem>>, vector<16xi32>,
      tpu.vector_store %arg9[%swap3A_1086, %swap3A_1087], %select_n3A_1084 {strides = array<i32>} : memref<4x128xi32, #tpu.memory_space<vmem>>, vector<16xi32>,
      %get3A_1089 = arith.constant 112 : index
      %get3A_1090 = tpu.vector_load %arg10[%get3A_1089] {strides = array<i32>} : memref<512xf32, #tpu.memory_space<vmem>>, vector<16xf32>,
      %broadcast_in_dim3A_1091 = arith.constant true
      %broadcast_in_dim3A_1092 = vector.broadcast %broadcast_in_dim3A_1091 : i1 to vector<16xi1>
      %masked_cumsum3A_1093 = tpu.scan <sum>, %get3A_1090 masked %broadcast_in_dim3A_1092 : vector<16xf32>, vector<16xi1> -> vector<16xf32>
      %add3A_1094 = vector.broadcast %add3A_1076 : f32 to vector<16xf32>
      %add3A_1095 = arith.addf %add3A_1094, %masked_cumsum3A_1093 : vector<16xf32>
      %sub3A_1096 = arith.subf %add3A_1095, %get3A_1090 : vector<16xf32>
      %swap3A_1097 = arith.constant 112 : index
      %swap3A_1098 = tpu.vector_load %arg11[%swap3A_1097] {strides = array<i32>} : memref<512xf32, #tpu.memory_space<vmem>>, vector<16xf32>,
      tpu.vector_store %arg11[%swap3A_1097], %sub3A_1096 {strides = array<i32>} : memref<512xf32, #tpu.memory_space<vmem>>, vector<16xf32>,
      %reduce_sum3A_1099 = arith.constant true
      %reduce_sum3A_1100 = vector.broadcast %reduce_sum3A_1099 : i1 to vector<16xi1>
      %reduce_sum3A_1101 = tpu.scan <sum>, %get3A_1090 masked %reduce_sum3A_1100 : vector<16xf32>, vector<16xi1> -> vector<16xf32>
      %reduce_sum3A_1102 = vector.extract %reduce_sum3A_1101[15] : f32 from vector<16xf32>
      %add3A_1103 = arith.addf %add3A_1076, %reduce_sum3A_1102 : f32
      %get3A_1104 = arith.constant 112 : index
      %get3A_1105 = tpu.vector_load %arg12[%get3A_1104] {strides = array<i32>} : memref<512xi32, #tpu.memory_space<vmem>>, vector<16xi32>,
      %gt3A_1106 = arith.constant 0.000000e+00 : f32
      %gt3A_1107 = vector.broadcast %gt3A_1106 : f32 to vector<16xf32>
      %gt3A_1108 = arith.cmpf ogt, %get3A_1090, %gt3A_1107 : vector<16xf32>
      %broadcast_in_dim3A_1109 = arith.constant 50 : i32
      %broadcast_in_dim3A_1110 = vector.broadcast %broadcast_in_dim3A_1109 : i32 to vector<16xi32>
      %select_n3A_1111 = arith.select %gt3A_1108, %get3A_1105, %broadcast_in_dim3A_1110 : vector<16xi1>, vector<16xi32>
      %swap3A_1112 = arith.constant 0 : i32
      %swap3A_1113 = arith.index_cast %swap3A_1112 : i32 to index
      %swap3A_1114 = arith.constant 112 : index
      %swap3A_1115 = tpu.vector_load %arg9[%swap3A_1113, %swap3A_1114] {strides = array<i32>} : memref<4x128xi32, #tpu.memory_space<vmem>>, vector<16xi32>,
      tpu.vector_store %arg9[%swap3A_1113, %swap3A_1114], %select_n3A_1111 {strides = array<i32>} : memref<4x128xi32, #tpu.memory_space<vmem>>, vector<16xi32>,
      %get3A_1116 = arith.constant 128 : index
      %get3A_1117 = tpu.vector_load %arg10[%get3A_1116] {strides = array<i32>} : memref<512xf32, #tpu.memory_space<vmem>>, vector<16xf32>,
      %broadcast_in_dim3A_1118 = arith.constant true
      %broadcast_in_dim3A_1119 = vector.broadcast %broadcast_in_dim3A_1118 : i1 to vector<16xi1>
      %masked_cumsum3A_1120 = tpu.scan <sum>, %get3A_1117 masked %broadcast_in_dim3A_1119 : vector<16xf32>, vector<16xi1> -> vector<16xf32>
      %add3A_1121 = vector.broadcast %add3A_1103 : f32 to vector<16xf32>
      %add3A_1122 = arith.addf %add3A_1121, %masked_cumsum3A_1120 : vector<16xf32>
      %sub3A_1123 = arith.subf %add3A_1122, %get3A_1117 : vector<16xf32>
      %swap3A_1124 = arith.constant 128 : index
      %swap3A_1125 = tpu.vector_load %arg11[%swap3A_1124] {strides = array<i32>} : memref<512xf32, #tpu.memory_space<vmem>>, vector<16xf32>,
      tpu.vector_store %arg11[%swap3A_1124], %sub3A_1123 {strides = array<i32>} : memref<512xf32, #tpu.memory_space<vmem>>, vector<16xf32>,
      %reduce_sum3A_1126 = arith.constant true
      %reduce_sum3A_1127 = vector.broadcast %reduce_sum3A_1126 : i1 to vector<16xi1>
      %reduce_sum3A_1128 = tpu.scan <sum>, %get3A_1117 masked %reduce_sum3A_1127 : vector<16xf32>, vector<16xi1> -> vector<16xf32>
      %reduce_sum3A_1129 = vector.extract %reduce_sum3A_1128[15] : f32 from vector<16xf32>
      %add3A_1130 = arith.addf %add3A_1103, %reduce_sum3A_1129 : f32
      %get3A_1131 = arith.constant 128 : index
      %get3A_1132 = tpu.vector_load %arg12[%get3A_1131] {strides = array<i32>} : memref<512xi32, #tpu.memory_space<vmem>>, vector<16xi32>,
      %gt3A_1133 = arith.constant 0.000000e+00 : f32
      %gt3A_1134 = vector.broadcast %gt3A_1133 : f32 to vector<16xf32>
      %gt3A_1135 = arith.cmpf ogt, %get3A_1117, %gt3A_1134 : vector<16xf32>
      %broadcast_in_dim3A_1136 = arith.constant 50 : i32
      %broadcast_in_dim3A_1137 = vector.broadcast %broadcast_in_dim3A_1136 : i32 to vector<16xi32>
      %select_n3A_1138 = arith.select %gt3A_1135, %get3A_1132, %broadcast_in_dim3A_1137 : vector<16xi1>, vector<16xi32>
      %swap3A_1139 = arith.constant 1 : i32
      %swap3A_1140 = arith.index_cast %swap3A_1139 : i32 to index
      %swap3A_1141 = arith.constant 0 : index
      %swap3A_1142 = tpu.vector_load %arg9[%swap3A_1140, %swap3A_1141] {strides = array<i32>} : memref<4x128xi32, #tpu.memory_space<vmem>>, vector<16xi32>,
      tpu.vector_store %arg9[%swap3A_1140, %swap3A_1141], %select_n3A_1138 {strides = array<i32>} : memref<4x128xi32, #tpu.memory_space<vmem>>, vector<16xi32>,
      %get3A_1143 = arith.constant 144 : index
      %get3A_1144 = tpu.vector_load %arg10[%get3A_1143] {strides = array<i32>} : memref<512xf32, #tpu.memory_space<vmem>>, vector<16xf32>,
      %broadcast_in_dim3A_1145 = arith.constant true
      %broadcast_in_dim3A_1146 = vector.broadcast %broadcast_in_dim3A_1145 : i1 to vector<16xi1>
      %masked_cumsum3A_1147 = tpu.scan <sum>, %get3A_1144 masked %broadcast_in_dim3A_1146 : vector<16xf32>, vector<16xi1> -> vector<16xf32>
      %add3A_1148 = vector.broadcast %add3A_1130 : f32 to vector<16xf32>
      %add3A_1149 = arith.addf %add3A_1148, %masked_cumsum3A_1147 : vector<16xf32>
      %sub3A_1150 = arith.subf %add3A_1149, %get3A_1144 : vector<16xf32>
      %swap3A_1151 = arith.constant 144 : index
      %swap3A_1152 = tpu.vector_load %arg11[%swap3A_1151] {strides = array<i32>} : memref<512xf32, #tpu.memory_space<vmem>>, vector<16xf32>,
      tpu.vector_store %arg11[%swap3A_1151], %sub3A_1150 {strides = array<i32>} : memref<512xf32, #tpu.memory_space<vmem>>, vector<16xf32>,
      %reduce_sum3A_1153 = arith.constant true
      %reduce_sum3A_1154 = vector.broadcast %reduce_sum3A_1153 : i1 to vector<16xi1>
      %reduce_sum3A_1155 = tpu.scan <sum>, %get3A_1144 masked %reduce_sum3A_1154 : vector<16xf32>, vector<16xi1> -> vector<16xf32>
      %reduce_sum3A_1156 = vector.extract %reduce_sum3A_1155[15] : f32 from vector<16xf32>
      %add3A_1157 = arith.addf %add3A_1130, %reduce_sum3A_1156 : f32
      %get3A_1158 = arith.constant 144 : index
      %get3A_1159 = tpu.vector_load %arg12[%get3A_1158] {strides = array<i32>} : memref<512xi32, #tpu.memory_space<vmem>>, vector<16xi32>,
      %gt3A_1160 = arith.constant 0.000000e+00 : f32
      %gt3A_1161 = vector.broadcast %gt3A_1160 : f32 to vector<16xf32>
      %gt3A_1162 = arith.cmpf ogt, %get3A_1144, %gt3A_1161 : vector<16xf32>
      %broadcast_in_dim3A_1163 = arith.constant 50 : i32
      %broadcast_in_dim3A_1164 = vector.broadcast %broadcast_in_dim3A_1163 : i32 to vector<16xi32>
      %select_n3A_1165 = arith.select %gt3A_1162, %get3A_1159, %broadcast_in_dim3A_1164 : vector<16xi1>, vector<16xi32>
      %swap3A_1166 = arith.constant 1 : i32
      %swap3A_1167 = arith.index_cast %swap3A_1166 : i32 to index
      %swap3A_1168 = arith.constant 16 : index
      %swap3A_1169 = tpu.vector_load %arg9[%swap3A_1167, %swap3A_1168] {strides = array<i32>} : memref<4x128xi32, #tpu.memory_space<vmem>>, vector<16xi32>,
      tpu.vector_store %arg9[%swap3A_1167, %swap3A_1168], %select_n3A_1165 {strides = array<i32>} : memref<4x128xi32, #tpu.memory_space<vmem>>, vector<16xi32>,
      %get3A_1170 = arith.constant 160 : index
      %get3A_1171 = tpu.vector_load %arg10[%get3A_1170] {strides = array<i32>} : memref<512xf32, #tpu.memory_space<vmem>>, vector<16xf32>,
      %broadcast_in_dim3A_1172 = arith.constant true
      %broadcast_in_dim3A_1173 = vector.broadcast %broadcast_in_dim3A_1172 : i1 to vector<16xi1>
      %masked_cumsum3A_1174 = tpu.scan <sum>, %get3A_1171 masked %broadcast_in_dim3A_1173 : vector<16xf32>, vector<16xi1> -> vector<16xf32>
      %add3A_1175 = vector.broadcast %add3A_1157 : f32 to vector<16xf32>
      %add3A_1176 = arith.addf %add3A_1175, %masked_cumsum3A_1174 : vector<16xf32>
      %sub3A_1177 = arith.subf %add3A_1176, %get3A_1171 : vector<16xf32>
      %swap3A_1178 = arith.constant 160 : index
      %swap3A_1179 = tpu.vector_load %arg11[%swap3A_1178] {strides = array<i32>} : memref<512xf32, #tpu.memory_space<vmem>>, vector<16xf32>,
      tpu.vector_store %arg11[%swap3A_1178], %sub3A_1177 {strides = array<i32>} : memref<512xf32, #tpu.memory_space<vmem>>, vector<16xf32>,
      %reduce_sum3A_1180 = arith.constant true
      %reduce_sum3A_1181 = vector.broadcast %reduce_sum3A_1180 : i1 to vector<16xi1>
      %reduce_sum3A_1182 = tpu.scan <sum>, %get3A_1171 masked %reduce_sum3A_1181 : vector<16xf32>, vector<16xi1> -> vector<16xf32>
      %reduce_sum3A_1183 = vector.extract %reduce_sum3A_1182[15] : f32 from vector<16xf32>
      %add3A_1184 = arith.addf %add3A_1157, %reduce_sum3A_1183 : f32
      %get3A_1185 = arith.constant 160 : index
      %get3A_1186 = tpu.vector_load %arg12[%get3A_1185] {strides = array<i32>} : memref<512xi32, #tpu.memory_space<vmem>>, vector<16xi32>,
      %gt3A_1187 = arith.constant 0.000000e+00 : f32
      %gt3A_1188 = vector.broadcast %gt3A_1187 : f32 to vector<16xf32>
      %gt3A_1189 = arith.cmpf ogt, %get3A_1171, %gt3A_1188 : vector<16xf32>
      %broadcast_in_dim3A_1190 = arith.constant 50 : i32
      %broadcast_in_dim3A_1191 = vector.broadcast %broadcast_in_dim3A_1190 : i32 to vector<16xi32>
      %select_n3A_1192 = arith.select %gt3A_1189, %get3A_1186, %broadcast_in_dim3A_1191 : vector<16xi1>, vector<16xi32>
      %swap3A_1193 = arith.constant 1 : i32
      %swap3A_1194 = arith.index_cast %swap3A_1193 : i32 to index
      %swap3A_1195 = arith.constant 32 : index
      %swap3A_1196 = tpu.vector_load %arg9[%swap3A_1194, %swap3A_1195] {strides = array<i32>} : memref<4x128xi32, #tpu.memory_space<vmem>>, vector<16xi32>,
      tpu.vector_store %arg9[%swap3A_1194, %swap3A_1195], %select_n3A_1192 {strides = array<i32>} : memref<4x128xi32, #tpu.memory_space<vmem>>, vector<16xi32>,
      %get3A_1197 = arith.constant 176 : index
      %get3A_1198 = tpu.vector_load %arg10[%get3A_1197] {strides = array<i32>} : memref<512xf32, #tpu.memory_space<vmem>>, vector<16xf32>,
      %broadcast_in_dim3A_1199 = arith.constant true
      %broadcast_in_dim3A_1200 = vector.broadcast %broadcast_in_dim3A_1199 : i1 to vector<16xi1>
      %masked_cumsum3A_1201 = tpu.scan <sum>, %get3A_1198 masked %broadcast_in_dim3A_1200 : vector<16xf32>, vector<16xi1> -> vector<16xf32>
      %add3A_1202 = vector.broadcast %add3A_1184 : f32 to vector<16xf32>
      %add3A_1203 = arith.addf %add3A_1202, %masked_cumsum3A_1201 : vector<16xf32>
      %sub3A_1204 = arith.subf %add3A_1203, %get3A_1198 : vector<16xf32>
      %swap3A_1205 = arith.constant 176 : index
      %swap3A_1206 = tpu.vector_load %arg11[%swap3A_1205] {strides = array<i32>} : memref<512xf32, #tpu.memory_space<vmem>>, vector<16xf32>,
      tpu.vector_store %arg11[%swap3A_1205], %sub3A_1204 {strides = array<i32>} : memref<512xf32, #tpu.memory_space<vmem>>, vector<16xf32>,
      %reduce_sum3A_1207 = arith.constant true
      %reduce_sum3A_1208 = vector.broadcast %reduce_sum3A_1207 : i1 to vector<16xi1>
      %reduce_sum3A_1209 = tpu.scan <sum>, %get3A_1198 masked %reduce_sum3A_1208 : vector<16xf32>, vector<16xi1> -> vector<16xf32>
      %reduce_sum3A_1210 = vector.extract %reduce_sum3A_1209[15] : f32 from vector<16xf32>
      %add3A_1211 = arith.addf %add3A_1184, %reduce_sum3A_1210 : f32
      %get3A_1212 = arith.constant 176 : index
      %get3A_1213 = tpu.vector_load %arg12[%get3A_1212] {strides = array<i32>} : memref<512xi32, #tpu.memory_space<vmem>>, vector<16xi32>,
      %gt3A_1214 = arith.constant 0.000000e+00 : f32
      %gt3A_1215 = vector.broadcast %gt3A_1214 : f32 to vector<16xf32>
      %gt3A_1216 = arith.cmpf ogt, %get3A_1198, %gt3A_1215 : vector<16xf32>
      %broadcast_in_dim3A_1217 = arith.constant 50 : i32
      %broadcast_in_dim3A_1218 = vector.broadcast %broadcast_in_dim3A_1217 : i32 to vector<16xi32>
      %select_n3A_1219 = arith.select %gt3A_1216, %get3A_1213, %broadcast_in_dim3A_1218 : vector<16xi1>, vector<16xi32>
      %swap3A_1220 = arith.constant 1 : i32
      %swap3A_1221 = arith.index_cast %swap3A_1220 : i32 to index
      %swap3A_1222 = arith.constant 48 : index
      %swap3A_1223 = tpu.vector_load %arg9[%swap3A_1221, %swap3A_1222] {strides = array<i32>} : memref<4x128xi32, #tpu.memory_space<vmem>>, vector<16xi32>,
      tpu.vector_store %arg9[%swap3A_1221, %swap3A_1222], %select_n3A_1219 {strides = array<i32>} : memref<4x128xi32, #tpu.memory_space<vmem>>, vector<16xi32>,
      %get3A_1224 = arith.constant 192 : index
      %get3A_1225 = tpu.vector_load %arg10[%get3A_1224] {strides = array<i32>} : memref<512xf32, #tpu.memory_space<vmem>>, vector<16xf32>,
      %broadcast_in_dim3A_1226 = arith.constant true
      %broadcast_in_dim3A_1227 = vector.broadcast %broadcast_in_dim3A_1226 : i1 to vector<16xi1>
      %masked_cumsum3A_1228 = tpu.scan <sum>, %get3A_1225 masked %broadcast_in_dim3A_1227 : vector<16xf32>, vector<16xi1> -> vector<16xf32>
      %add3A_1229 = vector.broadcast %add3A_1211 : f32 to vector<16xf32>
      %add3A_1230 = arith.addf %add3A_1229, %masked_cumsum3A_1228 : vector<16xf32>
      %sub3A_1231 = arith.subf %add3A_1230, %get3A_1225 : vector<16xf32>
      %swap3A_1232 = arith.constant 192 : index
      %swap3A_1233 = tpu.vector_load %arg11[%swap3A_1232] {strides = array<i32>} : memref<512xf32, #tpu.memory_space<vmem>>, vector<16xf32>,
      tpu.vector_store %arg11[%swap3A_1232], %sub3A_1231 {strides = array<i32>} : memref<512xf32, #tpu.memory_space<vmem>>, vector<16xf32>,
      %reduce_sum3A_1234 = arith.constant true
      %reduce_sum3A_1235 = vector.broadcast %reduce_sum3A_1234 : i1 to vector<16xi1>
      %reduce_sum3A_1236 = tpu.scan <sum>, %get3A_1225 masked %reduce_sum3A_1235 : vector<16xf32>, vector<16xi1> -> vector<16xf32>
      %reduce_sum3A_1237 = vector.extract %reduce_sum3A_1236[15] : f32 from vector<16xf32>
      %add3A_1238 = arith.addf %add3A_1211, %reduce_sum3A_1237 : f32
      %get3A_1239 = arith.constant 192 : index
      %get3A_1240 = tpu.vector_load %arg12[%get3A_1239] {strides = array<i32>} : memref<512xi32, #tpu.memory_space<vmem>>, vector<16xi32>,
      %gt3A_1241 = arith.constant 0.000000e+00 : f32
      %gt3A_1242 = vector.broadcast %gt3A_1241 : f32 to vector<16xf32>
      %gt3A_1243 = arith.cmpf ogt, %get3A_1225, %gt3A_1242 : vector<16xf32>
      %broadcast_in_dim3A_1244 = arith.constant 50 : i32
      %broadcast_in_dim3A_1245 = vector.broadcast %broadcast_in_dim3A_1244 : i32 to vector<16xi32>
      %select_n3A_1246 = arith.select %gt3A_1243, %get3A_1240, %broadcast_in_dim3A_1245 : vector<16xi1>, vector<16xi32>
      %swap3A_1247 = arith.constant 1 : i32
      %swap3A_1248 = arith.index_cast %swap3A_1247 : i32 to index
      %swap3A_1249 = arith.constant 64 : index
      %swap3A_1250 = tpu.vector_load %arg9[%swap3A_1248, %swap3A_1249] {strides = array<i32>} : memref<4x128xi32, #tpu.memory_space<vmem>>, vector<16xi32>,
      tpu.vector_store %arg9[%swap3A_1248, %swap3A_1249], %select_n3A_1246 {strides = array<i32>} : memref<4x128xi32, #tpu.memory_space<vmem>>, vector<16xi32>,
      %get3A_1251 = arith.constant 208 : index
      %get3A_1252 = tpu.vector_load %arg10[%get3A_1251] {strides = array<i32>} : memref<512xf32, #tpu.memory_space<vmem>>, vector<16xf32>,
      %broadcast_in_dim3A_1253 = arith.constant true
      %broadcast_in_dim3A_1254 = vector.broadcast %broadcast_in_dim3A_1253 : i1 to vector<16xi1>
      %masked_cumsum3A_1255 = tpu.scan <sum>, %get3A_1252 masked %broadcast_in_dim3A_1254 : vector<16xf32>, vector<16xi1> -> vector<16xf32>
      %add3A_1256 = vector.broadcast %add3A_1238 : f32 to vector<16xf32>
      %add3A_1257 = arith.addf %add3A_1256, %masked_cumsum3A_1255 : vector<16xf32>
      %sub3A_1258 = arith.subf %add3A_1257, %get3A_1252 : vector<16xf32>
      %swap3A_1259 = arith.constant 208 : index
      %swap3A_1260 = tpu.vector_load %arg11[%swap3A_1259] {strides = array<i32>} : memref<512xf32, #tpu.memory_space<vmem>>, vector<16xf32>,
      tpu.vector_store %arg11[%swap3A_1259], %sub3A_1258 {strides = array<i32>} : memref<512xf32, #tpu.memory_space<vmem>>, vector<16xf32>,
      %reduce_sum3A_1261 = arith.constant true
      %reduce_sum3A_1262 = vector.broadcast %reduce_sum3A_1261 : i1 to vector<16xi1>
      %reduce_sum3A_1263 = tpu.scan <sum>, %get3A_1252 masked %reduce_sum3A_1262 : vector<16xf32>, vector<16xi1> -> vector<16xf32>
      %reduce_sum3A_1264 = vector.extract %reduce_sum3A_1263[15] : f32 from vector<16xf32>
      %add3A_1265 = arith.addf %add3A_1238, %reduce_sum3A_1264 : f32
      %get3A_1266 = arith.constant 208 : index
      %get3A_1267 = tpu.vector_load %arg12[%get3A_1266] {strides = array<i32>} : memref<512xi32, #tpu.memory_space<vmem>>, vector<16xi32>,
      %gt3A_1268 = arith.constant 0.000000e+00 : f32
      %gt3A_1269 = vector.broadcast %gt3A_1268 : f32 to vector<16xf32>
      %gt3A_1270 = arith.cmpf ogt, %get3A_1252, %gt3A_1269 : vector<16xf32>
      %broadcast_in_dim3A_1271 = arith.constant 50 : i32
      %broadcast_in_dim3A_1272 = vector.broadcast %broadcast_in_dim3A_1271 : i32 to vector<16xi32>
      %select_n3A_1273 = arith.select %gt3A_1270, %get3A_1267, %broadcast_in_dim3A_1272 : vector<16xi1>, vector<16xi32>
      %swap3A_1274 = arith.constant 1 : i32
      %swap3A_1275 = arith.index_cast %swap3A_1274 : i32 to index
      %swap3A_1276 = arith.constant 80 : index
      %swap3A_1277 = tpu.vector_load %arg9[%swap3A_1275, %swap3A_1276] {strides = array<i32>} : memref<4x128xi32, #tpu.memory_space<vmem>>, vector<16xi32>,
      tpu.vector_store %arg9[%swap3A_1275, %swap3A_1276], %select_n3A_1273 {strides = array<i32>} : memref<4x128xi32, #tpu.memory_space<vmem>>, vector<16xi32>,
      %get3A_1278 = arith.constant 224 : index
      %get3A_1279 = tpu.vector_load %arg10[%get3A_1278] {strides = array<i32>} : memref<512xf32, #tpu.memory_space<vmem>>, vector<16xf32>,
      %broadcast_in_dim3A_1280 = arith.constant true
      %broadcast_in_dim3A_1281 = vector.broadcast %broadcast_in_dim3A_1280 : i1 to vector<16xi1>
      %masked_cumsum3A_1282 = tpu.scan <sum>, %get3A_1279 masked %broadcast_in_dim3A_1281 : vector<16xf32>, vector<16xi1> -> vector<16xf32>
      %add3A_1283 = vector.broadcast %add3A_1265 : f32 to vector<16xf32>
      %add3A_1284 = arith.addf %add3A_1283, %masked_cumsum3A_1282 : vector<16xf32>
      %sub3A_1285 = arith.subf %add3A_1284, %get3A_1279 : vector<16xf32>
      %swap3A_1286 = arith.constant 224 : index
      %swap3A_1287 = tpu.vector_load %arg11[%swap3A_1286] {strides = array<i32>} : memref<512xf32, #tpu.memory_space<vmem>>, vector<16xf32>,
      tpu.vector_store %arg11[%swap3A_1286], %sub3A_1285 {strides = array<i32>} : memref<512xf32, #tpu.memory_space<vmem>>, vector<16xf32>,
      %reduce_sum3A_1288 = arith.constant true
      %reduce_sum3A_1289 = vector.broadcast %reduce_sum3A_1288 : i1 to vector<16xi1>
      %reduce_sum3A_1290 = tpu.scan <sum>, %get3A_1279 masked %reduce_sum3A_1289 : vector<16xf32>, vector<16xi1> -> vector<16xf32>
      %reduce_sum3A_1291 = vector.extract %reduce_sum3A_1290[15] : f32 from vector<16xf32>
      %add3A_1292 = arith.addf %add3A_1265, %reduce_sum3A_1291 : f32
      %get3A_1293 = arith.constant 224 : index
      %get3A_1294 = tpu.vector_load %arg12[%get3A_1293] {strides = array<i32>} : memref<512xi32, #tpu.memory_space<vmem>>, vector<16xi32>,
      %gt3A_1295 = arith.constant 0.000000e+00 : f32
      %gt3A_1296 = vector.broadcast %gt3A_1295 : f32 to vector<16xf32>
      %gt3A_1297 = arith.cmpf ogt, %get3A_1279, %gt3A_1296 : vector<16xf32>
      %broadcast_in_dim3A_1298 = arith.constant 50 : i32
      %broadcast_in_dim3A_1299 = vector.broadcast %broadcast_in_dim3A_1298 : i32 to vector<16xi32>
      %select_n3A_1300 = arith.select %gt3A_1297, %get3A_1294, %broadcast_in_dim3A_1299 : vector<16xi1>, vector<16xi32>
      %swap3A_1301 = arith.constant 1 : i32
      %swap3A_1302 = arith.index_cast %swap3A_1301 : i32 to index
      %swap3A_1303 = arith.constant 96 : index
      %swap3A_1304 = tpu.vector_load %arg9[%swap3A_1302, %swap3A_1303] {strides = array<i32>} : memref<4x128xi32, #tpu.memory_space<vmem>>, vector<16xi32>,
      tpu.vector_store %arg9[%swap3A_1302, %swap3A_1303], %select_n3A_1300 {strides = array<i32>} : memref<4x128xi32, #tpu.memory_space<vmem>>, vector<16xi32>,
      %get3A_1305 = arith.constant 240 : index
      %get3A_1306 = tpu.vector_load %arg10[%get3A_1305] {strides = array<i32>} : memref<512xf32, #tpu.memory_space<vmem>>, vector<16xf32>,
      %broadcast_in_dim3A_1307 = arith.constant true
      %broadcast_in_dim3A_1308 = vector.broadcast %broadcast_in_dim3A_1307 : i1 to vector<16xi1>
      %masked_cumsum3A_1309 = tpu.scan <sum>, %get3A_1306 masked %broadcast_in_dim3A_1308 : vector<16xf32>, vector<16xi1> -> vector<16xf32>
      %add3A_1310 = vector.broadcast %add3A_1292 : f32 to vector<16xf32>
      %add3A_1311 = arith.addf %add3A_1310, %masked_cumsum3A_1309 : vector<16xf32>
      %sub3A_1312 = arith.subf %add3A_1311, %get3A_1306 : vector<16xf32>
      %swap3A_1313 = arith.constant 240 : index
      %swap3A_1314 = tpu.vector_load %arg11[%swap3A_1313] {strides = array<i32>} : memref<512xf32, #tpu.memory_space<vmem>>, vector<16xf32>,
      tpu.vector_store %arg11[%swap3A_1313], %sub3A_1312 {strides = array<i32>} : memref<512xf32, #tpu.memory_space<vmem>>, vector<16xf32>,
      %reduce_sum3A_1315 = arith.constant true
      %reduce_sum3A_1316 = vector.broadcast %reduce_sum3A_1315 : i1 to vector<16xi1>
      %reduce_sum3A_1317 = tpu.scan <sum>, %get3A_1306 masked %reduce_sum3A_1316 : vector<16xf32>, vector<16xi1> -> vector<16xf32>
      %reduce_sum3A_1318 = vector.extract %reduce_sum3A_1317[15] : f32 from vector<16xf32>
      %add3A_1319 = arith.addf %add3A_1292, %reduce_sum3A_1318 : f32
      %get3A_1320 = arith.constant 240 : index
      %get3A_1321 = tpu.vector_load %arg12[%get3A_1320] {strides = array<i32>} : memref<512xi32, #tpu.memory_space<vmem>>, vector<16xi32>,
      %gt3A_1322 = arith.constant 0.000000e+00 : f32
      %gt3A_1323 = vector.broadcast %gt3A_1322 : f32 to vector<16xf32>
      %gt3A_1324 = arith.cmpf ogt, %get3A_1306, %gt3A_1323 : vector<16xf32>
      %broadcast_in_dim3A_1325 = arith.constant 50 : i32
      %broadcast_in_dim3A_1326 = vector.broadcast %broadcast_in_dim3A_1325 : i32 to vector<16xi32>
      %select_n3A_1327 = arith.select %gt3A_1324, %get3A_1321, %broadcast_in_dim3A_1326 : vector<16xi1>, vector<16xi32>
      %swap3A_1328 = arith.constant 1 : i32
      %swap3A_1329 = arith.index_cast %swap3A_1328 : i32 to index
      %swap3A_1330 = arith.constant 112 : index
      %swap3A_1331 = tpu.vector_load %arg9[%swap3A_1329, %swap3A_1330] {strides = array<i32>} : memref<4x128xi32, #tpu.memory_space<vmem>>, vector<16xi32>,
      tpu.vector_store %arg9[%swap3A_1329, %swap3A_1330], %select_n3A_1327 {strides = array<i32>} : memref<4x128xi32, #tpu.memory_space<vmem>>, vector<16xi32>,
      %get3A_1332 = arith.constant 256 : index
      %get3A_1333 = tpu.vector_load %arg10[%get3A_1332] {strides = array<i32>} : memref<512xf32, #tpu.memory_space<vmem>>, vector<16xf32>,
      %broadcast_in_dim3A_1334 = arith.constant true
      %broadcast_in_dim3A_1335 = vector.broadcast %broadcast_in_dim3A_1334 : i1 to vector<16xi1>
      %masked_cumsum3A_1336 = tpu.scan <sum>, %get3A_1333 masked %broadcast_in_dim3A_1335 : vector<16xf32>, vector<16xi1> -> vector<16xf32>
      %add3A_1337 = vector.broadcast %add3A_1319 : f32 to vector<16xf32>
      %add3A_1338 = arith.addf %add3A_1337, %masked_cumsum3A_1336 : vector<16xf32>
      %sub3A_1339 = arith.subf %add3A_1338, %get3A_1333 : vector<16xf32>
      %swap3A_1340 = arith.constant 256 : index
      %swap3A_1341 = tpu.vector_load %arg11[%swap3A_1340] {strides = array<i32>} : memref<512xf32, #tpu.memory_space<vmem>>, vector<16xf32>,
      tpu.vector_store %arg11[%swap3A_1340], %sub3A_1339 {strides = array<i32>} : memref<512xf32, #tpu.memory_space<vmem>>, vector<16xf32>,
      %reduce_sum3A_1342 = arith.constant true
      %reduce_sum3A_1343 = vector.broadcast %reduce_sum3A_1342 : i1 to vector<16xi1>
      %reduce_sum3A_1344 = tpu.scan <sum>, %get3A_1333 masked %reduce_sum3A_1343 : vector<16xf32>, vector<16xi1> -> vector<16xf32>
      %reduce_sum3A_1345 = vector.extract %reduce_sum3A_1344[15] : f32 from vector<16xf32>
      %add3A_1346 = arith.addf %add3A_1319, %reduce_sum3A_1345 : f32
      %get3A_1347 = arith.constant 256 : index
      %get3A_1348 = tpu.vector_load %arg12[%get3A_1347] {strides = array<i32>} : memref<512xi32, #tpu.memory_space<vmem>>, vector<16xi32>,
      %gt3A_1349 = arith.constant 0.000000e+00 : f32
      %gt3A_1350 = vector.broadcast %gt3A_1349 : f32 to vector<16xf32>
      %gt3A_1351 = arith.cmpf ogt, %get3A_1333, %gt3A_1350 : vector<16xf32>
      %broadcast_in_dim3A_1352 = arith.constant 50 : i32
      %broadcast_in_dim3A_1353 = vector.broadcast %broadcast_in_dim3A_1352 : i32 to vector<16xi32>
      %select_n3A_1354 = arith.select %gt3A_1351, %get3A_1348, %broadcast_in_dim3A_1353 : vector<16xi1>, vector<16xi32>
      %swap3A_1355 = arith.constant 2 : i32
      %swap3A_1356 = arith.index_cast %swap3A_1355 : i32 to index
      %swap3A_1357 = arith.constant 0 : index
      %swap3A_1358 = tpu.vector_load %arg9[%swap3A_1356, %swap3A_1357] {strides = array<i32>} : memref<4x128xi32, #tpu.memory_space<vmem>>, vector<16xi32>,
      tpu.vector_store %arg9[%swap3A_1356, %swap3A_1357], %select_n3A_1354 {strides = array<i32>} : memref<4x128xi32, #tpu.memory_space<vmem>>, vector<16xi32>,
      %get3A_1359 = arith.constant 272 : index
      %get3A_1360 = tpu.vector_load %arg10[%get3A_1359] {strides = array<i32>} : memref<512xf32, #tpu.memory_space<vmem>>, vector<16xf32>,
      %broadcast_in_dim3A_1361 = arith.constant true
      %broadcast_in_dim3A_1362 = vector.broadcast %broadcast_in_dim3A_1361 : i1 to vector<16xi1>
      %masked_cumsum3A_1363 = tpu.scan <sum>, %get3A_1360 masked %broadcast_in_dim3A_1362 : vector<16xf32>, vector<16xi1> -> vector<16xf32>
      %add3A_1364 = vector.broadcast %add3A_1346 : f32 to vector<16xf32>
      %add3A_1365 = arith.addf %add3A_1364, %masked_cumsum3A_1363 : vector<16xf32>
      %sub3A_1366 = arith.subf %add3A_1365, %get3A_1360 : vector<16xf32>
      %swap3A_1367 = arith.constant 272 : index
      %swap3A_1368 = tpu.vector_load %arg11[%swap3A_1367] {strides = array<i32>} : memref<512xf32, #tpu.memory_space<vmem>>, vector<16xf32>,
      tpu.vector_store %arg11[%swap3A_1367], %sub3A_1366 {strides = array<i32>} : memref<512xf32, #tpu.memory_space<vmem>>, vector<16xf32>,
      %reduce_sum3A_1369 = arith.constant true
      %reduce_sum3A_1370 = vector.broadcast %reduce_sum3A_1369 : i1 to vector<16xi1>
      %reduce_sum3A_1371 = tpu.scan <sum>, %get3A_1360 masked %reduce_sum3A_1370 : vector<16xf32>, vector<16xi1> -> vector<16xf32>
      %reduce_sum3A_1372 = vector.extract %reduce_sum3A_1371[15] : f32 from vector<16xf32>
      %add3A_1373 = arith.addf %add3A_1346, %reduce_sum3A_1372 : f32
      %get3A_1374 = arith.constant 272 : index
      %get3A_1375 = tpu.vector_load %arg12[%get3A_1374] {strides = array<i32>} : memref<512xi32, #tpu.memory_space<vmem>>, vector<16xi32>,
      %gt3A_1376 = arith.constant 0.000000e+00 : f32
      %gt3A_1377 = vector.broadcast %gt3A_1376 : f32 to vector<16xf32>
      %gt3A_1378 = arith.cmpf ogt, %get3A_1360, %gt3A_1377 : vector<16xf32>
      %broadcast_in_dim3A_1379 = arith.constant 50 : i32
      %broadcast_in_dim3A_1380 = vector.broadcast %broadcast_in_dim3A_1379 : i32 to vector<16xi32>
      %select_n3A_1381 = arith.select %gt3A_1378, %get3A_1375, %broadcast_in_dim3A_1380 : vector<16xi1>, vector<16xi32>
      %swap3A_1382 = arith.constant 2 : i32
      %swap3A_1383 = arith.index_cast %swap3A_1382 : i32 to index
      %swap3A_1384 = arith.constant 16 : index
      %swap3A_1385 = tpu.vector_load %arg9[%swap3A_1383, %swap3A_1384] {strides = array<i32>} : memref<4x128xi32, #tpu.memory_space<vmem>>, vector<16xi32>,
      tpu.vector_store %arg9[%swap3A_1383, %swap3A_1384], %select_n3A_1381 {strides = array<i32>} : memref<4x128xi32, #tpu.memory_space<vmem>>, vector<16xi32>,
      %get3A_1386 = arith.constant 288 : index
      %get3A_1387 = tpu.vector_load %arg10[%get3A_1386] {strides = array<i32>} : memref<512xf32, #tpu.memory_space<vmem>>, vector<16xf32>,
      %broadcast_in_dim3A_1388 = arith.constant true
      %broadcast_in_dim3A_1389 = vector.broadcast %broadcast_in_dim3A_1388 : i1 to vector<16xi1>
      %masked_cumsum3A_1390 = tpu.scan <sum>, %get3A_1387 masked %broadcast_in_dim3A_1389 : vector<16xf32>, vector<16xi1> -> vector<16xf32>
      %add3A_1391 = vector.broadcast %add3A_1373 : f32 to vector<16xf32>
      %add3A_1392 = arith.addf %add3A_1391, %masked_cumsum3A_1390 : vector<16xf32>
      %sub3A_1393 = arith.subf %add3A_1392, %get3A_1387 : vector<16xf32>
      %swap3A_1394 = arith.constant 288 : index
      %swap3A_1395 = tpu.vector_load %arg11[%swap3A_1394] {strides = array<i32>} : memref<512xf32, #tpu.memory_space<vmem>>, vector<16xf32>,
      tpu.vector_store %arg11[%swap3A_1394], %sub3A_1393 {strides = array<i32>} : memref<512xf32, #tpu.memory_space<vmem>>, vector<16xf32>,
      %reduce_sum3A_1396 = arith.constant true
      %reduce_sum3A_1397 = vector.broadcast %reduce_sum3A_1396 : i1 to vector<16xi1>
      %reduce_sum3A_1398 = tpu.scan <sum>, %get3A_1387 masked %reduce_sum3A_1397 : vector<16xf32>, vector<16xi1> -> vector<16xf32>
      %reduce_sum3A_1399 = vector.extract %reduce_sum3A_1398[15] : f32 from vector<16xf32>
      %add3A_1400 = arith.addf %add3A_1373, %reduce_sum3A_1399 : f32
      %get3A_1401 = arith.constant 288 : index
      %get3A_1402 = tpu.vector_load %arg12[%get3A_1401] {strides = array<i32>} : memref<512xi32, #tpu.memory_space<vmem>>, vector<16xi32>,
      %gt3A_1403 = arith.constant 0.000000e+00 : f32
      %gt3A_1404 = vector.broadcast %gt3A_1403 : f32 to vector<16xf32>
      %gt3A_1405 = arith.cmpf ogt, %get3A_1387, %gt3A_1404 : vector<16xf32>
      %broadcast_in_dim3A_1406 = arith.constant 50 : i32
      %broadcast_in_dim3A_1407 = vector.broadcast %broadcast_in_dim3A_1406 : i32 to vector<16xi32>
      %select_n3A_1408 = arith.select %gt3A_1405, %get3A_1402, %broadcast_in_dim3A_1407 : vector<16xi1>, vector<16xi32>
      %swap3A_1409 = arith.constant 2 : i32
      %swap3A_1410 = arith.index_cast %swap3A_1409 : i32 to index
      %swap3A_1411 = arith.constant 32 : index
      %swap3A_1412 = tpu.vector_load %arg9[%swap3A_1410, %swap3A_1411] {strides = array<i32>} : memref<4x128xi32, #tpu.memory_space<vmem>>, vector<16xi32>,
      tpu.vector_store %arg9[%swap3A_1410, %swap3A_1411], %select_n3A_1408 {strides = array<i32>} : memref<4x128xi32, #tpu.memory_space<vmem>>, vector<16xi32>,
      %get3A_1413 = arith.constant 304 : index
      %get3A_1414 = tpu.vector_load %arg10[%get3A_1413] {strides = array<i32>} : memref<512xf32, #tpu.memory_space<vmem>>, vector<16xf32>,
      %broadcast_in_dim3A_1415 = arith.constant true
      %broadcast_in_dim3A_1416 = vector.broadcast %broadcast_in_dim3A_1415 : i1 to vector<16xi1>
      %masked_cumsum3A_1417 = tpu.scan <sum>, %get3A_1414 masked %broadcast_in_dim3A_1416 : vector<16xf32>, vector<16xi1> -> vector<16xf32>
      %add3A_1418 = vector.broadcast %add3A_1400 : f32 to vector<16xf32>
      %add3A_1419 = arith.addf %add3A_1418, %masked_cumsum3A_1417 : vector<16xf32>
      %sub3A_1420 = arith.subf %add3A_1419, %get3A_1414 : vector<16xf32>
      %swap3A_1421 = arith.constant 304 : index
      %swap3A_1422 = tpu.vector_load %arg11[%swap3A_1421] {strides = array<i32>} : memref<512xf32, #tpu.memory_space<vmem>>, vector<16xf32>,
      tpu.vector_store %arg11[%swap3A_1421], %sub3A_1420 {strides = array<i32>} : memref<512xf32, #tpu.memory_space<vmem>>, vector<16xf32>,
      %reduce_sum3A_1423 = arith.constant true
      %reduce_sum3A_1424 = vector.broadcast %reduce_sum3A_1423 : i1 to vector<16xi1>
      %reduce_sum3A_1425 = tpu.scan <sum>, %get3A_1414 masked %reduce_sum3A_1424 : vector<16xf32>, vector<16xi1> -> vector<16xf32>
      %reduce_sum3A_1426 = vector.extract %reduce_sum3A_1425[15] : f32 from vector<16xf32>
      %add3A_1427 = arith.addf %add3A_1400, %reduce_sum3A_1426 : f32
      %get3A_1428 = arith.constant 304 : index
      %get3A_1429 = tpu.vector_load %arg12[%get3A_1428] {strides = array<i32>} : memref<512xi32, #tpu.memory_space<vmem>>, vector<16xi32>,
      %gt3A_1430 = arith.constant 0.000000e+00 : f32
      %gt3A_1431 = vector.broadcast %gt3A_1430 : f32 to vector<16xf32>
      %gt3A_1432 = arith.cmpf ogt, %get3A_1414, %gt3A_1431 : vector<16xf32>
      %broadcast_in_dim3A_1433 = arith.constant 50 : i32
      %broadcast_in_dim3A_1434 = vector.broadcast %broadcast_in_dim3A_1433 : i32 to vector<16xi32>
      %select_n3A_1435 = arith.select %gt3A_1432, %get3A_1429, %broadcast_in_dim3A_1434 : vector<16xi1>, vector<16xi32>
      %swap3A_1436 = arith.constant 2 : i32
      %swap3A_1437 = arith.index_cast %swap3A_1436 : i32 to index
      %swap3A_1438 = arith.constant 48 : index
      %swap3A_1439 = tpu.vector_load %arg9[%swap3A_1437, %swap3A_1438] {strides = array<i32>} : memref<4x128xi32, #tpu.memory_space<vmem>>, vector<16xi32>,
      tpu.vector_store %arg9[%swap3A_1437, %swap3A_1438], %select_n3A_1435 {strides = array<i32>} : memref<4x128xi32, #tpu.memory_space<vmem>>, vector<16xi32>,
      %get3A_1440 = arith.constant 320 : index
      %get3A_1441 = tpu.vector_load %arg10[%get3A_1440] {strides = array<i32>} : memref<512xf32, #tpu.memory_space<vmem>>, vector<16xf32>,
      %broadcast_in_dim3A_1442 = arith.constant true
      %broadcast_in_dim3A_1443 = vector.broadcast %broadcast_in_dim3A_1442 : i1 to vector<16xi1>
      %masked_cumsum3A_1444 = tpu.scan <sum>, %get3A_1441 masked %broadcast_in_dim3A_1443 : vector<16xf32>, vector<16xi1> -> vector<16xf32>
      %add3A_1445 = vector.broadcast %add3A_1427 : f32 to vector<16xf32>
      %add3A_1446 = arith.addf %add3A_1445, %masked_cumsum3A_1444 : vector<16xf32>
      %sub3A_1447 = arith.subf %add3A_1446, %get3A_1441 : vector<16xf32>
      %swap3A_1448 = arith.constant 320 : index
      %swap3A_1449 = tpu.vector_load %arg11[%swap3A_1448] {strides = array<i32>} : memref<512xf32, #tpu.memory_space<vmem>>, vector<16xf32>,
      tpu.vector_store %arg11[%swap3A_1448], %sub3A_1447 {strides = array<i32>} : memref<512xf32, #tpu.memory_space<vmem>>, vector<16xf32>,
      %reduce_sum3A_1450 = arith.constant true
      %reduce_sum3A_1451 = vector.broadcast %reduce_sum3A_1450 : i1 to vector<16xi1>
      %reduce_sum3A_1452 = tpu.scan <sum>, %get3A_1441 masked %reduce_sum3A_1451 : vector<16xf32>, vector<16xi1> -> vector<16xf32>
      %reduce_sum3A_1453 = vector.extract %reduce_sum3A_1452[15] : f32 from vector<16xf32>
      %add3A_1454 = arith.addf %add3A_1427, %reduce_sum3A_1453 : f32
      %get3A_1455 = arith.constant 320 : index
      %get3A_1456 = tpu.vector_load %arg12[%get3A_1455] {strides = array<i32>} : memref<512xi32, #tpu.memory_space<vmem>>, vector<16xi32>,
      %gt3A_1457 = arith.constant 0.000000e+00 : f32
      %gt3A_1458 = vector.broadcast %gt3A_1457 : f32 to vector<16xf32>
      %gt3A_1459 = arith.cmpf ogt, %get3A_1441, %gt3A_1458 : vector<16xf32>
      %broadcast_in_dim3A_1460 = arith.constant 50 : i32
      %broadcast_in_dim3A_1461 = vector.broadcast %broadcast_in_dim3A_1460 : i32 to vector<16xi32>
      %select_n3A_1462 = arith.select %gt3A_1459, %get3A_1456, %broadcast_in_dim3A_1461 : vector<16xi1>, vector<16xi32>
      %swap3A_1463 = arith.constant 2 : i32
      %swap3A_1464 = arith.index_cast %swap3A_1463 : i32 to index
      %swap3A_1465 = arith.constant 64 : index
      %swap3A_1466 = tpu.vector_load %arg9[%swap3A_1464, %swap3A_1465] {strides = array<i32>} : memref<4x128xi32, #tpu.memory_space<vmem>>, vector<16xi32>,
      tpu.vector_store %arg9[%swap3A_1464, %swap3A_1465], %select_n3A_1462 {strides = array<i32>} : memref<4x128xi32, #tpu.memory_space<vmem>>, vector<16xi32>,
      %get3A_1467 = arith.constant 336 : index
      %get3A_1468 = tpu.vector_load %arg10[%get3A_1467] {strides = array<i32>} : memref<512xf32, #tpu.memory_space<vmem>>, vector<16xf32>,
      %broadcast_in_dim3A_1469 = arith.constant true
      %broadcast_in_dim3A_1470 = vector.broadcast %broadcast_in_dim3A_1469 : i1 to vector<16xi1>
      %masked_cumsum3A_1471 = tpu.scan <sum>, %get3A_1468 masked %broadcast_in_dim3A_1470 : vector<16xf32>, vector<16xi1> -> vector<16xf32>
      %add3A_1472 = vector.broadcast %add3A_1454 : f32 to vector<16xf32>
      %add3A_1473 = arith.addf %add3A_1472, %masked_cumsum3A_1471 : vector<16xf32>
      %sub3A_1474 = arith.subf %add3A_1473, %get3A_1468 : vector<16xf32>
      %swap3A_1475 = arith.constant 336 : index
      %swap3A_1476 = tpu.vector_load %arg11[%swap3A_1475] {strides = array<i32>} : memref<512xf32, #tpu.memory_space<vmem>>, vector<16xf32>,
      tpu.vector_store %arg11[%swap3A_1475], %sub3A_1474 {strides = array<i32>} : memref<512xf32, #tpu.memory_space<vmem>>, vector<16xf32>,
      %reduce_sum3A_1477 = arith.constant true
      %reduce_sum3A_1478 = vector.broadcast %reduce_sum3A_1477 : i1 to vector<16xi1>
      %reduce_sum3A_1479 = tpu.scan <sum>, %get3A_1468 masked %reduce_sum3A_1478 : vector<16xf32>, vector<16xi1> -> vector<16xf32>
      %reduce_sum3A_1480 = vector.extract %reduce_sum3A_1479[15] : f32 from vector<16xf32>
      %add3A_1481 = arith.addf %add3A_1454, %reduce_sum3A_1480 : f32
      %get3A_1482 = arith.constant 336 : index
      %get3A_1483 = tpu.vector_load %arg12[%get3A_1482] {strides = array<i32>} : memref<512xi32, #tpu.memory_space<vmem>>, vector<16xi32>,
      %gt3A_1484 = arith.constant 0.000000e+00 : f32
      %gt3A_1485 = vector.broadcast %gt3A_1484 : f32 to vector<16xf32>
      %gt3A_1486 = arith.cmpf ogt, %get3A_1468, %gt3A_1485 : vector<16xf32>
      %broadcast_in_dim3A_1487 = arith.constant 50 : i32
      %broadcast_in_dim3A_1488 = vector.broadcast %broadcast_in_dim3A_1487 : i32 to vector<16xi32>
      %select_n3A_1489 = arith.select %gt3A_1486, %get3A_1483, %broadcast_in_dim3A_1488 : vector<16xi1>, vector<16xi32>
      %swap3A_1490 = arith.constant 2 : i32
      %swap3A_1491 = arith.index_cast %swap3A_1490 : i32 to index
      %swap3A_1492 = arith.constant 80 : index
      %swap3A_1493 = tpu.vector_load %arg9[%swap3A_1491, %swap3A_1492] {strides = array<i32>} : memref<4x128xi32, #tpu.memory_space<vmem>>, vector<16xi32>,
      tpu.vector_store %arg9[%swap3A_1491, %swap3A_1492], %select_n3A_1489 {strides = array<i32>} : memref<4x128xi32, #tpu.memory_space<vmem>>, vector<16xi32>,
      %get3A_1494 = arith.constant 352 : index
      %get3A_1495 = tpu.vector_load %arg10[%get3A_1494] {strides = array<i32>} : memref<512xf32, #tpu.memory_space<vmem>>, vector<16xf32>,
      %broadcast_in_dim3A_1496 = arith.constant true
      %broadcast_in_dim3A_1497 = vector.broadcast %broadcast_in_dim3A_1496 : i1 to vector<16xi1>
      %masked_cumsum3A_1498 = tpu.scan <sum>, %get3A_1495 masked %broadcast_in_dim3A_1497 : vector<16xf32>, vector<16xi1> -> vector<16xf32>
      %add3A_1499 = vector.broadcast %add3A_1481 : f32 to vector<16xf32>
      %add3A_1500 = arith.addf %add3A_1499, %masked_cumsum3A_1498 : vector<16xf32>
      %sub3A_1501 = arith.subf %add3A_1500, %get3A_1495 : vector<16xf32>
      %swap3A_1502 = arith.constant 352 : index
      %swap3A_1503 = tpu.vector_load %arg11[%swap3A_1502] {strides = array<i32>} : memref<512xf32, #tpu.memory_space<vmem>>, vector<16xf32>,
      tpu.vector_store %arg11[%swap3A_1502], %sub3A_1501 {strides = array<i32>} : memref<512xf32, #tpu.memory_space<vmem>>, vector<16xf32>,
      %reduce_sum3A_1504 = arith.constant true
      %reduce_sum3A_1505 = vector.broadcast %reduce_sum3A_1504 : i1 to vector<16xi1>
      %reduce_sum3A_1506 = tpu.scan <sum>, %get3A_1495 masked %reduce_sum3A_1505 : vector<16xf32>, vector<16xi1> -> vector<16xf32>
      %reduce_sum3A_1507 = vector.extract %reduce_sum3A_1506[15] : f32 from vector<16xf32>
      %add3A_1508 = arith.addf %add3A_1481, %reduce_sum3A_1507 : f32
      %get3A_1509 = arith.constant 352 : index
      %get3A_1510 = tpu.vector_load %arg12[%get3A_1509] {strides = array<i32>} : memref<512xi32, #tpu.memory_space<vmem>>, vector<16xi32>,
      %gt3A_1511 = arith.constant 0.000000e+00 : f32
      %gt3A_1512 = vector.broadcast %gt3A_1511 : f32 to vector<16xf32>
      %gt3A_1513 = arith.cmpf ogt, %get3A_1495, %gt3A_1512 : vector<16xf32>
      %broadcast_in_dim3A_1514 = arith.constant 50 : i32
      %broadcast_in_dim3A_1515 = vector.broadcast %broadcast_in_dim3A_1514 : i32 to vector<16xi32>
      %select_n3A_1516 = arith.select %gt3A_1513, %get3A_1510, %broadcast_in_dim3A_1515 : vector<16xi1>, vector<16xi32>
      %swap3A_1517 = arith.constant 2 : i32
      %swap3A_1518 = arith.index_cast %swap3A_1517 : i32 to index
      %swap3A_1519 = arith.constant 96 : index
      %swap3A_1520 = tpu.vector_load %arg9[%swap3A_1518, %swap3A_1519] {strides = array<i32>} : memref<4x128xi32, #tpu.memory_space<vmem>>, vector<16xi32>,
      tpu.vector_store %arg9[%swap3A_1518, %swap3A_1519], %select_n3A_1516 {strides = array<i32>} : memref<4x128xi32, #tpu.memory_space<vmem>>, vector<16xi32>,
      %get3A_1521 = arith.constant 368 : index
      %get3A_1522 = tpu.vector_load %arg10[%get3A_1521] {strides = array<i32>} : memref<512xf32, #tpu.memory_space<vmem>>, vector<16xf32>,
      %broadcast_in_dim3A_1523 = arith.constant true
      %broadcast_in_dim3A_1524 = vector.broadcast %broadcast_in_dim3A_1523 : i1 to vector<16xi1>
      %masked_cumsum3A_1525 = tpu.scan <sum>, %get3A_1522 masked %broadcast_in_dim3A_1524 : vector<16xf32>, vector<16xi1> -> vector<16xf32>
      %add3A_1526 = vector.broadcast %add3A_1508 : f32 to vector<16xf32>
      %add3A_1527 = arith.addf %add3A_1526, %masked_cumsum3A_1525 : vector<16xf32>
      %sub3A_1528 = arith.subf %add3A_1527, %get3A_1522 : vector<16xf32>
      %swap3A_1529 = arith.constant 368 : index
      %swap3A_1530 = tpu.vector_load %arg11[%swap3A_1529] {strides = array<i32>} : memref<512xf32, #tpu.memory_space<vmem>>, vector<16xf32>,
      tpu.vector_store %arg11[%swap3A_1529], %sub3A_1528 {strides = array<i32>} : memref<512xf32, #tpu.memory_space<vmem>>, vector<16xf32>,
      %reduce_sum3A_1531 = arith.constant true
      %reduce_sum3A_1532 = vector.broadcast %reduce_sum3A_1531 : i1 to vector<16xi1>
      %reduce_sum3A_1533 = tpu.scan <sum>, %get3A_1522 masked %reduce_sum3A_1532 : vector<16xf32>, vector<16xi1> -> vector<16xf32>
      %reduce_sum3A_1534 = vector.extract %reduce_sum3A_1533[15] : f32 from vector<16xf32>
      %add3A_1535 = arith.addf %add3A_1508, %reduce_sum3A_1534 : f32
      %get3A_1536 = arith.constant 368 : index
      %get3A_1537 = tpu.vector_load %arg12[%get3A_1536] {strides = array<i32>} : memref<512xi32, #tpu.memory_space<vmem>>, vector<16xi32>,
      %gt3A_1538 = arith.constant 0.000000e+00 : f32
      %gt3A_1539 = vector.broadcast %gt3A_1538 : f32 to vector<16xf32>
      %gt3A_1540 = arith.cmpf ogt, %get3A_1522, %gt3A_1539 : vector<16xf32>
      %broadcast_in_dim3A_1541 = arith.constant 50 : i32
      %broadcast_in_dim3A_1542 = vector.broadcast %broadcast_in_dim3A_1541 : i32 to vector<16xi32>
      %select_n3A_1543 = arith.select %gt3A_1540, %get3A_1537, %broadcast_in_dim3A_1542 : vector<16xi1>, vector<16xi32>
      %swap3A_1544 = arith.constant 2 : i32
      %swap3A_1545 = arith.index_cast %swap3A_1544 : i32 to index
      %swap3A_1546 = arith.constant 112 : index
      %swap3A_1547 = tpu.vector_load %arg9[%swap3A_1545, %swap3A_1546] {strides = array<i32>} : memref<4x128xi32, #tpu.memory_space<vmem>>, vector<16xi32>,
      tpu.vector_store %arg9[%swap3A_1545, %swap3A_1546], %select_n3A_1543 {strides = array<i32>} : memref<4x128xi32, #tpu.memory_space<vmem>>, vector<16xi32>,
      %get3A_1548 = arith.constant 384 : index
      %get3A_1549 = tpu.vector_load %arg10[%get3A_1548] {strides = array<i32>} : memref<512xf32, #tpu.memory_space<vmem>>, vector<16xf32>,
      %broadcast_in_dim3A_1550 = arith.constant true
      %broadcast_in_dim3A_1551 = vector.broadcast %broadcast_in_dim3A_1550 : i1 to vector<16xi1>
      %masked_cumsum3A_1552 = tpu.scan <sum>, %get3A_1549 masked %broadcast_in_dim3A_1551 : vector<16xf32>, vector<16xi1> -> vector<16xf32>
      %add3A_1553 = vector.broadcast %add3A_1535 : f32 to vector<16xf32>
      %add3A_1554 = arith.addf %add3A_1553, %masked_cumsum3A_1552 : vector<16xf32>
      %sub3A_1555 = arith.subf %add3A_1554, %get3A_1549 : vector<16xf32>
      %swap3A_1556 = arith.constant 384 : index
      %swap3A_1557 = tpu.vector_load %arg11[%swap3A_1556] {strides = array<i32>} : memref<512xf32, #tpu.memory_space<vmem>>, vector<16xf32>,
      tpu.vector_store %arg11[%swap3A_1556], %sub3A_1555 {strides = array<i32>} : memref<512xf32, #tpu.memory_space<vmem>>, vector<16xf32>,
      %reduce_sum3A_1558 = arith.constant true
      %reduce_sum3A_1559 = vector.broadcast %reduce_sum3A_1558 : i1 to vector<16xi1>
      %reduce_sum3A_1560 = tpu.scan <sum>, %get3A_1549 masked %reduce_sum3A_1559 : vector<16xf32>, vector<16xi1> -> vector<16xf32>
      %reduce_sum3A_1561 = vector.extract %reduce_sum3A_1560[15] : f32 from vector<16xf32>
      %add3A_1562 = arith.addf %add3A_1535, %reduce_sum3A_1561 : f32
      %get3A_1563 = arith.constant 384 : index
      %get3A_1564 = tpu.vector_load %arg12[%get3A_1563] {strides = array<i32>} : memref<512xi32, #tpu.memory_space<vmem>>, vector<16xi32>,
      %gt3A_1565 = arith.constant 0.000000e+00 : f32
      %gt3A_1566 = vector.broadcast %gt3A_1565 : f32 to vector<16xf32>
      %gt3A_1567 = arith.cmpf ogt, %get3A_1549, %gt3A_1566 : vector<16xf32>
      %broadcast_in_dim3A_1568 = arith.constant 50 : i32
      %broadcast_in_dim3A_1569 = vector.broadcast %broadcast_in_dim3A_1568 : i32 to vector<16xi32>
      %select_n3A_1570 = arith.select %gt3A_1567, %get3A_1564, %broadcast_in_dim3A_1569 : vector<16xi1>, vector<16xi32>
      %swap3A_1571 = arith.constant 3 : i32
      %swap3A_1572 = arith.index_cast %swap3A_1571 : i32 to index
      %swap3A_1573 = arith.constant 0 : index
      %swap3A_1574 = tpu.vector_load %arg9[%swap3A_1572, %swap3A_1573] {strides = array<i32>} : memref<4x128xi32, #tpu.memory_space<vmem>>, vector<16xi32>,
      tpu.vector_store %arg9[%swap3A_1572, %swap3A_1573], %select_n3A_1570 {strides = array<i32>} : memref<4x128xi32, #tpu.memory_space<vmem>>, vector<16xi32>,
      %get3A_1575 = arith.constant 400 : index
      %get3A_1576 = tpu.vector_load %arg10[%get3A_1575] {strides = array<i32>} : memref<512xf32, #tpu.memory_space<vmem>>, vector<16xf32>,
      %broadcast_in_dim3A_1577 = arith.constant true
      %broadcast_in_dim3A_1578 = vector.broadcast %broadcast_in_dim3A_1577 : i1 to vector<16xi1>
      %masked_cumsum3A_1579 = tpu.scan <sum>, %get3A_1576 masked %broadcast_in_dim3A_1578 : vector<16xf32>, vector<16xi1> -> vector<16xf32>
      %add3A_1580 = vector.broadcast %add3A_1562 : f32 to vector<16xf32>
      %add3A_1581 = arith.addf %add3A_1580, %masked_cumsum3A_1579 : vector<16xf32>
      %sub3A_1582 = arith.subf %add3A_1581, %get3A_1576 : vector<16xf32>
      %swap3A_1583 = arith.constant 400 : index
      %swap3A_1584 = tpu.vector_load %arg11[%swap3A_1583] {strides = array<i32>} : memref<512xf32, #tpu.memory_space<vmem>>, vector<16xf32>,
      tpu.vector_store %arg11[%swap3A_1583], %sub3A_1582 {strides = array<i32>} : memref<512xf32, #tpu.memory_space<vmem>>, vector<16xf32>,
      %reduce_sum3A_1585 = arith.constant true
      %reduce_sum3A_1586 = vector.broadcast %reduce_sum3A_1585 : i1 to vector<16xi1>
      %reduce_sum3A_1587 = tpu.scan <sum>, %get3A_1576 masked %reduce_sum3A_1586 : vector<16xf32>, vector<16xi1> -> vector<16xf32>
      %reduce_sum3A_1588 = vector.extract %reduce_sum3A_1587[15] : f32 from vector<16xf32>
      %add3A_1589 = arith.addf %add3A_1562, %reduce_sum3A_1588 : f32
      %get3A_1590 = arith.constant 400 : index
      %get3A_1591 = tpu.vector_load %arg12[%get3A_1590] {strides = array<i32>} : memref<512xi32, #tpu.memory_space<vmem>>, vector<16xi32>,
      %gt3A_1592 = arith.constant 0.000000e+00 : f32
      %gt3A_1593 = vector.broadcast %gt3A_1592 : f32 to vector<16xf32>
      %gt3A_1594 = arith.cmpf ogt, %get3A_1576, %gt3A_1593 : vector<16xf32>
      %broadcast_in_dim3A_1595 = arith.constant 50 : i32
      %broadcast_in_dim3A_1596 = vector.broadcast %broadcast_in_dim3A_1595 : i32 to vector<16xi32>
      %select_n3A_1597 = arith.select %gt3A_1594, %get3A_1591, %broadcast_in_dim3A_1596 : vector<16xi1>, vector<16xi32>
      %swap3A_1598 = arith.constant 3 : i32
      %swap3A_1599 = arith.index_cast %swap3A_1598 : i32 to index
      %swap3A_1600 = arith.constant 16 : index
      %swap3A_1601 = tpu.vector_load %arg9[%swap3A_1599, %swap3A_1600] {strides = array<i32>} : memref<4x128xi32, #tpu.memory_space<vmem>>, vector<16xi32>,
      tpu.vector_store %arg9[%swap3A_1599, %swap3A_1600], %select_n3A_1597 {strides = array<i32>} : memref<4x128xi32, #tpu.memory_space<vmem>>, vector<16xi32>,
      %get3A_1602 = arith.constant 416 : index
      %get3A_1603 = tpu.vector_load %arg10[%get3A_1602] {strides = array<i32>} : memref<512xf32, #tpu.memory_space<vmem>>, vector<16xf32>,
      %broadcast_in_dim3A_1604 = arith.constant true
      %broadcast_in_dim3A_1605 = vector.broadcast %broadcast_in_dim3A_1604 : i1 to vector<16xi1>
      %masked_cumsum3A_1606 = tpu.scan <sum>, %get3A_1603 masked %broadcast_in_dim3A_1605 : vector<16xf32>, vector<16xi1> -> vector<16xf32>
      %add3A_1607 = vector.broadcast %add3A_1589 : f32 to vector<16xf32>
      %add3A_1608 = arith.addf %add3A_1607, %masked_cumsum3A_1606 : vector<16xf32>
      %sub3A_1609 = arith.subf %add3A_1608, %get3A_1603 : vector<16xf32>
      %swap3A_1610 = arith.constant 416 : index
      %swap3A_1611 = tpu.vector_load %arg11[%swap3A_1610] {strides = array<i32>} : memref<512xf32, #tpu.memory_space<vmem>>, vector<16xf32>,
      tpu.vector_store %arg11[%swap3A_1610], %sub3A_1609 {strides = array<i32>} : memref<512xf32, #tpu.memory_space<vmem>>, vector<16xf32>,
      %reduce_sum3A_1612 = arith.constant true
      %reduce_sum3A_1613 = vector.broadcast %reduce_sum3A_1612 : i1 to vector<16xi1>
      %reduce_sum3A_1614 = tpu.scan <sum>, %get3A_1603 masked %reduce_sum3A_1613 : vector<16xf32>, vector<16xi1> -> vector<16xf32>
      %reduce_sum3A_1615 = vector.extract %reduce_sum3A_1614[15] : f32 from vector<16xf32>
      %add3A_1616 = arith.addf %add3A_1589, %reduce_sum3A_1615 : f32
      %get3A_1617 = arith.constant 416 : index
      %get3A_1618 = tpu.vector_load %arg12[%get3A_1617] {strides = array<i32>} : memref<512xi32, #tpu.memory_space<vmem>>, vector<16xi32>,
      %gt3A_1619 = arith.constant 0.000000e+00 : f32
      %gt3A_1620 = vector.broadcast %gt3A_1619 : f32 to vector<16xf32>
      %gt3A_1621 = arith.cmpf ogt, %get3A_1603, %gt3A_1620 : vector<16xf32>
      %broadcast_in_dim3A_1622 = arith.constant 50 : i32
      %broadcast_in_dim3A_1623 = vector.broadcast %broadcast_in_dim3A_1622 : i32 to vector<16xi32>
      %select_n3A_1624 = arith.select %gt3A_1621, %get3A_1618, %broadcast_in_dim3A_1623 : vector<16xi1>, vector<16xi32>
      %swap3A_1625 = arith.constant 3 : i32
      %swap3A_1626 = arith.index_cast %swap3A_1625 : i32 to index
      %swap3A_1627 = arith.constant 32 : index
      %swap3A_1628 = tpu.vector_load %arg9[%swap3A_1626, %swap3A_1627] {strides = array<i32>} : memref<4x128xi32, #tpu.memory_space<vmem>>, vector<16xi32>,
      tpu.vector_store %arg9[%swap3A_1626, %swap3A_1627], %select_n3A_1624 {strides = array<i32>} : memref<4x128xi32, #tpu.memory_space<vmem>>, vector<16xi32>,
      %get3A_1629 = arith.constant 432 : index
      %get3A_1630 = tpu.vector_load %arg10[%get3A_1629] {strides = array<i32>} : memref<512xf32, #tpu.memory_space<vmem>>, vector<16xf32>,
      %broadcast_in_dim3A_1631 = arith.constant true
      %broadcast_in_dim3A_1632 = vector.broadcast %broadcast_in_dim3A_1631 : i1 to vector<16xi1>
      %masked_cumsum3A_1633 = tpu.scan <sum>, %get3A_1630 masked %broadcast_in_dim3A_1632 : vector<16xf32>, vector<16xi1> -> vector<16xf32>
      %add3A_1634 = vector.broadcast %add3A_1616 : f32 to vector<16xf32>
      %add3A_1635 = arith.addf %add3A_1634, %masked_cumsum3A_1633 : vector<16xf32>
      %sub3A_1636 = arith.subf %add3A_1635, %get3A_1630 : vector<16xf32>
      %swap3A_1637 = arith.constant 432 : index
      %swap3A_1638 = tpu.vector_load %arg11[%swap3A_1637] {strides = array<i32>} : memref<512xf32, #tpu.memory_space<vmem>>, vector<16xf32>,
      tpu.vector_store %arg11[%swap3A_1637], %sub3A_1636 {strides = array<i32>} : memref<512xf32, #tpu.memory_space<vmem>>, vector<16xf32>,
      %reduce_sum3A_1639 = arith.constant true
      %reduce_sum3A_1640 = vector.broadcast %reduce_sum3A_1639 : i1 to vector<16xi1>
      %reduce_sum3A_1641 = tpu.scan <sum>, %get3A_1630 masked %reduce_sum3A_1640 : vector<16xf32>, vector<16xi1> -> vector<16xf32>
      %reduce_sum3A_1642 = vector.extract %reduce_sum3A_1641[15] : f32 from vector<16xf32>
      %add3A_1643 = arith.addf %add3A_1616, %reduce_sum3A_1642 : f32
      %get3A_1644 = arith.constant 432 : index
      %get3A_1645 = tpu.vector_load %arg12[%get3A_1644] {strides = array<i32>} : memref<512xi32, #tpu.memory_space<vmem>>, vector<16xi32>,
      %gt3A_1646 = arith.constant 0.000000e+00 : f32
      %gt3A_1647 = vector.broadcast %gt3A_1646 : f32 to vector<16xf32>
      %gt3A_1648 = arith.cmpf ogt, %get3A_1630, %gt3A_1647 : vector<16xf32>
      %broadcast_in_dim3A_1649 = arith.constant 50 : i32
      %broadcast_in_dim3A_1650 = vector.broadcast %broadcast_in_dim3A_1649 : i32 to vector<16xi32>
      %select_n3A_1651 = arith.select %gt3A_1648, %get3A_1645, %broadcast_in_dim3A_1650 : vector<16xi1>, vector<16xi32>
      %swap3A_1652 = arith.constant 3 : i32
      %swap3A_1653 = arith.index_cast %swap3A_1652 : i32 to index
      %swap3A_1654 = arith.constant 48 : index
      %swap3A_1655 = tpu.vector_load %arg9[%swap3A_1653, %swap3A_1654] {strides = array<i32>} : memref<4x128xi32, #tpu.memory_space<vmem>>, vector<16xi32>,
      tpu.vector_store %arg9[%swap3A_1653, %swap3A_1654], %select_n3A_1651 {strides = array<i32>} : memref<4x128xi32, #tpu.memory_space<vmem>>, vector<16xi32>,
      %get3A_1656 = arith.constant 448 : index
      %get3A_1657 = tpu.vector_load %arg10[%get3A_1656] {strides = array<i32>} : memref<512xf32, #tpu.memory_space<vmem>>, vector<16xf32>,
      %broadcast_in_dim3A_1658 = arith.constant true
      %broadcast_in_dim3A_1659 = vector.broadcast %broadcast_in_dim3A_1658 : i1 to vector<16xi1>
      %masked_cumsum3A_1660 = tpu.scan <sum>, %get3A_1657 masked %broadcast_in_dim3A_1659 : vector<16xf32>, vector<16xi1> -> vector<16xf32>
      %add3A_1661 = vector.broadcast %add3A_1643 : f32 to vector<16xf32>
      %add3A_1662 = arith.addf %add3A_1661, %masked_cumsum3A_1660 : vector<16xf32>
      %sub3A_1663 = arith.subf %add3A_1662, %get3A_1657 : vector<16xf32>
      %swap3A_1664 = arith.constant 448 : index
      %swap3A_1665 = tpu.vector_load %arg11[%swap3A_1664] {strides = array<i32>} : memref<512xf32, #tpu.memory_space<vmem>>, vector<16xf32>,
      tpu.vector_store %arg11[%swap3A_1664], %sub3A_1663 {strides = array<i32>} : memref<512xf32, #tpu.memory_space<vmem>>, vector<16xf32>,
      %reduce_sum3A_1666 = arith.constant true
      %reduce_sum3A_1667 = vector.broadcast %reduce_sum3A_1666 : i1 to vector<16xi1>
      %reduce_sum3A_1668 = tpu.scan <sum>, %get3A_1657 masked %reduce_sum3A_1667 : vector<16xf32>, vector<16xi1> -> vector<16xf32>
      %reduce_sum3A_1669 = vector.extract %reduce_sum3A_1668[15] : f32 from vector<16xf32>
      %add3A_1670 = arith.addf %add3A_1643, %reduce_sum3A_1669 : f32
      %get3A_1671 = arith.constant 448 : index
      %get3A_1672 = tpu.vector_load %arg12[%get3A_1671] {strides = array<i32>} : memref<512xi32, #tpu.memory_space<vmem>>, vector<16xi32>,
      %gt3A_1673 = arith.constant 0.000000e+00 : f32
      %gt3A_1674 = vector.broadcast %gt3A_1673 : f32 to vector<16xf32>
      %gt3A_1675 = arith.cmpf ogt, %get3A_1657, %gt3A_1674 : vector<16xf32>
      %broadcast_in_dim3A_1676 = arith.constant 50 : i32
      %broadcast_in_dim3A_1677 = vector.broadcast %broadcast_in_dim3A_1676 : i32 to vector<16xi32>
      %select_n3A_1678 = arith.select %gt3A_1675, %get3A_1672, %broadcast_in_dim3A_1677 : vector<16xi1>, vector<16xi32>
      %swap3A_1679 = arith.constant 3 : i32
      %swap3A_1680 = arith.index_cast %swap3A_1679 : i32 to index
      %swap3A_1681 = arith.constant 64 : index
      %swap3A_1682 = tpu.vector_load %arg9[%swap3A_1680, %swap3A_1681] {strides = array<i32>} : memref<4x128xi32, #tpu.memory_space<vmem>>, vector<16xi32>,
      tpu.vector_store %arg9[%swap3A_1680, %swap3A_1681], %select_n3A_1678 {strides = array<i32>} : memref<4x128xi32, #tpu.memory_space<vmem>>, vector<16xi32>,
      %get3A_1683 = arith.constant 464 : index
      %get3A_1684 = tpu.vector_load %arg10[%get3A_1683] {strides = array<i32>} : memref<512xf32, #tpu.memory_space<vmem>>, vector<16xf32>,
      %broadcast_in_dim3A_1685 = arith.constant true
      %broadcast_in_dim3A_1686 = vector.broadcast %broadcast_in_dim3A_1685 : i1 to vector<16xi1>
      %masked_cumsum3A_1687 = tpu.scan <sum>, %get3A_1684 masked %broadcast_in_dim3A_1686 : vector<16xf32>, vector<16xi1> -> vector<16xf32>
      %add3A_1688 = vector.broadcast %add3A_1670 : f32 to vector<16xf32>
      %add3A_1689 = arith.addf %add3A_1688, %masked_cumsum3A_1687 : vector<16xf32>
      %sub3A_1690 = arith.subf %add3A_1689, %get3A_1684 : vector<16xf32>
      %swap3A_1691 = arith.constant 464 : index
      %swap3A_1692 = tpu.vector_load %arg11[%swap3A_1691] {strides = array<i32>} : memref<512xf32, #tpu.memory_space<vmem>>, vector<16xf32>,
      tpu.vector_store %arg11[%swap3A_1691], %sub3A_1690 {strides = array<i32>} : memref<512xf32, #tpu.memory_space<vmem>>, vector<16xf32>,
      %reduce_sum3A_1693 = arith.constant true
      %reduce_sum3A_1694 = vector.broadcast %reduce_sum3A_1693 : i1 to vector<16xi1>
      %reduce_sum3A_1695 = tpu.scan <sum>, %get3A_1684 masked %reduce_sum3A_1694 : vector<16xf32>, vector<16xi1> -> vector<16xf32>
      %reduce_sum3A_1696 = vector.extract %reduce_sum3A_1695[15] : f32 from vector<16xf32>
      %add3A_1697 = arith.addf %add3A_1670, %reduce_sum3A_1696 : f32
      %get3A_1698 = arith.constant 464 : index
      %get3A_1699 = tpu.vector_load %arg12[%get3A_1698] {strides = array<i32>} : memref<512xi32, #tpu.memory_space<vmem>>, vector<16xi32>,
      %gt3A_1700 = arith.constant 0.000000e+00 : f32
      %gt3A_1701 = vector.broadcast %gt3A_1700 : f32 to vector<16xf32>
      %gt3A_1702 = arith.cmpf ogt, %get3A_1684, %gt3A_1701 : vector<16xf32>
      %broadcast_in_dim3A_1703 = arith.constant 50 : i32
      %broadcast_in_dim3A_1704 = vector.broadcast %broadcast_in_dim3A_1703 : i32 to vector<16xi32>
      %select_n3A_1705 = arith.select %gt3A_1702, %get3A_1699, %broadcast_in_dim3A_1704 : vector<16xi1>, vector<16xi32>
      %swap3A_1706 = arith.constant 3 : i32
      %swap3A_1707 = arith.index_cast %swap3A_1706 : i32 to index
      %swap3A_1708 = arith.constant 80 : index
      %swap3A_1709 = tpu.vector_load %arg9[%swap3A_1707, %swap3A_1708] {strides = array<i32>} : memref<4x128xi32, #tpu.memory_space<vmem>>, vector<16xi32>,
      tpu.vector_store %arg9[%swap3A_1707, %swap3A_1708], %select_n3A_1705 {strides = array<i32>} : memref<4x128xi32, #tpu.memory_space<vmem>>, vector<16xi32>,
      %get3A_1710 = arith.constant 480 : index
      %get3A_1711 = tpu.vector_load %arg10[%get3A_1710] {strides = array<i32>} : memref<512xf32, #tpu.memory_space<vmem>>, vector<16xf32>,
      %broadcast_in_dim3A_1712 = arith.constant true
      %broadcast_in_dim3A_1713 = vector.broadcast %broadcast_in_dim3A_1712 : i1 to vector<16xi1>
      %masked_cumsum3A_1714 = tpu.scan <sum>, %get3A_1711 masked %broadcast_in_dim3A_1713 : vector<16xf32>, vector<16xi1> -> vector<16xf32>
      %add3A_1715 = vector.broadcast %add3A_1697 : f32 to vector<16xf32>
      %add3A_1716 = arith.addf %add3A_1715, %masked_cumsum3A_1714 : vector<16xf32>
      %sub3A_1717 = arith.subf %add3A_1716, %get3A_1711 : vector<16xf32>
      %swap3A_1718 = arith.constant 480 : index
      %swap3A_1719 = tpu.vector_load %arg11[%swap3A_1718] {strides = array<i32>} : memref<512xf32, #tpu.memory_space<vmem>>, vector<16xf32>,
      tpu.vector_store %arg11[%swap3A_1718], %sub3A_1717 {strides = array<i32>} : memref<512xf32, #tpu.memory_space<vmem>>, vector<16xf32>,
      %reduce_sum3A_1720 = arith.constant true
      %reduce_sum3A_1721 = vector.broadcast %reduce_sum3A_1720 : i1 to vector<16xi1>
      %reduce_sum3A_1722 = tpu.scan <sum>, %get3A_1711 masked %reduce_sum3A_1721 : vector<16xf32>, vector<16xi1> -> vector<16xf32>
      %reduce_sum3A_1723 = vector.extract %reduce_sum3A_1722[15] : f32 from vector<16xf32>
      %add3A_1724 = arith.addf %add3A_1697, %reduce_sum3A_1723 : f32
      %get3A_1725 = arith.constant 480 : index
      %get3A_1726 = tpu.vector_load %arg12[%get3A_1725] {strides = array<i32>} : memref<512xi32, #tpu.memory_space<vmem>>, vector<16xi32>,
      %gt3A_1727 = arith.constant 0.000000e+00 : f32
      %gt3A_1728 = vector.broadcast %gt3A_1727 : f32 to vector<16xf32>
      %gt3A_1729 = arith.cmpf ogt, %get3A_1711, %gt3A_1728 : vector<16xf32>
      %broadcast_in_dim3A_1730 = arith.constant 50 : i32
      %broadcast_in_dim3A_1731 = vector.broadcast %broadcast_in_dim3A_1730 : i32 to vector<16xi32>
      %select_n3A_1732 = arith.select %gt3A_1729, %get3A_1726, %broadcast_in_dim3A_1731 : vector<16xi1>, vector<16xi32>
      %swap3A_1733 = arith.constant 3 : i32
      %swap3A_1734 = arith.index_cast %swap3A_1733 : i32 to index
      %swap3A_1735 = arith.constant 96 : index
      %swap3A_1736 = tpu.vector_load %arg9[%swap3A_1734, %swap3A_1735] {strides = array<i32>} : memref<4x128xi32, #tpu.memory_space<vmem>>, vector<16xi32>,
      tpu.vector_store %arg9[%swap3A_1734, %swap3A_1735], %select_n3A_1732 {strides = array<i32>} : memref<4x128xi32, #tpu.memory_space<vmem>>, vector<16xi32>,
      %get3A_1737 = arith.constant 496 : index
      %get3A_1738 = tpu.vector_load %arg10[%get3A_1737] {strides = array<i32>} : memref<512xf32, #tpu.memory_space<vmem>>, vector<16xf32>,
      %broadcast_in_dim3A_1739 = arith.constant true
      %broadcast_in_dim3A_1740 = vector.broadcast %broadcast_in_dim3A_1739 : i1 to vector<16xi1>
      %masked_cumsum3A_1741 = tpu.scan <sum>, %get3A_1738 masked %broadcast_in_dim3A_1740 : vector<16xf32>, vector<16xi1> -> vector<16xf32>
      %add3A_1742 = vector.broadcast %add3A_1724 : f32 to vector<16xf32>
      %add3A_1743 = arith.addf %add3A_1742, %masked_cumsum3A_1741 : vector<16xf32>
      %sub3A_1744 = arith.subf %add3A_1743, %get3A_1738 : vector<16xf32>
      %swap3A_1745 = arith.constant 496 : index
      %swap3A_1746 = tpu.vector_load %arg11[%swap3A_1745] {strides = array<i32>} : memref<512xf32, #tpu.memory_space<vmem>>, vector<16xf32>,
      tpu.vector_store %arg11[%swap3A_1745], %sub3A_1744 {strides = array<i32>} : memref<512xf32, #tpu.memory_space<vmem>>, vector<16xf32>,
      %reduce_sum3A_1747 = arith.constant true
      %reduce_sum3A_1748 = vector.broadcast %reduce_sum3A_1747 : i1 to vector<16xi1>
      %reduce_sum3A_1749 = tpu.scan <sum>, %get3A_1738 masked %reduce_sum3A_1748 : vector<16xf32>, vector<16xi1> -> vector<16xf32>
      %reduce_sum3A_1750 = vector.extract %reduce_sum3A_1749[15] : f32 from vector<16xf32>
      %add3A_1751 = arith.addf %add3A_1724, %reduce_sum3A_1750 : f32
      %get3A_1752 = arith.constant 496 : index
      %get3A_1753 = tpu.vector_load %arg12[%get3A_1752] {strides = array<i32>} : memref<512xi32, #tpu.memory_space<vmem>>, vector<16xi32>,
      %gt3A_1754 = arith.constant 0.000000e+00 : f32
      %gt3A_1755 = vector.broadcast %gt3A_1754 : f32 to vector<16xf32>
      %gt3A_1756 = arith.cmpf ogt, %get3A_1738, %gt3A_1755 : vector<16xf32>
      %broadcast_in_dim3A_1757 = arith.constant 50 : i32
      %broadcast_in_dim3A_1758 = vector.broadcast %broadcast_in_dim3A_1757 : i32 to vector<16xi32>
      %select_n3A_1759 = arith.select %gt3A_1756, %get3A_1753, %broadcast_in_dim3A_1758 : vector<16xi1>, vector<16xi32>
      %swap3A_1760 = arith.constant 3 : i32
      %swap3A_1761 = arith.index_cast %swap3A_1760 : i32 to index
      %swap3A_1762 = arith.constant 112 : index
      %swap3A_1763 = tpu.vector_load %arg9[%swap3A_1761, %swap3A_1762] {strides = array<i32>} : memref<4x128xi32, #tpu.memory_space<vmem>>, vector<16xi32>,
      tpu.vector_store %arg9[%swap3A_1761, %swap3A_1762], %select_n3A_1759 {strides = array<i32>} : memref<4x128xi32, #tpu.memory_space<vmem>>, vector<16xi32>,
      "tpu.region"() ({
        %run_scoped3A_4064 = tpu.sem_alloc : memref<!tpu.dma_semaphore, #tpu.memory_space<semaphore_mem>>
        %dma_start3A_4065 = arith.constant 0 : i32
        %dma_start3A_4066 = arith.constant 0 : i32
        %dma_start3A_4067 = tpu.memref_slice %arg13[%dma_start3A_4065, %dma_start3A_4066] : memref<512x64xf32, #tpu.memory_space<vmem>> -> memref<500x64xf32, #tpu.memory_space<vmem>>
        %dma_start3A_4068 = arith.constant 0 : i32
        %dma_start3A_4069 = arith.constant 0 : i32
        %dma_start3A_4070 = tpu.memref_slice %arg6[%add3A_825, %dma_start3A_4068, %dma_start3A_4069] : memref<1024x500x64xf32, #tpu.memory_space<hbm>> -> memref<1x500x64xf32, #tpu.memory_space<hbm>>
        %dma_start3A_4071 = tpu.memref_squeeze %dma_start3A_4070 : memref<1x500x64xf32, #tpu.memory_space<hbm>> -> memref<500x64xf32, #tpu.memory_space<hbm>>
        %dma_start3A_4072 = arith.constant 0 : i32
        %dma_start3A_4073 = arith.constant 0 : i32
        %dma_start3A_4074 = tpu.memref_slice %arg6[%add3A_825, %dma_start3A_4072, %dma_start3A_4073] : memref<1024x500x64xf32, #tpu.memory_space<hbm>> -> memref<1x500x64xf32, #tpu.memory_space<hbm>>
        %dma_start3A_4075 = tpu.memref_squeeze %dma_start3A_4074 : memref<1x500x64xf32, #tpu.memory_space<hbm>> -> memref<500x64xf32, #tpu.memory_space<hbm>>
        %dma_start3A_4076 = arith.constant 0 : i32
        %dma_start3A_4077 = arith.constant 0 : i32
        %dma_start3A_4078 = tpu.memref_slice %arg13[%dma_start3A_4076, %dma_start3A_4077] : memref<512x64xf32, #tpu.memory_space<vmem>> -> memref<500x64xf32, #tpu.memory_space<vmem>>
        tpu.enqueue_dma source(%dma_start3A_4078 : memref<500x64xf32, #tpu.memory_space<vmem>>) target(%dma_start3A_4075 : memref<500x64xf32, #tpu.memory_space<hbm>>) target_semaphore(%run_scoped3A_4064 : memref<!tpu.dma_semaphore, #tpu.memory_space<semaphore_mem>>)
        %dma_wait3A_4079 = arith.constant 0 : i32
        %dma_wait3A_4080 = arith.constant 0 : i32
        %dma_wait3A_4081 = tpu.memref_slice %arg13[%dma_wait3A_4079, %dma_wait3A_4080] : memref<512x64xf32, #tpu.memory_space<vmem>> -> memref<500x64xf32, #tpu.memory_space<vmem>>
        %dma_wait3A_4082 = arith.constant 0 : i32
        %dma_wait3A_4083 = arith.constant 0 : i32
        %dma_wait3A_4084 = tpu.memref_slice %arg6[%add3A_825, %dma_wait3A_4082, %dma_wait3A_4083] : memref<1024x500x64xf32, #tpu.memory_space<hbm>> -> memref<1x500x64xf32, #tpu.memory_space<hbm>>
        %dma_wait3A_4085 = tpu.memref_squeeze %dma_wait3A_4084 : memref<1x500x64xf32, #tpu.memory_space<hbm>> -> memref<500x64xf32, #tpu.memory_space<hbm>>
        %dma_wait3A_4086 = arith.constant 0 : i32
        %dma_wait3A_4087 = arith.constant 0 : i32
        %dma_wait3A_4088 = tpu.memref_slice %arg6[%add3A_825, %dma_wait3A_4086, %dma_wait3A_4087] : memref<1024x500x64xf32, #tpu.memory_space<hbm>> -> memref<1x500x64xf32, #tpu.memory_space<hbm>>
        %dma_wait3A_4089 = tpu.memref_squeeze %dma_wait3A_4088 : memref<1x500x64xf32, #tpu.memory_space<hbm>> -> memref<500x64xf32, #tpu.memory_space<hbm>>
        %dma_wait3A_4090 = arith.constant 0 : i32
        %dma_wait3A_4091 = arith.constant 0 : i32
        %dma_wait3A_4092 = tpu.memref_slice %arg13[%dma_wait3A_4090, %dma_wait3A_4091] : memref<512x64xf32, #tpu.memory_space<vmem>> -> memref<500x64xf32, #tpu.memory_space<vmem>>
        tpu.wait_dma2 semaphore(%run_scoped3A_4064 : memref<!tpu.dma_semaphore, #tpu.memory_space<semaphore_mem>>) src(%dma_wait3A_4092 : memref<500x64xf32, #tpu.memory_space<vmem>>) dst(%dma_wait3A_4089 : memref<500x64xf32, #tpu.memory_space<hbm>>)
        tpu.yield
      }) : () -> ()
      %run_scoped3A = arith.constant 0 : i32
      "tpu.region"() ({
        %run_scoped3A_4064 = tpu.sem_alloc : memref<!tpu.dma_semaphore, #tpu.memory_space<semaphore_mem>>
        %dma_start3A_4065 = arith.constant 0 : i32
        %dma_start3A_4066 = arith.constant 0 : i32
        %dma_start3A_4067 = tpu.memref_slice %arg13[%dma_start3A_4065, %dma_start3A_4066] : memref<512x64xf32, #tpu.memory_space<vmem>> -> memref<128x64xf32, #tpu.memory_space<vmem>>
        %dma_start3A_4068 = arith.constant 0 : i32
        %dma_start3A_4069 = tpu.memref_slice %arg9[%run_scoped3A, %dma_start3A_4068] : memref<4x128xi32, #tpu.memory_space<vmem>> -> memref<1x128xi32, #tpu.memory_space<vmem>>
        %dma_start3A_4070 = tpu.memref_squeeze %dma_start3A_4069 : memref<1x128xi32, #tpu.memory_space<vmem>> -> memref<128xi32, #tpu.memory_space<vmem>>
        %dma_start3A_4071 = arith.constant 0 : i32
        %dma_start3A_4072 = arith.constant 0 : i32
        %dma_start3A_4073 = tpu.memref_slice %arg14[%arg1, %dma_start3A_4071, %dma_start3A_4072] : memref<16x51x64xf32, #tpu.memory_space<vmem_shared>> -> memref<1x51x64xf32, #tpu.memory_space<vmem_shared>>
        %dma_start3A_4074 = tpu.memref_squeeze %dma_start3A_4073 : memref<1x51x64xf32, #tpu.memory_space<vmem_shared>> -> memref<51x64xf32, #tpu.memory_space<vmem_shared>>
        %dma_start3A_4075 = arith.constant 0 : i32
        %dma_start3A_4076 = arith.constant 0 : i32
        %dma_start3A_4077 = tpu.memref_slice %dma_start3A_4074[%dma_start3A_4075, %dma_start3A_4076] : memref<51x64xf32, #tpu.memory_space<vmem_shared>> -> memref<51x64xf32, #tpu.memory_space<vmem_shared>>
        tpu.enqueue_indirect_dma source(%dma_start3A_4067 : memref<128x64xf32, #tpu.memory_space<vmem>>) target(%dma_start3A_4077 : memref<51x64xf32, #tpu.memory_space<vmem_shared>>) offsets(%dma_start3A_4070 : memref<128xi32, #tpu.memory_space<vmem>>) semaphore(%run_scoped3A_4064 : memref<!tpu.dma_semaphore, #tpu.memory_space<semaphore_mem>>) {add = true}
        %dma_wait3A_4078 = arith.constant 0 : i32
        %dma_wait3A_4079 = arith.constant 0 : i32
        %dma_wait3A_4080 = tpu.memref_slice %arg13[%dma_wait3A_4078, %dma_wait3A_4079] : memref<512x64xf32, #tpu.memory_space<vmem>> -> memref<128x64xf32, #tpu.memory_space<vmem>>
        %dma_wait3A_4081 = arith.constant 0 : i32
        %dma_wait3A_4082 = tpu.memref_slice %arg9[%run_scoped3A, %dma_wait3A_4081] : memref<4x128xi32, #tpu.memory_space<vmem>> -> memref<1x128xi32, #tpu.memory_space<vmem>>
        %dma_wait3A_4083 = tpu.memref_squeeze %dma_wait3A_4082 : memref<1x128xi32, #tpu.memory_space<vmem>> -> memref<128xi32, #tpu.memory_space<vmem>>
        %dma_wait3A_4084 = arith.constant 0 : i32
        %dma_wait3A_4085 = arith.constant 0 : i32
        %dma_wait3A_4086 = tpu.memref_slice %arg14[%arg1, %dma_wait3A_4084, %dma_wait3A_4085] : memref<16x51x64xf32, #tpu.memory_space<vmem_shared>> -> memref<1x51x64xf32, #tpu.memory_space<vmem_shared>>
        %dma_wait3A_4087 = tpu.memref_squeeze %dma_wait3A_4086 : memref<1x51x64xf32, #tpu.memory_space<vmem_shared>> -> memref<51x64xf32, #tpu.memory_space<vmem_shared>>
        %dma_wait3A_4088 = arith.constant 0 : i32
        %dma_wait3A_4089 = arith.constant 0 : i32
        %dma_wait3A_4090 = tpu.memref_slice %dma_wait3A_4087[%dma_wait3A_4088, %dma_wait3A_4089] : memref<51x64xf32, #tpu.memory_space<vmem_shared>> -> memref<51x64xf32, #tpu.memory_space<vmem_shared>>
        tpu.wait_indirect_dma semaphore(%run_scoped3A_4064 : memref<!tpu.dma_semaphore, #tpu.memory_space<semaphore_mem>>) src(%dma_wait3A_4080 : memref<128x64xf32, #tpu.memory_space<vmem>>) dst(%dma_wait3A_4090 : memref<51x64xf32, #tpu.memory_space<vmem_shared>>)
        tpu.yield
      }) : () -> ()
      %run_scoped3A_1764 = arith.constant 1 : i32
      "tpu.region"() ({
        %run_scoped3A_4064 = tpu.sem_alloc : memref<!tpu.dma_semaphore, #tpu.memory_space<semaphore_mem>>
        %dma_start3A_4065 = arith.constant 128 : i32
        %dma_start3A_4066 = arith.constant 0 : i32
        %dma_start3A_4067 = tpu.memref_slice %arg13[%dma_start3A_4065, %dma_start3A_4066] : memref<512x64xf32, #tpu.memory_space<vmem>> -> memref<128x64xf32, #tpu.memory_space<vmem>>
        %dma_start3A_4068 = arith.constant 0 : i32
        %dma_start3A_4069 = tpu.memref_slice %arg9[%run_scoped3A_1764, %dma_start3A_4068] : memref<4x128xi32, #tpu.memory_space<vmem>> -> memref<1x128xi32, #tpu.memory_space<vmem>>
        %dma_start3A_4070 = tpu.memref_squeeze %dma_start3A_4069 : memref<1x128xi32, #tpu.memory_space<vmem>> -> memref<128xi32, #tpu.memory_space<vmem>>
        %dma_start3A_4071 = arith.constant 0 : i32
        %dma_start3A_4072 = arith.constant 0 : i32
        %dma_start3A_4073 = tpu.memref_slice %arg14[%arg1, %dma_start3A_4071, %dma_start3A_4072] : memref<16x51x64xf32, #tpu.memory_space<vmem_shared>> -> memref<1x51x64xf32, #tpu.memory_space<vmem_shared>>
        %dma_start3A_4074 = tpu.memref_squeeze %dma_start3A_4073 : memref<1x51x64xf32, #tpu.memory_space<vmem_shared>> -> memref<51x64xf32, #tpu.memory_space<vmem_shared>>
        %dma_start3A_4075 = arith.constant 0 : i32
        %dma_start3A_4076 = arith.constant 0 : i32
        %dma_start3A_4077 = tpu.memref_slice %dma_start3A_4074[%dma_start3A_4075, %dma_start3A_4076] : memref<51x64xf32, #tpu.memory_space<vmem_shared>> -> memref<51x64xf32, #tpu.memory_space<vmem_shared>>
        tpu.enqueue_indirect_dma source(%dma_start3A_4067 : memref<128x64xf32, #tpu.memory_space<vmem>>) target(%dma_start3A_4077 : memref<51x64xf32, #tpu.memory_space<vmem_shared>>) offsets(%dma_start3A_4070 : memref<128xi32, #tpu.memory_space<vmem>>) semaphore(%run_scoped3A_4064 : memref<!tpu.dma_semaphore, #tpu.memory_space<semaphore_mem>>) {add = true}
        %dma_wait3A_4078 = arith.constant 128 : i32
        %dma_wait3A_4079 = arith.constant 0 : i32
        %dma_wait3A_4080 = tpu.memref_slice %arg13[%dma_wait3A_4078, %dma_wait3A_4079] : memref<512x64xf32, #tpu.memory_space<vmem>> -> memref<128x64xf32, #tpu.memory_space<vmem>>
        %dma_wait3A_4081 = arith.constant 0 : i32
        %dma_wait3A_4082 = tpu.memref_slice %arg9[%run_scoped3A_1764, %dma_wait3A_4081] : memref<4x128xi32, #tpu.memory_space<vmem>> -> memref<1x128xi32, #tpu.memory_space<vmem>>
        %dma_wait3A_4083 = tpu.memref_squeeze %dma_wait3A_4082 : memref<1x128xi32, #tpu.memory_space<vmem>> -> memref<128xi32, #tpu.memory_space<vmem>>
        %dma_wait3A_4084 = arith.constant 0 : i32
        %dma_wait3A_4085 = arith.constant 0 : i32
        %dma_wait3A_4086 = tpu.memref_slice %arg14[%arg1, %dma_wait3A_4084, %dma_wait3A_4085] : memref<16x51x64xf32, #tpu.memory_space<vmem_shared>> -> memref<1x51x64xf32, #tpu.memory_space<vmem_shared>>
        %dma_wait3A_4087 = tpu.memref_squeeze %dma_wait3A_4086 : memref<1x51x64xf32, #tpu.memory_space<vmem_shared>> -> memref<51x64xf32, #tpu.memory_space<vmem_shared>>
        %dma_wait3A_4088 = arith.constant 0 : i32
        %dma_wait3A_4089 = arith.constant 0 : i32
        %dma_wait3A_4090 = tpu.memref_slice %dma_wait3A_4087[%dma_wait3A_4088, %dma_wait3A_4089] : memref<51x64xf32, #tpu.memory_space<vmem_shared>> -> memref<51x64xf32, #tpu.memory_space<vmem_shared>>
        tpu.wait_indirect_dma semaphore(%run_scoped3A_4064 : memref<!tpu.dma_semaphore, #tpu.memory_space<semaphore_mem>>) src(%dma_wait3A_4080 : memref<128x64xf32, #tpu.memory_space<vmem>>) dst(%dma_wait3A_4090 : memref<51x64xf32, #tpu.memory_space<vmem_shared>>)
        tpu.yield
      }) : () -> ()
      %run_scoped3A_1765 = arith.constant 2 : i32
      "tpu.region"() ({
        %run_scoped3A_4064 = tpu.sem_alloc : memref<!tpu.dma_semaphore, #tpu.memory_space<semaphore_mem>>
        %dma_start3A_4065 = arith.constant 256 : i32
        %dma_start3A_4066 = arith.constant 0 : i32
        %dma_start3A_4067 = tpu.memref_slice %arg13[%dma_start3A_4065, %dma_start3A_4066] : memref<512x64xf32, #tpu.memory_space<vmem>> -> memref<128x64xf32, #tpu.memory_space<vmem>>
        %dma_start3A_4068 = arith.constant 0 : i32
        %dma_start3A_4069 = tpu.memref_slice %arg9[%run_scoped3A_1765, %dma_start3A_4068] : memref<4x128xi32, #tpu.memory_space<vmem>> -> memref<1x128xi32, #tpu.memory_space<vmem>>
        %dma_start3A_4070 = tpu.memref_squeeze %dma_start3A_4069 : memref<1x128xi32, #tpu.memory_space<vmem>> -> memref<128xi32, #tpu.memory_space<vmem>>
        %dma_start3A_4071 = arith.constant 0 : i32
        %dma_start3A_4072 = arith.constant 0 : i32
        %dma_start3A_4073 = tpu.memref_slice %arg14[%arg1, %dma_start3A_4071, %dma_start3A_4072] : memref<16x51x64xf32, #tpu.memory_space<vmem_shared>> -> memref<1x51x64xf32, #tpu.memory_space<vmem_shared>>
        %dma_start3A_4074 = tpu.memref_squeeze %dma_start3A_4073 : memref<1x51x64xf32, #tpu.memory_space<vmem_shared>> -> memref<51x64xf32, #tpu.memory_space<vmem_shared>>
        %dma_start3A_4075 = arith.constant 0 : i32
        %dma_start3A_4076 = arith.constant 0 : i32
        %dma_start3A_4077 = tpu.memref_slice %dma_start3A_4074[%dma_start3A_4075, %dma_start3A_4076] : memref<51x64xf32, #tpu.memory_space<vmem_shared>> -> memref<51x64xf32, #tpu.memory_space<vmem_shared>>
        tpu.enqueue_indirect_dma source(%dma_start3A_4067 : memref<128x64xf32, #tpu.memory_space<vmem>>) target(%dma_start3A_4077 : memref<51x64xf32, #tpu.memory_space<vmem_shared>>) offsets(%dma_start3A_4070 : memref<128xi32, #tpu.memory_space<vmem>>) semaphore(%run_scoped3A_4064 : memref<!tpu.dma_semaphore, #tpu.memory_space<semaphore_mem>>) {add = true}
        %dma_wait3A_4078 = arith.constant 256 : i32
        %dma_wait3A_4079 = arith.constant 0 : i32
        %dma_wait3A_4080 = tpu.memref_slice %arg13[%dma_wait3A_4078, %dma_wait3A_4079] : memref<512x64xf32, #tpu.memory_space<vmem>> -> memref<128x64xf32, #tpu.memory_space<vmem>>
        %dma_wait3A_4081 = arith.constant 0 : i32
        %dma_wait3A_4082 = tpu.memref_slice %arg9[%run_scoped3A_1765, %dma_wait3A_4081] : memref<4x128xi32, #tpu.memory_space<vmem>> -> memref<1x128xi32, #tpu.memory_space<vmem>>
        %dma_wait3A_4083 = tpu.memref_squeeze %dma_wait3A_4082 : memref<1x128xi32, #tpu.memory_space<vmem>> -> memref<128xi32, #tpu.memory_space<vmem>>
        %dma_wait3A_4084 = arith.constant 0 : i32
        %dma_wait3A_4085 = arith.constant 0 : i32
        %dma_wait3A_4086 = tpu.memref_slice %arg14[%arg1, %dma_wait3A_4084, %dma_wait3A_4085] : memref<16x51x64xf32, #tpu.memory_space<vmem_shared>> -> memref<1x51x64xf32, #tpu.memory_space<vmem_shared>>
        %dma_wait3A_4087 = tpu.memref_squeeze %dma_wait3A_4086 : memref<1x51x64xf32, #tpu.memory_space<vmem_shared>> -> memref<51x64xf32, #tpu.memory_space<vmem_shared>>
        %dma_wait3A_4088 = arith.constant 0 : i32
        %dma_wait3A_4089 = arith.constant 0 : i32
        %dma_wait3A_4090 = tpu.memref_slice %dma_wait3A_4087[%dma_wait3A_4088, %dma_wait3A_4089] : memref<51x64xf32, #tpu.memory_space<vmem_shared>> -> memref<51x64xf32, #tpu.memory_space<vmem_shared>>
        tpu.wait_indirect_dma semaphore(%run_scoped3A_4064 : memref<!tpu.dma_semaphore, #tpu.memory_space<semaphore_mem>>) src(%dma_wait3A_4080 : memref<128x64xf32, #tpu.memory_space<vmem>>) dst(%dma_wait3A_4090 : memref<51x64xf32, #tpu.memory_space<vmem_shared>>)
        tpu.yield
      }) : () -> ()
      %run_scoped3A_1766 = arith.constant 3 : i32
      "tpu.region"() ({
        %run_scoped3A_4064 = tpu.sem_alloc : memref<!tpu.dma_semaphore, #tpu.memory_space<semaphore_mem>>
        %dma_start3A_4065 = arith.constant 384 : i32
        %dma_start3A_4066 = arith.constant 0 : i32
        %dma_start3A_4067 = tpu.memref_slice %arg13[%dma_start3A_4065, %dma_start3A_4066] : memref<512x64xf32, #tpu.memory_space<vmem>> -> memref<128x64xf32, #tpu.memory_space<vmem>>
        %dma_start3A_4068 = arith.constant 0 : i32
        %dma_start3A_4069 = tpu.memref_slice %arg9[%run_scoped3A_1766, %dma_start3A_4068] : memref<4x128xi32, #tpu.memory_space<vmem>> -> memref<1x128xi32, #tpu.memory_space<vmem>>
        %dma_start3A_4070 = tpu.memref_squeeze %dma_start3A_4069 : memref<1x128xi32, #tpu.memory_space<vmem>> -> memref<128xi32, #tpu.memory_space<vmem>>
        %dma_start3A_4071 = arith.constant 0 : i32
        %dma_start3A_4072 = arith.constant 0 : i32
        %dma_start3A_4073 = tpu.memref_slice %arg14[%arg1, %dma_start3A_4071, %dma_start3A_4072] : memref<16x51x64xf32, #tpu.memory_space<vmem_shared>> -> memref<1x51x64xf32, #tpu.memory_space<vmem_shared>>
        %dma_start3A_4074 = tpu.memref_squeeze %dma_start3A_4073 : memref<1x51x64xf32, #tpu.memory_space<vmem_shared>> -> memref<51x64xf32, #tpu.memory_space<vmem_shared>>
        %dma_start3A_4075 = arith.constant 0 : i32
        %dma_start3A_4076 = arith.constant 0 : i32
        %dma_start3A_4077 = tpu.memref_slice %dma_start3A_4074[%dma_start3A_4075, %dma_start3A_4076] : memref<51x64xf32, #tpu.memory_space<vmem_shared>> -> memref<51x64xf32, #tpu.memory_space<vmem_shared>>
        tpu.enqueue_indirect_dma source(%dma_start3A_4067 : memref<128x64xf32, #tpu.memory_space<vmem>>) target(%dma_start3A_4077 : memref<51x64xf32, #tpu.memory_space<vmem_shared>>) offsets(%dma_start3A_4070 : memref<128xi32, #tpu.memory_space<vmem>>) semaphore(%run_scoped3A_4064 : memref<!tpu.dma_semaphore, #tpu.memory_space<semaphore_mem>>) {add = true}
        %dma_wait3A_4078 = arith.constant 384 : i32
        %dma_wait3A_4079 = arith.constant 0 : i32
        %dma_wait3A_4080 = tpu.memref_slice %arg13[%dma_wait3A_4078, %dma_wait3A_4079] : memref<512x64xf32, #tpu.memory_space<vmem>> -> memref<128x64xf32, #tpu.memory_space<vmem>>
        %dma_wait3A_4081 = arith.constant 0 : i32
        %dma_wait3A_4082 = tpu.memref_slice %arg9[%run_scoped3A_1766, %dma_wait3A_4081] : memref<4x128xi32, #tpu.memory_space<vmem>> -> memref<1x128xi32, #tpu.memory_space<vmem>>
        %dma_wait3A_4083 = tpu.memref_squeeze %dma_wait3A_4082 : memref<1x128xi32, #tpu.memory_space<vmem>> -> memref<128xi32, #tpu.memory_space<vmem>>
        %dma_wait3A_4084 = arith.constant 0 : i32
        %dma_wait3A_4085 = arith.constant 0 : i32
        %dma_wait3A_4086 = tpu.memref_slice %arg14[%arg1, %dma_wait3A_4084, %dma_wait3A_4085] : memref<16x51x64xf32, #tpu.memory_space<vmem_shared>> -> memref<1x51x64xf32, #tpu.memory_space<vmem_shared>>
        %dma_wait3A_4087 = tpu.memref_squeeze %dma_wait3A_4086 : memref<1x51x64xf32, #tpu.memory_space<vmem_shared>> -> memref<51x64xf32, #tpu.memory_space<vmem_shared>>
        %dma_wait3A_4088 = arith.constant 0 : i32
        %dma_wait3A_4089 = arith.constant 0 : i32
        %dma_wait3A_4090 = tpu.memref_slice %dma_wait3A_4087[%dma_wait3A_4088, %dma_wait3A_4089] : memref<51x64xf32, #tpu.memory_space<vmem_shared>> -> memref<51x64xf32, #tpu.memory_space<vmem_shared>>
        tpu.wait_indirect_dma semaphore(%run_scoped3A_4064 : memref<!tpu.dma_semaphore, #tpu.memory_space<semaphore_mem>>) src(%dma_wait3A_4080 : memref<128x64xf32, #tpu.memory_space<vmem>>) dst(%dma_wait3A_4090 : memref<51x64xf32, #tpu.memory_space<vmem_shared>>)
        tpu.yield
      }) : () -> ()
      "tpu.region"() ({
        %run_scoped3A_4064 = tpu.sem_alloc : memref<!tpu.dma_semaphore, #tpu.memory_space<semaphore_mem>>
        %dma_start3A_4065 = arith.constant 0 : i32
        %dma_start3A_4066 = arith.constant 0 : i32
        %dma_start3A_4067 = tpu.memref_slice %arg14[%arg1, %dma_start3A_4065, %dma_start3A_4066] : memref<16x51x64xf32, #tpu.memory_space<vmem_shared>> -> memref<1x51x64xf32, #tpu.memory_space<vmem_shared>>
        %dma_start3A_4068 = tpu.memref_squeeze %dma_start3A_4067 : memref<1x51x64xf32, #tpu.memory_space<vmem_shared>> -> memref<51x64xf32, #tpu.memory_space<vmem_shared>>
        %dma_start3A_4069 = arith.constant 0 : i32
        %dma_start3A_4070 = arith.constant 0 : i32
        %dma_start3A_4071 = tpu.memref_slice %arg14[%arg1, %dma_start3A_4069, %dma_start3A_4070] : memref<16x51x64xf32, #tpu.memory_space<vmem_shared>> -> memref<1x51x64xf32, #tpu.memory_space<vmem_shared>>
        %dma_start3A_4072 = tpu.memref_squeeze %dma_start3A_4071 : memref<1x51x64xf32, #tpu.memory_space<vmem_shared>> -> memref<51x64xf32, #tpu.memory_space<vmem_shared>>
        tpu.enqueue_dma source(%dma_start3A_4072 : memref<51x64xf32, #tpu.memory_space<vmem_shared>>) target(%arg15 : memref<51x64xf32, #tpu.memory_space<vmem>>) target_semaphore(%run_scoped3A_4064 : memref<!tpu.dma_semaphore, #tpu.memory_space<semaphore_mem>>)
        %dma_wait3A_4073 = arith.constant 0 : i32
        %dma_wait3A_4074 = arith.constant 0 : i32
        %dma_wait3A_4075 = tpu.memref_slice %arg14[%arg1, %dma_wait3A_4073, %dma_wait3A_4074] : memref<16x51x64xf32, #tpu.memory_space<vmem_shared>> -> memref<1x51x64xf32, #tpu.memory_space<vmem_shared>>
        %dma_wait3A_4076 = tpu.memref_squeeze %dma_wait3A_4075 : memref<1x51x64xf32, #tpu.memory_space<vmem_shared>> -> memref<51x64xf32, #tpu.memory_space<vmem_shared>>
        %dma_wait3A_4077 = arith.constant 0 : i32
        %dma_wait3A_4078 = arith.constant 0 : i32
        %dma_wait3A_4079 = tpu.memref_slice %arg14[%arg1, %dma_wait3A_4077, %dma_wait3A_4078] : memref<16x51x64xf32, #tpu.memory_space<vmem_shared>> -> memref<1x51x64xf32, #tpu.memory_space<vmem_shared>>
        %dma_wait3A_4080 = tpu.memref_squeeze %dma_wait3A_4079 : memref<1x51x64xf32, #tpu.memory_space<vmem_shared>> -> memref<51x64xf32, #tpu.memory_space<vmem_shared>>
        tpu.wait_dma2 semaphore(%run_scoped3A_4064 : memref<!tpu.dma_semaphore, #tpu.memory_space<semaphore_mem>>) src(%dma_wait3A_4080 : memref<51x64xf32, #tpu.memory_space<vmem_shared>>) dst(%arg15 : memref<51x64xf32, #tpu.memory_space<vmem>>)
        tpu.yield
      }) : () -> ()
      "tpu.region"() ({
        %run_scoped3A_4064 = tpu.sem_alloc : memref<!tpu.dma_semaphore, #tpu.memory_space<semaphore_mem>>
        %dma_start3A_4065 = arith.constant 0 : i32
        %dma_start3A_4066 = arith.constant 0 : i32
        %dma_start3A_4067 = tpu.memref_slice %arg14[%arg1, %dma_start3A_4065, %dma_start3A_4066] : memref<16x51x64xf32, #tpu.memory_space<vmem_shared>> -> memref<1x51x64xf32, #tpu.memory_space<vmem_shared>>
        %dma_start3A_4068 = tpu.memref_squeeze %dma_start3A_4067 : memref<1x51x64xf32, #tpu.memory_space<vmem_shared>> -> memref<51x64xf32, #tpu.memory_space<vmem_shared>>
        %dma_start3A_4069 = arith.constant 0 : i32
        %dma_start3A_4070 = arith.constant 0 : i32
        %dma_start3A_4071 = tpu.memref_slice %arg14[%arg1, %dma_start3A_4069, %dma_start3A_4070] : memref<16x51x64xf32, #tpu.memory_space<vmem_shared>> -> memref<1x51x64xf32, #tpu.memory_space<vmem_shared>>
        %dma_start3A_4072 = tpu.memref_squeeze %dma_start3A_4071 : memref<1x51x64xf32, #tpu.memory_space<vmem_shared>> -> memref<51x64xf32, #tpu.memory_space<vmem_shared>>
        tpu.enqueue_dma source(%arg16 : memref<51x64xf32, #tpu.memory_space<vmem>>) target(%dma_start3A_4072 : memref<51x64xf32, #tpu.memory_space<vmem_shared>>) target_semaphore(%run_scoped3A_4064 : memref<!tpu.dma_semaphore, #tpu.memory_space<semaphore_mem>>)
        %dma_wait3A_4073 = arith.constant 0 : i32
        %dma_wait3A_4074 = arith.constant 0 : i32
        %dma_wait3A_4075 = tpu.memref_slice %arg14[%arg1, %dma_wait3A_4073, %dma_wait3A_4074] : memref<16x51x64xf32, #tpu.memory_space<vmem_shared>> -> memref<1x51x64xf32, #tpu.memory_space<vmem_shared>>
        %dma_wait3A_4076 = tpu.memref_squeeze %dma_wait3A_4075 : memref<1x51x64xf32, #tpu.memory_space<vmem_shared>> -> memref<51x64xf32, #tpu.memory_space<vmem_shared>>
        %dma_wait3A_4077 = arith.constant 0 : i32
        %dma_wait3A_4078 = arith.constant 0 : i32
        %dma_wait3A_4079 = tpu.memref_slice %arg14[%arg1, %dma_wait3A_4077, %dma_wait3A_4078] : memref<16x51x64xf32, #tpu.memory_space<vmem_shared>> -> memref<1x51x64xf32, #tpu.memory_space<vmem_shared>>
        %dma_wait3A_4080 = tpu.memref_squeeze %dma_wait3A_4079 : memref<1x51x64xf32, #tpu.memory_space<vmem_shared>> -> memref<51x64xf32, #tpu.memory_space<vmem_shared>>
        tpu.wait_dma2 semaphore(%run_scoped3A_4064 : memref<!tpu.dma_semaphore, #tpu.memory_space<semaphore_mem>>) src(%arg16 : memref<51x64xf32, #tpu.memory_space<vmem>>) dst(%dma_wait3A_4080 : memref<51x64xf32, #tpu.memory_space<vmem_shared>>)
        tpu.yield
      }) : () -> ()
      %broadcast_in_dim3A_1767 = arith.constant 0 : i32
      %broadcast_in_dim3A_1768 = vector.broadcast %broadcast_in_dim3A_1767 : i32 to vector<16xi32>
      %gather3A = tpu.vector_load_idx %arg11[%broadcast_in_dim3A_1768] : memref<512xf32, #tpu.memory_space<vmem>>[vector<16xi32>], vector<16xf32>,
      %max3A = arith.constant 1.000000e+00 : f32
      %max3A_1769 = vector.broadcast %max3A : f32 to vector<16xf32>
      %max3A_1770 = arith.maximumf %gather3A, %max3A_1769 : vector<16xf32>
      %get3A_1771 = arith.constant 0 : i32
      %get3A_1772 = arith.index_cast %get3A_1771 : i32 to index
      %get3A_1773 = arith.constant 0 : index
      %get3A_1774 = tpu.vector_load %arg15[%get3A_1772, %get3A_1773] {strides = array<i32>} : memref<51x64xf32, #tpu.memory_space<vmem>>, vector<16xf32>,
      %add3A_1775 = arith.addf %broadcast_in_dim3A_3, %get3A_1774 : vector<16xf32>
      %div3A = arith.divf %add3A_1775, %max3A_1770 : vector<16xf32>
      %swap3A_1776 = arith.constant 0 : i32
      %swap3A_1777 = arith.index_cast %swap3A_1776 : i32 to index
      %swap3A_1778 = arith.constant 0 : index
      %swap3A_1779 = tpu.vector_load %arg17[%swap3A_1777, %swap3A_1778] {strides = array<i32>} : memref<50x64xf32, #tpu.memory_space<vmem>>, vector<16xf32>,
      tpu.vector_store %arg17[%swap3A_1777, %swap3A_1778], %div3A {strides = array<i32>} : memref<50x64xf32, #tpu.memory_space<vmem>>, vector<16xf32>,
      %get3A_1780 = arith.constant 0 : i32
      %get3A_1781 = arith.index_cast %get3A_1780 : i32 to index
      %get3A_1782 = arith.constant 16 : index
      %get3A_1783 = tpu.vector_load %arg15[%get3A_1781, %get3A_1782] {strides = array<i32>} : memref<51x64xf32, #tpu.memory_space<vmem>>, vector<16xf32>,
      %add3A_1784 = arith.addf %broadcast_in_dim3A_3, %get3A_1783 : vector<16xf32>
      %div3A_1785 = arith.divf %add3A_1784, %max3A_1770 : vector<16xf32>
      %swap3A_1786 = arith.constant 0 : i32
      %swap3A_1787 = arith.index_cast %swap3A_1786 : i32 to index
      %swap3A_1788 = arith.constant 16 : index
      %swap3A_1789 = tpu.vector_load %arg17[%swap3A_1787, %swap3A_1788] {strides = array<i32>} : memref<50x64xf32, #tpu.memory_space<vmem>>, vector<16xf32>,
      tpu.vector_store %arg17[%swap3A_1787, %swap3A_1788], %div3A_1785 {strides = array<i32>} : memref<50x64xf32, #tpu.memory_space<vmem>>, vector<16xf32>,
      %get3A_1790 = arith.constant 0 : i32
      %get3A_1791 = arith.index_cast %get3A_1790 : i32 to index
      %get3A_1792 = arith.constant 32 : index
      %get3A_1793 = tpu.vector_load %arg15[%get3A_1791, %get3A_1792] {strides = array<i32>} : memref<51x64xf32, #tpu.memory_space<vmem>>, vector<16xf32>,
      %add3A_1794 = arith.addf %broadcast_in_dim3A_3, %get3A_1793 : vector<16xf32>
      %div3A_1795 = arith.divf %add3A_1794, %max3A_1770 : vector<16xf32>
      %swap3A_1796 = arith.constant 0 : i32
      %swap3A_1797 = arith.index_cast %swap3A_1796 : i32 to index
      %swap3A_1798 = arith.constant 32 : index
      %swap3A_1799 = tpu.vector_load %arg17[%swap3A_1797, %swap3A_1798] {strides = array<i32>} : memref<50x64xf32, #tpu.memory_space<vmem>>, vector<16xf32>,
      tpu.vector_store %arg17[%swap3A_1797, %swap3A_1798], %div3A_1795 {strides = array<i32>} : memref<50x64xf32, #tpu.memory_space<vmem>>, vector<16xf32>,
      %get3A_1800 = arith.constant 0 : i32
      %get3A_1801 = arith.index_cast %get3A_1800 : i32 to index
      %get3A_1802 = arith.constant 48 : index
      %get3A_1803 = tpu.vector_load %arg15[%get3A_1801, %get3A_1802] {strides = array<i32>} : memref<51x64xf32, #tpu.memory_space<vmem>>, vector<16xf32>,
      %add3A_1804 = arith.addf %broadcast_in_dim3A_3, %get3A_1803 : vector<16xf32>
      %div3A_1805 = arith.divf %add3A_1804, %max3A_1770 : vector<16xf32>
      %swap3A_1806 = arith.constant 0 : i32
      %swap3A_1807 = arith.index_cast %swap3A_1806 : i32 to index
      %swap3A_1808 = arith.constant 48 : index
      %swap3A_1809 = tpu.vector_load %arg17[%swap3A_1807, %swap3A_1808] {strides = array<i32>} : memref<50x64xf32, #tpu.memory_space<vmem>>, vector<16xf32>,
      tpu.vector_store %arg17[%swap3A_1807, %swap3A_1808], %div3A_1805 {strides = array<i32>} : memref<50x64xf32, #tpu.memory_space<vmem>>, vector<16xf32>,
      %broadcast_in_dim3A_1810 = arith.constant 10 : i32
      %broadcast_in_dim3A_1811 = vector.broadcast %broadcast_in_dim3A_1810 : i32 to vector<16xi32>
      %gather3A_1812 = tpu.vector_load_idx %arg11[%broadcast_in_dim3A_1811] : memref<512xf32, #tpu.memory_space<vmem>>[vector<16xi32>], vector<16xf32>,
      %max3A_1813 = arith.constant 1.000000e+00 : f32
      %max3A_1814 = vector.broadcast %max3A_1813 : f32 to vector<16xf32>
      %max3A_1815 = arith.maximumf %gather3A_1812, %max3A_1814 : vector<16xf32>
      %get3A_1816 = arith.constant 1 : i32
      %get3A_1817 = arith.index_cast %get3A_1816 : i32 to index
      %get3A_1818 = arith.constant 0 : index
      %get3A_1819 = tpu.vector_load %arg15[%get3A_1817, %get3A_1818] {strides = array<i32>} : memref<51x64xf32, #tpu.memory_space<vmem>>, vector<16xf32>,
      %add3A_1820 = arith.addf %add3A_1775, %get3A_1819 : vector<16xf32>
      %div3A_1821 = arith.divf %add3A_1820, %max3A_1815 : vector<16xf32>
      %swap3A_1822 = arith.constant 1 : i32
      %swap3A_1823 = arith.index_cast %swap3A_1822 : i32 to index
      %swap3A_1824 = arith.constant 0 : index
      %swap3A_1825 = tpu.vector_load %arg17[%swap3A_1823, %swap3A_1824] {strides = array<i32>} : memref<50x64xf32, #tpu.memory_space<vmem>>, vector<16xf32>,
      tpu.vector_store %arg17[%swap3A_1823, %swap3A_1824], %div3A_1821 {strides = array<i32>} : memref<50x64xf32, #tpu.memory_space<vmem>>, vector<16xf32>,
      %get3A_1826 = arith.constant 1 : i32
      %get3A_1827 = arith.index_cast %get3A_1826 : i32 to index
      %get3A_1828 = arith.constant 16 : index
      %get3A_1829 = tpu.vector_load %arg15[%get3A_1827, %get3A_1828] {strides = array<i32>} : memref<51x64xf32, #tpu.memory_space<vmem>>, vector<16xf32>,
      %add3A_1830 = arith.addf %add3A_1784, %get3A_1829 : vector<16xf32>
      %div3A_1831 = arith.divf %add3A_1830, %max3A_1815 : vector<16xf32>
      %swap3A_1832 = arith.constant 1 : i32
      %swap3A_1833 = arith.index_cast %swap3A_1832 : i32 to index
      %swap3A_1834 = arith.constant 16 : index
      %swap3A_1835 = tpu.vector_load %arg17[%swap3A_1833, %swap3A_1834] {strides = array<i32>} : memref<50x64xf32, #tpu.memory_space<vmem>>, vector<16xf32>,
      tpu.vector_store %arg17[%swap3A_1833, %swap3A_1834], %div3A_1831 {strides = array<i32>} : memref<50x64xf32, #tpu.memory_space<vmem>>, vector<16xf32>,
      %get3A_1836 = arith.constant 1 : i32
      %get3A_1837 = arith.index_cast %get3A_1836 : i32 to index
      %get3A_1838 = arith.constant 32 : index
      %get3A_1839 = tpu.vector_load %arg15[%get3A_1837, %get3A_1838] {strides = array<i32>} : memref<51x64xf32, #tpu.memory_space<vmem>>, vector<16xf32>,
      %add3A_1840 = arith.addf %add3A_1794, %get3A_1839 : vector<16xf32>
      %div3A_1841 = arith.divf %add3A_1840, %max3A_1815 : vector<16xf32>
      %swap3A_1842 = arith.constant 1 : i32
      %swap3A_1843 = arith.index_cast %swap3A_1842 : i32 to index
      %swap3A_1844 = arith.constant 32 : index
      %swap3A_1845 = tpu.vector_load %arg17[%swap3A_1843, %swap3A_1844] {strides = array<i32>} : memref<50x64xf32, #tpu.memory_space<vmem>>, vector<16xf32>,
      tpu.vector_store %arg17[%swap3A_1843, %swap3A_1844], %div3A_1841 {strides = array<i32>} : memref<50x64xf32, #tpu.memory_space<vmem>>, vector<16xf32>,
      %get3A_1846 = arith.constant 1 : i32
      %get3A_1847 = arith.index_cast %get3A_1846 : i32 to index
      %get3A_1848 = arith.constant 48 : index
      %get3A_1849 = tpu.vector_load %arg15[%get3A_1847, %get3A_1848] {strides = array<i32>} : memref<51x64xf32, #tpu.memory_space<vmem>>, vector<16xf32>,
      %add3A_1850 = arith.addf %add3A_1804, %get3A_1849 : vector<16xf32>
      %div3A_1851 = arith.divf %add3A_1850, %max3A_1815 : vector<16xf32>
      %swap3A_1852 = arith.constant 1 : i32
      %swap3A_1853 = arith.index_cast %swap3A_1852 : i32 to index
      %swap3A_1854 = arith.constant 48 : index
      %swap3A_1855 = tpu.vector_load %arg17[%swap3A_1853, %swap3A_1854] {strides = array<i32>} : memref<50x64xf32, #tpu.memory_space<vmem>>, vector<16xf32>,
      tpu.vector_store %arg17[%swap3A_1853, %swap3A_1854], %div3A_1851 {strides = array<i32>} : memref<50x64xf32, #tpu.memory_space<vmem>>, vector<16xf32>,
      %broadcast_in_dim3A_1856 = arith.constant 20 : i32
      %broadcast_in_dim3A_1857 = vector.broadcast %broadcast_in_dim3A_1856 : i32 to vector<16xi32>
      %gather3A_1858 = tpu.vector_load_idx %arg11[%broadcast_in_dim3A_1857] : memref<512xf32, #tpu.memory_space<vmem>>[vector<16xi32>], vector<16xf32>,
      %max3A_1859 = arith.constant 1.000000e+00 : f32
      %max3A_1860 = vector.broadcast %max3A_1859 : f32 to vector<16xf32>
      %max3A_1861 = arith.maximumf %gather3A_1858, %max3A_1860 : vector<16xf32>
      %get3A_1862 = arith.constant 2 : i32
      %get3A_1863 = arith.index_cast %get3A_1862 : i32 to index
      %get3A_1864 = arith.constant 0 : index
      %get3A_1865 = tpu.vector_load %arg15[%get3A_1863, %get3A_1864] {strides = array<i32>} : memref<51x64xf32, #tpu.memory_space<vmem>>, vector<16xf32>,
      %add3A_1866 = arith.addf %add3A_1820, %get3A_1865 : vector<16xf32>
      %div3A_1867 = arith.divf %add3A_1866, %max3A_1861 : vector<16xf32>
      %swap3A_1868 = arith.constant 2 : i32
      %swap3A_1869 = arith.index_cast %swap3A_1868 : i32 to index
      %swap3A_1870 = arith.constant 0 : index
      %swap3A_1871 = tpu.vector_load %arg17[%swap3A_1869, %swap3A_1870] {strides = array<i32>} : memref<50x64xf32, #tpu.memory_space<vmem>>, vector<16xf32>,
      tpu.vector_store %arg17[%swap3A_1869, %swap3A_1870], %div3A_1867 {strides = array<i32>} : memref<50x64xf32, #tpu.memory_space<vmem>>, vector<16xf32>,
      %get3A_1872 = arith.constant 2 : i32
      %get3A_1873 = arith.index_cast %get3A_1872 : i32 to index
      %get3A_1874 = arith.constant 16 : index
      %get3A_1875 = tpu.vector_load %arg15[%get3A_1873, %get3A_1874] {strides = array<i32>} : memref<51x64xf32, #tpu.memory_space<vmem>>, vector<16xf32>,
      %add3A_1876 = arith.addf %add3A_1830, %get3A_1875 : vector<16xf32>
      %div3A_1877 = arith.divf %add3A_1876, %max3A_1861 : vector<16xf32>
      %swap3A_1878 = arith.constant 2 : i32
      %swap3A_1879 = arith.index_cast %swap3A_1878 : i32 to index
      %swap3A_1880 = arith.constant 16 : index
      %swap3A_1881 = tpu.vector_load %arg17[%swap3A_1879, %swap3A_1880] {strides = array<i32>} : memref<50x64xf32, #tpu.memory_space<vmem>>, vector<16xf32>,
      tpu.vector_store %arg17[%swap3A_1879, %swap3A_1880], %div3A_1877 {strides = array<i32>} : memref<50x64xf32, #tpu.memory_space<vmem>>, vector<16xf32>,
      %get3A_1882 = arith.constant 2 : i32
      %get3A_1883 = arith.index_cast %get3A_1882 : i32 to index
      %get3A_1884 = arith.constant 32 : index
      %get3A_1885 = tpu.vector_load %arg15[%get3A_1883, %get3A_1884] {strides = array<i32>} : memref<51x64xf32, #tpu.memory_space<vmem>>, vector<16xf32>,
      %add3A_1886 = arith.addf %add3A_1840, %get3A_1885 : vector<16xf32>
      %div3A_1887 = arith.divf %add3A_1886, %max3A_1861 : vector<16xf32>
      %swap3A_1888 = arith.constant 2 : i32
      %swap3A_1889 = arith.index_cast %swap3A_1888 : i32 to index
      %swap3A_1890 = arith.constant 32 : index
      %swap3A_1891 = tpu.vector_load %arg17[%swap3A_1889, %swap3A_1890] {strides = array<i32>} : memref<50x64xf32, #tpu.memory_space<vmem>>, vector<16xf32>,
      tpu.vector_store %arg17[%swap3A_1889, %swap3A_1890], %div3A_1887 {strides = array<i32>} : memref<50x64xf32, #tpu.memory_space<vmem>>, vector<16xf32>,
      %get3A_1892 = arith.constant 2 : i32
      %get3A_1893 = arith.index_cast %get3A_1892 : i32 to index
      %get3A_1894 = arith.constant 48 : index
      %get3A_1895 = tpu.vector_load %arg15[%get3A_1893, %get3A_1894] {strides = array<i32>} : memref<51x64xf32, #tpu.memory_space<vmem>>, vector<16xf32>,
      %add3A_1896 = arith.addf %add3A_1850, %get3A_1895 : vector<16xf32>
      %div3A_1897 = arith.divf %add3A_1896, %max3A_1861 : vector<16xf32>
      %swap3A_1898 = arith.constant 2 : i32
      %swap3A_1899 = arith.index_cast %swap3A_1898 : i32 to index
      %swap3A_1900 = arith.constant 48 : index
      %swap3A_1901 = tpu.vector_load %arg17[%swap3A_1899, %swap3A_1900] {strides = array<i32>} : memref<50x64xf32, #tpu.memory_space<vmem>>, vector<16xf32>,
      tpu.vector_store %arg17[%swap3A_1899, %swap3A_1900], %div3A_1897 {strides = array<i32>} : memref<50x64xf32, #tpu.memory_space<vmem>>, vector<16xf32>,
      %broadcast_in_dim3A_1902 = arith.constant 30 : i32
      %broadcast_in_dim3A_1903 = vector.broadcast %broadcast_in_dim3A_1902 : i32 to vector<16xi32>
      %gather3A_1904 = tpu.vector_load_idx %arg11[%broadcast_in_dim3A_1903] : memref<512xf32, #tpu.memory_space<vmem>>[vector<16xi32>], vector<16xf32>,
      %max3A_1905 = arith.constant 1.000000e+00 : f32
      %max3A_1906 = vector.broadcast %max3A_1905 : f32 to vector<16xf32>
      %max3A_1907 = arith.maximumf %gather3A_1904, %max3A_1906 : vector<16xf32>
      %get3A_1908 = arith.constant 3 : i32
      %get3A_1909 = arith.index_cast %get3A_1908 : i32 to index
      %get3A_1910 = arith.constant 0 : index
      %get3A_1911 = tpu.vector_load %arg15[%get3A_1909, %get3A_1910] {strides = array<i32>} : memref<51x64xf32, #tpu.memory_space<vmem>>, vector<16xf32>,
      %add3A_1912 = arith.addf %add3A_1866, %get3A_1911 : vector<16xf32>
      %div3A_1913 = arith.divf %add3A_1912, %max3A_1907 : vector<16xf32>
      %swap3A_1914 = arith.constant 3 : i32
      %swap3A_1915 = arith.index_cast %swap3A_1914 : i32 to index
      %swap3A_1916 = arith.constant 0 : index
      %swap3A_1917 = tpu.vector_load %arg17[%swap3A_1915, %swap3A_1916] {strides = array<i32>} : memref<50x64xf32, #tpu.memory_space<vmem>>, vector<16xf32>,
      tpu.vector_store %arg17[%swap3A_1915, %swap3A_1916], %div3A_1913 {strides = array<i32>} : memref<50x64xf32, #tpu.memory_space<vmem>>, vector<16xf32>,
      %get3A_1918 = arith.constant 3 : i32
      %get3A_1919 = arith.index_cast %get3A_1918 : i32 to index
      %get3A_1920 = arith.constant 16 : index
      %get3A_1921 = tpu.vector_load %arg15[%get3A_1919, %get3A_1920] {strides = array<i32>} : memref<51x64xf32, #tpu.memory_space<vmem>>, vector<16xf32>,
      %add3A_1922 = arith.addf %add3A_1876, %get3A_1921 : vector<16xf32>
      %div3A_1923 = arith.divf %add3A_1922, %max3A_1907 : vector<16xf32>
      %swap3A_1924 = arith.constant 3 : i32
      %swap3A_1925 = arith.index_cast %swap3A_1924 : i32 to index
      %swap3A_1926 = arith.constant 16 : index
      %swap3A_1927 = tpu.vector_load %arg17[%swap3A_1925, %swap3A_1926] {strides = array<i32>} : memref<50x64xf32, #tpu.memory_space<vmem>>, vector<16xf32>,
      tpu.vector_store %arg17[%swap3A_1925, %swap3A_1926], %div3A_1923 {strides = array<i32>} : memref<50x64xf32, #tpu.memory_space<vmem>>, vector<16xf32>,
      %get3A_1928 = arith.constant 3 : i32
      %get3A_1929 = arith.index_cast %get3A_1928 : i32 to index
      %get3A_1930 = arith.constant 32 : index
      %get3A_1931 = tpu.vector_load %arg15[%get3A_1929, %get3A_1930] {strides = array<i32>} : memref<51x64xf32, #tpu.memory_space<vmem>>, vector<16xf32>,
      %add3A_1932 = arith.addf %add3A_1886, %get3A_1931 : vector<16xf32>
      %div3A_1933 = arith.divf %add3A_1932, %max3A_1907 : vector<16xf32>
      %swap3A_1934 = arith.constant 3 : i32
      %swap3A_1935 = arith.index_cast %swap3A_1934 : i32 to index
      %swap3A_1936 = arith.constant 32 : index
      %swap3A_1937 = tpu.vector_load %arg17[%swap3A_1935, %swap3A_1936] {strides = array<i32>} : memref<50x64xf32, #tpu.memory_space<vmem>>, vector<16xf32>,
      tpu.vector_store %arg17[%swap3A_1935, %swap3A_1936], %div3A_1933 {strides = array<i32>} : memref<50x64xf32, #tpu.memory_space<vmem>>, vector<16xf32>,
      %get3A_1938 = arith.constant 3 : i32
      %get3A_1939 = arith.index_cast %get3A_1938 : i32 to index
      %get3A_1940 = arith.constant 48 : index
      %get3A_1941 = tpu.vector_load %arg15[%get3A_1939, %get3A_1940] {strides = array<i32>} : memref<51x64xf32, #tpu.memory_space<vmem>>, vector<16xf32>,
      %add3A_1942 = arith.addf %add3A_1896, %get3A_1941 : vector<16xf32>
      %div3A_1943 = arith.divf %add3A_1942, %max3A_1907 : vector<16xf32>
      %swap3A_1944 = arith.constant 3 : i32
      %swap3A_1945 = arith.index_cast %swap3A_1944 : i32 to index
      %swap3A_1946 = arith.constant 48 : index
      %swap3A_1947 = tpu.vector_load %arg17[%swap3A_1945, %swap3A_1946] {strides = array<i32>} : memref<50x64xf32, #tpu.memory_space<vmem>>, vector<16xf32>,
      tpu.vector_store %arg17[%swap3A_1945, %swap3A_1946], %div3A_1943 {strides = array<i32>} : memref<50x64xf32, #tpu.memory_space<vmem>>, vector<16xf32>,
      %broadcast_in_dim3A_1948 = arith.constant 40 : i32
      %broadcast_in_dim3A_1949 = vector.broadcast %broadcast_in_dim3A_1948 : i32 to vector<16xi32>
      %gather3A_1950 = tpu.vector_load_idx %arg11[%broadcast_in_dim3A_1949] : memref<512xf32, #tpu.memory_space<vmem>>[vector<16xi32>], vector<16xf32>,
      %max3A_1951 = arith.constant 1.000000e+00 : f32
      %max3A_1952 = vector.broadcast %max3A_1951 : f32 to vector<16xf32>
      %max3A_1953 = arith.maximumf %gather3A_1950, %max3A_1952 : vector<16xf32>
      %get3A_1954 = arith.constant 4 : i32
      %get3A_1955 = arith.index_cast %get3A_1954 : i32 to index
      %get3A_1956 = arith.constant 0 : index
      %get3A_1957 = tpu.vector_load %arg15[%get3A_1955, %get3A_1956] {strides = array<i32>} : memref<51x64xf32, #tpu.memory_space<vmem>>, vector<16xf32>,
      %add3A_1958 = arith.addf %add3A_1912, %get3A_1957 : vector<16xf32>
      %div3A_1959 = arith.divf %add3A_1958, %max3A_1953 : vector<16xf32>
      %swap3A_1960 = arith.constant 4 : i32
      %swap3A_1961 = arith.index_cast %swap3A_1960 : i32 to index
      %swap3A_1962 = arith.constant 0 : index
      %swap3A_1963 = tpu.vector_load %arg17[%swap3A_1961, %swap3A_1962] {strides = array<i32>} : memref<50x64xf32, #tpu.memory_space<vmem>>, vector<16xf32>,
      tpu.vector_store %arg17[%swap3A_1961, %swap3A_1962], %div3A_1959 {strides = array<i32>} : memref<50x64xf32, #tpu.memory_space<vmem>>, vector<16xf32>,
      %get3A_1964 = arith.constant 4 : i32
      %get3A_1965 = arith.index_cast %get3A_1964 : i32 to index
      %get3A_1966 = arith.constant 16 : index
      %get3A_1967 = tpu.vector_load %arg15[%get3A_1965, %get3A_1966] {strides = array<i32>} : memref<51x64xf32, #tpu.memory_space<vmem>>, vector<16xf32>,
      %add3A_1968 = arith.addf %add3A_1922, %get3A_1967 : vector<16xf32>
      %div3A_1969 = arith.divf %add3A_1968, %max3A_1953 : vector<16xf32>
      %swap3A_1970 = arith.constant 4 : i32
      %swap3A_1971 = arith.index_cast %swap3A_1970 : i32 to index
      %swap3A_1972 = arith.constant 16 : index
      %swap3A_1973 = tpu.vector_load %arg17[%swap3A_1971, %swap3A_1972] {strides = array<i32>} : memref<50x64xf32, #tpu.memory_space<vmem>>, vector<16xf32>,
      tpu.vector_store %arg17[%swap3A_1971, %swap3A_1972], %div3A_1969 {strides = array<i32>} : memref<50x64xf32, #tpu.memory_space<vmem>>, vector<16xf32>,
      %get3A_1974 = arith.constant 4 : i32
      %get3A_1975 = arith.index_cast %get3A_1974 : i32 to index
      %get3A_1976 = arith.constant 32 : index
      %get3A_1977 = tpu.vector_load %arg15[%get3A_1975, %get3A_1976] {strides = array<i32>} : memref<51x64xf32, #tpu.memory_space<vmem>>, vector<16xf32>,
      %add3A_1978 = arith.addf %add3A_1932, %get3A_1977 : vector<16xf32>
      %div3A_1979 = arith.divf %add3A_1978, %max3A_1953 : vector<16xf32>
      %swap3A_1980 = arith.constant 4 : i32
      %swap3A_1981 = arith.index_cast %swap3A_1980 : i32 to index
      %swap3A_1982 = arith.constant 32 : index
      %swap3A_1983 = tpu.vector_load %arg17[%swap3A_1981, %swap3A_1982] {strides = array<i32>} : memref<50x64xf32, #tpu.memory_space<vmem>>, vector<16xf32>,
      tpu.vector_store %arg17[%swap3A_1981, %swap3A_1982], %div3A_1979 {strides = array<i32>} : memref<50x64xf32, #tpu.memory_space<vmem>>, vector<16xf32>,
      %get3A_1984 = arith.constant 4 : i32
      %get3A_1985 = arith.index_cast %get3A_1984 : i32 to index
      %get3A_1986 = arith.constant 48 : index
      %get3A_1987 = tpu.vector_load %arg15[%get3A_1985, %get3A_1986] {strides = array<i32>} : memref<51x64xf32, #tpu.memory_space<vmem>>, vector<16xf32>,
      %add3A_1988 = arith.addf %add3A_1942, %get3A_1987 : vector<16xf32>
      %div3A_1989 = arith.divf %add3A_1988, %max3A_1953 : vector<16xf32>
      %swap3A_1990 = arith.constant 4 : i32
      %swap3A_1991 = arith.index_cast %swap3A_1990 : i32 to index
      %swap3A_1992 = arith.constant 48 : index
      %swap3A_1993 = tpu.vector_load %arg17[%swap3A_1991, %swap3A_1992] {strides = array<i32>} : memref<50x64xf32, #tpu.memory_space<vmem>>, vector<16xf32>,
      tpu.vector_store %arg17[%swap3A_1991, %swap3A_1992], %div3A_1989 {strides = array<i32>} : memref<50x64xf32, #tpu.memory_space<vmem>>, vector<16xf32>,
      %broadcast_in_dim3A_1994 = arith.constant 50 : i32
      %broadcast_in_dim3A_1995 = vector.broadcast %broadcast_in_dim3A_1994 : i32 to vector<16xi32>
      %gather3A_1996 = tpu.vector_load_idx %arg11[%broadcast_in_dim3A_1995] : memref<512xf32, #tpu.memory_space<vmem>>[vector<16xi32>], vector<16xf32>,
      %max3A_1997 = arith.constant 1.000000e+00 : f32
      %max3A_1998 = vector.broadcast %max3A_1997 : f32 to vector<16xf32>
      %max3A_1999 = arith.maximumf %gather3A_1996, %max3A_1998 : vector<16xf32>
      %get3A_2000 = arith.constant 5 : i32
      %get3A_2001 = arith.index_cast %get3A_2000 : i32 to index
      %get3A_2002 = arith.constant 0 : index
      %get3A_2003 = tpu.vector_load %arg15[%get3A_2001, %get3A_2002] {strides = array<i32>} : memref<51x64xf32, #tpu.memory_space<vmem>>, vector<16xf32>,
      %add3A_2004 = arith.addf %add3A_1958, %get3A_2003 : vector<16xf32>
      %div3A_2005 = arith.divf %add3A_2004, %max3A_1999 : vector<16xf32>
      %swap3A_2006 = arith.constant 5 : i32
      %swap3A_2007 = arith.index_cast %swap3A_2006 : i32 to index
      %swap3A_2008 = arith.constant 0 : index
      %swap3A_2009 = tpu.vector_load %arg17[%swap3A_2007, %swap3A_2008] {strides = array<i32>} : memref<50x64xf32, #tpu.memory_space<vmem>>, vector<16xf32>,
      tpu.vector_store %arg17[%swap3A_2007, %swap3A_2008], %div3A_2005 {strides = array<i32>} : memref<50x64xf32, #tpu.memory_space<vmem>>, vector<16xf32>,
      %get3A_2010 = arith.constant 5 : i32
      %get3A_2011 = arith.index_cast %get3A_2010 : i32 to index
      %get3A_2012 = arith.constant 16 : index
      %get3A_2013 = tpu.vector_load %arg15[%get3A_2011, %get3A_2012] {strides = array<i32>} : memref<51x64xf32, #tpu.memory_space<vmem>>, vector<16xf32>,
      %add3A_2014 = arith.addf %add3A_1968, %get3A_2013 : vector<16xf32>
      %div3A_2015 = arith.divf %add3A_2014, %max3A_1999 : vector<16xf32>
      %swap3A_2016 = arith.constant 5 : i32
      %swap3A_2017 = arith.index_cast %swap3A_2016 : i32 to index
      %swap3A_2018 = arith.constant 16 : index
      %swap3A_2019 = tpu.vector_load %arg17[%swap3A_2017, %swap3A_2018] {strides = array<i32>} : memref<50x64xf32, #tpu.memory_space<vmem>>, vector<16xf32>,
      tpu.vector_store %arg17[%swap3A_2017, %swap3A_2018], %div3A_2015 {strides = array<i32>} : memref<50x64xf32, #tpu.memory_space<vmem>>, vector<16xf32>,
      %get3A_2020 = arith.constant 5 : i32
      %get3A_2021 = arith.index_cast %get3A_2020 : i32 to index
      %get3A_2022 = arith.constant 32 : index
      %get3A_2023 = tpu.vector_load %arg15[%get3A_2021, %get3A_2022] {strides = array<i32>} : memref<51x64xf32, #tpu.memory_space<vmem>>, vector<16xf32>,
      %add3A_2024 = arith.addf %add3A_1978, %get3A_2023 : vector<16xf32>
      %div3A_2025 = arith.divf %add3A_2024, %max3A_1999 : vector<16xf32>
      %swap3A_2026 = arith.constant 5 : i32
      %swap3A_2027 = arith.index_cast %swap3A_2026 : i32 to index
      %swap3A_2028 = arith.constant 32 : index
      %swap3A_2029 = tpu.vector_load %arg17[%swap3A_2027, %swap3A_2028] {strides = array<i32>} : memref<50x64xf32, #tpu.memory_space<vmem>>, vector<16xf32>,
      tpu.vector_store %arg17[%swap3A_2027, %swap3A_2028], %div3A_2025 {strides = array<i32>} : memref<50x64xf32, #tpu.memory_space<vmem>>, vector<16xf32>,
      %get3A_2030 = arith.constant 5 : i32
      %get3A_2031 = arith.index_cast %get3A_2030 : i32 to index
      %get3A_2032 = arith.constant 48 : index
      %get3A_2033 = tpu.vector_load %arg15[%get3A_2031, %get3A_2032] {strides = array<i32>} : memref<51x64xf32, #tpu.memory_space<vmem>>, vector<16xf32>,
      %add3A_2034 = arith.addf %add3A_1988, %get3A_2033 : vector<16xf32>
      %div3A_2035 = arith.divf %add3A_2034, %max3A_1999 : vector<16xf32>
      %swap3A_2036 = arith.constant 5 : i32
      %swap3A_2037 = arith.index_cast %swap3A_2036 : i32 to index
      %swap3A_2038 = arith.constant 48 : index
      %swap3A_2039 = tpu.vector_load %arg17[%swap3A_2037, %swap3A_2038] {strides = array<i32>} : memref<50x64xf32, #tpu.memory_space<vmem>>, vector<16xf32>,
      tpu.vector_store %arg17[%swap3A_2037, %swap3A_2038], %div3A_2035 {strides = array<i32>} : memref<50x64xf32, #tpu.memory_space<vmem>>, vector<16xf32>,
      %broadcast_in_dim3A_2040 = arith.constant 60 : i32
      %broadcast_in_dim3A_2041 = vector.broadcast %broadcast_in_dim3A_2040 : i32 to vector<16xi32>
      %gather3A_2042 = tpu.vector_load_idx %arg11[%broadcast_in_dim3A_2041] : memref<512xf32, #tpu.memory_space<vmem>>[vector<16xi32>], vector<16xf32>,
      %max3A_2043 = arith.constant 1.000000e+00 : f32
      %max3A_2044 = vector.broadcast %max3A_2043 : f32 to vector<16xf32>
      %max3A_2045 = arith.maximumf %gather3A_2042, %max3A_2044 : vector<16xf32>
      %get3A_2046 = arith.constant 6 : i32
      %get3A_2047 = arith.index_cast %get3A_2046 : i32 to index
      %get3A_2048 = arith.constant 0 : index
      %get3A_2049 = tpu.vector_load %arg15[%get3A_2047, %get3A_2048] {strides = array<i32>} : memref<51x64xf32, #tpu.memory_space<vmem>>, vector<16xf32>,
      %add3A_2050 = arith.addf %add3A_2004, %get3A_2049 : vector<16xf32>
      %div3A_2051 = arith.divf %add3A_2050, %max3A_2045 : vector<16xf32>
      %swap3A_2052 = arith.constant 6 : i32
      %swap3A_2053 = arith.index_cast %swap3A_2052 : i32 to index
      %swap3A_2054 = arith.constant 0 : index
      %swap3A_2055 = tpu.vector_load %arg17[%swap3A_2053, %swap3A_2054] {strides = array<i32>} : memref<50x64xf32, #tpu.memory_space<vmem>>, vector<16xf32>,
      tpu.vector_store %arg17[%swap3A_2053, %swap3A_2054], %div3A_2051 {strides = array<i32>} : memref<50x64xf32, #tpu.memory_space<vmem>>, vector<16xf32>,
      %get3A_2056 = arith.constant 6 : i32
      %get3A_2057 = arith.index_cast %get3A_2056 : i32 to index
      %get3A_2058 = arith.constant 16 : index
      %get3A_2059 = tpu.vector_load %arg15[%get3A_2057, %get3A_2058] {strides = array<i32>} : memref<51x64xf32, #tpu.memory_space<vmem>>, vector<16xf32>,
      %add3A_2060 = arith.addf %add3A_2014, %get3A_2059 : vector<16xf32>
      %div3A_2061 = arith.divf %add3A_2060, %max3A_2045 : vector<16xf32>
      %swap3A_2062 = arith.constant 6 : i32
      %swap3A_2063 = arith.index_cast %swap3A_2062 : i32 to index
      %swap3A_2064 = arith.constant 16 : index
      %swap3A_2065 = tpu.vector_load %arg17[%swap3A_2063, %swap3A_2064] {strides = array<i32>} : memref<50x64xf32, #tpu.memory_space<vmem>>, vector<16xf32>,
      tpu.vector_store %arg17[%swap3A_2063, %swap3A_2064], %div3A_2061 {strides = array<i32>} : memref<50x64xf32, #tpu.memory_space<vmem>>, vector<16xf32>,
      %get3A_2066 = arith.constant 6 : i32
      %get3A_2067 = arith.index_cast %get3A_2066 : i32 to index
      %get3A_2068 = arith.constant 32 : index
      %get3A_2069 = tpu.vector_load %arg15[%get3A_2067, %get3A_2068] {strides = array<i32>} : memref<51x64xf32, #tpu.memory_space<vmem>>, vector<16xf32>,
      %add3A_2070 = arith.addf %add3A_2024, %get3A_2069 : vector<16xf32>
      %div3A_2071 = arith.divf %add3A_2070, %max3A_2045 : vector<16xf32>
      %swap3A_2072 = arith.constant 6 : i32
      %swap3A_2073 = arith.index_cast %swap3A_2072 : i32 to index
      %swap3A_2074 = arith.constant 32 : index
      %swap3A_2075 = tpu.vector_load %arg17[%swap3A_2073, %swap3A_2074] {strides = array<i32>} : memref<50x64xf32, #tpu.memory_space<vmem>>, vector<16xf32>,
      tpu.vector_store %arg17[%swap3A_2073, %swap3A_2074], %div3A_2071 {strides = array<i32>} : memref<50x64xf32, #tpu.memory_space<vmem>>, vector<16xf32>,
      %get3A_2076 = arith.constant 6 : i32
      %get3A_2077 = arith.index_cast %get3A_2076 : i32 to index
      %get3A_2078 = arith.constant 48 : index
      %get3A_2079 = tpu.vector_load %arg15[%get3A_2077, %get3A_2078] {strides = array<i32>} : memref<51x64xf32, #tpu.memory_space<vmem>>, vector<16xf32>,
      %add3A_2080 = arith.addf %add3A_2034, %get3A_2079 : vector<16xf32>
      %div3A_2081 = arith.divf %add3A_2080, %max3A_2045 : vector<16xf32>
      %swap3A_2082 = arith.constant 6 : i32
      %swap3A_2083 = arith.index_cast %swap3A_2082 : i32 to index
      %swap3A_2084 = arith.constant 48 : index
      %swap3A_2085 = tpu.vector_load %arg17[%swap3A_2083, %swap3A_2084] {strides = array<i32>} : memref<50x64xf32, #tpu.memory_space<vmem>>, vector<16xf32>,
      tpu.vector_store %arg17[%swap3A_2083, %swap3A_2084], %div3A_2081 {strides = array<i32>} : memref<50x64xf32, #tpu.memory_space<vmem>>, vector<16xf32>,
      %broadcast_in_dim3A_2086 = arith.constant 70 : i32
      %broadcast_in_dim3A_2087 = vector.broadcast %broadcast_in_dim3A_2086 : i32 to vector<16xi32>
      %gather3A_2088 = tpu.vector_load_idx %arg11[%broadcast_in_dim3A_2087] : memref<512xf32, #tpu.memory_space<vmem>>[vector<16xi32>], vector<16xf32>,
      %max3A_2089 = arith.constant 1.000000e+00 : f32
      %max3A_2090 = vector.broadcast %max3A_2089 : f32 to vector<16xf32>
      %max3A_2091 = arith.maximumf %gather3A_2088, %max3A_2090 : vector<16xf32>
      %get3A_2092 = arith.constant 7 : i32
      %get3A_2093 = arith.index_cast %get3A_2092 : i32 to index
      %get3A_2094 = arith.constant 0 : index
      %get3A_2095 = tpu.vector_load %arg15[%get3A_2093, %get3A_2094] {strides = array<i32>} : memref<51x64xf32, #tpu.memory_space<vmem>>, vector<16xf32>,
      %add3A_2096 = arith.addf %add3A_2050, %get3A_2095 : vector<16xf32>
      %div3A_2097 = arith.divf %add3A_2096, %max3A_2091 : vector<16xf32>
      %swap3A_2098 = arith.constant 7 : i32
      %swap3A_2099 = arith.index_cast %swap3A_2098 : i32 to index
      %swap3A_2100 = arith.constant 0 : index
      %swap3A_2101 = tpu.vector_load %arg17[%swap3A_2099, %swap3A_2100] {strides = array<i32>} : memref<50x64xf32, #tpu.memory_space<vmem>>, vector<16xf32>,
      tpu.vector_store %arg17[%swap3A_2099, %swap3A_2100], %div3A_2097 {strides = array<i32>} : memref<50x64xf32, #tpu.memory_space<vmem>>, vector<16xf32>,
      %get3A_2102 = arith.constant 7 : i32
      %get3A_2103 = arith.index_cast %get3A_2102 : i32 to index
      %get3A_2104 = arith.constant 16 : index
      %get3A_2105 = tpu.vector_load %arg15[%get3A_2103, %get3A_2104] {strides = array<i32>} : memref<51x64xf32, #tpu.memory_space<vmem>>, vector<16xf32>,
      %add3A_2106 = arith.addf %add3A_2060, %get3A_2105 : vector<16xf32>
      %div3A_2107 = arith.divf %add3A_2106, %max3A_2091 : vector<16xf32>
      %swap3A_2108 = arith.constant 7 : i32
      %swap3A_2109 = arith.index_cast %swap3A_2108 : i32 to index
      %swap3A_2110 = arith.constant 16 : index
      %swap3A_2111 = tpu.vector_load %arg17[%swap3A_2109, %swap3A_2110] {strides = array<i32>} : memref<50x64xf32, #tpu.memory_space<vmem>>, vector<16xf32>,
      tpu.vector_store %arg17[%swap3A_2109, %swap3A_2110], %div3A_2107 {strides = array<i32>} : memref<50x64xf32, #tpu.memory_space<vmem>>, vector<16xf32>,
      %get3A_2112 = arith.constant 7 : i32
      %get3A_2113 = arith.index_cast %get3A_2112 : i32 to index
      %get3A_2114 = arith.constant 32 : index
      %get3A_2115 = tpu.vector_load %arg15[%get3A_2113, %get3A_2114] {strides = array<i32>} : memref<51x64xf32, #tpu.memory_space<vmem>>, vector<16xf32>,
      %add3A_2116 = arith.addf %add3A_2070, %get3A_2115 : vector<16xf32>
      %div3A_2117 = arith.divf %add3A_2116, %max3A_2091 : vector<16xf32>
      %swap3A_2118 = arith.constant 7 : i32
      %swap3A_2119 = arith.index_cast %swap3A_2118 : i32 to index
      %swap3A_2120 = arith.constant 32 : index
      %swap3A_2121 = tpu.vector_load %arg17[%swap3A_2119, %swap3A_2120] {strides = array<i32>} : memref<50x64xf32, #tpu.memory_space<vmem>>, vector<16xf32>,
      tpu.vector_store %arg17[%swap3A_2119, %swap3A_2120], %div3A_2117 {strides = array<i32>} : memref<50x64xf32, #tpu.memory_space<vmem>>, vector<16xf32>,
      %get3A_2122 = arith.constant 7 : i32
      %get3A_2123 = arith.index_cast %get3A_2122 : i32 to index
      %get3A_2124 = arith.constant 48 : index
      %get3A_2125 = tpu.vector_load %arg15[%get3A_2123, %get3A_2124] {strides = array<i32>} : memref<51x64xf32, #tpu.memory_space<vmem>>, vector<16xf32>,
      %add3A_2126 = arith.addf %add3A_2080, %get3A_2125 : vector<16xf32>
      %div3A_2127 = arith.divf %add3A_2126, %max3A_2091 : vector<16xf32>
      %swap3A_2128 = arith.constant 7 : i32
      %swap3A_2129 = arith.index_cast %swap3A_2128 : i32 to index
      %swap3A_2130 = arith.constant 48 : index
      %swap3A_2131 = tpu.vector_load %arg17[%swap3A_2129, %swap3A_2130] {strides = array<i32>} : memref<50x64xf32, #tpu.memory_space<vmem>>, vector<16xf32>,
      tpu.vector_store %arg17[%swap3A_2129, %swap3A_2130], %div3A_2127 {strides = array<i32>} : memref<50x64xf32, #tpu.memory_space<vmem>>, vector<16xf32>,
      %broadcast_in_dim3A_2132 = arith.constant 80 : i32
      %broadcast_in_dim3A_2133 = vector.broadcast %broadcast_in_dim3A_2132 : i32 to vector<16xi32>
      %gather3A_2134 = tpu.vector_load_idx %arg11[%broadcast_in_dim3A_2133] : memref<512xf32, #tpu.memory_space<vmem>>[vector<16xi32>], vector<16xf32>,
      %max3A_2135 = arith.constant 1.000000e+00 : f32
      %max3A_2136 = vector.broadcast %max3A_2135 : f32 to vector<16xf32>
      %max3A_2137 = arith.maximumf %gather3A_2134, %max3A_2136 : vector<16xf32>
      %get3A_2138 = arith.constant 8 : i32
      %get3A_2139 = arith.index_cast %get3A_2138 : i32 to index
      %get3A_2140 = arith.constant 0 : index
      %get3A_2141 = tpu.vector_load %arg15[%get3A_2139, %get3A_2140] {strides = array<i32>} : memref<51x64xf32, #tpu.memory_space<vmem>>, vector<16xf32>,
      %add3A_2142 = arith.addf %add3A_2096, %get3A_2141 : vector<16xf32>
      %div3A_2143 = arith.divf %add3A_2142, %max3A_2137 : vector<16xf32>
      %swap3A_2144 = arith.constant 8 : i32
      %swap3A_2145 = arith.index_cast %swap3A_2144 : i32 to index
      %swap3A_2146 = arith.constant 0 : index
      %swap3A_2147 = tpu.vector_load %arg17[%swap3A_2145, %swap3A_2146] {strides = array<i32>} : memref<50x64xf32, #tpu.memory_space<vmem>>, vector<16xf32>,
      tpu.vector_store %arg17[%swap3A_2145, %swap3A_2146], %div3A_2143 {strides = array<i32>} : memref<50x64xf32, #tpu.memory_space<vmem>>, vector<16xf32>,
      %get3A_2148 = arith.constant 8 : i32
      %get3A_2149 = arith.index_cast %get3A_2148 : i32 to index
      %get3A_2150 = arith.constant 16 : index
      %get3A_2151 = tpu.vector_load %arg15[%get3A_2149, %get3A_2150] {strides = array<i32>} : memref<51x64xf32, #tpu.memory_space<vmem>>, vector<16xf32>,
      %add3A_2152 = arith.addf %add3A_2106, %get3A_2151 : vector<16xf32>
      %div3A_2153 = arith.divf %add3A_2152, %max3A_2137 : vector<16xf32>
      %swap3A_2154 = arith.constant 8 : i32
      %swap3A_2155 = arith.index_cast %swap3A_2154 : i32 to index
      %swap3A_2156 = arith.constant 16 : index
      %swap3A_2157 = tpu.vector_load %arg17[%swap3A_2155, %swap3A_2156] {strides = array<i32>} : memref<50x64xf32, #tpu.memory_space<vmem>>, vector<16xf32>,
      tpu.vector_store %arg17[%swap3A_2155, %swap3A_2156], %div3A_2153 {strides = array<i32>} : memref<50x64xf32, #tpu.memory_space<vmem>>, vector<16xf32>,
      %get3A_2158 = arith.constant 8 : i32
      %get3A_2159 = arith.index_cast %get3A_2158 : i32 to index
      %get3A_2160 = arith.constant 32 : index
      %get3A_2161 = tpu.vector_load %arg15[%get3A_2159, %get3A_2160] {strides = array<i32>} : memref<51x64xf32, #tpu.memory_space<vmem>>, vector<16xf32>,
      %add3A_2162 = arith.addf %add3A_2116, %get3A_2161 : vector<16xf32>
      %div3A_2163 = arith.divf %add3A_2162, %max3A_2137 : vector<16xf32>
      %swap3A_2164 = arith.constant 8 : i32
      %swap3A_2165 = arith.index_cast %swap3A_2164 : i32 to index
      %swap3A_2166 = arith.constant 32 : index
      %swap3A_2167 = tpu.vector_load %arg17[%swap3A_2165, %swap3A_2166] {strides = array<i32>} : memref<50x64xf32, #tpu.memory_space<vmem>>, vector<16xf32>,
      tpu.vector_store %arg17[%swap3A_2165, %swap3A_2166], %div3A_2163 {strides = array<i32>} : memref<50x64xf32, #tpu.memory_space<vmem>>, vector<16xf32>,
      %get3A_2168 = arith.constant 8 : i32
      %get3A_2169 = arith.index_cast %get3A_2168 : i32 to index
      %get3A_2170 = arith.constant 48 : index
      %get3A_2171 = tpu.vector_load %arg15[%get3A_2169, %get3A_2170] {strides = array<i32>} : memref<51x64xf32, #tpu.memory_space<vmem>>, vector<16xf32>,
      %add3A_2172 = arith.addf %add3A_2126, %get3A_2171 : vector<16xf32>
      %div3A_2173 = arith.divf %add3A_2172, %max3A_2137 : vector<16xf32>
      %swap3A_2174 = arith.constant 8 : i32
      %swap3A_2175 = arith.index_cast %swap3A_2174 : i32 to index
      %swap3A_2176 = arith.constant 48 : index
      %swap3A_2177 = tpu.vector_load %arg17[%swap3A_2175, %swap3A_2176] {strides = array<i32>} : memref<50x64xf32, #tpu.memory_space<vmem>>, vector<16xf32>,
      tpu.vector_store %arg17[%swap3A_2175, %swap3A_2176], %div3A_2173 {strides = array<i32>} : memref<50x64xf32, #tpu.memory_space<vmem>>, vector<16xf32>,
      %broadcast_in_dim3A_2178 = arith.constant 90 : i32
      %broadcast_in_dim3A_2179 = vector.broadcast %broadcast_in_dim3A_2178 : i32 to vector<16xi32>
      %gather3A_2180 = tpu.vector_load_idx %arg11[%broadcast_in_dim3A_2179] : memref<512xf32, #tpu.memory_space<vmem>>[vector<16xi32>], vector<16xf32>,
      %max3A_2181 = arith.constant 1.000000e+00 : f32
      %max3A_2182 = vector.broadcast %max3A_2181 : f32 to vector<16xf32>
      %max3A_2183 = arith.maximumf %gather3A_2180, %max3A_2182 : vector<16xf32>
      %get3A_2184 = arith.constant 9 : i32
      %get3A_2185 = arith.index_cast %get3A_2184 : i32 to index
      %get3A_2186 = arith.constant 0 : index
      %get3A_2187 = tpu.vector_load %arg15[%get3A_2185, %get3A_2186] {strides = array<i32>} : memref<51x64xf32, #tpu.memory_space<vmem>>, vector<16xf32>,
      %add3A_2188 = arith.addf %add3A_2142, %get3A_2187 : vector<16xf32>
      %div3A_2189 = arith.divf %add3A_2188, %max3A_2183 : vector<16xf32>
      %swap3A_2190 = arith.constant 9 : i32
      %swap3A_2191 = arith.index_cast %swap3A_2190 : i32 to index
      %swap3A_2192 = arith.constant 0 : index
      %swap3A_2193 = tpu.vector_load %arg17[%swap3A_2191, %swap3A_2192] {strides = array<i32>} : memref<50x64xf32, #tpu.memory_space<vmem>>, vector<16xf32>,
      tpu.vector_store %arg17[%swap3A_2191, %swap3A_2192], %div3A_2189 {strides = array<i32>} : memref<50x64xf32, #tpu.memory_space<vmem>>, vector<16xf32>,
      %get3A_2194 = arith.constant 9 : i32
      %get3A_2195 = arith.index_cast %get3A_2194 : i32 to index
      %get3A_2196 = arith.constant 16 : index
      %get3A_2197 = tpu.vector_load %arg15[%get3A_2195, %get3A_2196] {strides = array<i32>} : memref<51x64xf32, #tpu.memory_space<vmem>>, vector<16xf32>,
      %add3A_2198 = arith.addf %add3A_2152, %get3A_2197 : vector<16xf32>
      %div3A_2199 = arith.divf %add3A_2198, %max3A_2183 : vector<16xf32>
      %swap3A_2200 = arith.constant 9 : i32
      %swap3A_2201 = arith.index_cast %swap3A_2200 : i32 to index
      %swap3A_2202 = arith.constant 16 : index
      %swap3A_2203 = tpu.vector_load %arg17[%swap3A_2201, %swap3A_2202] {strides = array<i32>} : memref<50x64xf32, #tpu.memory_space<vmem>>, vector<16xf32>,
      tpu.vector_store %arg17[%swap3A_2201, %swap3A_2202], %div3A_2199 {strides = array<i32>} : memref<50x64xf32, #tpu.memory_space<vmem>>, vector<16xf32>,
      %get3A_2204 = arith.constant 9 : i32
      %get3A_2205 = arith.index_cast %get3A_2204 : i32 to index
      %get3A_2206 = arith.constant 32 : index
      %get3A_2207 = tpu.vector_load %arg15[%get3A_2205, %get3A_2206] {strides = array<i32>} : memref<51x64xf32, #tpu.memory_space<vmem>>, vector<16xf32>,
      %add3A_2208 = arith.addf %add3A_2162, %get3A_2207 : vector<16xf32>
      %div3A_2209 = arith.divf %add3A_2208, %max3A_2183 : vector<16xf32>
      %swap3A_2210 = arith.constant 9 : i32
      %swap3A_2211 = arith.index_cast %swap3A_2210 : i32 to index
      %swap3A_2212 = arith.constant 32 : index
      %swap3A_2213 = tpu.vector_load %arg17[%swap3A_2211, %swap3A_2212] {strides = array<i32>} : memref<50x64xf32, #tpu.memory_space<vmem>>, vector<16xf32>,
      tpu.vector_store %arg17[%swap3A_2211, %swap3A_2212], %div3A_2209 {strides = array<i32>} : memref<50x64xf32, #tpu.memory_space<vmem>>, vector<16xf32>,
      %get3A_2214 = arith.constant 9 : i32
      %get3A_2215 = arith.index_cast %get3A_2214 : i32 to index
      %get3A_2216 = arith.constant 48 : index
      %get3A_2217 = tpu.vector_load %arg15[%get3A_2215, %get3A_2216] {strides = array<i32>} : memref<51x64xf32, #tpu.memory_space<vmem>>, vector<16xf32>,
      %add3A_2218 = arith.addf %add3A_2172, %get3A_2217 : vector<16xf32>
      %div3A_2219 = arith.divf %add3A_2218, %max3A_2183 : vector<16xf32>
      %swap3A_2220 = arith.constant 9 : i32
      %swap3A_2221 = arith.index_cast %swap3A_2220 : i32 to index
      %swap3A_2222 = arith.constant 48 : index
      %swap3A_2223 = tpu.vector_load %arg17[%swap3A_2221, %swap3A_2222] {strides = array<i32>} : memref<50x64xf32, #tpu.memory_space<vmem>>, vector<16xf32>,
      tpu.vector_store %arg17[%swap3A_2221, %swap3A_2222], %div3A_2219 {strides = array<i32>} : memref<50x64xf32, #tpu.memory_space<vmem>>, vector<16xf32>,
      %broadcast_in_dim3A_2224 = arith.constant 100 : i32
      %broadcast_in_dim3A_2225 = vector.broadcast %broadcast_in_dim3A_2224 : i32 to vector<16xi32>
      %gather3A_2226 = tpu.vector_load_idx %arg11[%broadcast_in_dim3A_2225] : memref<512xf32, #tpu.memory_space<vmem>>[vector<16xi32>], vector<16xf32>,
      %max3A_2227 = arith.constant 1.000000e+00 : f32
      %max3A_2228 = vector.broadcast %max3A_2227 : f32 to vector<16xf32>
      %max3A_2229 = arith.maximumf %gather3A_2226, %max3A_2228 : vector<16xf32>
      %get3A_2230 = arith.constant 10 : i32
      %get3A_2231 = arith.index_cast %get3A_2230 : i32 to index
      %get3A_2232 = arith.constant 0 : index
      %get3A_2233 = tpu.vector_load %arg15[%get3A_2231, %get3A_2232] {strides = array<i32>} : memref<51x64xf32, #tpu.memory_space<vmem>>, vector<16xf32>,
      %add3A_2234 = arith.addf %add3A_2188, %get3A_2233 : vector<16xf32>
      %div3A_2235 = arith.divf %add3A_2234, %max3A_2229 : vector<16xf32>
      %swap3A_2236 = arith.constant 10 : i32
      %swap3A_2237 = arith.index_cast %swap3A_2236 : i32 to index
      %swap3A_2238 = arith.constant 0 : index
      %swap3A_2239 = tpu.vector_load %arg17[%swap3A_2237, %swap3A_2238] {strides = array<i32>} : memref<50x64xf32, #tpu.memory_space<vmem>>, vector<16xf32>,
      tpu.vector_store %arg17[%swap3A_2237, %swap3A_2238], %div3A_2235 {strides = array<i32>} : memref<50x64xf32, #tpu.memory_space<vmem>>, vector<16xf32>,
      %get3A_2240 = arith.constant 10 : i32
      %get3A_2241 = arith.index_cast %get3A_2240 : i32 to index
      %get3A_2242 = arith.constant 16 : index
      %get3A_2243 = tpu.vector_load %arg15[%get3A_2241, %get3A_2242] {strides = array<i32>} : memref<51x64xf32, #tpu.memory_space<vmem>>, vector<16xf32>,
      %add3A_2244 = arith.addf %add3A_2198, %get3A_2243 : vector<16xf32>
      %div3A_2245 = arith.divf %add3A_2244, %max3A_2229 : vector<16xf32>
      %swap3A_2246 = arith.constant 10 : i32
      %swap3A_2247 = arith.index_cast %swap3A_2246 : i32 to index
      %swap3A_2248 = arith.constant 16 : index
      %swap3A_2249 = tpu.vector_load %arg17[%swap3A_2247, %swap3A_2248] {strides = array<i32>} : memref<50x64xf32, #tpu.memory_space<vmem>>, vector<16xf32>,
      tpu.vector_store %arg17[%swap3A_2247, %swap3A_2248], %div3A_2245 {strides = array<i32>} : memref<50x64xf32, #tpu.memory_space<vmem>>, vector<16xf32>,
      %get3A_2250 = arith.constant 10 : i32
      %get3A_2251 = arith.index_cast %get3A_2250 : i32 to index
      %get3A_2252 = arith.constant 32 : index
      %get3A_2253 = tpu.vector_load %arg15[%get3A_2251, %get3A_2252] {strides = array<i32>} : memref<51x64xf32, #tpu.memory_space<vmem>>, vector<16xf32>,
      %add3A_2254 = arith.addf %add3A_2208, %get3A_2253 : vector<16xf32>
      %div3A_2255 = arith.divf %add3A_2254, %max3A_2229 : vector<16xf32>
      %swap3A_2256 = arith.constant 10 : i32
      %swap3A_2257 = arith.index_cast %swap3A_2256 : i32 to index
      %swap3A_2258 = arith.constant 32 : index
      %swap3A_2259 = tpu.vector_load %arg17[%swap3A_2257, %swap3A_2258] {strides = array<i32>} : memref<50x64xf32, #tpu.memory_space<vmem>>, vector<16xf32>,
      tpu.vector_store %arg17[%swap3A_2257, %swap3A_2258], %div3A_2255 {strides = array<i32>} : memref<50x64xf32, #tpu.memory_space<vmem>>, vector<16xf32>,
      %get3A_2260 = arith.constant 10 : i32
      %get3A_2261 = arith.index_cast %get3A_2260 : i32 to index
      %get3A_2262 = arith.constant 48 : index
      %get3A_2263 = tpu.vector_load %arg15[%get3A_2261, %get3A_2262] {strides = array<i32>} : memref<51x64xf32, #tpu.memory_space<vmem>>, vector<16xf32>,
      %add3A_2264 = arith.addf %add3A_2218, %get3A_2263 : vector<16xf32>
      %div3A_2265 = arith.divf %add3A_2264, %max3A_2229 : vector<16xf32>
      %swap3A_2266 = arith.constant 10 : i32
      %swap3A_2267 = arith.index_cast %swap3A_2266 : i32 to index
      %swap3A_2268 = arith.constant 48 : index
      %swap3A_2269 = tpu.vector_load %arg17[%swap3A_2267, %swap3A_2268] {strides = array<i32>} : memref<50x64xf32, #tpu.memory_space<vmem>>, vector<16xf32>,
      tpu.vector_store %arg17[%swap3A_2267, %swap3A_2268], %div3A_2265 {strides = array<i32>} : memref<50x64xf32, #tpu.memory_space<vmem>>, vector<16xf32>,
      %broadcast_in_dim3A_2270 = arith.constant 110 : i32
      %broadcast_in_dim3A_2271 = vector.broadcast %broadcast_in_dim3A_2270 : i32 to vector<16xi32>
      %gather3A_2272 = tpu.vector_load_idx %arg11[%broadcast_in_dim3A_2271] : memref<512xf32, #tpu.memory_space<vmem>>[vector<16xi32>], vector<16xf32>,
      %max3A_2273 = arith.constant 1.000000e+00 : f32
      %max3A_2274 = vector.broadcast %max3A_2273 : f32 to vector<16xf32>
      %max3A_2275 = arith.maximumf %gather3A_2272, %max3A_2274 : vector<16xf32>
      %get3A_2276 = arith.constant 11 : i32
      %get3A_2277 = arith.index_cast %get3A_2276 : i32 to index
      %get3A_2278 = arith.constant 0 : index
      %get3A_2279 = tpu.vector_load %arg15[%get3A_2277, %get3A_2278] {strides = array<i32>} : memref<51x64xf32, #tpu.memory_space<vmem>>, vector<16xf32>,
      %add3A_2280 = arith.addf %add3A_2234, %get3A_2279 : vector<16xf32>
      %div3A_2281 = arith.divf %add3A_2280, %max3A_2275 : vector<16xf32>
      %swap3A_2282 = arith.constant 11 : i32
      %swap3A_2283 = arith.index_cast %swap3A_2282 : i32 to index
      %swap3A_2284 = arith.constant 0 : index
      %swap3A_2285 = tpu.vector_load %arg17[%swap3A_2283, %swap3A_2284] {strides = array<i32>} : memref<50x64xf32, #tpu.memory_space<vmem>>, vector<16xf32>,
      tpu.vector_store %arg17[%swap3A_2283, %swap3A_2284], %div3A_2281 {strides = array<i32>} : memref<50x64xf32, #tpu.memory_space<vmem>>, vector<16xf32>,
      %get3A_2286 = arith.constant 11 : i32
      %get3A_2287 = arith.index_cast %get3A_2286 : i32 to index
      %get3A_2288 = arith.constant 16 : index
      %get3A_2289 = tpu.vector_load %arg15[%get3A_2287, %get3A_2288] {strides = array<i32>} : memref<51x64xf32, #tpu.memory_space<vmem>>, vector<16xf32>,
      %add3A_2290 = arith.addf %add3A_2244, %get3A_2289 : vector<16xf32>
      %div3A_2291 = arith.divf %add3A_2290, %max3A_2275 : vector<16xf32>
      %swap3A_2292 = arith.constant 11 : i32
      %swap3A_2293 = arith.index_cast %swap3A_2292 : i32 to index
      %swap3A_2294 = arith.constant 16 : index
      %swap3A_2295 = tpu.vector_load %arg17[%swap3A_2293, %swap3A_2294] {strides = array<i32>} : memref<50x64xf32, #tpu.memory_space<vmem>>, vector<16xf32>,
      tpu.vector_store %arg17[%swap3A_2293, %swap3A_2294], %div3A_2291 {strides = array<i32>} : memref<50x64xf32, #tpu.memory_space<vmem>>, vector<16xf32>,
      %get3A_2296 = arith.constant 11 : i32
      %get3A_2297 = arith.index_cast %get3A_2296 : i32 to index
      %get3A_2298 = arith.constant 32 : index
      %get3A_2299 = tpu.vector_load %arg15[%get3A_2297, %get3A_2298] {strides = array<i32>} : memref<51x64xf32, #tpu.memory_space<vmem>>, vector<16xf32>,
      %add3A_2300 = arith.addf %add3A_2254, %get3A_2299 : vector<16xf32>
      %div3A_2301 = arith.divf %add3A_2300, %max3A_2275 : vector<16xf32>
      %swap3A_2302 = arith.constant 11 : i32
      %swap3A_2303 = arith.index_cast %swap3A_2302 : i32 to index
      %swap3A_2304 = arith.constant 32 : index
      %swap3A_2305 = tpu.vector_load %arg17[%swap3A_2303, %swap3A_2304] {strides = array<i32>} : memref<50x64xf32, #tpu.memory_space<vmem>>, vector<16xf32>,
      tpu.vector_store %arg17[%swap3A_2303, %swap3A_2304], %div3A_2301 {strides = array<i32>} : memref<50x64xf32, #tpu.memory_space<vmem>>, vector<16xf32>,
      %get3A_2306 = arith.constant 11 : i32
      %get3A_2307 = arith.index_cast %get3A_2306 : i32 to index
      %get3A_2308 = arith.constant 48 : index
      %get3A_2309 = tpu.vector_load %arg15[%get3A_2307, %get3A_2308] {strides = array<i32>} : memref<51x64xf32, #tpu.memory_space<vmem>>, vector<16xf32>,
      %add3A_2310 = arith.addf %add3A_2264, %get3A_2309 : vector<16xf32>
      %div3A_2311 = arith.divf %add3A_2310, %max3A_2275 : vector<16xf32>
      %swap3A_2312 = arith.constant 11 : i32
      %swap3A_2313 = arith.index_cast %swap3A_2312 : i32 to index
      %swap3A_2314 = arith.constant 48 : index
      %swap3A_2315 = tpu.vector_load %arg17[%swap3A_2313, %swap3A_2314] {strides = array<i32>} : memref<50x64xf32, #tpu.memory_space<vmem>>, vector<16xf32>,
      tpu.vector_store %arg17[%swap3A_2313, %swap3A_2314], %div3A_2311 {strides = array<i32>} : memref<50x64xf32, #tpu.memory_space<vmem>>, vector<16xf32>,
      %broadcast_in_dim3A_2316 = arith.constant 120 : i32
      %broadcast_in_dim3A_2317 = vector.broadcast %broadcast_in_dim3A_2316 : i32 to vector<16xi32>
      %gather3A_2318 = tpu.vector_load_idx %arg11[%broadcast_in_dim3A_2317] : memref<512xf32, #tpu.memory_space<vmem>>[vector<16xi32>], vector<16xf32>,
      %max3A_2319 = arith.constant 1.000000e+00 : f32
      %max3A_2320 = vector.broadcast %max3A_2319 : f32 to vector<16xf32>
      %max3A_2321 = arith.maximumf %gather3A_2318, %max3A_2320 : vector<16xf32>
      %get3A_2322 = arith.constant 12 : i32
      %get3A_2323 = arith.index_cast %get3A_2322 : i32 to index
      %get3A_2324 = arith.constant 0 : index
      %get3A_2325 = tpu.vector_load %arg15[%get3A_2323, %get3A_2324] {strides = array<i32>} : memref<51x64xf32, #tpu.memory_space<vmem>>, vector<16xf32>,
      %add3A_2326 = arith.addf %add3A_2280, %get3A_2325 : vector<16xf32>
      %div3A_2327 = arith.divf %add3A_2326, %max3A_2321 : vector<16xf32>
      %swap3A_2328 = arith.constant 12 : i32
      %swap3A_2329 = arith.index_cast %swap3A_2328 : i32 to index
      %swap3A_2330 = arith.constant 0 : index
      %swap3A_2331 = tpu.vector_load %arg17[%swap3A_2329, %swap3A_2330] {strides = array<i32>} : memref<50x64xf32, #tpu.memory_space<vmem>>, vector<16xf32>,
      tpu.vector_store %arg17[%swap3A_2329, %swap3A_2330], %div3A_2327 {strides = array<i32>} : memref<50x64xf32, #tpu.memory_space<vmem>>, vector<16xf32>,
      %get3A_2332 = arith.constant 12 : i32
      %get3A_2333 = arith.index_cast %get3A_2332 : i32 to index
      %get3A_2334 = arith.constant 16 : index
      %get3A_2335 = tpu.vector_load %arg15[%get3A_2333, %get3A_2334] {strides = array<i32>} : memref<51x64xf32, #tpu.memory_space<vmem>>, vector<16xf32>,
      %add3A_2336 = arith.addf %add3A_2290, %get3A_2335 : vector<16xf32>
      %div3A_2337 = arith.divf %add3A_2336, %max3A_2321 : vector<16xf32>
      %swap3A_2338 = arith.constant 12 : i32
      %swap3A_2339 = arith.index_cast %swap3A_2338 : i32 to index
      %swap3A_2340 = arith.constant 16 : index
      %swap3A_2341 = tpu.vector_load %arg17[%swap3A_2339, %swap3A_2340] {strides = array<i32>} : memref<50x64xf32, #tpu.memory_space<vmem>>, vector<16xf32>,
      tpu.vector_store %arg17[%swap3A_2339, %swap3A_2340], %div3A_2337 {strides = array<i32>} : memref<50x64xf32, #tpu.memory_space<vmem>>, vector<16xf32>,
      %get3A_2342 = arith.constant 12 : i32
      %get3A_2343 = arith.index_cast %get3A_2342 : i32 to index
      %get3A_2344 = arith.constant 32 : index
      %get3A_2345 = tpu.vector_load %arg15[%get3A_2343, %get3A_2344] {strides = array<i32>} : memref<51x64xf32, #tpu.memory_space<vmem>>, vector<16xf32>,
      %add3A_2346 = arith.addf %add3A_2300, %get3A_2345 : vector<16xf32>
      %div3A_2347 = arith.divf %add3A_2346, %max3A_2321 : vector<16xf32>
      %swap3A_2348 = arith.constant 12 : i32
      %swap3A_2349 = arith.index_cast %swap3A_2348 : i32 to index
      %swap3A_2350 = arith.constant 32 : index
      %swap3A_2351 = tpu.vector_load %arg17[%swap3A_2349, %swap3A_2350] {strides = array<i32>} : memref<50x64xf32, #tpu.memory_space<vmem>>, vector<16xf32>,
      tpu.vector_store %arg17[%swap3A_2349, %swap3A_2350], %div3A_2347 {strides = array<i32>} : memref<50x64xf32, #tpu.memory_space<vmem>>, vector<16xf32>,
      %get3A_2352 = arith.constant 12 : i32
      %get3A_2353 = arith.index_cast %get3A_2352 : i32 to index
      %get3A_2354 = arith.constant 48 : index
      %get3A_2355 = tpu.vector_load %arg15[%get3A_2353, %get3A_2354] {strides = array<i32>} : memref<51x64xf32, #tpu.memory_space<vmem>>, vector<16xf32>,
      %add3A_2356 = arith.addf %add3A_2310, %get3A_2355 : vector<16xf32>
      %div3A_2357 = arith.divf %add3A_2356, %max3A_2321 : vector<16xf32>
      %swap3A_2358 = arith.constant 12 : i32
      %swap3A_2359 = arith.index_cast %swap3A_2358 : i32 to index
      %swap3A_2360 = arith.constant 48 : index
      %swap3A_2361 = tpu.vector_load %arg17[%swap3A_2359, %swap3A_2360] {strides = array<i32>} : memref<50x64xf32, #tpu.memory_space<vmem>>, vector<16xf32>,
      tpu.vector_store %arg17[%swap3A_2359, %swap3A_2360], %div3A_2357 {strides = array<i32>} : memref<50x64xf32, #tpu.memory_space<vmem>>, vector<16xf32>,
      %broadcast_in_dim3A_2362 = arith.constant 130 : i32
      %broadcast_in_dim3A_2363 = vector.broadcast %broadcast_in_dim3A_2362 : i32 to vector<16xi32>
      %gather3A_2364 = tpu.vector_load_idx %arg11[%broadcast_in_dim3A_2363] : memref<512xf32, #tpu.memory_space<vmem>>[vector<16xi32>], vector<16xf32>,
      %max3A_2365 = arith.constant 1.000000e+00 : f32
      %max3A_2366 = vector.broadcast %max3A_2365 : f32 to vector<16xf32>
      %max3A_2367 = arith.maximumf %gather3A_2364, %max3A_2366 : vector<16xf32>
      %get3A_2368 = arith.constant 13 : i32
      %get3A_2369 = arith.index_cast %get3A_2368 : i32 to index
      %get3A_2370 = arith.constant 0 : index
      %get3A_2371 = tpu.vector_load %arg15[%get3A_2369, %get3A_2370] {strides = array<i32>} : memref<51x64xf32, #tpu.memory_space<vmem>>, vector<16xf32>,
      %add3A_2372 = arith.addf %add3A_2326, %get3A_2371 : vector<16xf32>
      %div3A_2373 = arith.divf %add3A_2372, %max3A_2367 : vector<16xf32>
      %swap3A_2374 = arith.constant 13 : i32
      %swap3A_2375 = arith.index_cast %swap3A_2374 : i32 to index
      %swap3A_2376 = arith.constant 0 : index
      %swap3A_2377 = tpu.vector_load %arg17[%swap3A_2375, %swap3A_2376] {strides = array<i32>} : memref<50x64xf32, #tpu.memory_space<vmem>>, vector<16xf32>,
      tpu.vector_store %arg17[%swap3A_2375, %swap3A_2376], %div3A_2373 {strides = array<i32>} : memref<50x64xf32, #tpu.memory_space<vmem>>, vector<16xf32>,
      %get3A_2378 = arith.constant 13 : i32
      %get3A_2379 = arith.index_cast %get3A_2378 : i32 to index
      %get3A_2380 = arith.constant 16 : index
      %get3A_2381 = tpu.vector_load %arg15[%get3A_2379, %get3A_2380] {strides = array<i32>} : memref<51x64xf32, #tpu.memory_space<vmem>>, vector<16xf32>,
      %add3A_2382 = arith.addf %add3A_2336, %get3A_2381 : vector<16xf32>
      %div3A_2383 = arith.divf %add3A_2382, %max3A_2367 : vector<16xf32>
      %swap3A_2384 = arith.constant 13 : i32
      %swap3A_2385 = arith.index_cast %swap3A_2384 : i32 to index
      %swap3A_2386 = arith.constant 16 : index
      %swap3A_2387 = tpu.vector_load %arg17[%swap3A_2385, %swap3A_2386] {strides = array<i32>} : memref<50x64xf32, #tpu.memory_space<vmem>>, vector<16xf32>,
      tpu.vector_store %arg17[%swap3A_2385, %swap3A_2386], %div3A_2383 {strides = array<i32>} : memref<50x64xf32, #tpu.memory_space<vmem>>, vector<16xf32>,
      %get3A_2388 = arith.constant 13 : i32
      %get3A_2389 = arith.index_cast %get3A_2388 : i32 to index
      %get3A_2390 = arith.constant 32 : index
      %get3A_2391 = tpu.vector_load %arg15[%get3A_2389, %get3A_2390] {strides = array<i32>} : memref<51x64xf32, #tpu.memory_space<vmem>>, vector<16xf32>,
      %add3A_2392 = arith.addf %add3A_2346, %get3A_2391 : vector<16xf32>
      %div3A_2393 = arith.divf %add3A_2392, %max3A_2367 : vector<16xf32>
      %swap3A_2394 = arith.constant 13 : i32
      %swap3A_2395 = arith.index_cast %swap3A_2394 : i32 to index
      %swap3A_2396 = arith.constant 32 : index
      %swap3A_2397 = tpu.vector_load %arg17[%swap3A_2395, %swap3A_2396] {strides = array<i32>} : memref<50x64xf32, #tpu.memory_space<vmem>>, vector<16xf32>,
      tpu.vector_store %arg17[%swap3A_2395, %swap3A_2396], %div3A_2393 {strides = array<i32>} : memref<50x64xf32, #tpu.memory_space<vmem>>, vector<16xf32>,
      %get3A_2398 = arith.constant 13 : i32
      %get3A_2399 = arith.index_cast %get3A_2398 : i32 to index
      %get3A_2400 = arith.constant 48 : index
      %get3A_2401 = tpu.vector_load %arg15[%get3A_2399, %get3A_2400] {strides = array<i32>} : memref<51x64xf32, #tpu.memory_space<vmem>>, vector<16xf32>,
      %add3A_2402 = arith.addf %add3A_2356, %get3A_2401 : vector<16xf32>
      %div3A_2403 = arith.divf %add3A_2402, %max3A_2367 : vector<16xf32>
      %swap3A_2404 = arith.constant 13 : i32
      %swap3A_2405 = arith.index_cast %swap3A_2404 : i32 to index
      %swap3A_2406 = arith.constant 48 : index
      %swap3A_2407 = tpu.vector_load %arg17[%swap3A_2405, %swap3A_2406] {strides = array<i32>} : memref<50x64xf32, #tpu.memory_space<vmem>>, vector<16xf32>,
      tpu.vector_store %arg17[%swap3A_2405, %swap3A_2406], %div3A_2403 {strides = array<i32>} : memref<50x64xf32, #tpu.memory_space<vmem>>, vector<16xf32>,
      %broadcast_in_dim3A_2408 = arith.constant 140 : i32
      %broadcast_in_dim3A_2409 = vector.broadcast %broadcast_in_dim3A_2408 : i32 to vector<16xi32>
      %gather3A_2410 = tpu.vector_load_idx %arg11[%broadcast_in_dim3A_2409] : memref<512xf32, #tpu.memory_space<vmem>>[vector<16xi32>], vector<16xf32>,
      %max3A_2411 = arith.constant 1.000000e+00 : f32
      %max3A_2412 = vector.broadcast %max3A_2411 : f32 to vector<16xf32>
      %max3A_2413 = arith.maximumf %gather3A_2410, %max3A_2412 : vector<16xf32>
      %get3A_2414 = arith.constant 14 : i32
      %get3A_2415 = arith.index_cast %get3A_2414 : i32 to index
      %get3A_2416 = arith.constant 0 : index
      %get3A_2417 = tpu.vector_load %arg15[%get3A_2415, %get3A_2416] {strides = array<i32>} : memref<51x64xf32, #tpu.memory_space<vmem>>, vector<16xf32>,
      %add3A_2418 = arith.addf %add3A_2372, %get3A_2417 : vector<16xf32>
      %div3A_2419 = arith.divf %add3A_2418, %max3A_2413 : vector<16xf32>
      %swap3A_2420 = arith.constant 14 : i32
      %swap3A_2421 = arith.index_cast %swap3A_2420 : i32 to index
      %swap3A_2422 = arith.constant 0 : index
      %swap3A_2423 = tpu.vector_load %arg17[%swap3A_2421, %swap3A_2422] {strides = array<i32>} : memref<50x64xf32, #tpu.memory_space<vmem>>, vector<16xf32>,
      tpu.vector_store %arg17[%swap3A_2421, %swap3A_2422], %div3A_2419 {strides = array<i32>} : memref<50x64xf32, #tpu.memory_space<vmem>>, vector<16xf32>,
      %get3A_2424 = arith.constant 14 : i32
      %get3A_2425 = arith.index_cast %get3A_2424 : i32 to index
      %get3A_2426 = arith.constant 16 : index
      %get3A_2427 = tpu.vector_load %arg15[%get3A_2425, %get3A_2426] {strides = array<i32>} : memref<51x64xf32, #tpu.memory_space<vmem>>, vector<16xf32>,
      %add3A_2428 = arith.addf %add3A_2382, %get3A_2427 : vector<16xf32>
      %div3A_2429 = arith.divf %add3A_2428, %max3A_2413 : vector<16xf32>
      %swap3A_2430 = arith.constant 14 : i32
      %swap3A_2431 = arith.index_cast %swap3A_2430 : i32 to index
      %swap3A_2432 = arith.constant 16 : index
      %swap3A_2433 = tpu.vector_load %arg17[%swap3A_2431, %swap3A_2432] {strides = array<i32>} : memref<50x64xf32, #tpu.memory_space<vmem>>, vector<16xf32>,
      tpu.vector_store %arg17[%swap3A_2431, %swap3A_2432], %div3A_2429 {strides = array<i32>} : memref<50x64xf32, #tpu.memory_space<vmem>>, vector<16xf32>,
      %get3A_2434 = arith.constant 14 : i32
      %get3A_2435 = arith.index_cast %get3A_2434 : i32 to index
      %get3A_2436 = arith.constant 32 : index
      %get3A_2437 = tpu.vector_load %arg15[%get3A_2435, %get3A_2436] {strides = array<i32>} : memref<51x64xf32, #tpu.memory_space<vmem>>, vector<16xf32>,
      %add3A_2438 = arith.addf %add3A_2392, %get3A_2437 : vector<16xf32>
      %div3A_2439 = arith.divf %add3A_2438, %max3A_2413 : vector<16xf32>
      %swap3A_2440 = arith.constant 14 : i32
      %swap3A_2441 = arith.index_cast %swap3A_2440 : i32 to index
      %swap3A_2442 = arith.constant 32 : index
      %swap3A_2443 = tpu.vector_load %arg17[%swap3A_2441, %swap3A_2442] {strides = array<i32>} : memref<50x64xf32, #tpu.memory_space<vmem>>, vector<16xf32>,
      tpu.vector_store %arg17[%swap3A_2441, %swap3A_2442], %div3A_2439 {strides = array<i32>} : memref<50x64xf32, #tpu.memory_space<vmem>>, vector<16xf32>,
      %get3A_2444 = arith.constant 14 : i32
      %get3A_2445 = arith.index_cast %get3A_2444 : i32 to index
      %get3A_2446 = arith.constant 48 : index
      %get3A_2447 = tpu.vector_load %arg15[%get3A_2445, %get3A_2446] {strides = array<i32>} : memref<51x64xf32, #tpu.memory_space<vmem>>, vector<16xf32>,
      %add3A_2448 = arith.addf %add3A_2402, %get3A_2447 : vector<16xf32>
      %div3A_2449 = arith.divf %add3A_2448, %max3A_2413 : vector<16xf32>
      %swap3A_2450 = arith.constant 14 : i32
      %swap3A_2451 = arith.index_cast %swap3A_2450 : i32 to index
      %swap3A_2452 = arith.constant 48 : index
      %swap3A_2453 = tpu.vector_load %arg17[%swap3A_2451, %swap3A_2452] {strides = array<i32>} : memref<50x64xf32, #tpu.memory_space<vmem>>, vector<16xf32>,
      tpu.vector_store %arg17[%swap3A_2451, %swap3A_2452], %div3A_2449 {strides = array<i32>} : memref<50x64xf32, #tpu.memory_space<vmem>>, vector<16xf32>,
      %broadcast_in_dim3A_2454 = arith.constant 150 : i32
      %broadcast_in_dim3A_2455 = vector.broadcast %broadcast_in_dim3A_2454 : i32 to vector<16xi32>
      %gather3A_2456 = tpu.vector_load_idx %arg11[%broadcast_in_dim3A_2455] : memref<512xf32, #tpu.memory_space<vmem>>[vector<16xi32>], vector<16xf32>,
      %max3A_2457 = arith.constant 1.000000e+00 : f32
      %max3A_2458 = vector.broadcast %max3A_2457 : f32 to vector<16xf32>
      %max3A_2459 = arith.maximumf %gather3A_2456, %max3A_2458 : vector<16xf32>
      %get3A_2460 = arith.constant 15 : i32
      %get3A_2461 = arith.index_cast %get3A_2460 : i32 to index
      %get3A_2462 = arith.constant 0 : index
      %get3A_2463 = tpu.vector_load %arg15[%get3A_2461, %get3A_2462] {strides = array<i32>} : memref<51x64xf32, #tpu.memory_space<vmem>>, vector<16xf32>,
      %add3A_2464 = arith.addf %add3A_2418, %get3A_2463 : vector<16xf32>
      %div3A_2465 = arith.divf %add3A_2464, %max3A_2459 : vector<16xf32>
      %swap3A_2466 = arith.constant 15 : i32
      %swap3A_2467 = arith.index_cast %swap3A_2466 : i32 to index
      %swap3A_2468 = arith.constant 0 : index
      %swap3A_2469 = tpu.vector_load %arg17[%swap3A_2467, %swap3A_2468] {strides = array<i32>} : memref<50x64xf32, #tpu.memory_space<vmem>>, vector<16xf32>,
      tpu.vector_store %arg17[%swap3A_2467, %swap3A_2468], %div3A_2465 {strides = array<i32>} : memref<50x64xf32, #tpu.memory_space<vmem>>, vector<16xf32>,
      %get3A_2470 = arith.constant 15 : i32
      %get3A_2471 = arith.index_cast %get3A_2470 : i32 to index
      %get3A_2472 = arith.constant 16 : index
      %get3A_2473 = tpu.vector_load %arg15[%get3A_2471, %get3A_2472] {strides = array<i32>} : memref<51x64xf32, #tpu.memory_space<vmem>>, vector<16xf32>,
      %add3A_2474 = arith.addf %add3A_2428, %get3A_2473 : vector<16xf32>
      %div3A_2475 = arith.divf %add3A_2474, %max3A_2459 : vector<16xf32>
      %swap3A_2476 = arith.constant 15 : i32
      %swap3A_2477 = arith.index_cast %swap3A_2476 : i32 to index
      %swap3A_2478 = arith.constant 16 : index
      %swap3A_2479 = tpu.vector_load %arg17[%swap3A_2477, %swap3A_2478] {strides = array<i32>} : memref<50x64xf32, #tpu.memory_space<vmem>>, vector<16xf32>,
      tpu.vector_store %arg17[%swap3A_2477, %swap3A_2478], %div3A_2475 {strides = array<i32>} : memref<50x64xf32, #tpu.memory_space<vmem>>, vector<16xf32>,
      %get3A_2480 = arith.constant 15 : i32
      %get3A_2481 = arith.index_cast %get3A_2480 : i32 to index
      %get3A_2482 = arith.constant 32 : index
      %get3A_2483 = tpu.vector_load %arg15[%get3A_2481, %get3A_2482] {strides = array<i32>} : memref<51x64xf32, #tpu.memory_space<vmem>>, vector<16xf32>,
      %add3A_2484 = arith.addf %add3A_2438, %get3A_2483 : vector<16xf32>
      %div3A_2485 = arith.divf %add3A_2484, %max3A_2459 : vector<16xf32>
      %swap3A_2486 = arith.constant 15 : i32
      %swap3A_2487 = arith.index_cast %swap3A_2486 : i32 to index
      %swap3A_2488 = arith.constant 32 : index
      %swap3A_2489 = tpu.vector_load %arg17[%swap3A_2487, %swap3A_2488] {strides = array<i32>} : memref<50x64xf32, #tpu.memory_space<vmem>>, vector<16xf32>,
      tpu.vector_store %arg17[%swap3A_2487, %swap3A_2488], %div3A_2485 {strides = array<i32>} : memref<50x64xf32, #tpu.memory_space<vmem>>, vector<16xf32>,
      %get3A_2490 = arith.constant 15 : i32
      %get3A_2491 = arith.index_cast %get3A_2490 : i32 to index
      %get3A_2492 = arith.constant 48 : index
      %get3A_2493 = tpu.vector_load %arg15[%get3A_2491, %get3A_2492] {strides = array<i32>} : memref<51x64xf32, #tpu.memory_space<vmem>>, vector<16xf32>,
      %add3A_2494 = arith.addf %add3A_2448, %get3A_2493 : vector<16xf32>
      %div3A_2495 = arith.divf %add3A_2494, %max3A_2459 : vector<16xf32>
      %swap3A_2496 = arith.constant 15 : i32
      %swap3A_2497 = arith.index_cast %swap3A_2496 : i32 to index
      %swap3A_2498 = arith.constant 48 : index
      %swap3A_2499 = tpu.vector_load %arg17[%swap3A_2497, %swap3A_2498] {strides = array<i32>} : memref<50x64xf32, #tpu.memory_space<vmem>>, vector<16xf32>,
      tpu.vector_store %arg17[%swap3A_2497, %swap3A_2498], %div3A_2495 {strides = array<i32>} : memref<50x64xf32, #tpu.memory_space<vmem>>, vector<16xf32>,
      %broadcast_in_dim3A_2500 = arith.constant 160 : i32
      %broadcast_in_dim3A_2501 = vector.broadcast %broadcast_in_dim3A_2500 : i32 to vector<16xi32>
      %gather3A_2502 = tpu.vector_load_idx %arg11[%broadcast_in_dim3A_2501] : memref<512xf32, #tpu.memory_space<vmem>>[vector<16xi32>], vector<16xf32>,
      %max3A_2503 = arith.constant 1.000000e+00 : f32
      %max3A_2504 = vector.broadcast %max3A_2503 : f32 to vector<16xf32>
      %max3A_2505 = arith.maximumf %gather3A_2502, %max3A_2504 : vector<16xf32>
      %get3A_2506 = arith.constant 16 : i32
      %get3A_2507 = arith.index_cast %get3A_2506 : i32 to index
      %get3A_2508 = arith.constant 0 : index
      %get3A_2509 = tpu.vector_load %arg15[%get3A_2507, %get3A_2508] {strides = array<i32>} : memref<51x64xf32, #tpu.memory_space<vmem>>, vector<16xf32>,
      %add3A_2510 = arith.addf %add3A_2464, %get3A_2509 : vector<16xf32>
      %div3A_2511 = arith.divf %add3A_2510, %max3A_2505 : vector<16xf32>
      %swap3A_2512 = arith.constant 16 : i32
      %swap3A_2513 = arith.index_cast %swap3A_2512 : i32 to index
      %swap3A_2514 = arith.constant 0 : index
      %swap3A_2515 = tpu.vector_load %arg17[%swap3A_2513, %swap3A_2514] {strides = array<i32>} : memref<50x64xf32, #tpu.memory_space<vmem>>, vector<16xf32>,
      tpu.vector_store %arg17[%swap3A_2513, %swap3A_2514], %div3A_2511 {strides = array<i32>} : memref<50x64xf32, #tpu.memory_space<vmem>>, vector<16xf32>,
      %get3A_2516 = arith.constant 16 : i32
      %get3A_2517 = arith.index_cast %get3A_2516 : i32 to index
      %get3A_2518 = arith.constant 16 : index
      %get3A_2519 = tpu.vector_load %arg15[%get3A_2517, %get3A_2518] {strides = array<i32>} : memref<51x64xf32, #tpu.memory_space<vmem>>, vector<16xf32>,
      %add3A_2520 = arith.addf %add3A_2474, %get3A_2519 : vector<16xf32>
      %div3A_2521 = arith.divf %add3A_2520, %max3A_2505 : vector<16xf32>
      %swap3A_2522 = arith.constant 16 : i32
      %swap3A_2523 = arith.index_cast %swap3A_2522 : i32 to index
      %swap3A_2524 = arith.constant 16 : index
      %swap3A_2525 = tpu.vector_load %arg17[%swap3A_2523, %swap3A_2524] {strides = array<i32>} : memref<50x64xf32, #tpu.memory_space<vmem>>, vector<16xf32>,
      tpu.vector_store %arg17[%swap3A_2523, %swap3A_2524], %div3A_2521 {strides = array<i32>} : memref<50x64xf32, #tpu.memory_space<vmem>>, vector<16xf32>,
      %get3A_2526 = arith.constant 16 : i32
      %get3A_2527 = arith.index_cast %get3A_2526 : i32 to index
      %get3A_2528 = arith.constant 32 : index
      %get3A_2529 = tpu.vector_load %arg15[%get3A_2527, %get3A_2528] {strides = array<i32>} : memref<51x64xf32, #tpu.memory_space<vmem>>, vector<16xf32>,
      %add3A_2530 = arith.addf %add3A_2484, %get3A_2529 : vector<16xf32>
      %div3A_2531 = arith.divf %add3A_2530, %max3A_2505 : vector<16xf32>
      %swap3A_2532 = arith.constant 16 : i32
      %swap3A_2533 = arith.index_cast %swap3A_2532 : i32 to index
      %swap3A_2534 = arith.constant 32 : index
      %swap3A_2535 = tpu.vector_load %arg17[%swap3A_2533, %swap3A_2534] {strides = array<i32>} : memref<50x64xf32, #tpu.memory_space<vmem>>, vector<16xf32>,
      tpu.vector_store %arg17[%swap3A_2533, %swap3A_2534], %div3A_2531 {strides = array<i32>} : memref<50x64xf32, #tpu.memory_space<vmem>>, vector<16xf32>,
      %get3A_2536 = arith.constant 16 : i32
      %get3A_2537 = arith.index_cast %get3A_2536 : i32 to index
      %get3A_2538 = arith.constant 48 : index
      %get3A_2539 = tpu.vector_load %arg15[%get3A_2537, %get3A_2538] {strides = array<i32>} : memref<51x64xf32, #tpu.memory_space<vmem>>, vector<16xf32>,
      %add3A_2540 = arith.addf %add3A_2494, %get3A_2539 : vector<16xf32>
      %div3A_2541 = arith.divf %add3A_2540, %max3A_2505 : vector<16xf32>
      %swap3A_2542 = arith.constant 16 : i32
      %swap3A_2543 = arith.index_cast %swap3A_2542 : i32 to index
      %swap3A_2544 = arith.constant 48 : index
      %swap3A_2545 = tpu.vector_load %arg17[%swap3A_2543, %swap3A_2544] {strides = array<i32>} : memref<50x64xf32, #tpu.memory_space<vmem>>, vector<16xf32>,
      tpu.vector_store %arg17[%swap3A_2543, %swap3A_2544], %div3A_2541 {strides = array<i32>} : memref<50x64xf32, #tpu.memory_space<vmem>>, vector<16xf32>,
      %broadcast_in_dim3A_2546 = arith.constant 170 : i32
      %broadcast_in_dim3A_2547 = vector.broadcast %broadcast_in_dim3A_2546 : i32 to vector<16xi32>
      %gather3A_2548 = tpu.vector_load_idx %arg11[%broadcast_in_dim3A_2547] : memref<512xf32, #tpu.memory_space<vmem>>[vector<16xi32>], vector<16xf32>,
      %max3A_2549 = arith.constant 1.000000e+00 : f32
      %max3A_2550 = vector.broadcast %max3A_2549 : f32 to vector<16xf32>
      %max3A_2551 = arith.maximumf %gather3A_2548, %max3A_2550 : vector<16xf32>
      %get3A_2552 = arith.constant 17 : i32
      %get3A_2553 = arith.index_cast %get3A_2552 : i32 to index
      %get3A_2554 = arith.constant 0 : index
      %get3A_2555 = tpu.vector_load %arg15[%get3A_2553, %get3A_2554] {strides = array<i32>} : memref<51x64xf32, #tpu.memory_space<vmem>>, vector<16xf32>,
      %add3A_2556 = arith.addf %add3A_2510, %get3A_2555 : vector<16xf32>
      %div3A_2557 = arith.divf %add3A_2556, %max3A_2551 : vector<16xf32>
      %swap3A_2558 = arith.constant 17 : i32
      %swap3A_2559 = arith.index_cast %swap3A_2558 : i32 to index
      %swap3A_2560 = arith.constant 0 : index
      %swap3A_2561 = tpu.vector_load %arg17[%swap3A_2559, %swap3A_2560] {strides = array<i32>} : memref<50x64xf32, #tpu.memory_space<vmem>>, vector<16xf32>,
      tpu.vector_store %arg17[%swap3A_2559, %swap3A_2560], %div3A_2557 {strides = array<i32>} : memref<50x64xf32, #tpu.memory_space<vmem>>, vector<16xf32>,
      %get3A_2562 = arith.constant 17 : i32
      %get3A_2563 = arith.index_cast %get3A_2562 : i32 to index
      %get3A_2564 = arith.constant 16 : index
      %get3A_2565 = tpu.vector_load %arg15[%get3A_2563, %get3A_2564] {strides = array<i32>} : memref<51x64xf32, #tpu.memory_space<vmem>>, vector<16xf32>,
      %add3A_2566 = arith.addf %add3A_2520, %get3A_2565 : vector<16xf32>
      %div3A_2567 = arith.divf %add3A_2566, %max3A_2551 : vector<16xf32>
      %swap3A_2568 = arith.constant 17 : i32
      %swap3A_2569 = arith.index_cast %swap3A_2568 : i32 to index
      %swap3A_2570 = arith.constant 16 : index
      %swap3A_2571 = tpu.vector_load %arg17[%swap3A_2569, %swap3A_2570] {strides = array<i32>} : memref<50x64xf32, #tpu.memory_space<vmem>>, vector<16xf32>,
      tpu.vector_store %arg17[%swap3A_2569, %swap3A_2570], %div3A_2567 {strides = array<i32>} : memref<50x64xf32, #tpu.memory_space<vmem>>, vector<16xf32>,
      %get3A_2572 = arith.constant 17 : i32
      %get3A_2573 = arith.index_cast %get3A_2572 : i32 to index
      %get3A_2574 = arith.constant 32 : index
      %get3A_2575 = tpu.vector_load %arg15[%get3A_2573, %get3A_2574] {strides = array<i32>} : memref<51x64xf32, #tpu.memory_space<vmem>>, vector<16xf32>,
      %add3A_2576 = arith.addf %add3A_2530, %get3A_2575 : vector<16xf32>
      %div3A_2577 = arith.divf %add3A_2576, %max3A_2551 : vector<16xf32>
      %swap3A_2578 = arith.constant 17 : i32
      %swap3A_2579 = arith.index_cast %swap3A_2578 : i32 to index
      %swap3A_2580 = arith.constant 32 : index
      %swap3A_2581 = tpu.vector_load %arg17[%swap3A_2579, %swap3A_2580] {strides = array<i32>} : memref<50x64xf32, #tpu.memory_space<vmem>>, vector<16xf32>,
      tpu.vector_store %arg17[%swap3A_2579, %swap3A_2580], %div3A_2577 {strides = array<i32>} : memref<50x64xf32, #tpu.memory_space<vmem>>, vector<16xf32>,
      %get3A_2582 = arith.constant 17 : i32
      %get3A_2583 = arith.index_cast %get3A_2582 : i32 to index
      %get3A_2584 = arith.constant 48 : index
      %get3A_2585 = tpu.vector_load %arg15[%get3A_2583, %get3A_2584] {strides = array<i32>} : memref<51x64xf32, #tpu.memory_space<vmem>>, vector<16xf32>,
      %add3A_2586 = arith.addf %add3A_2540, %get3A_2585 : vector<16xf32>
      %div3A_2587 = arith.divf %add3A_2586, %max3A_2551 : vector<16xf32>
      %swap3A_2588 = arith.constant 17 : i32
      %swap3A_2589 = arith.index_cast %swap3A_2588 : i32 to index
      %swap3A_2590 = arith.constant 48 : index
      %swap3A_2591 = tpu.vector_load %arg17[%swap3A_2589, %swap3A_2590] {strides = array<i32>} : memref<50x64xf32, #tpu.memory_space<vmem>>, vector<16xf32>,
      tpu.vector_store %arg17[%swap3A_2589, %swap3A_2590], %div3A_2587 {strides = array<i32>} : memref<50x64xf32, #tpu.memory_space<vmem>>, vector<16xf32>,
      %broadcast_in_dim3A_2592 = arith.constant 180 : i32
      %broadcast_in_dim3A_2593 = vector.broadcast %broadcast_in_dim3A_2592 : i32 to vector<16xi32>
      %gather3A_2594 = tpu.vector_load_idx %arg11[%broadcast_in_dim3A_2593] : memref<512xf32, #tpu.memory_space<vmem>>[vector<16xi32>], vector<16xf32>,
      %max3A_2595 = arith.constant 1.000000e+00 : f32
      %max3A_2596 = vector.broadcast %max3A_2595 : f32 to vector<16xf32>
      %max3A_2597 = arith.maximumf %gather3A_2594, %max3A_2596 : vector<16xf32>
      %get3A_2598 = arith.constant 18 : i32
      %get3A_2599 = arith.index_cast %get3A_2598 : i32 to index
      %get3A_2600 = arith.constant 0 : index
      %get3A_2601 = tpu.vector_load %arg15[%get3A_2599, %get3A_2600] {strides = array<i32>} : memref<51x64xf32, #tpu.memory_space<vmem>>, vector<16xf32>,
      %add3A_2602 = arith.addf %add3A_2556, %get3A_2601 : vector<16xf32>
      %div3A_2603 = arith.divf %add3A_2602, %max3A_2597 : vector<16xf32>
      %swap3A_2604 = arith.constant 18 : i32
      %swap3A_2605 = arith.index_cast %swap3A_2604 : i32 to index
      %swap3A_2606 = arith.constant 0 : index
      %swap3A_2607 = tpu.vector_load %arg17[%swap3A_2605, %swap3A_2606] {strides = array<i32>} : memref<50x64xf32, #tpu.memory_space<vmem>>, vector<16xf32>,
      tpu.vector_store %arg17[%swap3A_2605, %swap3A_2606], %div3A_2603 {strides = array<i32>} : memref<50x64xf32, #tpu.memory_space<vmem>>, vector<16xf32>,
      %get3A_2608 = arith.constant 18 : i32
      %get3A_2609 = arith.index_cast %get3A_2608 : i32 to index
      %get3A_2610 = arith.constant 16 : index
      %get3A_2611 = tpu.vector_load %arg15[%get3A_2609, %get3A_2610] {strides = array<i32>} : memref<51x64xf32, #tpu.memory_space<vmem>>, vector<16xf32>,
      %add3A_2612 = arith.addf %add3A_2566, %get3A_2611 : vector<16xf32>
      %div3A_2613 = arith.divf %add3A_2612, %max3A_2597 : vector<16xf32>
      %swap3A_2614 = arith.constant 18 : i32
      %swap3A_2615 = arith.index_cast %swap3A_2614 : i32 to index
      %swap3A_2616 = arith.constant 16 : index
      %swap3A_2617 = tpu.vector_load %arg17[%swap3A_2615, %swap3A_2616] {strides = array<i32>} : memref<50x64xf32, #tpu.memory_space<vmem>>, vector<16xf32>,
      tpu.vector_store %arg17[%swap3A_2615, %swap3A_2616], %div3A_2613 {strides = array<i32>} : memref<50x64xf32, #tpu.memory_space<vmem>>, vector<16xf32>,
      %get3A_2618 = arith.constant 18 : i32
      %get3A_2619 = arith.index_cast %get3A_2618 : i32 to index
      %get3A_2620 = arith.constant 32 : index
      %get3A_2621 = tpu.vector_load %arg15[%get3A_2619, %get3A_2620] {strides = array<i32>} : memref<51x64xf32, #tpu.memory_space<vmem>>, vector<16xf32>,
      %add3A_2622 = arith.addf %add3A_2576, %get3A_2621 : vector<16xf32>
      %div3A_2623 = arith.divf %add3A_2622, %max3A_2597 : vector<16xf32>
      %swap3A_2624 = arith.constant 18 : i32
      %swap3A_2625 = arith.index_cast %swap3A_2624 : i32 to index
      %swap3A_2626 = arith.constant 32 : index
      %swap3A_2627 = tpu.vector_load %arg17[%swap3A_2625, %swap3A_2626] {strides = array<i32>} : memref<50x64xf32, #tpu.memory_space<vmem>>, vector<16xf32>,
      tpu.vector_store %arg17[%swap3A_2625, %swap3A_2626], %div3A_2623 {strides = array<i32>} : memref<50x64xf32, #tpu.memory_space<vmem>>, vector<16xf32>,
      %get3A_2628 = arith.constant 18 : i32
      %get3A_2629 = arith.index_cast %get3A_2628 : i32 to index
      %get3A_2630 = arith.constant 48 : index
      %get3A_2631 = tpu.vector_load %arg15[%get3A_2629, %get3A_2630] {strides = array<i32>} : memref<51x64xf32, #tpu.memory_space<vmem>>, vector<16xf32>,
      %add3A_2632 = arith.addf %add3A_2586, %get3A_2631 : vector<16xf32>
      %div3A_2633 = arith.divf %add3A_2632, %max3A_2597 : vector<16xf32>
      %swap3A_2634 = arith.constant 18 : i32
      %swap3A_2635 = arith.index_cast %swap3A_2634 : i32 to index
      %swap3A_2636 = arith.constant 48 : index
      %swap3A_2637 = tpu.vector_load %arg17[%swap3A_2635, %swap3A_2636] {strides = array<i32>} : memref<50x64xf32, #tpu.memory_space<vmem>>, vector<16xf32>,
      tpu.vector_store %arg17[%swap3A_2635, %swap3A_2636], %div3A_2633 {strides = array<i32>} : memref<50x64xf32, #tpu.memory_space<vmem>>, vector<16xf32>,
      %broadcast_in_dim3A_2638 = arith.constant 190 : i32
      %broadcast_in_dim3A_2639 = vector.broadcast %broadcast_in_dim3A_2638 : i32 to vector<16xi32>
      %gather3A_2640 = tpu.vector_load_idx %arg11[%broadcast_in_dim3A_2639] : memref<512xf32, #tpu.memory_space<vmem>>[vector<16xi32>], vector<16xf32>,
      %max3A_2641 = arith.constant 1.000000e+00 : f32
      %max3A_2642 = vector.broadcast %max3A_2641 : f32 to vector<16xf32>
      %max3A_2643 = arith.maximumf %gather3A_2640, %max3A_2642 : vector<16xf32>
      %get3A_2644 = arith.constant 19 : i32
      %get3A_2645 = arith.index_cast %get3A_2644 : i32 to index
      %get3A_2646 = arith.constant 0 : index
      %get3A_2647 = tpu.vector_load %arg15[%get3A_2645, %get3A_2646] {strides = array<i32>} : memref<51x64xf32, #tpu.memory_space<vmem>>, vector<16xf32>,
      %add3A_2648 = arith.addf %add3A_2602, %get3A_2647 : vector<16xf32>
      %div3A_2649 = arith.divf %add3A_2648, %max3A_2643 : vector<16xf32>
      %swap3A_2650 = arith.constant 19 : i32
      %swap3A_2651 = arith.index_cast %swap3A_2650 : i32 to index
      %swap3A_2652 = arith.constant 0 : index
      %swap3A_2653 = tpu.vector_load %arg17[%swap3A_2651, %swap3A_2652] {strides = array<i32>} : memref<50x64xf32, #tpu.memory_space<vmem>>, vector<16xf32>,
      tpu.vector_store %arg17[%swap3A_2651, %swap3A_2652], %div3A_2649 {strides = array<i32>} : memref<50x64xf32, #tpu.memory_space<vmem>>, vector<16xf32>,
      %get3A_2654 = arith.constant 19 : i32
      %get3A_2655 = arith.index_cast %get3A_2654 : i32 to index
      %get3A_2656 = arith.constant 16 : index
      %get3A_2657 = tpu.vector_load %arg15[%get3A_2655, %get3A_2656] {strides = array<i32>} : memref<51x64xf32, #tpu.memory_space<vmem>>, vector<16xf32>,
      %add3A_2658 = arith.addf %add3A_2612, %get3A_2657 : vector<16xf32>
      %div3A_2659 = arith.divf %add3A_2658, %max3A_2643 : vector<16xf32>
      %swap3A_2660 = arith.constant 19 : i32
      %swap3A_2661 = arith.index_cast %swap3A_2660 : i32 to index
      %swap3A_2662 = arith.constant 16 : index
      %swap3A_2663 = tpu.vector_load %arg17[%swap3A_2661, %swap3A_2662] {strides = array<i32>} : memref<50x64xf32, #tpu.memory_space<vmem>>, vector<16xf32>,
      tpu.vector_store %arg17[%swap3A_2661, %swap3A_2662], %div3A_2659 {strides = array<i32>} : memref<50x64xf32, #tpu.memory_space<vmem>>, vector<16xf32>,
      %get3A_2664 = arith.constant 19 : i32
      %get3A_2665 = arith.index_cast %get3A_2664 : i32 to index
      %get3A_2666 = arith.constant 32 : index
      %get3A_2667 = tpu.vector_load %arg15[%get3A_2665, %get3A_2666] {strides = array<i32>} : memref<51x64xf32, #tpu.memory_space<vmem>>, vector<16xf32>,
      %add3A_2668 = arith.addf %add3A_2622, %get3A_2667 : vector<16xf32>
      %div3A_2669 = arith.divf %add3A_2668, %max3A_2643 : vector<16xf32>
      %swap3A_2670 = arith.constant 19 : i32
      %swap3A_2671 = arith.index_cast %swap3A_2670 : i32 to index
      %swap3A_2672 = arith.constant 32 : index
      %swap3A_2673 = tpu.vector_load %arg17[%swap3A_2671, %swap3A_2672] {strides = array<i32>} : memref<50x64xf32, #tpu.memory_space<vmem>>, vector<16xf32>,
      tpu.vector_store %arg17[%swap3A_2671, %swap3A_2672], %div3A_2669 {strides = array<i32>} : memref<50x64xf32, #tpu.memory_space<vmem>>, vector<16xf32>,
      %get3A_2674 = arith.constant 19 : i32
      %get3A_2675 = arith.index_cast %get3A_2674 : i32 to index
      %get3A_2676 = arith.constant 48 : index
      %get3A_2677 = tpu.vector_load %arg15[%get3A_2675, %get3A_2676] {strides = array<i32>} : memref<51x64xf32, #tpu.memory_space<vmem>>, vector<16xf32>,
      %add3A_2678 = arith.addf %add3A_2632, %get3A_2677 : vector<16xf32>
      %div3A_2679 = arith.divf %add3A_2678, %max3A_2643 : vector<16xf32>
      %swap3A_2680 = arith.constant 19 : i32
      %swap3A_2681 = arith.index_cast %swap3A_2680 : i32 to index
      %swap3A_2682 = arith.constant 48 : index
      %swap3A_2683 = tpu.vector_load %arg17[%swap3A_2681, %swap3A_2682] {strides = array<i32>} : memref<50x64xf32, #tpu.memory_space<vmem>>, vector<16xf32>,
      tpu.vector_store %arg17[%swap3A_2681, %swap3A_2682], %div3A_2679 {strides = array<i32>} : memref<50x64xf32, #tpu.memory_space<vmem>>, vector<16xf32>,
      %broadcast_in_dim3A_2684 = arith.constant 200 : i32
      %broadcast_in_dim3A_2685 = vector.broadcast %broadcast_in_dim3A_2684 : i32 to vector<16xi32>
      %gather3A_2686 = tpu.vector_load_idx %arg11[%broadcast_in_dim3A_2685] : memref<512xf32, #tpu.memory_space<vmem>>[vector<16xi32>], vector<16xf32>,
      %max3A_2687 = arith.constant 1.000000e+00 : f32
      %max3A_2688 = vector.broadcast %max3A_2687 : f32 to vector<16xf32>
      %max3A_2689 = arith.maximumf %gather3A_2686, %max3A_2688 : vector<16xf32>
      %get3A_2690 = arith.constant 20 : i32
      %get3A_2691 = arith.index_cast %get3A_2690 : i32 to index
      %get3A_2692 = arith.constant 0 : index
      %get3A_2693 = tpu.vector_load %arg15[%get3A_2691, %get3A_2692] {strides = array<i32>} : memref<51x64xf32, #tpu.memory_space<vmem>>, vector<16xf32>,
      %add3A_2694 = arith.addf %add3A_2648, %get3A_2693 : vector<16xf32>
      %div3A_2695 = arith.divf %add3A_2694, %max3A_2689 : vector<16xf32>
      %swap3A_2696 = arith.constant 20 : i32
      %swap3A_2697 = arith.index_cast %swap3A_2696 : i32 to index
      %swap3A_2698 = arith.constant 0 : index
      %swap3A_2699 = tpu.vector_load %arg17[%swap3A_2697, %swap3A_2698] {strides = array<i32>} : memref<50x64xf32, #tpu.memory_space<vmem>>, vector<16xf32>,
      tpu.vector_store %arg17[%swap3A_2697, %swap3A_2698], %div3A_2695 {strides = array<i32>} : memref<50x64xf32, #tpu.memory_space<vmem>>, vector<16xf32>,
      %get3A_2700 = arith.constant 20 : i32
      %get3A_2701 = arith.index_cast %get3A_2700 : i32 to index
      %get3A_2702 = arith.constant 16 : index
      %get3A_2703 = tpu.vector_load %arg15[%get3A_2701, %get3A_2702] {strides = array<i32>} : memref<51x64xf32, #tpu.memory_space<vmem>>, vector<16xf32>,
      %add3A_2704 = arith.addf %add3A_2658, %get3A_2703 : vector<16xf32>
      %div3A_2705 = arith.divf %add3A_2704, %max3A_2689 : vector<16xf32>
      %swap3A_2706 = arith.constant 20 : i32
      %swap3A_2707 = arith.index_cast %swap3A_2706 : i32 to index
      %swap3A_2708 = arith.constant 16 : index
      %swap3A_2709 = tpu.vector_load %arg17[%swap3A_2707, %swap3A_2708] {strides = array<i32>} : memref<50x64xf32, #tpu.memory_space<vmem>>, vector<16xf32>,
      tpu.vector_store %arg17[%swap3A_2707, %swap3A_2708], %div3A_2705 {strides = array<i32>} : memref<50x64xf32, #tpu.memory_space<vmem>>, vector<16xf32>,
      %get3A_2710 = arith.constant 20 : i32
      %get3A_2711 = arith.index_cast %get3A_2710 : i32 to index
      %get3A_2712 = arith.constant 32 : index
      %get3A_2713 = tpu.vector_load %arg15[%get3A_2711, %get3A_2712] {strides = array<i32>} : memref<51x64xf32, #tpu.memory_space<vmem>>, vector<16xf32>,
      %add3A_2714 = arith.addf %add3A_2668, %get3A_2713 : vector<16xf32>
      %div3A_2715 = arith.divf %add3A_2714, %max3A_2689 : vector<16xf32>
      %swap3A_2716 = arith.constant 20 : i32
      %swap3A_2717 = arith.index_cast %swap3A_2716 : i32 to index
      %swap3A_2718 = arith.constant 32 : index
      %swap3A_2719 = tpu.vector_load %arg17[%swap3A_2717, %swap3A_2718] {strides = array<i32>} : memref<50x64xf32, #tpu.memory_space<vmem>>, vector<16xf32>,
      tpu.vector_store %arg17[%swap3A_2717, %swap3A_2718], %div3A_2715 {strides = array<i32>} : memref<50x64xf32, #tpu.memory_space<vmem>>, vector<16xf32>,
      %get3A_2720 = arith.constant 20 : i32
      %get3A_2721 = arith.index_cast %get3A_2720 : i32 to index
      %get3A_2722 = arith.constant 48 : index
      %get3A_2723 = tpu.vector_load %arg15[%get3A_2721, %get3A_2722] {strides = array<i32>} : memref<51x64xf32, #tpu.memory_space<vmem>>, vector<16xf32>,
      %add3A_2724 = arith.addf %add3A_2678, %get3A_2723 : vector<16xf32>
      %div3A_2725 = arith.divf %add3A_2724, %max3A_2689 : vector<16xf32>
      %swap3A_2726 = arith.constant 20 : i32
      %swap3A_2727 = arith.index_cast %swap3A_2726 : i32 to index
      %swap3A_2728 = arith.constant 48 : index
      %swap3A_2729 = tpu.vector_load %arg17[%swap3A_2727, %swap3A_2728] {strides = array<i32>} : memref<50x64xf32, #tpu.memory_space<vmem>>, vector<16xf32>,
      tpu.vector_store %arg17[%swap3A_2727, %swap3A_2728], %div3A_2725 {strides = array<i32>} : memref<50x64xf32, #tpu.memory_space<vmem>>, vector<16xf32>,
      %broadcast_in_dim3A_2730 = arith.constant 210 : i32
      %broadcast_in_dim3A_2731 = vector.broadcast %broadcast_in_dim3A_2730 : i32 to vector<16xi32>
      %gather3A_2732 = tpu.vector_load_idx %arg11[%broadcast_in_dim3A_2731] : memref<512xf32, #tpu.memory_space<vmem>>[vector<16xi32>], vector<16xf32>,
      %max3A_2733 = arith.constant 1.000000e+00 : f32
      %max3A_2734 = vector.broadcast %max3A_2733 : f32 to vector<16xf32>
      %max3A_2735 = arith.maximumf %gather3A_2732, %max3A_2734 : vector<16xf32>
      %get3A_2736 = arith.constant 21 : i32
      %get3A_2737 = arith.index_cast %get3A_2736 : i32 to index
      %get3A_2738 = arith.constant 0 : index
      %get3A_2739 = tpu.vector_load %arg15[%get3A_2737, %get3A_2738] {strides = array<i32>} : memref<51x64xf32, #tpu.memory_space<vmem>>, vector<16xf32>,
      %add3A_2740 = arith.addf %add3A_2694, %get3A_2739 : vector<16xf32>
      %div3A_2741 = arith.divf %add3A_2740, %max3A_2735 : vector<16xf32>
      %swap3A_2742 = arith.constant 21 : i32
      %swap3A_2743 = arith.index_cast %swap3A_2742 : i32 to index
      %swap3A_2744 = arith.constant 0 : index
      %swap3A_2745 = tpu.vector_load %arg17[%swap3A_2743, %swap3A_2744] {strides = array<i32>} : memref<50x64xf32, #tpu.memory_space<vmem>>, vector<16xf32>,
      tpu.vector_store %arg17[%swap3A_2743, %swap3A_2744], %div3A_2741 {strides = array<i32>} : memref<50x64xf32, #tpu.memory_space<vmem>>, vector<16xf32>,
      %get3A_2746 = arith.constant 21 : i32
      %get3A_2747 = arith.index_cast %get3A_2746 : i32 to index
      %get3A_2748 = arith.constant 16 : index
      %get3A_2749 = tpu.vector_load %arg15[%get3A_2747, %get3A_2748] {strides = array<i32>} : memref<51x64xf32, #tpu.memory_space<vmem>>, vector<16xf32>,
      %add3A_2750 = arith.addf %add3A_2704, %get3A_2749 : vector<16xf32>
      %div3A_2751 = arith.divf %add3A_2750, %max3A_2735 : vector<16xf32>
      %swap3A_2752 = arith.constant 21 : i32
      %swap3A_2753 = arith.index_cast %swap3A_2752 : i32 to index
      %swap3A_2754 = arith.constant 16 : index
      %swap3A_2755 = tpu.vector_load %arg17[%swap3A_2753, %swap3A_2754] {strides = array<i32>} : memref<50x64xf32, #tpu.memory_space<vmem>>, vector<16xf32>,
      tpu.vector_store %arg17[%swap3A_2753, %swap3A_2754], %div3A_2751 {strides = array<i32>} : memref<50x64xf32, #tpu.memory_space<vmem>>, vector<16xf32>,
      %get3A_2756 = arith.constant 21 : i32
      %get3A_2757 = arith.index_cast %get3A_2756 : i32 to index
      %get3A_2758 = arith.constant 32 : index
      %get3A_2759 = tpu.vector_load %arg15[%get3A_2757, %get3A_2758] {strides = array<i32>} : memref<51x64xf32, #tpu.memory_space<vmem>>, vector<16xf32>,
      %add3A_2760 = arith.addf %add3A_2714, %get3A_2759 : vector<16xf32>
      %div3A_2761 = arith.divf %add3A_2760, %max3A_2735 : vector<16xf32>
      %swap3A_2762 = arith.constant 21 : i32
      %swap3A_2763 = arith.index_cast %swap3A_2762 : i32 to index
      %swap3A_2764 = arith.constant 32 : index
      %swap3A_2765 = tpu.vector_load %arg17[%swap3A_2763, %swap3A_2764] {strides = array<i32>} : memref<50x64xf32, #tpu.memory_space<vmem>>, vector<16xf32>,
      tpu.vector_store %arg17[%swap3A_2763, %swap3A_2764], %div3A_2761 {strides = array<i32>} : memref<50x64xf32, #tpu.memory_space<vmem>>, vector<16xf32>,
      %get3A_2766 = arith.constant 21 : i32
      %get3A_2767 = arith.index_cast %get3A_2766 : i32 to index
      %get3A_2768 = arith.constant 48 : index
      %get3A_2769 = tpu.vector_load %arg15[%get3A_2767, %get3A_2768] {strides = array<i32>} : memref<51x64xf32, #tpu.memory_space<vmem>>, vector<16xf32>,
      %add3A_2770 = arith.addf %add3A_2724, %get3A_2769 : vector<16xf32>
      %div3A_2771 = arith.divf %add3A_2770, %max3A_2735 : vector<16xf32>
      %swap3A_2772 = arith.constant 21 : i32
      %swap3A_2773 = arith.index_cast %swap3A_2772 : i32 to index
      %swap3A_2774 = arith.constant 48 : index
      %swap3A_2775 = tpu.vector_load %arg17[%swap3A_2773, %swap3A_2774] {strides = array<i32>} : memref<50x64xf32, #tpu.memory_space<vmem>>, vector<16xf32>,
      tpu.vector_store %arg17[%swap3A_2773, %swap3A_2774], %div3A_2771 {strides = array<i32>} : memref<50x64xf32, #tpu.memory_space<vmem>>, vector<16xf32>,
      %broadcast_in_dim3A_2776 = arith.constant 220 : i32
      %broadcast_in_dim3A_2777 = vector.broadcast %broadcast_in_dim3A_2776 : i32 to vector<16xi32>
      %gather3A_2778 = tpu.vector_load_idx %arg11[%broadcast_in_dim3A_2777] : memref<512xf32, #tpu.memory_space<vmem>>[vector<16xi32>], vector<16xf32>,
      %max3A_2779 = arith.constant 1.000000e+00 : f32
      %max3A_2780 = vector.broadcast %max3A_2779 : f32 to vector<16xf32>
      %max3A_2781 = arith.maximumf %gather3A_2778, %max3A_2780 : vector<16xf32>
      %get3A_2782 = arith.constant 22 : i32
      %get3A_2783 = arith.index_cast %get3A_2782 : i32 to index
      %get3A_2784 = arith.constant 0 : index
      %get3A_2785 = tpu.vector_load %arg15[%get3A_2783, %get3A_2784] {strides = array<i32>} : memref<51x64xf32, #tpu.memory_space<vmem>>, vector<16xf32>,
      %add3A_2786 = arith.addf %add3A_2740, %get3A_2785 : vector<16xf32>
      %div3A_2787 = arith.divf %add3A_2786, %max3A_2781 : vector<16xf32>
      %swap3A_2788 = arith.constant 22 : i32
      %swap3A_2789 = arith.index_cast %swap3A_2788 : i32 to index
      %swap3A_2790 = arith.constant 0 : index
      %swap3A_2791 = tpu.vector_load %arg17[%swap3A_2789, %swap3A_2790] {strides = array<i32>} : memref<50x64xf32, #tpu.memory_space<vmem>>, vector<16xf32>,
      tpu.vector_store %arg17[%swap3A_2789, %swap3A_2790], %div3A_2787 {strides = array<i32>} : memref<50x64xf32, #tpu.memory_space<vmem>>, vector<16xf32>,
      %get3A_2792 = arith.constant 22 : i32
      %get3A_2793 = arith.index_cast %get3A_2792 : i32 to index
      %get3A_2794 = arith.constant 16 : index
      %get3A_2795 = tpu.vector_load %arg15[%get3A_2793, %get3A_2794] {strides = array<i32>} : memref<51x64xf32, #tpu.memory_space<vmem>>, vector<16xf32>,
      %add3A_2796 = arith.addf %add3A_2750, %get3A_2795 : vector<16xf32>
      %div3A_2797 = arith.divf %add3A_2796, %max3A_2781 : vector<16xf32>
      %swap3A_2798 = arith.constant 22 : i32
      %swap3A_2799 = arith.index_cast %swap3A_2798 : i32 to index
      %swap3A_2800 = arith.constant 16 : index
      %swap3A_2801 = tpu.vector_load %arg17[%swap3A_2799, %swap3A_2800] {strides = array<i32>} : memref<50x64xf32, #tpu.memory_space<vmem>>, vector<16xf32>,
      tpu.vector_store %arg17[%swap3A_2799, %swap3A_2800], %div3A_2797 {strides = array<i32>} : memref<50x64xf32, #tpu.memory_space<vmem>>, vector<16xf32>,
      %get3A_2802 = arith.constant 22 : i32
      %get3A_2803 = arith.index_cast %get3A_2802 : i32 to index
      %get3A_2804 = arith.constant 32 : index
      %get3A_2805 = tpu.vector_load %arg15[%get3A_2803, %get3A_2804] {strides = array<i32>} : memref<51x64xf32, #tpu.memory_space<vmem>>, vector<16xf32>,
      %add3A_2806 = arith.addf %add3A_2760, %get3A_2805 : vector<16xf32>
      %div3A_2807 = arith.divf %add3A_2806, %max3A_2781 : vector<16xf32>
      %swap3A_2808 = arith.constant 22 : i32
      %swap3A_2809 = arith.index_cast %swap3A_2808 : i32 to index
      %swap3A_2810 = arith.constant 32 : index
      %swap3A_2811 = tpu.vector_load %arg17[%swap3A_2809, %swap3A_2810] {strides = array<i32>} : memref<50x64xf32, #tpu.memory_space<vmem>>, vector<16xf32>,
      tpu.vector_store %arg17[%swap3A_2809, %swap3A_2810], %div3A_2807 {strides = array<i32>} : memref<50x64xf32, #tpu.memory_space<vmem>>, vector<16xf32>,
      %get3A_2812 = arith.constant 22 : i32
      %get3A_2813 = arith.index_cast %get3A_2812 : i32 to index
      %get3A_2814 = arith.constant 48 : index
      %get3A_2815 = tpu.vector_load %arg15[%get3A_2813, %get3A_2814] {strides = array<i32>} : memref<51x64xf32, #tpu.memory_space<vmem>>, vector<16xf32>,
      %add3A_2816 = arith.addf %add3A_2770, %get3A_2815 : vector<16xf32>
      %div3A_2817 = arith.divf %add3A_2816, %max3A_2781 : vector<16xf32>
      %swap3A_2818 = arith.constant 22 : i32
      %swap3A_2819 = arith.index_cast %swap3A_2818 : i32 to index
      %swap3A_2820 = arith.constant 48 : index
      %swap3A_2821 = tpu.vector_load %arg17[%swap3A_2819, %swap3A_2820] {strides = array<i32>} : memref<50x64xf32, #tpu.memory_space<vmem>>, vector<16xf32>,
      tpu.vector_store %arg17[%swap3A_2819, %swap3A_2820], %div3A_2817 {strides = array<i32>} : memref<50x64xf32, #tpu.memory_space<vmem>>, vector<16xf32>,
      %broadcast_in_dim3A_2822 = arith.constant 230 : i32
      %broadcast_in_dim3A_2823 = vector.broadcast %broadcast_in_dim3A_2822 : i32 to vector<16xi32>
      %gather3A_2824 = tpu.vector_load_idx %arg11[%broadcast_in_dim3A_2823] : memref<512xf32, #tpu.memory_space<vmem>>[vector<16xi32>], vector<16xf32>,
      %max3A_2825 = arith.constant 1.000000e+00 : f32
      %max3A_2826 = vector.broadcast %max3A_2825 : f32 to vector<16xf32>
      %max3A_2827 = arith.maximumf %gather3A_2824, %max3A_2826 : vector<16xf32>
      %get3A_2828 = arith.constant 23 : i32
      %get3A_2829 = arith.index_cast %get3A_2828 : i32 to index
      %get3A_2830 = arith.constant 0 : index
      %get3A_2831 = tpu.vector_load %arg15[%get3A_2829, %get3A_2830] {strides = array<i32>} : memref<51x64xf32, #tpu.memory_space<vmem>>, vector<16xf32>,
      %add3A_2832 = arith.addf %add3A_2786, %get3A_2831 : vector<16xf32>
      %div3A_2833 = arith.divf %add3A_2832, %max3A_2827 : vector<16xf32>
      %swap3A_2834 = arith.constant 23 : i32
      %swap3A_2835 = arith.index_cast %swap3A_2834 : i32 to index
      %swap3A_2836 = arith.constant 0 : index
      %swap3A_2837 = tpu.vector_load %arg17[%swap3A_2835, %swap3A_2836] {strides = array<i32>} : memref<50x64xf32, #tpu.memory_space<vmem>>, vector<16xf32>,
      tpu.vector_store %arg17[%swap3A_2835, %swap3A_2836], %div3A_2833 {strides = array<i32>} : memref<50x64xf32, #tpu.memory_space<vmem>>, vector<16xf32>,
      %get3A_2838 = arith.constant 23 : i32
      %get3A_2839 = arith.index_cast %get3A_2838 : i32 to index
      %get3A_2840 = arith.constant 16 : index
      %get3A_2841 = tpu.vector_load %arg15[%get3A_2839, %get3A_2840] {strides = array<i32>} : memref<51x64xf32, #tpu.memory_space<vmem>>, vector<16xf32>,
      %add3A_2842 = arith.addf %add3A_2796, %get3A_2841 : vector<16xf32>
      %div3A_2843 = arith.divf %add3A_2842, %max3A_2827 : vector<16xf32>
      %swap3A_2844 = arith.constant 23 : i32
      %swap3A_2845 = arith.index_cast %swap3A_2844 : i32 to index
      %swap3A_2846 = arith.constant 16 : index
      %swap3A_2847 = tpu.vector_load %arg17[%swap3A_2845, %swap3A_2846] {strides = array<i32>} : memref<50x64xf32, #tpu.memory_space<vmem>>, vector<16xf32>,
      tpu.vector_store %arg17[%swap3A_2845, %swap3A_2846], %div3A_2843 {strides = array<i32>} : memref<50x64xf32, #tpu.memory_space<vmem>>, vector<16xf32>,
      %get3A_2848 = arith.constant 23 : i32
      %get3A_2849 = arith.index_cast %get3A_2848 : i32 to index
      %get3A_2850 = arith.constant 32 : index
      %get3A_2851 = tpu.vector_load %arg15[%get3A_2849, %get3A_2850] {strides = array<i32>} : memref<51x64xf32, #tpu.memory_space<vmem>>, vector<16xf32>,
      %add3A_2852 = arith.addf %add3A_2806, %get3A_2851 : vector<16xf32>
      %div3A_2853 = arith.divf %add3A_2852, %max3A_2827 : vector<16xf32>
      %swap3A_2854 = arith.constant 23 : i32
      %swap3A_2855 = arith.index_cast %swap3A_2854 : i32 to index
      %swap3A_2856 = arith.constant 32 : index
      %swap3A_2857 = tpu.vector_load %arg17[%swap3A_2855, %swap3A_2856] {strides = array<i32>} : memref<50x64xf32, #tpu.memory_space<vmem>>, vector<16xf32>,
      tpu.vector_store %arg17[%swap3A_2855, %swap3A_2856], %div3A_2853 {strides = array<i32>} : memref<50x64xf32, #tpu.memory_space<vmem>>, vector<16xf32>,
      %get3A_2858 = arith.constant 23 : i32
      %get3A_2859 = arith.index_cast %get3A_2858 : i32 to index
      %get3A_2860 = arith.constant 48 : index
      %get3A_2861 = tpu.vector_load %arg15[%get3A_2859, %get3A_2860] {strides = array<i32>} : memref<51x64xf32, #tpu.memory_space<vmem>>, vector<16xf32>,
      %add3A_2862 = arith.addf %add3A_2816, %get3A_2861 : vector<16xf32>
      %div3A_2863 = arith.divf %add3A_2862, %max3A_2827 : vector<16xf32>
      %swap3A_2864 = arith.constant 23 : i32
      %swap3A_2865 = arith.index_cast %swap3A_2864 : i32 to index
      %swap3A_2866 = arith.constant 48 : index
      %swap3A_2867 = tpu.vector_load %arg17[%swap3A_2865, %swap3A_2866] {strides = array<i32>} : memref<50x64xf32, #tpu.memory_space<vmem>>, vector<16xf32>,
      tpu.vector_store %arg17[%swap3A_2865, %swap3A_2866], %div3A_2863 {strides = array<i32>} : memref<50x64xf32, #tpu.memory_space<vmem>>, vector<16xf32>,
      %broadcast_in_dim3A_2868 = arith.constant 240 : i32
      %broadcast_in_dim3A_2869 = vector.broadcast %broadcast_in_dim3A_2868 : i32 to vector<16xi32>
      %gather3A_2870 = tpu.vector_load_idx %arg11[%broadcast_in_dim3A_2869] : memref<512xf32, #tpu.memory_space<vmem>>[vector<16xi32>], vector<16xf32>,
      %max3A_2871 = arith.constant 1.000000e+00 : f32
      %max3A_2872 = vector.broadcast %max3A_2871 : f32 to vector<16xf32>
      %max3A_2873 = arith.maximumf %gather3A_2870, %max3A_2872 : vector<16xf32>
      %get3A_2874 = arith.constant 24 : i32
      %get3A_2875 = arith.index_cast %get3A_2874 : i32 to index
      %get3A_2876 = arith.constant 0 : index
      %get3A_2877 = tpu.vector_load %arg15[%get3A_2875, %get3A_2876] {strides = array<i32>} : memref<51x64xf32, #tpu.memory_space<vmem>>, vector<16xf32>,
      %add3A_2878 = arith.addf %add3A_2832, %get3A_2877 : vector<16xf32>
      %div3A_2879 = arith.divf %add3A_2878, %max3A_2873 : vector<16xf32>
      %swap3A_2880 = arith.constant 24 : i32
      %swap3A_2881 = arith.index_cast %swap3A_2880 : i32 to index
      %swap3A_2882 = arith.constant 0 : index
      %swap3A_2883 = tpu.vector_load %arg17[%swap3A_2881, %swap3A_2882] {strides = array<i32>} : memref<50x64xf32, #tpu.memory_space<vmem>>, vector<16xf32>,
      tpu.vector_store %arg17[%swap3A_2881, %swap3A_2882], %div3A_2879 {strides = array<i32>} : memref<50x64xf32, #tpu.memory_space<vmem>>, vector<16xf32>,
      %get3A_2884 = arith.constant 24 : i32
      %get3A_2885 = arith.index_cast %get3A_2884 : i32 to index
      %get3A_2886 = arith.constant 16 : index
      %get3A_2887 = tpu.vector_load %arg15[%get3A_2885, %get3A_2886] {strides = array<i32>} : memref<51x64xf32, #tpu.memory_space<vmem>>, vector<16xf32>,
      %add3A_2888 = arith.addf %add3A_2842, %get3A_2887 : vector<16xf32>
      %div3A_2889 = arith.divf %add3A_2888, %max3A_2873 : vector<16xf32>
      %swap3A_2890 = arith.constant 24 : i32
      %swap3A_2891 = arith.index_cast %swap3A_2890 : i32 to index
      %swap3A_2892 = arith.constant 16 : index
      %swap3A_2893 = tpu.vector_load %arg17[%swap3A_2891, %swap3A_2892] {strides = array<i32>} : memref<50x64xf32, #tpu.memory_space<vmem>>, vector<16xf32>,
      tpu.vector_store %arg17[%swap3A_2891, %swap3A_2892], %div3A_2889 {strides = array<i32>} : memref<50x64xf32, #tpu.memory_space<vmem>>, vector<16xf32>,
      %get3A_2894 = arith.constant 24 : i32
      %get3A_2895 = arith.index_cast %get3A_2894 : i32 to index
      %get3A_2896 = arith.constant 32 : index
      %get3A_2897 = tpu.vector_load %arg15[%get3A_2895, %get3A_2896] {strides = array<i32>} : memref<51x64xf32, #tpu.memory_space<vmem>>, vector<16xf32>,
      %add3A_2898 = arith.addf %add3A_2852, %get3A_2897 : vector<16xf32>
      %div3A_2899 = arith.divf %add3A_2898, %max3A_2873 : vector<16xf32>
      %swap3A_2900 = arith.constant 24 : i32
      %swap3A_2901 = arith.index_cast %swap3A_2900 : i32 to index
      %swap3A_2902 = arith.constant 32 : index
      %swap3A_2903 = tpu.vector_load %arg17[%swap3A_2901, %swap3A_2902] {strides = array<i32>} : memref<50x64xf32, #tpu.memory_space<vmem>>, vector<16xf32>,
      tpu.vector_store %arg17[%swap3A_2901, %swap3A_2902], %div3A_2899 {strides = array<i32>} : memref<50x64xf32, #tpu.memory_space<vmem>>, vector<16xf32>,
      %get3A_2904 = arith.constant 24 : i32
      %get3A_2905 = arith.index_cast %get3A_2904 : i32 to index
      %get3A_2906 = arith.constant 48 : index
      %get3A_2907 = tpu.vector_load %arg15[%get3A_2905, %get3A_2906] {strides = array<i32>} : memref<51x64xf32, #tpu.memory_space<vmem>>, vector<16xf32>,
      %add3A_2908 = arith.addf %add3A_2862, %get3A_2907 : vector<16xf32>
      %div3A_2909 = arith.divf %add3A_2908, %max3A_2873 : vector<16xf32>
      %swap3A_2910 = arith.constant 24 : i32
      %swap3A_2911 = arith.index_cast %swap3A_2910 : i32 to index
      %swap3A_2912 = arith.constant 48 : index
      %swap3A_2913 = tpu.vector_load %arg17[%swap3A_2911, %swap3A_2912] {strides = array<i32>} : memref<50x64xf32, #tpu.memory_space<vmem>>, vector<16xf32>,
      tpu.vector_store %arg17[%swap3A_2911, %swap3A_2912], %div3A_2909 {strides = array<i32>} : memref<50x64xf32, #tpu.memory_space<vmem>>, vector<16xf32>,
      %broadcast_in_dim3A_2914 = arith.constant 250 : i32
      %broadcast_in_dim3A_2915 = vector.broadcast %broadcast_in_dim3A_2914 : i32 to vector<16xi32>
      %gather3A_2916 = tpu.vector_load_idx %arg11[%broadcast_in_dim3A_2915] : memref<512xf32, #tpu.memory_space<vmem>>[vector<16xi32>], vector<16xf32>,
      %max3A_2917 = arith.constant 1.000000e+00 : f32
      %max3A_2918 = vector.broadcast %max3A_2917 : f32 to vector<16xf32>
      %max3A_2919 = arith.maximumf %gather3A_2916, %max3A_2918 : vector<16xf32>
      %get3A_2920 = arith.constant 25 : i32
      %get3A_2921 = arith.index_cast %get3A_2920 : i32 to index
      %get3A_2922 = arith.constant 0 : index
      %get3A_2923 = tpu.vector_load %arg15[%get3A_2921, %get3A_2922] {strides = array<i32>} : memref<51x64xf32, #tpu.memory_space<vmem>>, vector<16xf32>,
      %add3A_2924 = arith.addf %add3A_2878, %get3A_2923 : vector<16xf32>
      %div3A_2925 = arith.divf %add3A_2924, %max3A_2919 : vector<16xf32>
      %swap3A_2926 = arith.constant 25 : i32
      %swap3A_2927 = arith.index_cast %swap3A_2926 : i32 to index
      %swap3A_2928 = arith.constant 0 : index
      %swap3A_2929 = tpu.vector_load %arg17[%swap3A_2927, %swap3A_2928] {strides = array<i32>} : memref<50x64xf32, #tpu.memory_space<vmem>>, vector<16xf32>,
      tpu.vector_store %arg17[%swap3A_2927, %swap3A_2928], %div3A_2925 {strides = array<i32>} : memref<50x64xf32, #tpu.memory_space<vmem>>, vector<16xf32>,
      %get3A_2930 = arith.constant 25 : i32
      %get3A_2931 = arith.index_cast %get3A_2930 : i32 to index
      %get3A_2932 = arith.constant 16 : index
      %get3A_2933 = tpu.vector_load %arg15[%get3A_2931, %get3A_2932] {strides = array<i32>} : memref<51x64xf32, #tpu.memory_space<vmem>>, vector<16xf32>,
      %add3A_2934 = arith.addf %add3A_2888, %get3A_2933 : vector<16xf32>
      %div3A_2935 = arith.divf %add3A_2934, %max3A_2919 : vector<16xf32>
      %swap3A_2936 = arith.constant 25 : i32
      %swap3A_2937 = arith.index_cast %swap3A_2936 : i32 to index
      %swap3A_2938 = arith.constant 16 : index
      %swap3A_2939 = tpu.vector_load %arg17[%swap3A_2937, %swap3A_2938] {strides = array<i32>} : memref<50x64xf32, #tpu.memory_space<vmem>>, vector<16xf32>,
      tpu.vector_store %arg17[%swap3A_2937, %swap3A_2938], %div3A_2935 {strides = array<i32>} : memref<50x64xf32, #tpu.memory_space<vmem>>, vector<16xf32>,
      %get3A_2940 = arith.constant 25 : i32
      %get3A_2941 = arith.index_cast %get3A_2940 : i32 to index
      %get3A_2942 = arith.constant 32 : index
      %get3A_2943 = tpu.vector_load %arg15[%get3A_2941, %get3A_2942] {strides = array<i32>} : memref<51x64xf32, #tpu.memory_space<vmem>>, vector<16xf32>,
      %add3A_2944 = arith.addf %add3A_2898, %get3A_2943 : vector<16xf32>
      %div3A_2945 = arith.divf %add3A_2944, %max3A_2919 : vector<16xf32>
      %swap3A_2946 = arith.constant 25 : i32
      %swap3A_2947 = arith.index_cast %swap3A_2946 : i32 to index
      %swap3A_2948 = arith.constant 32 : index
      %swap3A_2949 = tpu.vector_load %arg17[%swap3A_2947, %swap3A_2948] {strides = array<i32>} : memref<50x64xf32, #tpu.memory_space<vmem>>, vector<16xf32>,
      tpu.vector_store %arg17[%swap3A_2947, %swap3A_2948], %div3A_2945 {strides = array<i32>} : memref<50x64xf32, #tpu.memory_space<vmem>>, vector<16xf32>,
      %get3A_2950 = arith.constant 25 : i32
      %get3A_2951 = arith.index_cast %get3A_2950 : i32 to index
      %get3A_2952 = arith.constant 48 : index
      %get3A_2953 = tpu.vector_load %arg15[%get3A_2951, %get3A_2952] {strides = array<i32>} : memref<51x64xf32, #tpu.memory_space<vmem>>, vector<16xf32>,
      %add3A_2954 = arith.addf %add3A_2908, %get3A_2953 : vector<16xf32>
      %div3A_2955 = arith.divf %add3A_2954, %max3A_2919 : vector<16xf32>
      %swap3A_2956 = arith.constant 25 : i32
      %swap3A_2957 = arith.index_cast %swap3A_2956 : i32 to index
      %swap3A_2958 = arith.constant 48 : index
      %swap3A_2959 = tpu.vector_load %arg17[%swap3A_2957, %swap3A_2958] {strides = array<i32>} : memref<50x64xf32, #tpu.memory_space<vmem>>, vector<16xf32>,
      tpu.vector_store %arg17[%swap3A_2957, %swap3A_2958], %div3A_2955 {strides = array<i32>} : memref<50x64xf32, #tpu.memory_space<vmem>>, vector<16xf32>,
      %broadcast_in_dim3A_2960 = arith.constant 260 : i32
      %broadcast_in_dim3A_2961 = vector.broadcast %broadcast_in_dim3A_2960 : i32 to vector<16xi32>
      %gather3A_2962 = tpu.vector_load_idx %arg11[%broadcast_in_dim3A_2961] : memref<512xf32, #tpu.memory_space<vmem>>[vector<16xi32>], vector<16xf32>,
      %max3A_2963 = arith.constant 1.000000e+00 : f32
      %max3A_2964 = vector.broadcast %max3A_2963 : f32 to vector<16xf32>
      %max3A_2965 = arith.maximumf %gather3A_2962, %max3A_2964 : vector<16xf32>
      %get3A_2966 = arith.constant 26 : i32
      %get3A_2967 = arith.index_cast %get3A_2966 : i32 to index
      %get3A_2968 = arith.constant 0 : index
      %get3A_2969 = tpu.vector_load %arg15[%get3A_2967, %get3A_2968] {strides = array<i32>} : memref<51x64xf32, #tpu.memory_space<vmem>>, vector<16xf32>,
      %add3A_2970 = arith.addf %add3A_2924, %get3A_2969 : vector<16xf32>
      %div3A_2971 = arith.divf %add3A_2970, %max3A_2965 : vector<16xf32>
      %swap3A_2972 = arith.constant 26 : i32
      %swap3A_2973 = arith.index_cast %swap3A_2972 : i32 to index
      %swap3A_2974 = arith.constant 0 : index
      %swap3A_2975 = tpu.vector_load %arg17[%swap3A_2973, %swap3A_2974] {strides = array<i32>} : memref<50x64xf32, #tpu.memory_space<vmem>>, vector<16xf32>,
      tpu.vector_store %arg17[%swap3A_2973, %swap3A_2974], %div3A_2971 {strides = array<i32>} : memref<50x64xf32, #tpu.memory_space<vmem>>, vector<16xf32>,
      %get3A_2976 = arith.constant 26 : i32
      %get3A_2977 = arith.index_cast %get3A_2976 : i32 to index
      %get3A_2978 = arith.constant 16 : index
      %get3A_2979 = tpu.vector_load %arg15[%get3A_2977, %get3A_2978] {strides = array<i32>} : memref<51x64xf32, #tpu.memory_space<vmem>>, vector<16xf32>,
      %add3A_2980 = arith.addf %add3A_2934, %get3A_2979 : vector<16xf32>
      %div3A_2981 = arith.divf %add3A_2980, %max3A_2965 : vector<16xf32>
      %swap3A_2982 = arith.constant 26 : i32
      %swap3A_2983 = arith.index_cast %swap3A_2982 : i32 to index
      %swap3A_2984 = arith.constant 16 : index
      %swap3A_2985 = tpu.vector_load %arg17[%swap3A_2983, %swap3A_2984] {strides = array<i32>} : memref<50x64xf32, #tpu.memory_space<vmem>>, vector<16xf32>,
      tpu.vector_store %arg17[%swap3A_2983, %swap3A_2984], %div3A_2981 {strides = array<i32>} : memref<50x64xf32, #tpu.memory_space<vmem>>, vector<16xf32>,
      %get3A_2986 = arith.constant 26 : i32
      %get3A_2987 = arith.index_cast %get3A_2986 : i32 to index
      %get3A_2988 = arith.constant 32 : index
      %get3A_2989 = tpu.vector_load %arg15[%get3A_2987, %get3A_2988] {strides = array<i32>} : memref<51x64xf32, #tpu.memory_space<vmem>>, vector<16xf32>,
      %add3A_2990 = arith.addf %add3A_2944, %get3A_2989 : vector<16xf32>
      %div3A_2991 = arith.divf %add3A_2990, %max3A_2965 : vector<16xf32>
      %swap3A_2992 = arith.constant 26 : i32
      %swap3A_2993 = arith.index_cast %swap3A_2992 : i32 to index
      %swap3A_2994 = arith.constant 32 : index
      %swap3A_2995 = tpu.vector_load %arg17[%swap3A_2993, %swap3A_2994] {strides = array<i32>} : memref<50x64xf32, #tpu.memory_space<vmem>>, vector<16xf32>,
      tpu.vector_store %arg17[%swap3A_2993, %swap3A_2994], %div3A_2991 {strides = array<i32>} : memref<50x64xf32, #tpu.memory_space<vmem>>, vector<16xf32>,
      %get3A_2996 = arith.constant 26 : i32
      %get3A_2997 = arith.index_cast %get3A_2996 : i32 to index
      %get3A_2998 = arith.constant 48 : index
      %get3A_2999 = tpu.vector_load %arg15[%get3A_2997, %get3A_2998] {strides = array<i32>} : memref<51x64xf32, #tpu.memory_space<vmem>>, vector<16xf32>,
      %add3A_3000 = arith.addf %add3A_2954, %get3A_2999 : vector<16xf32>
      %div3A_3001 = arith.divf %add3A_3000, %max3A_2965 : vector<16xf32>
      %swap3A_3002 = arith.constant 26 : i32
      %swap3A_3003 = arith.index_cast %swap3A_3002 : i32 to index
      %swap3A_3004 = arith.constant 48 : index
      %swap3A_3005 = tpu.vector_load %arg17[%swap3A_3003, %swap3A_3004] {strides = array<i32>} : memref<50x64xf32, #tpu.memory_space<vmem>>, vector<16xf32>,
      tpu.vector_store %arg17[%swap3A_3003, %swap3A_3004], %div3A_3001 {strides = array<i32>} : memref<50x64xf32, #tpu.memory_space<vmem>>, vector<16xf32>,
      %broadcast_in_dim3A_3006 = arith.constant 270 : i32
      %broadcast_in_dim3A_3007 = vector.broadcast %broadcast_in_dim3A_3006 : i32 to vector<16xi32>
      %gather3A_3008 = tpu.vector_load_idx %arg11[%broadcast_in_dim3A_3007] : memref<512xf32, #tpu.memory_space<vmem>>[vector<16xi32>], vector<16xf32>,
      %max3A_3009 = arith.constant 1.000000e+00 : f32
      %max3A_3010 = vector.broadcast %max3A_3009 : f32 to vector<16xf32>
      %max3A_3011 = arith.maximumf %gather3A_3008, %max3A_3010 : vector<16xf32>
      %get3A_3012 = arith.constant 27 : i32
      %get3A_3013 = arith.index_cast %get3A_3012 : i32 to index
      %get3A_3014 = arith.constant 0 : index
      %get3A_3015 = tpu.vector_load %arg15[%get3A_3013, %get3A_3014] {strides = array<i32>} : memref<51x64xf32, #tpu.memory_space<vmem>>, vector<16xf32>,
      %add3A_3016 = arith.addf %add3A_2970, %get3A_3015 : vector<16xf32>
      %div3A_3017 = arith.divf %add3A_3016, %max3A_3011 : vector<16xf32>
      %swap3A_3018 = arith.constant 27 : i32
      %swap3A_3019 = arith.index_cast %swap3A_3018 : i32 to index
      %swap3A_3020 = arith.constant 0 : index
      %swap3A_3021 = tpu.vector_load %arg17[%swap3A_3019, %swap3A_3020] {strides = array<i32>} : memref<50x64xf32, #tpu.memory_space<vmem>>, vector<16xf32>,
      tpu.vector_store %arg17[%swap3A_3019, %swap3A_3020], %div3A_3017 {strides = array<i32>} : memref<50x64xf32, #tpu.memory_space<vmem>>, vector<16xf32>,
      %get3A_3022 = arith.constant 27 : i32
      %get3A_3023 = arith.index_cast %get3A_3022 : i32 to index
      %get3A_3024 = arith.constant 16 : index
      %get3A_3025 = tpu.vector_load %arg15[%get3A_3023, %get3A_3024] {strides = array<i32>} : memref<51x64xf32, #tpu.memory_space<vmem>>, vector<16xf32>,
      %add3A_3026 = arith.addf %add3A_2980, %get3A_3025 : vector<16xf32>
      %div3A_3027 = arith.divf %add3A_3026, %max3A_3011 : vector<16xf32>
      %swap3A_3028 = arith.constant 27 : i32
      %swap3A_3029 = arith.index_cast %swap3A_3028 : i32 to index
      %swap3A_3030 = arith.constant 16 : index
      %swap3A_3031 = tpu.vector_load %arg17[%swap3A_3029, %swap3A_3030] {strides = array<i32>} : memref<50x64xf32, #tpu.memory_space<vmem>>, vector<16xf32>,
      tpu.vector_store %arg17[%swap3A_3029, %swap3A_3030], %div3A_3027 {strides = array<i32>} : memref<50x64xf32, #tpu.memory_space<vmem>>, vector<16xf32>,
      %get3A_3032 = arith.constant 27 : i32
      %get3A_3033 = arith.index_cast %get3A_3032 : i32 to index
      %get3A_3034 = arith.constant 32 : index
      %get3A_3035 = tpu.vector_load %arg15[%get3A_3033, %get3A_3034] {strides = array<i32>} : memref<51x64xf32, #tpu.memory_space<vmem>>, vector<16xf32>,
      %add3A_3036 = arith.addf %add3A_2990, %get3A_3035 : vector<16xf32>
      %div3A_3037 = arith.divf %add3A_3036, %max3A_3011 : vector<16xf32>
      %swap3A_3038 = arith.constant 27 : i32
      %swap3A_3039 = arith.index_cast %swap3A_3038 : i32 to index
      %swap3A_3040 = arith.constant 32 : index
      %swap3A_3041 = tpu.vector_load %arg17[%swap3A_3039, %swap3A_3040] {strides = array<i32>} : memref<50x64xf32, #tpu.memory_space<vmem>>, vector<16xf32>,
      tpu.vector_store %arg17[%swap3A_3039, %swap3A_3040], %div3A_3037 {strides = array<i32>} : memref<50x64xf32, #tpu.memory_space<vmem>>, vector<16xf32>,
      %get3A_3042 = arith.constant 27 : i32
      %get3A_3043 = arith.index_cast %get3A_3042 : i32 to index
      %get3A_3044 = arith.constant 48 : index
      %get3A_3045 = tpu.vector_load %arg15[%get3A_3043, %get3A_3044] {strides = array<i32>} : memref<51x64xf32, #tpu.memory_space<vmem>>, vector<16xf32>,
      %add3A_3046 = arith.addf %add3A_3000, %get3A_3045 : vector<16xf32>
      %div3A_3047 = arith.divf %add3A_3046, %max3A_3011 : vector<16xf32>
      %swap3A_3048 = arith.constant 27 : i32
      %swap3A_3049 = arith.index_cast %swap3A_3048 : i32 to index
      %swap3A_3050 = arith.constant 48 : index
      %swap3A_3051 = tpu.vector_load %arg17[%swap3A_3049, %swap3A_3050] {strides = array<i32>} : memref<50x64xf32, #tpu.memory_space<vmem>>, vector<16xf32>,
      tpu.vector_store %arg17[%swap3A_3049, %swap3A_3050], %div3A_3047 {strides = array<i32>} : memref<50x64xf32, #tpu.memory_space<vmem>>, vector<16xf32>,
      %broadcast_in_dim3A_3052 = arith.constant 280 : i32
      %broadcast_in_dim3A_3053 = vector.broadcast %broadcast_in_dim3A_3052 : i32 to vector<16xi32>
      %gather3A_3054 = tpu.vector_load_idx %arg11[%broadcast_in_dim3A_3053] : memref<512xf32, #tpu.memory_space<vmem>>[vector<16xi32>], vector<16xf32>,
      %max3A_3055 = arith.constant 1.000000e+00 : f32
      %max3A_3056 = vector.broadcast %max3A_3055 : f32 to vector<16xf32>
      %max3A_3057 = arith.maximumf %gather3A_3054, %max3A_3056 : vector<16xf32>
      %get3A_3058 = arith.constant 28 : i32
      %get3A_3059 = arith.index_cast %get3A_3058 : i32 to index
      %get3A_3060 = arith.constant 0 : index
      %get3A_3061 = tpu.vector_load %arg15[%get3A_3059, %get3A_3060] {strides = array<i32>} : memref<51x64xf32, #tpu.memory_space<vmem>>, vector<16xf32>,
      %add3A_3062 = arith.addf %add3A_3016, %get3A_3061 : vector<16xf32>
      %div3A_3063 = arith.divf %add3A_3062, %max3A_3057 : vector<16xf32>
      %swap3A_3064 = arith.constant 28 : i32
      %swap3A_3065 = arith.index_cast %swap3A_3064 : i32 to index
      %swap3A_3066 = arith.constant 0 : index
      %swap3A_3067 = tpu.vector_load %arg17[%swap3A_3065, %swap3A_3066] {strides = array<i32>} : memref<50x64xf32, #tpu.memory_space<vmem>>, vector<16xf32>,
      tpu.vector_store %arg17[%swap3A_3065, %swap3A_3066], %div3A_3063 {strides = array<i32>} : memref<50x64xf32, #tpu.memory_space<vmem>>, vector<16xf32>,
      %get3A_3068 = arith.constant 28 : i32
      %get3A_3069 = arith.index_cast %get3A_3068 : i32 to index
      %get3A_3070 = arith.constant 16 : index
      %get3A_3071 = tpu.vector_load %arg15[%get3A_3069, %get3A_3070] {strides = array<i32>} : memref<51x64xf32, #tpu.memory_space<vmem>>, vector<16xf32>,
      %add3A_3072 = arith.addf %add3A_3026, %get3A_3071 : vector<16xf32>
      %div3A_3073 = arith.divf %add3A_3072, %max3A_3057 : vector<16xf32>
      %swap3A_3074 = arith.constant 28 : i32
      %swap3A_3075 = arith.index_cast %swap3A_3074 : i32 to index
      %swap3A_3076 = arith.constant 16 : index
      %swap3A_3077 = tpu.vector_load %arg17[%swap3A_3075, %swap3A_3076] {strides = array<i32>} : memref<50x64xf32, #tpu.memory_space<vmem>>, vector<16xf32>,
      tpu.vector_store %arg17[%swap3A_3075, %swap3A_3076], %div3A_3073 {strides = array<i32>} : memref<50x64xf32, #tpu.memory_space<vmem>>, vector<16xf32>,
      %get3A_3078 = arith.constant 28 : i32
      %get3A_3079 = arith.index_cast %get3A_3078 : i32 to index
      %get3A_3080 = arith.constant 32 : index
      %get3A_3081 = tpu.vector_load %arg15[%get3A_3079, %get3A_3080] {strides = array<i32>} : memref<51x64xf32, #tpu.memory_space<vmem>>, vector<16xf32>,
      %add3A_3082 = arith.addf %add3A_3036, %get3A_3081 : vector<16xf32>
      %div3A_3083 = arith.divf %add3A_3082, %max3A_3057 : vector<16xf32>
      %swap3A_3084 = arith.constant 28 : i32
      %swap3A_3085 = arith.index_cast %swap3A_3084 : i32 to index
      %swap3A_3086 = arith.constant 32 : index
      %swap3A_3087 = tpu.vector_load %arg17[%swap3A_3085, %swap3A_3086] {strides = array<i32>} : memref<50x64xf32, #tpu.memory_space<vmem>>, vector<16xf32>,
      tpu.vector_store %arg17[%swap3A_3085, %swap3A_3086], %div3A_3083 {strides = array<i32>} : memref<50x64xf32, #tpu.memory_space<vmem>>, vector<16xf32>,
      %get3A_3088 = arith.constant 28 : i32
      %get3A_3089 = arith.index_cast %get3A_3088 : i32 to index
      %get3A_3090 = arith.constant 48 : index
      %get3A_3091 = tpu.vector_load %arg15[%get3A_3089, %get3A_3090] {strides = array<i32>} : memref<51x64xf32, #tpu.memory_space<vmem>>, vector<16xf32>,
      %add3A_3092 = arith.addf %add3A_3046, %get3A_3091 : vector<16xf32>
      %div3A_3093 = arith.divf %add3A_3092, %max3A_3057 : vector<16xf32>
      %swap3A_3094 = arith.constant 28 : i32
      %swap3A_3095 = arith.index_cast %swap3A_3094 : i32 to index
      %swap3A_3096 = arith.constant 48 : index
      %swap3A_3097 = tpu.vector_load %arg17[%swap3A_3095, %swap3A_3096] {strides = array<i32>} : memref<50x64xf32, #tpu.memory_space<vmem>>, vector<16xf32>,
      tpu.vector_store %arg17[%swap3A_3095, %swap3A_3096], %div3A_3093 {strides = array<i32>} : memref<50x64xf32, #tpu.memory_space<vmem>>, vector<16xf32>,
      %broadcast_in_dim3A_3098 = arith.constant 290 : i32
      %broadcast_in_dim3A_3099 = vector.broadcast %broadcast_in_dim3A_3098 : i32 to vector<16xi32>
      %gather3A_3100 = tpu.vector_load_idx %arg11[%broadcast_in_dim3A_3099] : memref<512xf32, #tpu.memory_space<vmem>>[vector<16xi32>], vector<16xf32>,
      %max3A_3101 = arith.constant 1.000000e+00 : f32
      %max3A_3102 = vector.broadcast %max3A_3101 : f32 to vector<16xf32>
      %max3A_3103 = arith.maximumf %gather3A_3100, %max3A_3102 : vector<16xf32>
      %get3A_3104 = arith.constant 29 : i32
      %get3A_3105 = arith.index_cast %get3A_3104 : i32 to index
      %get3A_3106 = arith.constant 0 : index
      %get3A_3107 = tpu.vector_load %arg15[%get3A_3105, %get3A_3106] {strides = array<i32>} : memref<51x64xf32, #tpu.memory_space<vmem>>, vector<16xf32>,
      %add3A_3108 = arith.addf %add3A_3062, %get3A_3107 : vector<16xf32>
      %div3A_3109 = arith.divf %add3A_3108, %max3A_3103 : vector<16xf32>
      %swap3A_3110 = arith.constant 29 : i32
      %swap3A_3111 = arith.index_cast %swap3A_3110 : i32 to index
      %swap3A_3112 = arith.constant 0 : index
      %swap3A_3113 = tpu.vector_load %arg17[%swap3A_3111, %swap3A_3112] {strides = array<i32>} : memref<50x64xf32, #tpu.memory_space<vmem>>, vector<16xf32>,
      tpu.vector_store %arg17[%swap3A_3111, %swap3A_3112], %div3A_3109 {strides = array<i32>} : memref<50x64xf32, #tpu.memory_space<vmem>>, vector<16xf32>,
      %get3A_3114 = arith.constant 29 : i32
      %get3A_3115 = arith.index_cast %get3A_3114 : i32 to index
      %get3A_3116 = arith.constant 16 : index
      %get3A_3117 = tpu.vector_load %arg15[%get3A_3115, %get3A_3116] {strides = array<i32>} : memref<51x64xf32, #tpu.memory_space<vmem>>, vector<16xf32>,
      %add3A_3118 = arith.addf %add3A_3072, %get3A_3117 : vector<16xf32>
      %div3A_3119 = arith.divf %add3A_3118, %max3A_3103 : vector<16xf32>
      %swap3A_3120 = arith.constant 29 : i32
      %swap3A_3121 = arith.index_cast %swap3A_3120 : i32 to index
      %swap3A_3122 = arith.constant 16 : index
      %swap3A_3123 = tpu.vector_load %arg17[%swap3A_3121, %swap3A_3122] {strides = array<i32>} : memref<50x64xf32, #tpu.memory_space<vmem>>, vector<16xf32>,
      tpu.vector_store %arg17[%swap3A_3121, %swap3A_3122], %div3A_3119 {strides = array<i32>} : memref<50x64xf32, #tpu.memory_space<vmem>>, vector<16xf32>,
      %get3A_3124 = arith.constant 29 : i32
      %get3A_3125 = arith.index_cast %get3A_3124 : i32 to index
      %get3A_3126 = arith.constant 32 : index
      %get3A_3127 = tpu.vector_load %arg15[%get3A_3125, %get3A_3126] {strides = array<i32>} : memref<51x64xf32, #tpu.memory_space<vmem>>, vector<16xf32>,
      %add3A_3128 = arith.addf %add3A_3082, %get3A_3127 : vector<16xf32>
      %div3A_3129 = arith.divf %add3A_3128, %max3A_3103 : vector<16xf32>
      %swap3A_3130 = arith.constant 29 : i32
      %swap3A_3131 = arith.index_cast %swap3A_3130 : i32 to index
      %swap3A_3132 = arith.constant 32 : index
      %swap3A_3133 = tpu.vector_load %arg17[%swap3A_3131, %swap3A_3132] {strides = array<i32>} : memref<50x64xf32, #tpu.memory_space<vmem>>, vector<16xf32>,
      tpu.vector_store %arg17[%swap3A_3131, %swap3A_3132], %div3A_3129 {strides = array<i32>} : memref<50x64xf32, #tpu.memory_space<vmem>>, vector<16xf32>,
      %get3A_3134 = arith.constant 29 : i32
      %get3A_3135 = arith.index_cast %get3A_3134 : i32 to index
      %get3A_3136 = arith.constant 48 : index
      %get3A_3137 = tpu.vector_load %arg15[%get3A_3135, %get3A_3136] {strides = array<i32>} : memref<51x64xf32, #tpu.memory_space<vmem>>, vector<16xf32>,
      %add3A_3138 = arith.addf %add3A_3092, %get3A_3137 : vector<16xf32>
      %div3A_3139 = arith.divf %add3A_3138, %max3A_3103 : vector<16xf32>
      %swap3A_3140 = arith.constant 29 : i32
      %swap3A_3141 = arith.index_cast %swap3A_3140 : i32 to index
      %swap3A_3142 = arith.constant 48 : index
      %swap3A_3143 = tpu.vector_load %arg17[%swap3A_3141, %swap3A_3142] {strides = array<i32>} : memref<50x64xf32, #tpu.memory_space<vmem>>, vector<16xf32>,
      tpu.vector_store %arg17[%swap3A_3141, %swap3A_3142], %div3A_3139 {strides = array<i32>} : memref<50x64xf32, #tpu.memory_space<vmem>>, vector<16xf32>,
      %broadcast_in_dim3A_3144 = arith.constant 300 : i32
      %broadcast_in_dim3A_3145 = vector.broadcast %broadcast_in_dim3A_3144 : i32 to vector<16xi32>
      %gather3A_3146 = tpu.vector_load_idx %arg11[%broadcast_in_dim3A_3145] : memref<512xf32, #tpu.memory_space<vmem>>[vector<16xi32>], vector<16xf32>,
      %max3A_3147 = arith.constant 1.000000e+00 : f32
      %max3A_3148 = vector.broadcast %max3A_3147 : f32 to vector<16xf32>
      %max3A_3149 = arith.maximumf %gather3A_3146, %max3A_3148 : vector<16xf32>
      %get3A_3150 = arith.constant 30 : i32
      %get3A_3151 = arith.index_cast %get3A_3150 : i32 to index
      %get3A_3152 = arith.constant 0 : index
      %get3A_3153 = tpu.vector_load %arg15[%get3A_3151, %get3A_3152] {strides = array<i32>} : memref<51x64xf32, #tpu.memory_space<vmem>>, vector<16xf32>,
      %add3A_3154 = arith.addf %add3A_3108, %get3A_3153 : vector<16xf32>
      %div3A_3155 = arith.divf %add3A_3154, %max3A_3149 : vector<16xf32>
      %swap3A_3156 = arith.constant 30 : i32
      %swap3A_3157 = arith.index_cast %swap3A_3156 : i32 to index
      %swap3A_3158 = arith.constant 0 : index
      %swap3A_3159 = tpu.vector_load %arg17[%swap3A_3157, %swap3A_3158] {strides = array<i32>} : memref<50x64xf32, #tpu.memory_space<vmem>>, vector<16xf32>,
      tpu.vector_store %arg17[%swap3A_3157, %swap3A_3158], %div3A_3155 {strides = array<i32>} : memref<50x64xf32, #tpu.memory_space<vmem>>, vector<16xf32>,
      %get3A_3160 = arith.constant 30 : i32
      %get3A_3161 = arith.index_cast %get3A_3160 : i32 to index
      %get3A_3162 = arith.constant 16 : index
      %get3A_3163 = tpu.vector_load %arg15[%get3A_3161, %get3A_3162] {strides = array<i32>} : memref<51x64xf32, #tpu.memory_space<vmem>>, vector<16xf32>,
      %add3A_3164 = arith.addf %add3A_3118, %get3A_3163 : vector<16xf32>
      %div3A_3165 = arith.divf %add3A_3164, %max3A_3149 : vector<16xf32>
      %swap3A_3166 = arith.constant 30 : i32
      %swap3A_3167 = arith.index_cast %swap3A_3166 : i32 to index
      %swap3A_3168 = arith.constant 16 : index
      %swap3A_3169 = tpu.vector_load %arg17[%swap3A_3167, %swap3A_3168] {strides = array<i32>} : memref<50x64xf32, #tpu.memory_space<vmem>>, vector<16xf32>,
      tpu.vector_store %arg17[%swap3A_3167, %swap3A_3168], %div3A_3165 {strides = array<i32>} : memref<50x64xf32, #tpu.memory_space<vmem>>, vector<16xf32>,
      %get3A_3170 = arith.constant 30 : i32
      %get3A_3171 = arith.index_cast %get3A_3170 : i32 to index
      %get3A_3172 = arith.constant 32 : index
      %get3A_3173 = tpu.vector_load %arg15[%get3A_3171, %get3A_3172] {strides = array<i32>} : memref<51x64xf32, #tpu.memory_space<vmem>>, vector<16xf32>,
      %add3A_3174 = arith.addf %add3A_3128, %get3A_3173 : vector<16xf32>
      %div3A_3175 = arith.divf %add3A_3174, %max3A_3149 : vector<16xf32>
      %swap3A_3176 = arith.constant 30 : i32
      %swap3A_3177 = arith.index_cast %swap3A_3176 : i32 to index
      %swap3A_3178 = arith.constant 32 : index
      %swap3A_3179 = tpu.vector_load %arg17[%swap3A_3177, %swap3A_3178] {strides = array<i32>} : memref<50x64xf32, #tpu.memory_space<vmem>>, vector<16xf32>,
      tpu.vector_store %arg17[%swap3A_3177, %swap3A_3178], %div3A_3175 {strides = array<i32>} : memref<50x64xf32, #tpu.memory_space<vmem>>, vector<16xf32>,
      %get3A_3180 = arith.constant 30 : i32
      %get3A_3181 = arith.index_cast %get3A_3180 : i32 to index
      %get3A_3182 = arith.constant 48 : index
      %get3A_3183 = tpu.vector_load %arg15[%get3A_3181, %get3A_3182] {strides = array<i32>} : memref<51x64xf32, #tpu.memory_space<vmem>>, vector<16xf32>,
      %add3A_3184 = arith.addf %add3A_3138, %get3A_3183 : vector<16xf32>
      %div3A_3185 = arith.divf %add3A_3184, %max3A_3149 : vector<16xf32>
      %swap3A_3186 = arith.constant 30 : i32
      %swap3A_3187 = arith.index_cast %swap3A_3186 : i32 to index
      %swap3A_3188 = arith.constant 48 : index
      %swap3A_3189 = tpu.vector_load %arg17[%swap3A_3187, %swap3A_3188] {strides = array<i32>} : memref<50x64xf32, #tpu.memory_space<vmem>>, vector<16xf32>,
      tpu.vector_store %arg17[%swap3A_3187, %swap3A_3188], %div3A_3185 {strides = array<i32>} : memref<50x64xf32, #tpu.memory_space<vmem>>, vector<16xf32>,
      %broadcast_in_dim3A_3190 = arith.constant 310 : i32
      %broadcast_in_dim3A_3191 = vector.broadcast %broadcast_in_dim3A_3190 : i32 to vector<16xi32>
      %gather3A_3192 = tpu.vector_load_idx %arg11[%broadcast_in_dim3A_3191] : memref<512xf32, #tpu.memory_space<vmem>>[vector<16xi32>], vector<16xf32>,
      %max3A_3193 = arith.constant 1.000000e+00 : f32
      %max3A_3194 = vector.broadcast %max3A_3193 : f32 to vector<16xf32>
      %max3A_3195 = arith.maximumf %gather3A_3192, %max3A_3194 : vector<16xf32>
      %get3A_3196 = arith.constant 31 : i32
      %get3A_3197 = arith.index_cast %get3A_3196 : i32 to index
      %get3A_3198 = arith.constant 0 : index
      %get3A_3199 = tpu.vector_load %arg15[%get3A_3197, %get3A_3198] {strides = array<i32>} : memref<51x64xf32, #tpu.memory_space<vmem>>, vector<16xf32>,
      %add3A_3200 = arith.addf %add3A_3154, %get3A_3199 : vector<16xf32>
      %div3A_3201 = arith.divf %add3A_3200, %max3A_3195 : vector<16xf32>
      %swap3A_3202 = arith.constant 31 : i32
      %swap3A_3203 = arith.index_cast %swap3A_3202 : i32 to index
      %swap3A_3204 = arith.constant 0 : index
      %swap3A_3205 = tpu.vector_load %arg17[%swap3A_3203, %swap3A_3204] {strides = array<i32>} : memref<50x64xf32, #tpu.memory_space<vmem>>, vector<16xf32>,
      tpu.vector_store %arg17[%swap3A_3203, %swap3A_3204], %div3A_3201 {strides = array<i32>} : memref<50x64xf32, #tpu.memory_space<vmem>>, vector<16xf32>,
      %get3A_3206 = arith.constant 31 : i32
      %get3A_3207 = arith.index_cast %get3A_3206 : i32 to index
      %get3A_3208 = arith.constant 16 : index
      %get3A_3209 = tpu.vector_load %arg15[%get3A_3207, %get3A_3208] {strides = array<i32>} : memref<51x64xf32, #tpu.memory_space<vmem>>, vector<16xf32>,
      %add3A_3210 = arith.addf %add3A_3164, %get3A_3209 : vector<16xf32>
      %div3A_3211 = arith.divf %add3A_3210, %max3A_3195 : vector<16xf32>
      %swap3A_3212 = arith.constant 31 : i32
      %swap3A_3213 = arith.index_cast %swap3A_3212 : i32 to index
      %swap3A_3214 = arith.constant 16 : index
      %swap3A_3215 = tpu.vector_load %arg17[%swap3A_3213, %swap3A_3214] {strides = array<i32>} : memref<50x64xf32, #tpu.memory_space<vmem>>, vector<16xf32>,
      tpu.vector_store %arg17[%swap3A_3213, %swap3A_3214], %div3A_3211 {strides = array<i32>} : memref<50x64xf32, #tpu.memory_space<vmem>>, vector<16xf32>,
      %get3A_3216 = arith.constant 31 : i32
      %get3A_3217 = arith.index_cast %get3A_3216 : i32 to index
      %get3A_3218 = arith.constant 32 : index
      %get3A_3219 = tpu.vector_load %arg15[%get3A_3217, %get3A_3218] {strides = array<i32>} : memref<51x64xf32, #tpu.memory_space<vmem>>, vector<16xf32>,
      %add3A_3220 = arith.addf %add3A_3174, %get3A_3219 : vector<16xf32>
      %div3A_3221 = arith.divf %add3A_3220, %max3A_3195 : vector<16xf32>
      %swap3A_3222 = arith.constant 31 : i32
      %swap3A_3223 = arith.index_cast %swap3A_3222 : i32 to index
      %swap3A_3224 = arith.constant 32 : index
      %swap3A_3225 = tpu.vector_load %arg17[%swap3A_3223, %swap3A_3224] {strides = array<i32>} : memref<50x64xf32, #tpu.memory_space<vmem>>, vector<16xf32>,
      tpu.vector_store %arg17[%swap3A_3223, %swap3A_3224], %div3A_3221 {strides = array<i32>} : memref<50x64xf32, #tpu.memory_space<vmem>>, vector<16xf32>,
      %get3A_3226 = arith.constant 31 : i32
      %get3A_3227 = arith.index_cast %get3A_3226 : i32 to index
      %get3A_3228 = arith.constant 48 : index
      %get3A_3229 = tpu.vector_load %arg15[%get3A_3227, %get3A_3228] {strides = array<i32>} : memref<51x64xf32, #tpu.memory_space<vmem>>, vector<16xf32>,
      %add3A_3230 = arith.addf %add3A_3184, %get3A_3229 : vector<16xf32>
      %div3A_3231 = arith.divf %add3A_3230, %max3A_3195 : vector<16xf32>
      %swap3A_3232 = arith.constant 31 : i32
      %swap3A_3233 = arith.index_cast %swap3A_3232 : i32 to index
      %swap3A_3234 = arith.constant 48 : index
      %swap3A_3235 = tpu.vector_load %arg17[%swap3A_3233, %swap3A_3234] {strides = array<i32>} : memref<50x64xf32, #tpu.memory_space<vmem>>, vector<16xf32>,
      tpu.vector_store %arg17[%swap3A_3233, %swap3A_3234], %div3A_3231 {strides = array<i32>} : memref<50x64xf32, #tpu.memory_space<vmem>>, vector<16xf32>,
      %broadcast_in_dim3A_3236 = arith.constant 320 : i32
      %broadcast_in_dim3A_3237 = vector.broadcast %broadcast_in_dim3A_3236 : i32 to vector<16xi32>
      %gather3A_3238 = tpu.vector_load_idx %arg11[%broadcast_in_dim3A_3237] : memref<512xf32, #tpu.memory_space<vmem>>[vector<16xi32>], vector<16xf32>,
      %max3A_3239 = arith.constant 1.000000e+00 : f32
      %max3A_3240 = vector.broadcast %max3A_3239 : f32 to vector<16xf32>
      %max3A_3241 = arith.maximumf %gather3A_3238, %max3A_3240 : vector<16xf32>
      %get3A_3242 = arith.constant 32 : i32
      %get3A_3243 = arith.index_cast %get3A_3242 : i32 to index
      %get3A_3244 = arith.constant 0 : index
      %get3A_3245 = tpu.vector_load %arg15[%get3A_3243, %get3A_3244] {strides = array<i32>} : memref<51x64xf32, #tpu.memory_space<vmem>>, vector<16xf32>,
      %add3A_3246 = arith.addf %add3A_3200, %get3A_3245 : vector<16xf32>
      %div3A_3247 = arith.divf %add3A_3246, %max3A_3241 : vector<16xf32>
      %swap3A_3248 = arith.constant 32 : i32
      %swap3A_3249 = arith.index_cast %swap3A_3248 : i32 to index
      %swap3A_3250 = arith.constant 0 : index
      %swap3A_3251 = tpu.vector_load %arg17[%swap3A_3249, %swap3A_3250] {strides = array<i32>} : memref<50x64xf32, #tpu.memory_space<vmem>>, vector<16xf32>,
      tpu.vector_store %arg17[%swap3A_3249, %swap3A_3250], %div3A_3247 {strides = array<i32>} : memref<50x64xf32, #tpu.memory_space<vmem>>, vector<16xf32>,
      %get3A_3252 = arith.constant 32 : i32
      %get3A_3253 = arith.index_cast %get3A_3252 : i32 to index
      %get3A_3254 = arith.constant 16 : index
      %get3A_3255 = tpu.vector_load %arg15[%get3A_3253, %get3A_3254] {strides = array<i32>} : memref<51x64xf32, #tpu.memory_space<vmem>>, vector<16xf32>,
      %add3A_3256 = arith.addf %add3A_3210, %get3A_3255 : vector<16xf32>
      %div3A_3257 = arith.divf %add3A_3256, %max3A_3241 : vector<16xf32>
      %swap3A_3258 = arith.constant 32 : i32
      %swap3A_3259 = arith.index_cast %swap3A_3258 : i32 to index
      %swap3A_3260 = arith.constant 16 : index
      %swap3A_3261 = tpu.vector_load %arg17[%swap3A_3259, %swap3A_3260] {strides = array<i32>} : memref<50x64xf32, #tpu.memory_space<vmem>>, vector<16xf32>,
      tpu.vector_store %arg17[%swap3A_3259, %swap3A_3260], %div3A_3257 {strides = array<i32>} : memref<50x64xf32, #tpu.memory_space<vmem>>, vector<16xf32>,
      %get3A_3262 = arith.constant 32 : i32
      %get3A_3263 = arith.index_cast %get3A_3262 : i32 to index
      %get3A_3264 = arith.constant 32 : index
      %get3A_3265 = tpu.vector_load %arg15[%get3A_3263, %get3A_3264] {strides = array<i32>} : memref<51x64xf32, #tpu.memory_space<vmem>>, vector<16xf32>,
      %add3A_3266 = arith.addf %add3A_3220, %get3A_3265 : vector<16xf32>
      %div3A_3267 = arith.divf %add3A_3266, %max3A_3241 : vector<16xf32>
      %swap3A_3268 = arith.constant 32 : i32
      %swap3A_3269 = arith.index_cast %swap3A_3268 : i32 to index
      %swap3A_3270 = arith.constant 32 : index
      %swap3A_3271 = tpu.vector_load %arg17[%swap3A_3269, %swap3A_3270] {strides = array<i32>} : memref<50x64xf32, #tpu.memory_space<vmem>>, vector<16xf32>,
      tpu.vector_store %arg17[%swap3A_3269, %swap3A_3270], %div3A_3267 {strides = array<i32>} : memref<50x64xf32, #tpu.memory_space<vmem>>, vector<16xf32>,
      %get3A_3272 = arith.constant 32 : i32
      %get3A_3273 = arith.index_cast %get3A_3272 : i32 to index
      %get3A_3274 = arith.constant 48 : index
      %get3A_3275 = tpu.vector_load %arg15[%get3A_3273, %get3A_3274] {strides = array<i32>} : memref<51x64xf32, #tpu.memory_space<vmem>>, vector<16xf32>,
      %add3A_3276 = arith.addf %add3A_3230, %get3A_3275 : vector<16xf32>
      %div3A_3277 = arith.divf %add3A_3276, %max3A_3241 : vector<16xf32>
      %swap3A_3278 = arith.constant 32 : i32
      %swap3A_3279 = arith.index_cast %swap3A_3278 : i32 to index
      %swap3A_3280 = arith.constant 48 : index
      %swap3A_3281 = tpu.vector_load %arg17[%swap3A_3279, %swap3A_3280] {strides = array<i32>} : memref<50x64xf32, #tpu.memory_space<vmem>>, vector<16xf32>,
      tpu.vector_store %arg17[%swap3A_3279, %swap3A_3280], %div3A_3277 {strides = array<i32>} : memref<50x64xf32, #tpu.memory_space<vmem>>, vector<16xf32>,
      %broadcast_in_dim3A_3282 = arith.constant 330 : i32
      %broadcast_in_dim3A_3283 = vector.broadcast %broadcast_in_dim3A_3282 : i32 to vector<16xi32>
      %gather3A_3284 = tpu.vector_load_idx %arg11[%broadcast_in_dim3A_3283] : memref<512xf32, #tpu.memory_space<vmem>>[vector<16xi32>], vector<16xf32>,
      %max3A_3285 = arith.constant 1.000000e+00 : f32
      %max3A_3286 = vector.broadcast %max3A_3285 : f32 to vector<16xf32>
      %max3A_3287 = arith.maximumf %gather3A_3284, %max3A_3286 : vector<16xf32>
      %get3A_3288 = arith.constant 33 : i32
      %get3A_3289 = arith.index_cast %get3A_3288 : i32 to index
      %get3A_3290 = arith.constant 0 : index
      %get3A_3291 = tpu.vector_load %arg15[%get3A_3289, %get3A_3290] {strides = array<i32>} : memref<51x64xf32, #tpu.memory_space<vmem>>, vector<16xf32>,
      %add3A_3292 = arith.addf %add3A_3246, %get3A_3291 : vector<16xf32>
      %div3A_3293 = arith.divf %add3A_3292, %max3A_3287 : vector<16xf32>
      %swap3A_3294 = arith.constant 33 : i32
      %swap3A_3295 = arith.index_cast %swap3A_3294 : i32 to index
      %swap3A_3296 = arith.constant 0 : index
      %swap3A_3297 = tpu.vector_load %arg17[%swap3A_3295, %swap3A_3296] {strides = array<i32>} : memref<50x64xf32, #tpu.memory_space<vmem>>, vector<16xf32>,
      tpu.vector_store %arg17[%swap3A_3295, %swap3A_3296], %div3A_3293 {strides = array<i32>} : memref<50x64xf32, #tpu.memory_space<vmem>>, vector<16xf32>,
      %get3A_3298 = arith.constant 33 : i32
      %get3A_3299 = arith.index_cast %get3A_3298 : i32 to index
      %get3A_3300 = arith.constant 16 : index
      %get3A_3301 = tpu.vector_load %arg15[%get3A_3299, %get3A_3300] {strides = array<i32>} : memref<51x64xf32, #tpu.memory_space<vmem>>, vector<16xf32>,
      %add3A_3302 = arith.addf %add3A_3256, %get3A_3301 : vector<16xf32>
      %div3A_3303 = arith.divf %add3A_3302, %max3A_3287 : vector<16xf32>
      %swap3A_3304 = arith.constant 33 : i32
      %swap3A_3305 = arith.index_cast %swap3A_3304 : i32 to index
      %swap3A_3306 = arith.constant 16 : index
      %swap3A_3307 = tpu.vector_load %arg17[%swap3A_3305, %swap3A_3306] {strides = array<i32>} : memref<50x64xf32, #tpu.memory_space<vmem>>, vector<16xf32>,
      tpu.vector_store %arg17[%swap3A_3305, %swap3A_3306], %div3A_3303 {strides = array<i32>} : memref<50x64xf32, #tpu.memory_space<vmem>>, vector<16xf32>,
      %get3A_3308 = arith.constant 33 : i32
      %get3A_3309 = arith.index_cast %get3A_3308 : i32 to index
      %get3A_3310 = arith.constant 32 : index
      %get3A_3311 = tpu.vector_load %arg15[%get3A_3309, %get3A_3310] {strides = array<i32>} : memref<51x64xf32, #tpu.memory_space<vmem>>, vector<16xf32>,
      %add3A_3312 = arith.addf %add3A_3266, %get3A_3311 : vector<16xf32>
      %div3A_3313 = arith.divf %add3A_3312, %max3A_3287 : vector<16xf32>
      %swap3A_3314 = arith.constant 33 : i32
      %swap3A_3315 = arith.index_cast %swap3A_3314 : i32 to index
      %swap3A_3316 = arith.constant 32 : index
      %swap3A_3317 = tpu.vector_load %arg17[%swap3A_3315, %swap3A_3316] {strides = array<i32>} : memref<50x64xf32, #tpu.memory_space<vmem>>, vector<16xf32>,
      tpu.vector_store %arg17[%swap3A_3315, %swap3A_3316], %div3A_3313 {strides = array<i32>} : memref<50x64xf32, #tpu.memory_space<vmem>>, vector<16xf32>,
      %get3A_3318 = arith.constant 33 : i32
      %get3A_3319 = arith.index_cast %get3A_3318 : i32 to index
      %get3A_3320 = arith.constant 48 : index
      %get3A_3321 = tpu.vector_load %arg15[%get3A_3319, %get3A_3320] {strides = array<i32>} : memref<51x64xf32, #tpu.memory_space<vmem>>, vector<16xf32>,
      %add3A_3322 = arith.addf %add3A_3276, %get3A_3321 : vector<16xf32>
      %div3A_3323 = arith.divf %add3A_3322, %max3A_3287 : vector<16xf32>
      %swap3A_3324 = arith.constant 33 : i32
      %swap3A_3325 = arith.index_cast %swap3A_3324 : i32 to index
      %swap3A_3326 = arith.constant 48 : index
      %swap3A_3327 = tpu.vector_load %arg17[%swap3A_3325, %swap3A_3326] {strides = array<i32>} : memref<50x64xf32, #tpu.memory_space<vmem>>, vector<16xf32>,
      tpu.vector_store %arg17[%swap3A_3325, %swap3A_3326], %div3A_3323 {strides = array<i32>} : memref<50x64xf32, #tpu.memory_space<vmem>>, vector<16xf32>,
      %broadcast_in_dim3A_3328 = arith.constant 340 : i32
      %broadcast_in_dim3A_3329 = vector.broadcast %broadcast_in_dim3A_3328 : i32 to vector<16xi32>
      %gather3A_3330 = tpu.vector_load_idx %arg11[%broadcast_in_dim3A_3329] : memref<512xf32, #tpu.memory_space<vmem>>[vector<16xi32>], vector<16xf32>,
      %max3A_3331 = arith.constant 1.000000e+00 : f32
      %max3A_3332 = vector.broadcast %max3A_3331 : f32 to vector<16xf32>
      %max3A_3333 = arith.maximumf %gather3A_3330, %max3A_3332 : vector<16xf32>
      %get3A_3334 = arith.constant 34 : i32
      %get3A_3335 = arith.index_cast %get3A_3334 : i32 to index
      %get3A_3336 = arith.constant 0 : index
      %get3A_3337 = tpu.vector_load %arg15[%get3A_3335, %get3A_3336] {strides = array<i32>} : memref<51x64xf32, #tpu.memory_space<vmem>>, vector<16xf32>,
      %add3A_3338 = arith.addf %add3A_3292, %get3A_3337 : vector<16xf32>
      %div3A_3339 = arith.divf %add3A_3338, %max3A_3333 : vector<16xf32>
      %swap3A_3340 = arith.constant 34 : i32
      %swap3A_3341 = arith.index_cast %swap3A_3340 : i32 to index
      %swap3A_3342 = arith.constant 0 : index
      %swap3A_3343 = tpu.vector_load %arg17[%swap3A_3341, %swap3A_3342] {strides = array<i32>} : memref<50x64xf32, #tpu.memory_space<vmem>>, vector<16xf32>,
      tpu.vector_store %arg17[%swap3A_3341, %swap3A_3342], %div3A_3339 {strides = array<i32>} : memref<50x64xf32, #tpu.memory_space<vmem>>, vector<16xf32>,
      %get3A_3344 = arith.constant 34 : i32
      %get3A_3345 = arith.index_cast %get3A_3344 : i32 to index
      %get3A_3346 = arith.constant 16 : index
      %get3A_3347 = tpu.vector_load %arg15[%get3A_3345, %get3A_3346] {strides = array<i32>} : memref<51x64xf32, #tpu.memory_space<vmem>>, vector<16xf32>,
      %add3A_3348 = arith.addf %add3A_3302, %get3A_3347 : vector<16xf32>
      %div3A_3349 = arith.divf %add3A_3348, %max3A_3333 : vector<16xf32>
      %swap3A_3350 = arith.constant 34 : i32
      %swap3A_3351 = arith.index_cast %swap3A_3350 : i32 to index
      %swap3A_3352 = arith.constant 16 : index
      %swap3A_3353 = tpu.vector_load %arg17[%swap3A_3351, %swap3A_3352] {strides = array<i32>} : memref<50x64xf32, #tpu.memory_space<vmem>>, vector<16xf32>,
      tpu.vector_store %arg17[%swap3A_3351, %swap3A_3352], %div3A_3349 {strides = array<i32>} : memref<50x64xf32, #tpu.memory_space<vmem>>, vector<16xf32>,
      %get3A_3354 = arith.constant 34 : i32
      %get3A_3355 = arith.index_cast %get3A_3354 : i32 to index
      %get3A_3356 = arith.constant 32 : index
      %get3A_3357 = tpu.vector_load %arg15[%get3A_3355, %get3A_3356] {strides = array<i32>} : memref<51x64xf32, #tpu.memory_space<vmem>>, vector<16xf32>,
      %add3A_3358 = arith.addf %add3A_3312, %get3A_3357 : vector<16xf32>
      %div3A_3359 = arith.divf %add3A_3358, %max3A_3333 : vector<16xf32>
      %swap3A_3360 = arith.constant 34 : i32
      %swap3A_3361 = arith.index_cast %swap3A_3360 : i32 to index
      %swap3A_3362 = arith.constant 32 : index
      %swap3A_3363 = tpu.vector_load %arg17[%swap3A_3361, %swap3A_3362] {strides = array<i32>} : memref<50x64xf32, #tpu.memory_space<vmem>>, vector<16xf32>,
      tpu.vector_store %arg17[%swap3A_3361, %swap3A_3362], %div3A_3359 {strides = array<i32>} : memref<50x64xf32, #tpu.memory_space<vmem>>, vector<16xf32>,
      %get3A_3364 = arith.constant 34 : i32
      %get3A_3365 = arith.index_cast %get3A_3364 : i32 to index
      %get3A_3366 = arith.constant 48 : index
      %get3A_3367 = tpu.vector_load %arg15[%get3A_3365, %get3A_3366] {strides = array<i32>} : memref<51x64xf32, #tpu.memory_space<vmem>>, vector<16xf32>,
      %add3A_3368 = arith.addf %add3A_3322, %get3A_3367 : vector<16xf32>
      %div3A_3369 = arith.divf %add3A_3368, %max3A_3333 : vector<16xf32>
      %swap3A_3370 = arith.constant 34 : i32
      %swap3A_3371 = arith.index_cast %swap3A_3370 : i32 to index
      %swap3A_3372 = arith.constant 48 : index
      %swap3A_3373 = tpu.vector_load %arg17[%swap3A_3371, %swap3A_3372] {strides = array<i32>} : memref<50x64xf32, #tpu.memory_space<vmem>>, vector<16xf32>,
      tpu.vector_store %arg17[%swap3A_3371, %swap3A_3372], %div3A_3369 {strides = array<i32>} : memref<50x64xf32, #tpu.memory_space<vmem>>, vector<16xf32>,
      %broadcast_in_dim3A_3374 = arith.constant 350 : i32
      %broadcast_in_dim3A_3375 = vector.broadcast %broadcast_in_dim3A_3374 : i32 to vector<16xi32>
      %gather3A_3376 = tpu.vector_load_idx %arg11[%broadcast_in_dim3A_3375] : memref<512xf32, #tpu.memory_space<vmem>>[vector<16xi32>], vector<16xf32>,
      %max3A_3377 = arith.constant 1.000000e+00 : f32
      %max3A_3378 = vector.broadcast %max3A_3377 : f32 to vector<16xf32>
      %max3A_3379 = arith.maximumf %gather3A_3376, %max3A_3378 : vector<16xf32>
      %get3A_3380 = arith.constant 35 : i32
      %get3A_3381 = arith.index_cast %get3A_3380 : i32 to index
      %get3A_3382 = arith.constant 0 : index
      %get3A_3383 = tpu.vector_load %arg15[%get3A_3381, %get3A_3382] {strides = array<i32>} : memref<51x64xf32, #tpu.memory_space<vmem>>, vector<16xf32>,
      %add3A_3384 = arith.addf %add3A_3338, %get3A_3383 : vector<16xf32>
      %div3A_3385 = arith.divf %add3A_3384, %max3A_3379 : vector<16xf32>
      %swap3A_3386 = arith.constant 35 : i32
      %swap3A_3387 = arith.index_cast %swap3A_3386 : i32 to index
      %swap3A_3388 = arith.constant 0 : index
      %swap3A_3389 = tpu.vector_load %arg17[%swap3A_3387, %swap3A_3388] {strides = array<i32>} : memref<50x64xf32, #tpu.memory_space<vmem>>, vector<16xf32>,
      tpu.vector_store %arg17[%swap3A_3387, %swap3A_3388], %div3A_3385 {strides = array<i32>} : memref<50x64xf32, #tpu.memory_space<vmem>>, vector<16xf32>,
      %get3A_3390 = arith.constant 35 : i32
      %get3A_3391 = arith.index_cast %get3A_3390 : i32 to index
      %get3A_3392 = arith.constant 16 : index
      %get3A_3393 = tpu.vector_load %arg15[%get3A_3391, %get3A_3392] {strides = array<i32>} : memref<51x64xf32, #tpu.memory_space<vmem>>, vector<16xf32>,
      %add3A_3394 = arith.addf %add3A_3348, %get3A_3393 : vector<16xf32>
      %div3A_3395 = arith.divf %add3A_3394, %max3A_3379 : vector<16xf32>
      %swap3A_3396 = arith.constant 35 : i32
      %swap3A_3397 = arith.index_cast %swap3A_3396 : i32 to index
      %swap3A_3398 = arith.constant 16 : index
      %swap3A_3399 = tpu.vector_load %arg17[%swap3A_3397, %swap3A_3398] {strides = array<i32>} : memref<50x64xf32, #tpu.memory_space<vmem>>, vector<16xf32>,
      tpu.vector_store %arg17[%swap3A_3397, %swap3A_3398], %div3A_3395 {strides = array<i32>} : memref<50x64xf32, #tpu.memory_space<vmem>>, vector<16xf32>,
      %get3A_3400 = arith.constant 35 : i32
      %get3A_3401 = arith.index_cast %get3A_3400 : i32 to index
      %get3A_3402 = arith.constant 32 : index
      %get3A_3403 = tpu.vector_load %arg15[%get3A_3401, %get3A_3402] {strides = array<i32>} : memref<51x64xf32, #tpu.memory_space<vmem>>, vector<16xf32>,
      %add3A_3404 = arith.addf %add3A_3358, %get3A_3403 : vector<16xf32>
      %div3A_3405 = arith.divf %add3A_3404, %max3A_3379 : vector<16xf32>
      %swap3A_3406 = arith.constant 35 : i32
      %swap3A_3407 = arith.index_cast %swap3A_3406 : i32 to index
      %swap3A_3408 = arith.constant 32 : index
      %swap3A_3409 = tpu.vector_load %arg17[%swap3A_3407, %swap3A_3408] {strides = array<i32>} : memref<50x64xf32, #tpu.memory_space<vmem>>, vector<16xf32>,
      tpu.vector_store %arg17[%swap3A_3407, %swap3A_3408], %div3A_3405 {strides = array<i32>} : memref<50x64xf32, #tpu.memory_space<vmem>>, vector<16xf32>,
      %get3A_3410 = arith.constant 35 : i32
      %get3A_3411 = arith.index_cast %get3A_3410 : i32 to index
      %get3A_3412 = arith.constant 48 : index
      %get3A_3413 = tpu.vector_load %arg15[%get3A_3411, %get3A_3412] {strides = array<i32>} : memref<51x64xf32, #tpu.memory_space<vmem>>, vector<16xf32>,
      %add3A_3414 = arith.addf %add3A_3368, %get3A_3413 : vector<16xf32>
      %div3A_3415 = arith.divf %add3A_3414, %max3A_3379 : vector<16xf32>
      %swap3A_3416 = arith.constant 35 : i32
      %swap3A_3417 = arith.index_cast %swap3A_3416 : i32 to index
      %swap3A_3418 = arith.constant 48 : index
      %swap3A_3419 = tpu.vector_load %arg17[%swap3A_3417, %swap3A_3418] {strides = array<i32>} : memref<50x64xf32, #tpu.memory_space<vmem>>, vector<16xf32>,
      tpu.vector_store %arg17[%swap3A_3417, %swap3A_3418], %div3A_3415 {strides = array<i32>} : memref<50x64xf32, #tpu.memory_space<vmem>>, vector<16xf32>,
      %broadcast_in_dim3A_3420 = arith.constant 360 : i32
      %broadcast_in_dim3A_3421 = vector.broadcast %broadcast_in_dim3A_3420 : i32 to vector<16xi32>
      %gather3A_3422 = tpu.vector_load_idx %arg11[%broadcast_in_dim3A_3421] : memref<512xf32, #tpu.memory_space<vmem>>[vector<16xi32>], vector<16xf32>,
      %max3A_3423 = arith.constant 1.000000e+00 : f32
      %max3A_3424 = vector.broadcast %max3A_3423 : f32 to vector<16xf32>
      %max3A_3425 = arith.maximumf %gather3A_3422, %max3A_3424 : vector<16xf32>
      %get3A_3426 = arith.constant 36 : i32
      %get3A_3427 = arith.index_cast %get3A_3426 : i32 to index
      %get3A_3428 = arith.constant 0 : index
      %get3A_3429 = tpu.vector_load %arg15[%get3A_3427, %get3A_3428] {strides = array<i32>} : memref<51x64xf32, #tpu.memory_space<vmem>>, vector<16xf32>,
      %add3A_3430 = arith.addf %add3A_3384, %get3A_3429 : vector<16xf32>
      %div3A_3431 = arith.divf %add3A_3430, %max3A_3425 : vector<16xf32>
      %swap3A_3432 = arith.constant 36 : i32
      %swap3A_3433 = arith.index_cast %swap3A_3432 : i32 to index
      %swap3A_3434 = arith.constant 0 : index
      %swap3A_3435 = tpu.vector_load %arg17[%swap3A_3433, %swap3A_3434] {strides = array<i32>} : memref<50x64xf32, #tpu.memory_space<vmem>>, vector<16xf32>,
      tpu.vector_store %arg17[%swap3A_3433, %swap3A_3434], %div3A_3431 {strides = array<i32>} : memref<50x64xf32, #tpu.memory_space<vmem>>, vector<16xf32>,
      %get3A_3436 = arith.constant 36 : i32
      %get3A_3437 = arith.index_cast %get3A_3436 : i32 to index
      %get3A_3438 = arith.constant 16 : index
      %get3A_3439 = tpu.vector_load %arg15[%get3A_3437, %get3A_3438] {strides = array<i32>} : memref<51x64xf32, #tpu.memory_space<vmem>>, vector<16xf32>,
      %add3A_3440 = arith.addf %add3A_3394, %get3A_3439 : vector<16xf32>
      %div3A_3441 = arith.divf %add3A_3440, %max3A_3425 : vector<16xf32>
      %swap3A_3442 = arith.constant 36 : i32
      %swap3A_3443 = arith.index_cast %swap3A_3442 : i32 to index
      %swap3A_3444 = arith.constant 16 : index
      %swap3A_3445 = tpu.vector_load %arg17[%swap3A_3443, %swap3A_3444] {strides = array<i32>} : memref<50x64xf32, #tpu.memory_space<vmem>>, vector<16xf32>,
      tpu.vector_store %arg17[%swap3A_3443, %swap3A_3444], %div3A_3441 {strides = array<i32>} : memref<50x64xf32, #tpu.memory_space<vmem>>, vector<16xf32>,
      %get3A_3446 = arith.constant 36 : i32
      %get3A_3447 = arith.index_cast %get3A_3446 : i32 to index
      %get3A_3448 = arith.constant 32 : index
      %get3A_3449 = tpu.vector_load %arg15[%get3A_3447, %get3A_3448] {strides = array<i32>} : memref<51x64xf32, #tpu.memory_space<vmem>>, vector<16xf32>,
      %add3A_3450 = arith.addf %add3A_3404, %get3A_3449 : vector<16xf32>
      %div3A_3451 = arith.divf %add3A_3450, %max3A_3425 : vector<16xf32>
      %swap3A_3452 = arith.constant 36 : i32
      %swap3A_3453 = arith.index_cast %swap3A_3452 : i32 to index
      %swap3A_3454 = arith.constant 32 : index
      %swap3A_3455 = tpu.vector_load %arg17[%swap3A_3453, %swap3A_3454] {strides = array<i32>} : memref<50x64xf32, #tpu.memory_space<vmem>>, vector<16xf32>,
      tpu.vector_store %arg17[%swap3A_3453, %swap3A_3454], %div3A_3451 {strides = array<i32>} : memref<50x64xf32, #tpu.memory_space<vmem>>, vector<16xf32>,
      %get3A_3456 = arith.constant 36 : i32
      %get3A_3457 = arith.index_cast %get3A_3456 : i32 to index
      %get3A_3458 = arith.constant 48 : index
      %get3A_3459 = tpu.vector_load %arg15[%get3A_3457, %get3A_3458] {strides = array<i32>} : memref<51x64xf32, #tpu.memory_space<vmem>>, vector<16xf32>,
      %add3A_3460 = arith.addf %add3A_3414, %get3A_3459 : vector<16xf32>
      %div3A_3461 = arith.divf %add3A_3460, %max3A_3425 : vector<16xf32>
      %swap3A_3462 = arith.constant 36 : i32
      %swap3A_3463 = arith.index_cast %swap3A_3462 : i32 to index
      %swap3A_3464 = arith.constant 48 : index
      %swap3A_3465 = tpu.vector_load %arg17[%swap3A_3463, %swap3A_3464] {strides = array<i32>} : memref<50x64xf32, #tpu.memory_space<vmem>>, vector<16xf32>,
      tpu.vector_store %arg17[%swap3A_3463, %swap3A_3464], %div3A_3461 {strides = array<i32>} : memref<50x64xf32, #tpu.memory_space<vmem>>, vector<16xf32>,
      %broadcast_in_dim3A_3466 = arith.constant 370 : i32
      %broadcast_in_dim3A_3467 = vector.broadcast %broadcast_in_dim3A_3466 : i32 to vector<16xi32>
      %gather3A_3468 = tpu.vector_load_idx %arg11[%broadcast_in_dim3A_3467] : memref<512xf32, #tpu.memory_space<vmem>>[vector<16xi32>], vector<16xf32>,
      %max3A_3469 = arith.constant 1.000000e+00 : f32
      %max3A_3470 = vector.broadcast %max3A_3469 : f32 to vector<16xf32>
      %max3A_3471 = arith.maximumf %gather3A_3468, %max3A_3470 : vector<16xf32>
      %get3A_3472 = arith.constant 37 : i32
      %get3A_3473 = arith.index_cast %get3A_3472 : i32 to index
      %get3A_3474 = arith.constant 0 : index
      %get3A_3475 = tpu.vector_load %arg15[%get3A_3473, %get3A_3474] {strides = array<i32>} : memref<51x64xf32, #tpu.memory_space<vmem>>, vector<16xf32>,
      %add3A_3476 = arith.addf %add3A_3430, %get3A_3475 : vector<16xf32>
      %div3A_3477 = arith.divf %add3A_3476, %max3A_3471 : vector<16xf32>
      %swap3A_3478 = arith.constant 37 : i32
      %swap3A_3479 = arith.index_cast %swap3A_3478 : i32 to index
      %swap3A_3480 = arith.constant 0 : index
      %swap3A_3481 = tpu.vector_load %arg17[%swap3A_3479, %swap3A_3480] {strides = array<i32>} : memref<50x64xf32, #tpu.memory_space<vmem>>, vector<16xf32>,
      tpu.vector_store %arg17[%swap3A_3479, %swap3A_3480], %div3A_3477 {strides = array<i32>} : memref<50x64xf32, #tpu.memory_space<vmem>>, vector<16xf32>,
      %get3A_3482 = arith.constant 37 : i32
      %get3A_3483 = arith.index_cast %get3A_3482 : i32 to index
      %get3A_3484 = arith.constant 16 : index
      %get3A_3485 = tpu.vector_load %arg15[%get3A_3483, %get3A_3484] {strides = array<i32>} : memref<51x64xf32, #tpu.memory_space<vmem>>, vector<16xf32>,
      %add3A_3486 = arith.addf %add3A_3440, %get3A_3485 : vector<16xf32>
      %div3A_3487 = arith.divf %add3A_3486, %max3A_3471 : vector<16xf32>
      %swap3A_3488 = arith.constant 37 : i32
      %swap3A_3489 = arith.index_cast %swap3A_3488 : i32 to index
      %swap3A_3490 = arith.constant 16 : index
      %swap3A_3491 = tpu.vector_load %arg17[%swap3A_3489, %swap3A_3490] {strides = array<i32>} : memref<50x64xf32, #tpu.memory_space<vmem>>, vector<16xf32>,
      tpu.vector_store %arg17[%swap3A_3489, %swap3A_3490], %div3A_3487 {strides = array<i32>} : memref<50x64xf32, #tpu.memory_space<vmem>>, vector<16xf32>,
      %get3A_3492 = arith.constant 37 : i32
      %get3A_3493 = arith.index_cast %get3A_3492 : i32 to index
      %get3A_3494 = arith.constant 32 : index
      %get3A_3495 = tpu.vector_load %arg15[%get3A_3493, %get3A_3494] {strides = array<i32>} : memref<51x64xf32, #tpu.memory_space<vmem>>, vector<16xf32>,
      %add3A_3496 = arith.addf %add3A_3450, %get3A_3495 : vector<16xf32>
      %div3A_3497 = arith.divf %add3A_3496, %max3A_3471 : vector<16xf32>
      %swap3A_3498 = arith.constant 37 : i32
      %swap3A_3499 = arith.index_cast %swap3A_3498 : i32 to index
      %swap3A_3500 = arith.constant 32 : index
      %swap3A_3501 = tpu.vector_load %arg17[%swap3A_3499, %swap3A_3500] {strides = array<i32>} : memref<50x64xf32, #tpu.memory_space<vmem>>, vector<16xf32>,
      tpu.vector_store %arg17[%swap3A_3499, %swap3A_3500], %div3A_3497 {strides = array<i32>} : memref<50x64xf32, #tpu.memory_space<vmem>>, vector<16xf32>,
      %get3A_3502 = arith.constant 37 : i32
      %get3A_3503 = arith.index_cast %get3A_3502 : i32 to index
      %get3A_3504 = arith.constant 48 : index
      %get3A_3505 = tpu.vector_load %arg15[%get3A_3503, %get3A_3504] {strides = array<i32>} : memref<51x64xf32, #tpu.memory_space<vmem>>, vector<16xf32>,
      %add3A_3506 = arith.addf %add3A_3460, %get3A_3505 : vector<16xf32>
      %div3A_3507 = arith.divf %add3A_3506, %max3A_3471 : vector<16xf32>
      %swap3A_3508 = arith.constant 37 : i32
      %swap3A_3509 = arith.index_cast %swap3A_3508 : i32 to index
      %swap3A_3510 = arith.constant 48 : index
      %swap3A_3511 = tpu.vector_load %arg17[%swap3A_3509, %swap3A_3510] {strides = array<i32>} : memref<50x64xf32, #tpu.memory_space<vmem>>, vector<16xf32>,
      tpu.vector_store %arg17[%swap3A_3509, %swap3A_3510], %div3A_3507 {strides = array<i32>} : memref<50x64xf32, #tpu.memory_space<vmem>>, vector<16xf32>,
      %broadcast_in_dim3A_3512 = arith.constant 380 : i32
      %broadcast_in_dim3A_3513 = vector.broadcast %broadcast_in_dim3A_3512 : i32 to vector<16xi32>
      %gather3A_3514 = tpu.vector_load_idx %arg11[%broadcast_in_dim3A_3513] : memref<512xf32, #tpu.memory_space<vmem>>[vector<16xi32>], vector<16xf32>,
      %max3A_3515 = arith.constant 1.000000e+00 : f32
      %max3A_3516 = vector.broadcast %max3A_3515 : f32 to vector<16xf32>
      %max3A_3517 = arith.maximumf %gather3A_3514, %max3A_3516 : vector<16xf32>
      %get3A_3518 = arith.constant 38 : i32
      %get3A_3519 = arith.index_cast %get3A_3518 : i32 to index
      %get3A_3520 = arith.constant 0 : index
      %get3A_3521 = tpu.vector_load %arg15[%get3A_3519, %get3A_3520] {strides = array<i32>} : memref<51x64xf32, #tpu.memory_space<vmem>>, vector<16xf32>,
      %add3A_3522 = arith.addf %add3A_3476, %get3A_3521 : vector<16xf32>
      %div3A_3523 = arith.divf %add3A_3522, %max3A_3517 : vector<16xf32>
      %swap3A_3524 = arith.constant 38 : i32
      %swap3A_3525 = arith.index_cast %swap3A_3524 : i32 to index
      %swap3A_3526 = arith.constant 0 : index
      %swap3A_3527 = tpu.vector_load %arg17[%swap3A_3525, %swap3A_3526] {strides = array<i32>} : memref<50x64xf32, #tpu.memory_space<vmem>>, vector<16xf32>,
      tpu.vector_store %arg17[%swap3A_3525, %swap3A_3526], %div3A_3523 {strides = array<i32>} : memref<50x64xf32, #tpu.memory_space<vmem>>, vector<16xf32>,
      %get3A_3528 = arith.constant 38 : i32
      %get3A_3529 = arith.index_cast %get3A_3528 : i32 to index
      %get3A_3530 = arith.constant 16 : index
      %get3A_3531 = tpu.vector_load %arg15[%get3A_3529, %get3A_3530] {strides = array<i32>} : memref<51x64xf32, #tpu.memory_space<vmem>>, vector<16xf32>,
      %add3A_3532 = arith.addf %add3A_3486, %get3A_3531 : vector<16xf32>
      %div3A_3533 = arith.divf %add3A_3532, %max3A_3517 : vector<16xf32>
      %swap3A_3534 = arith.constant 38 : i32
      %swap3A_3535 = arith.index_cast %swap3A_3534 : i32 to index
      %swap3A_3536 = arith.constant 16 : index
      %swap3A_3537 = tpu.vector_load %arg17[%swap3A_3535, %swap3A_3536] {strides = array<i32>} : memref<50x64xf32, #tpu.memory_space<vmem>>, vector<16xf32>,
      tpu.vector_store %arg17[%swap3A_3535, %swap3A_3536], %div3A_3533 {strides = array<i32>} : memref<50x64xf32, #tpu.memory_space<vmem>>, vector<16xf32>,
      %get3A_3538 = arith.constant 38 : i32
      %get3A_3539 = arith.index_cast %get3A_3538 : i32 to index
      %get3A_3540 = arith.constant 32 : index
      %get3A_3541 = tpu.vector_load %arg15[%get3A_3539, %get3A_3540] {strides = array<i32>} : memref<51x64xf32, #tpu.memory_space<vmem>>, vector<16xf32>,
      %add3A_3542 = arith.addf %add3A_3496, %get3A_3541 : vector<16xf32>
      %div3A_3543 = arith.divf %add3A_3542, %max3A_3517 : vector<16xf32>
      %swap3A_3544 = arith.constant 38 : i32
      %swap3A_3545 = arith.index_cast %swap3A_3544 : i32 to index
      %swap3A_3546 = arith.constant 32 : index
      %swap3A_3547 = tpu.vector_load %arg17[%swap3A_3545, %swap3A_3546] {strides = array<i32>} : memref<50x64xf32, #tpu.memory_space<vmem>>, vector<16xf32>,
      tpu.vector_store %arg17[%swap3A_3545, %swap3A_3546], %div3A_3543 {strides = array<i32>} : memref<50x64xf32, #tpu.memory_space<vmem>>, vector<16xf32>,
      %get3A_3548 = arith.constant 38 : i32
      %get3A_3549 = arith.index_cast %get3A_3548 : i32 to index
      %get3A_3550 = arith.constant 48 : index
      %get3A_3551 = tpu.vector_load %arg15[%get3A_3549, %get3A_3550] {strides = array<i32>} : memref<51x64xf32, #tpu.memory_space<vmem>>, vector<16xf32>,
      %add3A_3552 = arith.addf %add3A_3506, %get3A_3551 : vector<16xf32>
      %div3A_3553 = arith.divf %add3A_3552, %max3A_3517 : vector<16xf32>
      %swap3A_3554 = arith.constant 38 : i32
      %swap3A_3555 = arith.index_cast %swap3A_3554 : i32 to index
      %swap3A_3556 = arith.constant 48 : index
      %swap3A_3557 = tpu.vector_load %arg17[%swap3A_3555, %swap3A_3556] {strides = array<i32>} : memref<50x64xf32, #tpu.memory_space<vmem>>, vector<16xf32>,
      tpu.vector_store %arg17[%swap3A_3555, %swap3A_3556], %div3A_3553 {strides = array<i32>} : memref<50x64xf32, #tpu.memory_space<vmem>>, vector<16xf32>,
      %broadcast_in_dim3A_3558 = arith.constant 390 : i32
      %broadcast_in_dim3A_3559 = vector.broadcast %broadcast_in_dim3A_3558 : i32 to vector<16xi32>
      %gather3A_3560 = tpu.vector_load_idx %arg11[%broadcast_in_dim3A_3559] : memref<512xf32, #tpu.memory_space<vmem>>[vector<16xi32>], vector<16xf32>,
      %max3A_3561 = arith.constant 1.000000e+00 : f32
      %max3A_3562 = vector.broadcast %max3A_3561 : f32 to vector<16xf32>
      %max3A_3563 = arith.maximumf %gather3A_3560, %max3A_3562 : vector<16xf32>
      %get3A_3564 = arith.constant 39 : i32
      %get3A_3565 = arith.index_cast %get3A_3564 : i32 to index
      %get3A_3566 = arith.constant 0 : index
      %get3A_3567 = tpu.vector_load %arg15[%get3A_3565, %get3A_3566] {strides = array<i32>} : memref<51x64xf32, #tpu.memory_space<vmem>>, vector<16xf32>,
      %add3A_3568 = arith.addf %add3A_3522, %get3A_3567 : vector<16xf32>
      %div3A_3569 = arith.divf %add3A_3568, %max3A_3563 : vector<16xf32>
      %swap3A_3570 = arith.constant 39 : i32
      %swap3A_3571 = arith.index_cast %swap3A_3570 : i32 to index
      %swap3A_3572 = arith.constant 0 : index
      %swap3A_3573 = tpu.vector_load %arg17[%swap3A_3571, %swap3A_3572] {strides = array<i32>} : memref<50x64xf32, #tpu.memory_space<vmem>>, vector<16xf32>,
      tpu.vector_store %arg17[%swap3A_3571, %swap3A_3572], %div3A_3569 {strides = array<i32>} : memref<50x64xf32, #tpu.memory_space<vmem>>, vector<16xf32>,
      %get3A_3574 = arith.constant 39 : i32
      %get3A_3575 = arith.index_cast %get3A_3574 : i32 to index
      %get3A_3576 = arith.constant 16 : index
      %get3A_3577 = tpu.vector_load %arg15[%get3A_3575, %get3A_3576] {strides = array<i32>} : memref<51x64xf32, #tpu.memory_space<vmem>>, vector<16xf32>,
      %add3A_3578 = arith.addf %add3A_3532, %get3A_3577 : vector<16xf32>
      %div3A_3579 = arith.divf %add3A_3578, %max3A_3563 : vector<16xf32>
      %swap3A_3580 = arith.constant 39 : i32
      %swap3A_3581 = arith.index_cast %swap3A_3580 : i32 to index
      %swap3A_3582 = arith.constant 16 : index
      %swap3A_3583 = tpu.vector_load %arg17[%swap3A_3581, %swap3A_3582] {strides = array<i32>} : memref<50x64xf32, #tpu.memory_space<vmem>>, vector<16xf32>,
      tpu.vector_store %arg17[%swap3A_3581, %swap3A_3582], %div3A_3579 {strides = array<i32>} : memref<50x64xf32, #tpu.memory_space<vmem>>, vector<16xf32>,
      %get3A_3584 = arith.constant 39 : i32
      %get3A_3585 = arith.index_cast %get3A_3584 : i32 to index
      %get3A_3586 = arith.constant 32 : index
      %get3A_3587 = tpu.vector_load %arg15[%get3A_3585, %get3A_3586] {strides = array<i32>} : memref<51x64xf32, #tpu.memory_space<vmem>>, vector<16xf32>,
      %add3A_3588 = arith.addf %add3A_3542, %get3A_3587 : vector<16xf32>
      %div3A_3589 = arith.divf %add3A_3588, %max3A_3563 : vector<16xf32>
      %swap3A_3590 = arith.constant 39 : i32
      %swap3A_3591 = arith.index_cast %swap3A_3590 : i32 to index
      %swap3A_3592 = arith.constant 32 : index
      %swap3A_3593 = tpu.vector_load %arg17[%swap3A_3591, %swap3A_3592] {strides = array<i32>} : memref<50x64xf32, #tpu.memory_space<vmem>>, vector<16xf32>,
      tpu.vector_store %arg17[%swap3A_3591, %swap3A_3592], %div3A_3589 {strides = array<i32>} : memref<50x64xf32, #tpu.memory_space<vmem>>, vector<16xf32>,
      %get3A_3594 = arith.constant 39 : i32
      %get3A_3595 = arith.index_cast %get3A_3594 : i32 to index
      %get3A_3596 = arith.constant 48 : index
      %get3A_3597 = tpu.vector_load %arg15[%get3A_3595, %get3A_3596] {strides = array<i32>} : memref<51x64xf32, #tpu.memory_space<vmem>>, vector<16xf32>,
      %add3A_3598 = arith.addf %add3A_3552, %get3A_3597 : vector<16xf32>
      %div3A_3599 = arith.divf %add3A_3598, %max3A_3563 : vector<16xf32>
      %swap3A_3600 = arith.constant 39 : i32
      %swap3A_3601 = arith.index_cast %swap3A_3600 : i32 to index
      %swap3A_3602 = arith.constant 48 : index
      %swap3A_3603 = tpu.vector_load %arg17[%swap3A_3601, %swap3A_3602] {strides = array<i32>} : memref<50x64xf32, #tpu.memory_space<vmem>>, vector<16xf32>,
      tpu.vector_store %arg17[%swap3A_3601, %swap3A_3602], %div3A_3599 {strides = array<i32>} : memref<50x64xf32, #tpu.memory_space<vmem>>, vector<16xf32>,
      %broadcast_in_dim3A_3604 = arith.constant 400 : i32
      %broadcast_in_dim3A_3605 = vector.broadcast %broadcast_in_dim3A_3604 : i32 to vector<16xi32>
      %gather3A_3606 = tpu.vector_load_idx %arg11[%broadcast_in_dim3A_3605] : memref<512xf32, #tpu.memory_space<vmem>>[vector<16xi32>], vector<16xf32>,
      %max3A_3607 = arith.constant 1.000000e+00 : f32
      %max3A_3608 = vector.broadcast %max3A_3607 : f32 to vector<16xf32>
      %max3A_3609 = arith.maximumf %gather3A_3606, %max3A_3608 : vector<16xf32>
      %get3A_3610 = arith.constant 40 : i32
      %get3A_3611 = arith.index_cast %get3A_3610 : i32 to index
      %get3A_3612 = arith.constant 0 : index
      %get3A_3613 = tpu.vector_load %arg15[%get3A_3611, %get3A_3612] {strides = array<i32>} : memref<51x64xf32, #tpu.memory_space<vmem>>, vector<16xf32>,
      %add3A_3614 = arith.addf %add3A_3568, %get3A_3613 : vector<16xf32>
      %div3A_3615 = arith.divf %add3A_3614, %max3A_3609 : vector<16xf32>
      %swap3A_3616 = arith.constant 40 : i32
      %swap3A_3617 = arith.index_cast %swap3A_3616 : i32 to index
      %swap3A_3618 = arith.constant 0 : index
      %swap3A_3619 = tpu.vector_load %arg17[%swap3A_3617, %swap3A_3618] {strides = array<i32>} : memref<50x64xf32, #tpu.memory_space<vmem>>, vector<16xf32>,
      tpu.vector_store %arg17[%swap3A_3617, %swap3A_3618], %div3A_3615 {strides = array<i32>} : memref<50x64xf32, #tpu.memory_space<vmem>>, vector<16xf32>,
      %get3A_3620 = arith.constant 40 : i32
      %get3A_3621 = arith.index_cast %get3A_3620 : i32 to index
      %get3A_3622 = arith.constant 16 : index
      %get3A_3623 = tpu.vector_load %arg15[%get3A_3621, %get3A_3622] {strides = array<i32>} : memref<51x64xf32, #tpu.memory_space<vmem>>, vector<16xf32>,
      %add3A_3624 = arith.addf %add3A_3578, %get3A_3623 : vector<16xf32>
      %div3A_3625 = arith.divf %add3A_3624, %max3A_3609 : vector<16xf32>
      %swap3A_3626 = arith.constant 40 : i32
      %swap3A_3627 = arith.index_cast %swap3A_3626 : i32 to index
      %swap3A_3628 = arith.constant 16 : index
      %swap3A_3629 = tpu.vector_load %arg17[%swap3A_3627, %swap3A_3628] {strides = array<i32>} : memref<50x64xf32, #tpu.memory_space<vmem>>, vector<16xf32>,
      tpu.vector_store %arg17[%swap3A_3627, %swap3A_3628], %div3A_3625 {strides = array<i32>} : memref<50x64xf32, #tpu.memory_space<vmem>>, vector<16xf32>,
      %get3A_3630 = arith.constant 40 : i32
      %get3A_3631 = arith.index_cast %get3A_3630 : i32 to index
      %get3A_3632 = arith.constant 32 : index
      %get3A_3633 = tpu.vector_load %arg15[%get3A_3631, %get3A_3632] {strides = array<i32>} : memref<51x64xf32, #tpu.memory_space<vmem>>, vector<16xf32>,
      %add3A_3634 = arith.addf %add3A_3588, %get3A_3633 : vector<16xf32>
      %div3A_3635 = arith.divf %add3A_3634, %max3A_3609 : vector<16xf32>
      %swap3A_3636 = arith.constant 40 : i32
      %swap3A_3637 = arith.index_cast %swap3A_3636 : i32 to index
      %swap3A_3638 = arith.constant 32 : index
      %swap3A_3639 = tpu.vector_load %arg17[%swap3A_3637, %swap3A_3638] {strides = array<i32>} : memref<50x64xf32, #tpu.memory_space<vmem>>, vector<16xf32>,
      tpu.vector_store %arg17[%swap3A_3637, %swap3A_3638], %div3A_3635 {strides = array<i32>} : memref<50x64xf32, #tpu.memory_space<vmem>>, vector<16xf32>,
      %get3A_3640 = arith.constant 40 : i32
      %get3A_3641 = arith.index_cast %get3A_3640 : i32 to index
      %get3A_3642 = arith.constant 48 : index
      %get3A_3643 = tpu.vector_load %arg15[%get3A_3641, %get3A_3642] {strides = array<i32>} : memref<51x64xf32, #tpu.memory_space<vmem>>, vector<16xf32>,
      %add3A_3644 = arith.addf %add3A_3598, %get3A_3643 : vector<16xf32>
      %div3A_3645 = arith.divf %add3A_3644, %max3A_3609 : vector<16xf32>
      %swap3A_3646 = arith.constant 40 : i32
      %swap3A_3647 = arith.index_cast %swap3A_3646 : i32 to index
      %swap3A_3648 = arith.constant 48 : index
      %swap3A_3649 = tpu.vector_load %arg17[%swap3A_3647, %swap3A_3648] {strides = array<i32>} : memref<50x64xf32, #tpu.memory_space<vmem>>, vector<16xf32>,
      tpu.vector_store %arg17[%swap3A_3647, %swap3A_3648], %div3A_3645 {strides = array<i32>} : memref<50x64xf32, #tpu.memory_space<vmem>>, vector<16xf32>,
      %broadcast_in_dim3A_3650 = arith.constant 410 : i32
      %broadcast_in_dim3A_3651 = vector.broadcast %broadcast_in_dim3A_3650 : i32 to vector<16xi32>
      %gather3A_3652 = tpu.vector_load_idx %arg11[%broadcast_in_dim3A_3651] : memref<512xf32, #tpu.memory_space<vmem>>[vector<16xi32>], vector<16xf32>,
      %max3A_3653 = arith.constant 1.000000e+00 : f32
      %max3A_3654 = vector.broadcast %max3A_3653 : f32 to vector<16xf32>
      %max3A_3655 = arith.maximumf %gather3A_3652, %max3A_3654 : vector<16xf32>
      %get3A_3656 = arith.constant 41 : i32
      %get3A_3657 = arith.index_cast %get3A_3656 : i32 to index
      %get3A_3658 = arith.constant 0 : index
      %get3A_3659 = tpu.vector_load %arg15[%get3A_3657, %get3A_3658] {strides = array<i32>} : memref<51x64xf32, #tpu.memory_space<vmem>>, vector<16xf32>,
      %add3A_3660 = arith.addf %add3A_3614, %get3A_3659 : vector<16xf32>
      %div3A_3661 = arith.divf %add3A_3660, %max3A_3655 : vector<16xf32>
      %swap3A_3662 = arith.constant 41 : i32
      %swap3A_3663 = arith.index_cast %swap3A_3662 : i32 to index
      %swap3A_3664 = arith.constant 0 : index
      %swap3A_3665 = tpu.vector_load %arg17[%swap3A_3663, %swap3A_3664] {strides = array<i32>} : memref<50x64xf32, #tpu.memory_space<vmem>>, vector<16xf32>,
      tpu.vector_store %arg17[%swap3A_3663, %swap3A_3664], %div3A_3661 {strides = array<i32>} : memref<50x64xf32, #tpu.memory_space<vmem>>, vector<16xf32>,
      %get3A_3666 = arith.constant 41 : i32
      %get3A_3667 = arith.index_cast %get3A_3666 : i32 to index
      %get3A_3668 = arith.constant 16 : index
      %get3A_3669 = tpu.vector_load %arg15[%get3A_3667, %get3A_3668] {strides = array<i32>} : memref<51x64xf32, #tpu.memory_space<vmem>>, vector<16xf32>,
      %add3A_3670 = arith.addf %add3A_3624, %get3A_3669 : vector<16xf32>
      %div3A_3671 = arith.divf %add3A_3670, %max3A_3655 : vector<16xf32>
      %swap3A_3672 = arith.constant 41 : i32
      %swap3A_3673 = arith.index_cast %swap3A_3672 : i32 to index
      %swap3A_3674 = arith.constant 16 : index
      %swap3A_3675 = tpu.vector_load %arg17[%swap3A_3673, %swap3A_3674] {strides = array<i32>} : memref<50x64xf32, #tpu.memory_space<vmem>>, vector<16xf32>,
      tpu.vector_store %arg17[%swap3A_3673, %swap3A_3674], %div3A_3671 {strides = array<i32>} : memref<50x64xf32, #tpu.memory_space<vmem>>, vector<16xf32>,
      %get3A_3676 = arith.constant 41 : i32
      %get3A_3677 = arith.index_cast %get3A_3676 : i32 to index
      %get3A_3678 = arith.constant 32 : index
      %get3A_3679 = tpu.vector_load %arg15[%get3A_3677, %get3A_3678] {strides = array<i32>} : memref<51x64xf32, #tpu.memory_space<vmem>>, vector<16xf32>,
      %add3A_3680 = arith.addf %add3A_3634, %get3A_3679 : vector<16xf32>
      %div3A_3681 = arith.divf %add3A_3680, %max3A_3655 : vector<16xf32>
      %swap3A_3682 = arith.constant 41 : i32
      %swap3A_3683 = arith.index_cast %swap3A_3682 : i32 to index
      %swap3A_3684 = arith.constant 32 : index
      %swap3A_3685 = tpu.vector_load %arg17[%swap3A_3683, %swap3A_3684] {strides = array<i32>} : memref<50x64xf32, #tpu.memory_space<vmem>>, vector<16xf32>,
      tpu.vector_store %arg17[%swap3A_3683, %swap3A_3684], %div3A_3681 {strides = array<i32>} : memref<50x64xf32, #tpu.memory_space<vmem>>, vector<16xf32>,
      %get3A_3686 = arith.constant 41 : i32
      %get3A_3687 = arith.index_cast %get3A_3686 : i32 to index
      %get3A_3688 = arith.constant 48 : index
      %get3A_3689 = tpu.vector_load %arg15[%get3A_3687, %get3A_3688] {strides = array<i32>} : memref<51x64xf32, #tpu.memory_space<vmem>>, vector<16xf32>,
      %add3A_3690 = arith.addf %add3A_3644, %get3A_3689 : vector<16xf32>
      %div3A_3691 = arith.divf %add3A_3690, %max3A_3655 : vector<16xf32>
      %swap3A_3692 = arith.constant 41 : i32
      %swap3A_3693 = arith.index_cast %swap3A_3692 : i32 to index
      %swap3A_3694 = arith.constant 48 : index
      %swap3A_3695 = tpu.vector_load %arg17[%swap3A_3693, %swap3A_3694] {strides = array<i32>} : memref<50x64xf32, #tpu.memory_space<vmem>>, vector<16xf32>,
      tpu.vector_store %arg17[%swap3A_3693, %swap3A_3694], %div3A_3691 {strides = array<i32>} : memref<50x64xf32, #tpu.memory_space<vmem>>, vector<16xf32>,
      %broadcast_in_dim3A_3696 = arith.constant 420 : i32
      %broadcast_in_dim3A_3697 = vector.broadcast %broadcast_in_dim3A_3696 : i32 to vector<16xi32>
      %gather3A_3698 = tpu.vector_load_idx %arg11[%broadcast_in_dim3A_3697] : memref<512xf32, #tpu.memory_space<vmem>>[vector<16xi32>], vector<16xf32>,
      %max3A_3699 = arith.constant 1.000000e+00 : f32
      %max3A_3700 = vector.broadcast %max3A_3699 : f32 to vector<16xf32>
      %max3A_3701 = arith.maximumf %gather3A_3698, %max3A_3700 : vector<16xf32>
      %get3A_3702 = arith.constant 42 : i32
      %get3A_3703 = arith.index_cast %get3A_3702 : i32 to index
      %get3A_3704 = arith.constant 0 : index
      %get3A_3705 = tpu.vector_load %arg15[%get3A_3703, %get3A_3704] {strides = array<i32>} : memref<51x64xf32, #tpu.memory_space<vmem>>, vector<16xf32>,
      %add3A_3706 = arith.addf %add3A_3660, %get3A_3705 : vector<16xf32>
      %div3A_3707 = arith.divf %add3A_3706, %max3A_3701 : vector<16xf32>
      %swap3A_3708 = arith.constant 42 : i32
      %swap3A_3709 = arith.index_cast %swap3A_3708 : i32 to index
      %swap3A_3710 = arith.constant 0 : index
      %swap3A_3711 = tpu.vector_load %arg17[%swap3A_3709, %swap3A_3710] {strides = array<i32>} : memref<50x64xf32, #tpu.memory_space<vmem>>, vector<16xf32>,
      tpu.vector_store %arg17[%swap3A_3709, %swap3A_3710], %div3A_3707 {strides = array<i32>} : memref<50x64xf32, #tpu.memory_space<vmem>>, vector<16xf32>,
      %get3A_3712 = arith.constant 42 : i32
      %get3A_3713 = arith.index_cast %get3A_3712 : i32 to index
      %get3A_3714 = arith.constant 16 : index
      %get3A_3715 = tpu.vector_load %arg15[%get3A_3713, %get3A_3714] {strides = array<i32>} : memref<51x64xf32, #tpu.memory_space<vmem>>, vector<16xf32>,
      %add3A_3716 = arith.addf %add3A_3670, %get3A_3715 : vector<16xf32>
      %div3A_3717 = arith.divf %add3A_3716, %max3A_3701 : vector<16xf32>
      %swap3A_3718 = arith.constant 42 : i32
      %swap3A_3719 = arith.index_cast %swap3A_3718 : i32 to index
      %swap3A_3720 = arith.constant 16 : index
      %swap3A_3721 = tpu.vector_load %arg17[%swap3A_3719, %swap3A_3720] {strides = array<i32>} : memref<50x64xf32, #tpu.memory_space<vmem>>, vector<16xf32>,
      tpu.vector_store %arg17[%swap3A_3719, %swap3A_3720], %div3A_3717 {strides = array<i32>} : memref<50x64xf32, #tpu.memory_space<vmem>>, vector<16xf32>,
      %get3A_3722 = arith.constant 42 : i32
      %get3A_3723 = arith.index_cast %get3A_3722 : i32 to index
      %get3A_3724 = arith.constant 32 : index
      %get3A_3725 = tpu.vector_load %arg15[%get3A_3723, %get3A_3724] {strides = array<i32>} : memref<51x64xf32, #tpu.memory_space<vmem>>, vector<16xf32>,
      %add3A_3726 = arith.addf %add3A_3680, %get3A_3725 : vector<16xf32>
      %div3A_3727 = arith.divf %add3A_3726, %max3A_3701 : vector<16xf32>
      %swap3A_3728 = arith.constant 42 : i32
      %swap3A_3729 = arith.index_cast %swap3A_3728 : i32 to index
      %swap3A_3730 = arith.constant 32 : index
      %swap3A_3731 = tpu.vector_load %arg17[%swap3A_3729, %swap3A_3730] {strides = array<i32>} : memref<50x64xf32, #tpu.memory_space<vmem>>, vector<16xf32>,
      tpu.vector_store %arg17[%swap3A_3729, %swap3A_3730], %div3A_3727 {strides = array<i32>} : memref<50x64xf32, #tpu.memory_space<vmem>>, vector<16xf32>,
      %get3A_3732 = arith.constant 42 : i32
      %get3A_3733 = arith.index_cast %get3A_3732 : i32 to index
      %get3A_3734 = arith.constant 48 : index
      %get3A_3735 = tpu.vector_load %arg15[%get3A_3733, %get3A_3734] {strides = array<i32>} : memref<51x64xf32, #tpu.memory_space<vmem>>, vector<16xf32>,
      %add3A_3736 = arith.addf %add3A_3690, %get3A_3735 : vector<16xf32>
      %div3A_3737 = arith.divf %add3A_3736, %max3A_3701 : vector<16xf32>
      %swap3A_3738 = arith.constant 42 : i32
      %swap3A_3739 = arith.index_cast %swap3A_3738 : i32 to index
      %swap3A_3740 = arith.constant 48 : index
      %swap3A_3741 = tpu.vector_load %arg17[%swap3A_3739, %swap3A_3740] {strides = array<i32>} : memref<50x64xf32, #tpu.memory_space<vmem>>, vector<16xf32>,
      tpu.vector_store %arg17[%swap3A_3739, %swap3A_3740], %div3A_3737 {strides = array<i32>} : memref<50x64xf32, #tpu.memory_space<vmem>>, vector<16xf32>,
      %broadcast_in_dim3A_3742 = arith.constant 430 : i32
      %broadcast_in_dim3A_3743 = vector.broadcast %broadcast_in_dim3A_3742 : i32 to vector<16xi32>
      %gather3A_3744 = tpu.vector_load_idx %arg11[%broadcast_in_dim3A_3743] : memref<512xf32, #tpu.memory_space<vmem>>[vector<16xi32>], vector<16xf32>,
      %max3A_3745 = arith.constant 1.000000e+00 : f32
      %max3A_3746 = vector.broadcast %max3A_3745 : f32 to vector<16xf32>
      %max3A_3747 = arith.maximumf %gather3A_3744, %max3A_3746 : vector<16xf32>
      %get3A_3748 = arith.constant 43 : i32
      %get3A_3749 = arith.index_cast %get3A_3748 : i32 to index
      %get3A_3750 = arith.constant 0 : index
      %get3A_3751 = tpu.vector_load %arg15[%get3A_3749, %get3A_3750] {strides = array<i32>} : memref<51x64xf32, #tpu.memory_space<vmem>>, vector<16xf32>,
      %add3A_3752 = arith.addf %add3A_3706, %get3A_3751 : vector<16xf32>
      %div3A_3753 = arith.divf %add3A_3752, %max3A_3747 : vector<16xf32>
      %swap3A_3754 = arith.constant 43 : i32
      %swap3A_3755 = arith.index_cast %swap3A_3754 : i32 to index
      %swap3A_3756 = arith.constant 0 : index
      %swap3A_3757 = tpu.vector_load %arg17[%swap3A_3755, %swap3A_3756] {strides = array<i32>} : memref<50x64xf32, #tpu.memory_space<vmem>>, vector<16xf32>,
      tpu.vector_store %arg17[%swap3A_3755, %swap3A_3756], %div3A_3753 {strides = array<i32>} : memref<50x64xf32, #tpu.memory_space<vmem>>, vector<16xf32>,
      %get3A_3758 = arith.constant 43 : i32
      %get3A_3759 = arith.index_cast %get3A_3758 : i32 to index
      %get3A_3760 = arith.constant 16 : index
      %get3A_3761 = tpu.vector_load %arg15[%get3A_3759, %get3A_3760] {strides = array<i32>} : memref<51x64xf32, #tpu.memory_space<vmem>>, vector<16xf32>,
      %add3A_3762 = arith.addf %add3A_3716, %get3A_3761 : vector<16xf32>
      %div3A_3763 = arith.divf %add3A_3762, %max3A_3747 : vector<16xf32>
      %swap3A_3764 = arith.constant 43 : i32
      %swap3A_3765 = arith.index_cast %swap3A_3764 : i32 to index
      %swap3A_3766 = arith.constant 16 : index
      %swap3A_3767 = tpu.vector_load %arg17[%swap3A_3765, %swap3A_3766] {strides = array<i32>} : memref<50x64xf32, #tpu.memory_space<vmem>>, vector<16xf32>,
      tpu.vector_store %arg17[%swap3A_3765, %swap3A_3766], %div3A_3763 {strides = array<i32>} : memref<50x64xf32, #tpu.memory_space<vmem>>, vector<16xf32>,
      %get3A_3768 = arith.constant 43 : i32
      %get3A_3769 = arith.index_cast %get3A_3768 : i32 to index
      %get3A_3770 = arith.constant 32 : index
      %get3A_3771 = tpu.vector_load %arg15[%get3A_3769, %get3A_3770] {strides = array<i32>} : memref<51x64xf32, #tpu.memory_space<vmem>>, vector<16xf32>,
      %add3A_3772 = arith.addf %add3A_3726, %get3A_3771 : vector<16xf32>
      %div3A_3773 = arith.divf %add3A_3772, %max3A_3747 : vector<16xf32>
      %swap3A_3774 = arith.constant 43 : i32
      %swap3A_3775 = arith.index_cast %swap3A_3774 : i32 to index
      %swap3A_3776 = arith.constant 32 : index
      %swap3A_3777 = tpu.vector_load %arg17[%swap3A_3775, %swap3A_3776] {strides = array<i32>} : memref<50x64xf32, #tpu.memory_space<vmem>>, vector<16xf32>,
      tpu.vector_store %arg17[%swap3A_3775, %swap3A_3776], %div3A_3773 {strides = array<i32>} : memref<50x64xf32, #tpu.memory_space<vmem>>, vector<16xf32>,
      %get3A_3778 = arith.constant 43 : i32
      %get3A_3779 = arith.index_cast %get3A_3778 : i32 to index
      %get3A_3780 = arith.constant 48 : index
      %get3A_3781 = tpu.vector_load %arg15[%get3A_3779, %get3A_3780] {strides = array<i32>} : memref<51x64xf32, #tpu.memory_space<vmem>>, vector<16xf32>,
      %add3A_3782 = arith.addf %add3A_3736, %get3A_3781 : vector<16xf32>
      %div3A_3783 = arith.divf %add3A_3782, %max3A_3747 : vector<16xf32>
      %swap3A_3784 = arith.constant 43 : i32
      %swap3A_3785 = arith.index_cast %swap3A_3784 : i32 to index
      %swap3A_3786 = arith.constant 48 : index
      %swap3A_3787 = tpu.vector_load %arg17[%swap3A_3785, %swap3A_3786] {strides = array<i32>} : memref<50x64xf32, #tpu.memory_space<vmem>>, vector<16xf32>,
      tpu.vector_store %arg17[%swap3A_3785, %swap3A_3786], %div3A_3783 {strides = array<i32>} : memref<50x64xf32, #tpu.memory_space<vmem>>, vector<16xf32>,
      %broadcast_in_dim3A_3788 = arith.constant 440 : i32
      %broadcast_in_dim3A_3789 = vector.broadcast %broadcast_in_dim3A_3788 : i32 to vector<16xi32>
      %gather3A_3790 = tpu.vector_load_idx %arg11[%broadcast_in_dim3A_3789] : memref<512xf32, #tpu.memory_space<vmem>>[vector<16xi32>], vector<16xf32>,
      %max3A_3791 = arith.constant 1.000000e+00 : f32
      %max3A_3792 = vector.broadcast %max3A_3791 : f32 to vector<16xf32>
      %max3A_3793 = arith.maximumf %gather3A_3790, %max3A_3792 : vector<16xf32>
      %get3A_3794 = arith.constant 44 : i32
      %get3A_3795 = arith.index_cast %get3A_3794 : i32 to index
      %get3A_3796 = arith.constant 0 : index
      %get3A_3797 = tpu.vector_load %arg15[%get3A_3795, %get3A_3796] {strides = array<i32>} : memref<51x64xf32, #tpu.memory_space<vmem>>, vector<16xf32>,
      %add3A_3798 = arith.addf %add3A_3752, %get3A_3797 : vector<16xf32>
      %div3A_3799 = arith.divf %add3A_3798, %max3A_3793 : vector<16xf32>
      %swap3A_3800 = arith.constant 44 : i32
      %swap3A_3801 = arith.index_cast %swap3A_3800 : i32 to index
      %swap3A_3802 = arith.constant 0 : index
      %swap3A_3803 = tpu.vector_load %arg17[%swap3A_3801, %swap3A_3802] {strides = array<i32>} : memref<50x64xf32, #tpu.memory_space<vmem>>, vector<16xf32>,
      tpu.vector_store %arg17[%swap3A_3801, %swap3A_3802], %div3A_3799 {strides = array<i32>} : memref<50x64xf32, #tpu.memory_space<vmem>>, vector<16xf32>,
      %get3A_3804 = arith.constant 44 : i32
      %get3A_3805 = arith.index_cast %get3A_3804 : i32 to index
      %get3A_3806 = arith.constant 16 : index
      %get3A_3807 = tpu.vector_load %arg15[%get3A_3805, %get3A_3806] {strides = array<i32>} : memref<51x64xf32, #tpu.memory_space<vmem>>, vector<16xf32>,
      %add3A_3808 = arith.addf %add3A_3762, %get3A_3807 : vector<16xf32>
      %div3A_3809 = arith.divf %add3A_3808, %max3A_3793 : vector<16xf32>
      %swap3A_3810 = arith.constant 44 : i32
      %swap3A_3811 = arith.index_cast %swap3A_3810 : i32 to index
      %swap3A_3812 = arith.constant 16 : index
      %swap3A_3813 = tpu.vector_load %arg17[%swap3A_3811, %swap3A_3812] {strides = array<i32>} : memref<50x64xf32, #tpu.memory_space<vmem>>, vector<16xf32>,
      tpu.vector_store %arg17[%swap3A_3811, %swap3A_3812], %div3A_3809 {strides = array<i32>} : memref<50x64xf32, #tpu.memory_space<vmem>>, vector<16xf32>,
      %get3A_3814 = arith.constant 44 : i32
      %get3A_3815 = arith.index_cast %get3A_3814 : i32 to index
      %get3A_3816 = arith.constant 32 : index
      %get3A_3817 = tpu.vector_load %arg15[%get3A_3815, %get3A_3816] {strides = array<i32>} : memref<51x64xf32, #tpu.memory_space<vmem>>, vector<16xf32>,
      %add3A_3818 = arith.addf %add3A_3772, %get3A_3817 : vector<16xf32>
      %div3A_3819 = arith.divf %add3A_3818, %max3A_3793 : vector<16xf32>
      %swap3A_3820 = arith.constant 44 : i32
      %swap3A_3821 = arith.index_cast %swap3A_3820 : i32 to index
      %swap3A_3822 = arith.constant 32 : index
      %swap3A_3823 = tpu.vector_load %arg17[%swap3A_3821, %swap3A_3822] {strides = array<i32>} : memref<50x64xf32, #tpu.memory_space<vmem>>, vector<16xf32>,
      tpu.vector_store %arg17[%swap3A_3821, %swap3A_3822], %div3A_3819 {strides = array<i32>} : memref<50x64xf32, #tpu.memory_space<vmem>>, vector<16xf32>,
      %get3A_3824 = arith.constant 44 : i32
      %get3A_3825 = arith.index_cast %get3A_3824 : i32 to index
      %get3A_3826 = arith.constant 48 : index
      %get3A_3827 = tpu.vector_load %arg15[%get3A_3825, %get3A_3826] {strides = array<i32>} : memref<51x64xf32, #tpu.memory_space<vmem>>, vector<16xf32>,
      %add3A_3828 = arith.addf %add3A_3782, %get3A_3827 : vector<16xf32>
      %div3A_3829 = arith.divf %add3A_3828, %max3A_3793 : vector<16xf32>
      %swap3A_3830 = arith.constant 44 : i32
      %swap3A_3831 = arith.index_cast %swap3A_3830 : i32 to index
      %swap3A_3832 = arith.constant 48 : index
      %swap3A_3833 = tpu.vector_load %arg17[%swap3A_3831, %swap3A_3832] {strides = array<i32>} : memref<50x64xf32, #tpu.memory_space<vmem>>, vector<16xf32>,
      tpu.vector_store %arg17[%swap3A_3831, %swap3A_3832], %div3A_3829 {strides = array<i32>} : memref<50x64xf32, #tpu.memory_space<vmem>>, vector<16xf32>,
      %broadcast_in_dim3A_3834 = arith.constant 450 : i32
      %broadcast_in_dim3A_3835 = vector.broadcast %broadcast_in_dim3A_3834 : i32 to vector<16xi32>
      %gather3A_3836 = tpu.vector_load_idx %arg11[%broadcast_in_dim3A_3835] : memref<512xf32, #tpu.memory_space<vmem>>[vector<16xi32>], vector<16xf32>,
      %max3A_3837 = arith.constant 1.000000e+00 : f32
      %max3A_3838 = vector.broadcast %max3A_3837 : f32 to vector<16xf32>
      %max3A_3839 = arith.maximumf %gather3A_3836, %max3A_3838 : vector<16xf32>
      %get3A_3840 = arith.constant 45 : i32
      %get3A_3841 = arith.index_cast %get3A_3840 : i32 to index
      %get3A_3842 = arith.constant 0 : index
      %get3A_3843 = tpu.vector_load %arg15[%get3A_3841, %get3A_3842] {strides = array<i32>} : memref<51x64xf32, #tpu.memory_space<vmem>>, vector<16xf32>,
      %add3A_3844 = arith.addf %add3A_3798, %get3A_3843 : vector<16xf32>
      %div3A_3845 = arith.divf %add3A_3844, %max3A_3839 : vector<16xf32>
      %swap3A_3846 = arith.constant 45 : i32
      %swap3A_3847 = arith.index_cast %swap3A_3846 : i32 to index
      %swap3A_3848 = arith.constant 0 : index
      %swap3A_3849 = tpu.vector_load %arg17[%swap3A_3847, %swap3A_3848] {strides = array<i32>} : memref<50x64xf32, #tpu.memory_space<vmem>>, vector<16xf32>,
      tpu.vector_store %arg17[%swap3A_3847, %swap3A_3848], %div3A_3845 {strides = array<i32>} : memref<50x64xf32, #tpu.memory_space<vmem>>, vector<16xf32>,
      %get3A_3850 = arith.constant 45 : i32
      %get3A_3851 = arith.index_cast %get3A_3850 : i32 to index
      %get3A_3852 = arith.constant 16 : index
      %get3A_3853 = tpu.vector_load %arg15[%get3A_3851, %get3A_3852] {strides = array<i32>} : memref<51x64xf32, #tpu.memory_space<vmem>>, vector<16xf32>,
      %add3A_3854 = arith.addf %add3A_3808, %get3A_3853 : vector<16xf32>
      %div3A_3855 = arith.divf %add3A_3854, %max3A_3839 : vector<16xf32>
      %swap3A_3856 = arith.constant 45 : i32
      %swap3A_3857 = arith.index_cast %swap3A_3856 : i32 to index
      %swap3A_3858 = arith.constant 16 : index
      %swap3A_3859 = tpu.vector_load %arg17[%swap3A_3857, %swap3A_3858] {strides = array<i32>} : memref<50x64xf32, #tpu.memory_space<vmem>>, vector<16xf32>,
      tpu.vector_store %arg17[%swap3A_3857, %swap3A_3858], %div3A_3855 {strides = array<i32>} : memref<50x64xf32, #tpu.memory_space<vmem>>, vector<16xf32>,
      %get3A_3860 = arith.constant 45 : i32
      %get3A_3861 = arith.index_cast %get3A_3860 : i32 to index
      %get3A_3862 = arith.constant 32 : index
      %get3A_3863 = tpu.vector_load %arg15[%get3A_3861, %get3A_3862] {strides = array<i32>} : memref<51x64xf32, #tpu.memory_space<vmem>>, vector<16xf32>,
      %add3A_3864 = arith.addf %add3A_3818, %get3A_3863 : vector<16xf32>
      %div3A_3865 = arith.divf %add3A_3864, %max3A_3839 : vector<16xf32>
      %swap3A_3866 = arith.constant 45 : i32
      %swap3A_3867 = arith.index_cast %swap3A_3866 : i32 to index
      %swap3A_3868 = arith.constant 32 : index
      %swap3A_3869 = tpu.vector_load %arg17[%swap3A_3867, %swap3A_3868] {strides = array<i32>} : memref<50x64xf32, #tpu.memory_space<vmem>>, vector<16xf32>,
      tpu.vector_store %arg17[%swap3A_3867, %swap3A_3868], %div3A_3865 {strides = array<i32>} : memref<50x64xf32, #tpu.memory_space<vmem>>, vector<16xf32>,
      %get3A_3870 = arith.constant 45 : i32
      %get3A_3871 = arith.index_cast %get3A_3870 : i32 to index
      %get3A_3872 = arith.constant 48 : index
      %get3A_3873 = tpu.vector_load %arg15[%get3A_3871, %get3A_3872] {strides = array<i32>} : memref<51x64xf32, #tpu.memory_space<vmem>>, vector<16xf32>,
      %add3A_3874 = arith.addf %add3A_3828, %get3A_3873 : vector<16xf32>
      %div3A_3875 = arith.divf %add3A_3874, %max3A_3839 : vector<16xf32>
      %swap3A_3876 = arith.constant 45 : i32
      %swap3A_3877 = arith.index_cast %swap3A_3876 : i32 to index
      %swap3A_3878 = arith.constant 48 : index
      %swap3A_3879 = tpu.vector_load %arg17[%swap3A_3877, %swap3A_3878] {strides = array<i32>} : memref<50x64xf32, #tpu.memory_space<vmem>>, vector<16xf32>,
      tpu.vector_store %arg17[%swap3A_3877, %swap3A_3878], %div3A_3875 {strides = array<i32>} : memref<50x64xf32, #tpu.memory_space<vmem>>, vector<16xf32>,
      %broadcast_in_dim3A_3880 = arith.constant 460 : i32
      %broadcast_in_dim3A_3881 = vector.broadcast %broadcast_in_dim3A_3880 : i32 to vector<16xi32>
      %gather3A_3882 = tpu.vector_load_idx %arg11[%broadcast_in_dim3A_3881] : memref<512xf32, #tpu.memory_space<vmem>>[vector<16xi32>], vector<16xf32>,
      %max3A_3883 = arith.constant 1.000000e+00 : f32
      %max3A_3884 = vector.broadcast %max3A_3883 : f32 to vector<16xf32>
      %max3A_3885 = arith.maximumf %gather3A_3882, %max3A_3884 : vector<16xf32>
      %get3A_3886 = arith.constant 46 : i32
      %get3A_3887 = arith.index_cast %get3A_3886 : i32 to index
      %get3A_3888 = arith.constant 0 : index
      %get3A_3889 = tpu.vector_load %arg15[%get3A_3887, %get3A_3888] {strides = array<i32>} : memref<51x64xf32, #tpu.memory_space<vmem>>, vector<16xf32>,
      %add3A_3890 = arith.addf %add3A_3844, %get3A_3889 : vector<16xf32>
      %div3A_3891 = arith.divf %add3A_3890, %max3A_3885 : vector<16xf32>
      %swap3A_3892 = arith.constant 46 : i32
      %swap3A_3893 = arith.index_cast %swap3A_3892 : i32 to index
      %swap3A_3894 = arith.constant 0 : index
      %swap3A_3895 = tpu.vector_load %arg17[%swap3A_3893, %swap3A_3894] {strides = array<i32>} : memref<50x64xf32, #tpu.memory_space<vmem>>, vector<16xf32>,
      tpu.vector_store %arg17[%swap3A_3893, %swap3A_3894], %div3A_3891 {strides = array<i32>} : memref<50x64xf32, #tpu.memory_space<vmem>>, vector<16xf32>,
      %get3A_3896 = arith.constant 46 : i32
      %get3A_3897 = arith.index_cast %get3A_3896 : i32 to index
      %get3A_3898 = arith.constant 16 : index
      %get3A_3899 = tpu.vector_load %arg15[%get3A_3897, %get3A_3898] {strides = array<i32>} : memref<51x64xf32, #tpu.memory_space<vmem>>, vector<16xf32>,
      %add3A_3900 = arith.addf %add3A_3854, %get3A_3899 : vector<16xf32>
      %div3A_3901 = arith.divf %add3A_3900, %max3A_3885 : vector<16xf32>
      %swap3A_3902 = arith.constant 46 : i32
      %swap3A_3903 = arith.index_cast %swap3A_3902 : i32 to index
      %swap3A_3904 = arith.constant 16 : index
      %swap3A_3905 = tpu.vector_load %arg17[%swap3A_3903, %swap3A_3904] {strides = array<i32>} : memref<50x64xf32, #tpu.memory_space<vmem>>, vector<16xf32>,
      tpu.vector_store %arg17[%swap3A_3903, %swap3A_3904], %div3A_3901 {strides = array<i32>} : memref<50x64xf32, #tpu.memory_space<vmem>>, vector<16xf32>,
      %get3A_3906 = arith.constant 46 : i32
      %get3A_3907 = arith.index_cast %get3A_3906 : i32 to index
      %get3A_3908 = arith.constant 32 : index
      %get3A_3909 = tpu.vector_load %arg15[%get3A_3907, %get3A_3908] {strides = array<i32>} : memref<51x64xf32, #tpu.memory_space<vmem>>, vector<16xf32>,
      %add3A_3910 = arith.addf %add3A_3864, %get3A_3909 : vector<16xf32>
      %div3A_3911 = arith.divf %add3A_3910, %max3A_3885 : vector<16xf32>
      %swap3A_3912 = arith.constant 46 : i32
      %swap3A_3913 = arith.index_cast %swap3A_3912 : i32 to index
      %swap3A_3914 = arith.constant 32 : index
      %swap3A_3915 = tpu.vector_load %arg17[%swap3A_3913, %swap3A_3914] {strides = array<i32>} : memref<50x64xf32, #tpu.memory_space<vmem>>, vector<16xf32>,
      tpu.vector_store %arg17[%swap3A_3913, %swap3A_3914], %div3A_3911 {strides = array<i32>} : memref<50x64xf32, #tpu.memory_space<vmem>>, vector<16xf32>,
      %get3A_3916 = arith.constant 46 : i32
      %get3A_3917 = arith.index_cast %get3A_3916 : i32 to index
      %get3A_3918 = arith.constant 48 : index
      %get3A_3919 = tpu.vector_load %arg15[%get3A_3917, %get3A_3918] {strides = array<i32>} : memref<51x64xf32, #tpu.memory_space<vmem>>, vector<16xf32>,
      %add3A_3920 = arith.addf %add3A_3874, %get3A_3919 : vector<16xf32>
      %div3A_3921 = arith.divf %add3A_3920, %max3A_3885 : vector<16xf32>
      %swap3A_3922 = arith.constant 46 : i32
      %swap3A_3923 = arith.index_cast %swap3A_3922 : i32 to index
      %swap3A_3924 = arith.constant 48 : index
      %swap3A_3925 = tpu.vector_load %arg17[%swap3A_3923, %swap3A_3924] {strides = array<i32>} : memref<50x64xf32, #tpu.memory_space<vmem>>, vector<16xf32>,
      tpu.vector_store %arg17[%swap3A_3923, %swap3A_3924], %div3A_3921 {strides = array<i32>} : memref<50x64xf32, #tpu.memory_space<vmem>>, vector<16xf32>,
      %broadcast_in_dim3A_3926 = arith.constant 470 : i32
      %broadcast_in_dim3A_3927 = vector.broadcast %broadcast_in_dim3A_3926 : i32 to vector<16xi32>
      %gather3A_3928 = tpu.vector_load_idx %arg11[%broadcast_in_dim3A_3927] : memref<512xf32, #tpu.memory_space<vmem>>[vector<16xi32>], vector<16xf32>,
      %max3A_3929 = arith.constant 1.000000e+00 : f32
      %max3A_3930 = vector.broadcast %max3A_3929 : f32 to vector<16xf32>
      %max3A_3931 = arith.maximumf %gather3A_3928, %max3A_3930 : vector<16xf32>
      %get3A_3932 = arith.constant 47 : i32
      %get3A_3933 = arith.index_cast %get3A_3932 : i32 to index
      %get3A_3934 = arith.constant 0 : index
      %get3A_3935 = tpu.vector_load %arg15[%get3A_3933, %get3A_3934] {strides = array<i32>} : memref<51x64xf32, #tpu.memory_space<vmem>>, vector<16xf32>,
      %add3A_3936 = arith.addf %add3A_3890, %get3A_3935 : vector<16xf32>
      %div3A_3937 = arith.divf %add3A_3936, %max3A_3931 : vector<16xf32>
      %swap3A_3938 = arith.constant 47 : i32
      %swap3A_3939 = arith.index_cast %swap3A_3938 : i32 to index
      %swap3A_3940 = arith.constant 0 : index
      %swap3A_3941 = tpu.vector_load %arg17[%swap3A_3939, %swap3A_3940] {strides = array<i32>} : memref<50x64xf32, #tpu.memory_space<vmem>>, vector<16xf32>,
      tpu.vector_store %arg17[%swap3A_3939, %swap3A_3940], %div3A_3937 {strides = array<i32>} : memref<50x64xf32, #tpu.memory_space<vmem>>, vector<16xf32>,
      %get3A_3942 = arith.constant 47 : i32
      %get3A_3943 = arith.index_cast %get3A_3942 : i32 to index
      %get3A_3944 = arith.constant 16 : index
      %get3A_3945 = tpu.vector_load %arg15[%get3A_3943, %get3A_3944] {strides = array<i32>} : memref<51x64xf32, #tpu.memory_space<vmem>>, vector<16xf32>,
      %add3A_3946 = arith.addf %add3A_3900, %get3A_3945 : vector<16xf32>
      %div3A_3947 = arith.divf %add3A_3946, %max3A_3931 : vector<16xf32>
      %swap3A_3948 = arith.constant 47 : i32
      %swap3A_3949 = arith.index_cast %swap3A_3948 : i32 to index
      %swap3A_3950 = arith.constant 16 : index
      %swap3A_3951 = tpu.vector_load %arg17[%swap3A_3949, %swap3A_3950] {strides = array<i32>} : memref<50x64xf32, #tpu.memory_space<vmem>>, vector<16xf32>,
      tpu.vector_store %arg17[%swap3A_3949, %swap3A_3950], %div3A_3947 {strides = array<i32>} : memref<50x64xf32, #tpu.memory_space<vmem>>, vector<16xf32>,
      %get3A_3952 = arith.constant 47 : i32
      %get3A_3953 = arith.index_cast %get3A_3952 : i32 to index
      %get3A_3954 = arith.constant 32 : index
      %get3A_3955 = tpu.vector_load %arg15[%get3A_3953, %get3A_3954] {strides = array<i32>} : memref<51x64xf32, #tpu.memory_space<vmem>>, vector<16xf32>,
      %add3A_3956 = arith.addf %add3A_3910, %get3A_3955 : vector<16xf32>
      %div3A_3957 = arith.divf %add3A_3956, %max3A_3931 : vector<16xf32>
      %swap3A_3958 = arith.constant 47 : i32
      %swap3A_3959 = arith.index_cast %swap3A_3958 : i32 to index
      %swap3A_3960 = arith.constant 32 : index
      %swap3A_3961 = tpu.vector_load %arg17[%swap3A_3959, %swap3A_3960] {strides = array<i32>} : memref<50x64xf32, #tpu.memory_space<vmem>>, vector<16xf32>,
      tpu.vector_store %arg17[%swap3A_3959, %swap3A_3960], %div3A_3957 {strides = array<i32>} : memref<50x64xf32, #tpu.memory_space<vmem>>, vector<16xf32>,
      %get3A_3962 = arith.constant 47 : i32
      %get3A_3963 = arith.index_cast %get3A_3962 : i32 to index
      %get3A_3964 = arith.constant 48 : index
      %get3A_3965 = tpu.vector_load %arg15[%get3A_3963, %get3A_3964] {strides = array<i32>} : memref<51x64xf32, #tpu.memory_space<vmem>>, vector<16xf32>,
      %add3A_3966 = arith.addf %add3A_3920, %get3A_3965 : vector<16xf32>
      %div3A_3967 = arith.divf %add3A_3966, %max3A_3931 : vector<16xf32>
      %swap3A_3968 = arith.constant 47 : i32
      %swap3A_3969 = arith.index_cast %swap3A_3968 : i32 to index
      %swap3A_3970 = arith.constant 48 : index
      %swap3A_3971 = tpu.vector_load %arg17[%swap3A_3969, %swap3A_3970] {strides = array<i32>} : memref<50x64xf32, #tpu.memory_space<vmem>>, vector<16xf32>,
      tpu.vector_store %arg17[%swap3A_3969, %swap3A_3970], %div3A_3967 {strides = array<i32>} : memref<50x64xf32, #tpu.memory_space<vmem>>, vector<16xf32>,
      %broadcast_in_dim3A_3972 = arith.constant 480 : i32
      %broadcast_in_dim3A_3973 = vector.broadcast %broadcast_in_dim3A_3972 : i32 to vector<16xi32>
      %gather3A_3974 = tpu.vector_load_idx %arg11[%broadcast_in_dim3A_3973] : memref<512xf32, #tpu.memory_space<vmem>>[vector<16xi32>], vector<16xf32>,
      %max3A_3975 = arith.constant 1.000000e+00 : f32
      %max3A_3976 = vector.broadcast %max3A_3975 : f32 to vector<16xf32>
      %max3A_3977 = arith.maximumf %gather3A_3974, %max3A_3976 : vector<16xf32>
      %get3A_3978 = arith.constant 48 : i32
      %get3A_3979 = arith.index_cast %get3A_3978 : i32 to index
      %get3A_3980 = arith.constant 0 : index
      %get3A_3981 = tpu.vector_load %arg15[%get3A_3979, %get3A_3980] {strides = array<i32>} : memref<51x64xf32, #tpu.memory_space<vmem>>, vector<16xf32>,
      %add3A_3982 = arith.addf %add3A_3936, %get3A_3981 : vector<16xf32>
      %div3A_3983 = arith.divf %add3A_3982, %max3A_3977 : vector<16xf32>
      %swap3A_3984 = arith.constant 48 : i32
      %swap3A_3985 = arith.index_cast %swap3A_3984 : i32 to index
      %swap3A_3986 = arith.constant 0 : index
      %swap3A_3987 = tpu.vector_load %arg17[%swap3A_3985, %swap3A_3986] {strides = array<i32>} : memref<50x64xf32, #tpu.memory_space<vmem>>, vector<16xf32>,
      tpu.vector_store %arg17[%swap3A_3985, %swap3A_3986], %div3A_3983 {strides = array<i32>} : memref<50x64xf32, #tpu.memory_space<vmem>>, vector<16xf32>,
      %get3A_3988 = arith.constant 48 : i32
      %get3A_3989 = arith.index_cast %get3A_3988 : i32 to index
      %get3A_3990 = arith.constant 16 : index
      %get3A_3991 = tpu.vector_load %arg15[%get3A_3989, %get3A_3990] {strides = array<i32>} : memref<51x64xf32, #tpu.memory_space<vmem>>, vector<16xf32>,
      %add3A_3992 = arith.addf %add3A_3946, %get3A_3991 : vector<16xf32>
      %div3A_3993 = arith.divf %add3A_3992, %max3A_3977 : vector<16xf32>
      %swap3A_3994 = arith.constant 48 : i32
      %swap3A_3995 = arith.index_cast %swap3A_3994 : i32 to index
      %swap3A_3996 = arith.constant 16 : index
      %swap3A_3997 = tpu.vector_load %arg17[%swap3A_3995, %swap3A_3996] {strides = array<i32>} : memref<50x64xf32, #tpu.memory_space<vmem>>, vector<16xf32>,
      tpu.vector_store %arg17[%swap3A_3995, %swap3A_3996], %div3A_3993 {strides = array<i32>} : memref<50x64xf32, #tpu.memory_space<vmem>>, vector<16xf32>,
      %get3A_3998 = arith.constant 48 : i32
      %get3A_3999 = arith.index_cast %get3A_3998 : i32 to index
      %get3A_4000 = arith.constant 32 : index
      %get3A_4001 = tpu.vector_load %arg15[%get3A_3999, %get3A_4000] {strides = array<i32>} : memref<51x64xf32, #tpu.memory_space<vmem>>, vector<16xf32>,
      %add3A_4002 = arith.addf %add3A_3956, %get3A_4001 : vector<16xf32>
      %div3A_4003 = arith.divf %add3A_4002, %max3A_3977 : vector<16xf32>
      %swap3A_4004 = arith.constant 48 : i32
      %swap3A_4005 = arith.index_cast %swap3A_4004 : i32 to index
      %swap3A_4006 = arith.constant 32 : index
      %swap3A_4007 = tpu.vector_load %arg17[%swap3A_4005, %swap3A_4006] {strides = array<i32>} : memref<50x64xf32, #tpu.memory_space<vmem>>, vector<16xf32>,
      tpu.vector_store %arg17[%swap3A_4005, %swap3A_4006], %div3A_4003 {strides = array<i32>} : memref<50x64xf32, #tpu.memory_space<vmem>>, vector<16xf32>,
      %get3A_4008 = arith.constant 48 : i32
      %get3A_4009 = arith.index_cast %get3A_4008 : i32 to index
      %get3A_4010 = arith.constant 48 : index
      %get3A_4011 = tpu.vector_load %arg15[%get3A_4009, %get3A_4010] {strides = array<i32>} : memref<51x64xf32, #tpu.memory_space<vmem>>, vector<16xf32>,
      %add3A_4012 = arith.addf %add3A_3966, %get3A_4011 : vector<16xf32>
      %div3A_4013 = arith.divf %add3A_4012, %max3A_3977 : vector<16xf32>
      %swap3A_4014 = arith.constant 48 : i32
      %swap3A_4015 = arith.index_cast %swap3A_4014 : i32 to index
      %swap3A_4016 = arith.constant 48 : index
      %swap3A_4017 = tpu.vector_load %arg17[%swap3A_4015, %swap3A_4016] {strides = array<i32>} : memref<50x64xf32, #tpu.memory_space<vmem>>, vector<16xf32>,
      tpu.vector_store %arg17[%swap3A_4015, %swap3A_4016], %div3A_4013 {strides = array<i32>} : memref<50x64xf32, #tpu.memory_space<vmem>>, vector<16xf32>,
      %broadcast_in_dim3A_4018 = arith.constant 490 : i32
      %broadcast_in_dim3A_4019 = vector.broadcast %broadcast_in_dim3A_4018 : i32 to vector<16xi32>
      %gather3A_4020 = tpu.vector_load_idx %arg11[%broadcast_in_dim3A_4019] : memref<512xf32, #tpu.memory_space<vmem>>[vector<16xi32>], vector<16xf32>,
      %max3A_4021 = arith.constant 1.000000e+00 : f32
      %max3A_4022 = vector.broadcast %max3A_4021 : f32 to vector<16xf32>
      %max3A_4023 = arith.maximumf %gather3A_4020, %max3A_4022 : vector<16xf32>
      %get3A_4024 = arith.constant 49 : i32
      %get3A_4025 = arith.index_cast %get3A_4024 : i32 to index
      %get3A_4026 = arith.constant 0 : index
      %get3A_4027 = tpu.vector_load %arg15[%get3A_4025, %get3A_4026] {strides = array<i32>} : memref<51x64xf32, #tpu.memory_space<vmem>>, vector<16xf32>,
      %add3A_4028 = arith.addf %add3A_3982, %get3A_4027 : vector<16xf32>
      %div3A_4029 = arith.divf %add3A_4028, %max3A_4023 : vector<16xf32>
      %swap3A_4030 = arith.constant 49 : i32
      %swap3A_4031 = arith.index_cast %swap3A_4030 : i32 to index
      %swap3A_4032 = arith.constant 0 : index
      %swap3A_4033 = tpu.vector_load %arg17[%swap3A_4031, %swap3A_4032] {strides = array<i32>} : memref<50x64xf32, #tpu.memory_space<vmem>>, vector<16xf32>,
      tpu.vector_store %arg17[%swap3A_4031, %swap3A_4032], %div3A_4029 {strides = array<i32>} : memref<50x64xf32, #tpu.memory_space<vmem>>, vector<16xf32>,
      %get3A_4034 = arith.constant 49 : i32
      %get3A_4035 = arith.index_cast %get3A_4034 : i32 to index
      %get3A_4036 = arith.constant 16 : index
      %get3A_4037 = tpu.vector_load %arg15[%get3A_4035, %get3A_4036] {strides = array<i32>} : memref<51x64xf32, #tpu.memory_space<vmem>>, vector<16xf32>,
      %add3A_4038 = arith.addf %add3A_3992, %get3A_4037 : vector<16xf32>
      %div3A_4039 = arith.divf %add3A_4038, %max3A_4023 : vector<16xf32>
      %swap3A_4040 = arith.constant 49 : i32
      %swap3A_4041 = arith.index_cast %swap3A_4040 : i32 to index
      %swap3A_4042 = arith.constant 16 : index
      %swap3A_4043 = tpu.vector_load %arg17[%swap3A_4041, %swap3A_4042] {strides = array<i32>} : memref<50x64xf32, #tpu.memory_space<vmem>>, vector<16xf32>,
      tpu.vector_store %arg17[%swap3A_4041, %swap3A_4042], %div3A_4039 {strides = array<i32>} : memref<50x64xf32, #tpu.memory_space<vmem>>, vector<16xf32>,
      %get3A_4044 = arith.constant 49 : i32
      %get3A_4045 = arith.index_cast %get3A_4044 : i32 to index
      %get3A_4046 = arith.constant 32 : index
      %get3A_4047 = tpu.vector_load %arg15[%get3A_4045, %get3A_4046] {strides = array<i32>} : memref<51x64xf32, #tpu.memory_space<vmem>>, vector<16xf32>,
      %add3A_4048 = arith.addf %add3A_4002, %get3A_4047 : vector<16xf32>
      %div3A_4049 = arith.divf %add3A_4048, %max3A_4023 : vector<16xf32>
      %swap3A_4050 = arith.constant 49 : i32
      %swap3A_4051 = arith.index_cast %swap3A_4050 : i32 to index
      %swap3A_4052 = arith.constant 32 : index
      %swap3A_4053 = tpu.vector_load %arg17[%swap3A_4051, %swap3A_4052] {strides = array<i32>} : memref<50x64xf32, #tpu.memory_space<vmem>>, vector<16xf32>,
      tpu.vector_store %arg17[%swap3A_4051, %swap3A_4052], %div3A_4049 {strides = array<i32>} : memref<50x64xf32, #tpu.memory_space<vmem>>, vector<16xf32>,
      %get3A_4054 = arith.constant 49 : i32
      %get3A_4055 = arith.index_cast %get3A_4054 : i32 to index
      %get3A_4056 = arith.constant 48 : index
      %get3A_4057 = tpu.vector_load %arg15[%get3A_4055, %get3A_4056] {strides = array<i32>} : memref<51x64xf32, #tpu.memory_space<vmem>>, vector<16xf32>,
      %add3A_4058 = arith.addf %add3A_4012, %get3A_4057 : vector<16xf32>
      %div3A_4059 = arith.divf %add3A_4058, %max3A_4023 : vector<16xf32>
      %swap3A_4060 = arith.constant 49 : i32
      %swap3A_4061 = arith.index_cast %swap3A_4060 : i32 to index
      %swap3A_4062 = arith.constant 48 : index
      %swap3A_4063 = tpu.vector_load %arg17[%swap3A_4061, %swap3A_4062] {strides = array<i32>} : memref<50x64xf32, #tpu.memory_space<vmem>>, vector<16xf32>,
      tpu.vector_store %arg17[%swap3A_4061, %swap3A_4062], %div3A_4059 {strides = array<i32>} : memref<50x64xf32, #tpu.memory_space<vmem>>, vector<16xf32>,
      "tpu.region"() ({
        %run_scoped3A_4064 = tpu.sem_alloc : memref<!tpu.dma_semaphore, #tpu.memory_space<semaphore_mem>>
        %dma_start3A_4065 = arith.constant 0 : i32
        %dma_start3A_4066 = arith.constant 0 : i32
        %dma_start3A_4067 = tpu.memref_slice %arg7[%add3A_825, %dma_start3A_4065, %dma_start3A_4066] : memref<1024x50x64xf32, #tpu.memory_space<hbm>> -> memref<1x50x64xf32, #tpu.memory_space<hbm>>
        %dma_start3A_4068 = tpu.memref_squeeze %dma_start3A_4067 : memref<1x50x64xf32, #tpu.memory_space<hbm>> -> memref<50x64xf32, #tpu.memory_space<hbm>>
        %dma_start3A_4069 = arith.constant 0 : i32
        %dma_start3A_4070 = arith.constant 0 : i32
        %dma_start3A_4071 = tpu.memref_slice %arg7[%add3A_825, %dma_start3A_4069, %dma_start3A_4070] : memref<1024x50x64xf32, #tpu.memory_space<hbm>> -> memref<1x50x64xf32, #tpu.memory_space<hbm>>
        %dma_start3A_4072 = tpu.memref_squeeze %dma_start3A_4071 : memref<1x50x64xf32, #tpu.memory_space<hbm>> -> memref<50x64xf32, #tpu.memory_space<hbm>>
        tpu.enqueue_dma source(%arg17 : memref<50x64xf32, #tpu.memory_space<vmem>>) target(%dma_start3A_4072 : memref<50x64xf32, #tpu.memory_space<hbm>>) target_semaphore(%run_scoped3A_4064 : memref<!tpu.dma_semaphore, #tpu.memory_space<semaphore_mem>>)
        %dma_wait3A_4073 = arith.constant 0 : i32
        %dma_wait3A_4074 = arith.constant 0 : i32
        %dma_wait3A_4075 = tpu.memref_slice %arg7[%add3A_825, %dma_wait3A_4073, %dma_wait3A_4074] : memref<1024x50x64xf32, #tpu.memory_space<hbm>> -> memref<1x50x64xf32, #tpu.memory_space<hbm>>
        %dma_wait3A_4076 = tpu.memref_squeeze %dma_wait3A_4075 : memref<1x50x64xf32, #tpu.memory_space<hbm>> -> memref<50x64xf32, #tpu.memory_space<hbm>>
        %dma_wait3A_4077 = arith.constant 0 : i32
        %dma_wait3A_4078 = arith.constant 0 : i32
        %dma_wait3A_4079 = tpu.memref_slice %arg7[%add3A_825, %dma_wait3A_4077, %dma_wait3A_4078] : memref<1024x50x64xf32, #tpu.memory_space<hbm>> -> memref<1x50x64xf32, #tpu.memory_space<hbm>>
        %dma_wait3A_4080 = tpu.memref_squeeze %dma_wait3A_4079 : memref<1x50x64xf32, #tpu.memory_space<hbm>> -> memref<50x64xf32, #tpu.memory_space<hbm>>
        tpu.wait_dma2 semaphore(%run_scoped3A_4064 : memref<!tpu.dma_semaphore, #tpu.memory_space<semaphore_mem>>) src(%arg17 : memref<50x64xf32, #tpu.memory_space<vmem>>) dst(%dma_wait3A_4080 : memref<50x64xf32, #tpu.memory_space<hbm>>)
        tpu.yield
      }) : () -> ()
    }
    %scan3A_823 = arith.constant 32 : i32
    return
  }
}

</mosaic_0001>

<sc_bundles>
// kernel: kernel.3.cloned.1.call-start
scs
__scs_entry_jumppad:
0x0: {  	(pc) =	sbr.rel $0x88, $3  }
0x1: {  	(tag) =	ssettag $0x0;
	lr =	simm.s32 $0x1  }
0x2: {  	[smem:$0x3F9E] =	sst lr;
	_ =	strace $0xD0000000  }
0x3: {  	_ = 	snop  }
0x4: {  	_ = 	snop  }
0x5: {  	_ = 	snop  }
0x6: {  	_ = 	snop  }
0x7: {  	_ = 	snop  }
__scs_overlays_trampoline_lowered:
0x8: {  	[smem:$0x3FAD] =	sst s0  }
0x9: {  	[smem:$0x3FAE] =	sst s1  }
0xa: {  	[smem:$0x3FAF] =	sst s2  }
0xb: {  	[smem:$0x3FB0] =	sst s3  }
0xc: {  	[smem:$0x3FB1] =	sst s4  }
0xd: {  	[smem:$0x3FB2] =	sst s5  }
0xe: {  	[smem:$0x3FB3] =	sst s6  }
0xf: {  	[smem:$0x3FB4] =	sst s7  }
0x10: {  	[smem:$0x3FB5] =	sst s8  }
0x11: {  	[smem:$0x3FB6] =	sst s9;
	s0 =	simm.s32 @!p0 $0x0  }
0x12: {  	s1 =	sld [smem:$0x3F9C];
	s0 =	simm.s32 @p0 $0x1  }
0x13: {  	[smem:$0x3FB7] =	sst s0;
	s0 =	simm.s32 @!p1 $0x0  }
0x14: {  	s2 =	sld [smem:$0x3F9B];
	s0 =	simm.s32 @p1 $0x1  }
0x15: {  	[smem:$0x3FB8] =	sst s0;
	s0 =	simm.s32 @!p2 $0x0  }
0x16: {  	s3 =	sld [smem:$0x3FDB];
	s0 =	simm.s32 @p2 $0x1  }
0x17: {  	s4 =	simm.s32 $0x1BF5;
	[smem:$0x3FBA] =	sst s0  }
0x18: {  	s0 =	sld [smem:$0x3F9D];
	_ =	swait.ge [sflag:s4], $0x0  }
0x19: {  	s7 =	sld [smem:$0x3F9E]  }
0x1a: {  	s8 =	sadd.s32 $0xFFFFE003, lr  }
0x1b: {  	s9 =	sadd.s32 $0xFFFFFEF7, lr;
	s5 =	simm.s32 $0xFFFFFFFF;
	p2 =	slt.u32 s8, $0xFFFFF086  }
0x1c: {  	p1 =	slt.u32 s9, $0xF7A;
	s5 =	simm.s32 @!p2 $0x0  }
0x1d: {  	s5 =	simm.s32 @p1 $0x1;
	p0 =	seq.s32 s7, s2  }
0x1e: {  	s7 =	smul.u32 @!p0 $0xF7A, s2;
	p2 =	seq.s32 @!p0 s5, $0x0  }
0x1f: {  	s9 =	smul.u32 $0xF7A, s1;
	s8 =	simm.s32 @!p0 $0x1BF5;
	p2 =	por !p2, p0  }
0x20: {  	[sflag:s8] =	ssyncset.s32 @!p0 $0xFFFFF086;
	s6 =	sadd.s32 @!p0 s3, s7;
	s7 =	simm.s32 @!p0 $0x108  }
0x21: {  	s3 =	sadd.s32 s3, s9;
	s6 =	sadd.s32 @!p0 $0x88, s6;
	s7 =	simm.s32 @p2 $0x1082  }
0x22: {  	[simem:s7], [sflag:s8] =	dma.local @!p0 [hbm:s6], $0xF7A  }
0x23: {  	s9 =	sor.u32 $0xD0000000, s2;
	s6 =	simm.s32 $0x108;
	_ =	swait.ge @!p0 [sflag:s8], $0x0  }
0x24: {  	s3 =	sadd.s32 $0x88, s3;
	s6 =	simm.s32 @!p1 $0x1082;
	[sflag:s4] =	ssyncset.s32 $0xFFFFF086  }
0x25: {  	[simem:s6], [sflag:s4] =	dma.local [hbm:s3], $0xF7A  }
0x26: {  	[smem:$0x3F9E] =	sst s1;
	(tag) =	ssettag s2;
	_ =	strace s9  }
0x27: {  	s1 =	sld [smem:$0x3FAE]  }
0x28: {  	s2 =	sld [smem:$0x3FAF]  }
0x29: {  	s4 =	sld [smem:$0x3FB1]  }
0x2a: {  	p0 =	seq.s32 s5, $0x0;
	s5 =	sld [smem:$0x3FB2]  }
0x2b: {  	s6 =	sld [smem:$0x3FB3]  }
0x2c: {  	s7 =	sld [smem:$0x3FB4]  }
0x2d: {  	s3 =	simm.s32 $0x108;
	s8 =	sld [smem:$0x3FB5]  }
0x2e: {  	s3 =	simm.s32 @!p0 $0x1082;
	s9 =	sld [smem:$0x3FB6]  }
0x2f: {  	lr =	sadd.s32 s0, s3;
	s0 =	sld [smem:$0x3FAD]  }
0x30: {  	s3 =	sld [smem:$0x3FB0]  }
0x31: {  	[smem:$0x3FB9] =	sst s10  }
0x32: {  	s10 =	sld [smem:$0x3FB7];
	_ =	sdelay $0x3  }
0x33: {  	p0 =	seq.s32 s10, $0x1;
	s10 =	sld [smem:$0x3FB9];
	_ =	sdelay $0x3  }
0x34: {  	[smem:$0x3FB9] =	sst s10  }
0x35: {  	s10 =	sld [smem:$0x3FB8];
	_ =	sdelay $0x3  }
0x36: {  	p1 =	seq.s32 s10, $0x1;
	s10 =	sld [smem:$0x3FB9];
	_ =	sdelay $0x3  }
0x37: {  	[smem:$0x3FB9] =	sst s10  }
0x38: {  	s10 =	sld [smem:$0x3FBA]  }
0x39: {  	_ = 	snop;
	(pc) =	sbr.ind lr, $3  }
0x3a: {  	_ = 	snop  }
0x3b: {  	_ = 	snop  }
0x3c: {  	p2 =	seq.s32 s10, $0x1;
	s10 =	sld [smem:$0x3FB9]  }
0x3d: {  	_ =	shalt  }
0x3e: {  	_ =	shalt  }
0x3f: {  	_ =	shalt  }
0x40: {  	_ =	shalt  }
0x41: {  	_ =	shalt  }
0x42: {  	_ =	shalt  }
0x43: {  	_ =	shalt  }
0x44: {  	_ =	shalt  }
0x45: {  	_ =	shalt  }
0x46: {  	_ =	shalt  }
0x47: {  	_ =	shalt  }
0x48: {  	_ =	shalt  }
0x49: {  	_ =	shalt  }
0x4a: {  	_ =	shalt  }
0x4b: {  	_ =	shalt  }
0x4c: {  	_ =	shalt  }
0x4d: {  	_ =	shalt  }
0x4e: {  	_ =	shalt  }
0x4f: {  	_ =	shalt  }
0x50: {  	_ =	shalt  }
0x51: {  	_ =	shalt  }
0x52: {  	_ =	shalt  }
0x53: {  	_ =	shalt  }
0x54: {  	_ =	shalt  }
0x55: {  	_ =	shalt  }
0x56: {  	_ =	shalt  }
0x57: {  	_ =	shalt  }
0x58: {  	_ =	shalt  }
0x59: {  	_ =	shalt  }
0x5a: {  	_ =	shalt  }
0x5b: {  	_ =	shalt  }
0x5c: {  	_ =	shalt  }
0x5d: {  	_ =	shalt  }
0x5e: {  	_ =	shalt  }
0x5f: {  	_ =	shalt  }
0x60: {  	_ =	shalt  }
0x61: {  	_ =	shalt  }
0x62: {  	_ =	shalt  }
0x63: {  	_ =	shalt  }
0x64: {  	_ =	shalt  }
0x65: {  	_ =	shalt  }
0x66: {  	_ =	shalt  }
0x67: {  	_ =	shalt  }
0x68: {  	_ =	shalt  }
0x69: {  	_ =	shalt  }
0x6a: {  	_ =	shalt  }
0x6b: {  	_ =	shalt  }
0x6c: {  	_ =	shalt  }
0x6d: {  	_ =	shalt  }
0x6e: {  	_ =	shalt  }
0x6f: {  	_ =	shalt  }
0x70: {  	_ =	shalt  }
0x71: {  	_ =	shalt  }
0x72: {  	_ =	shalt  }
0x73: {  	_ =	shalt  }
0x74: {  	_ =	shalt  }
0x75: {  	_ =	shalt  }
0x76: {  	_ =	shalt  }
0x77: {  	_ =	shalt  }
0x78: {  	_ =	shalt  }
0x79: {  	_ =	shalt  }
0x7a: {  	_ =	shalt  }
0x7b: {  	_ =	shalt  }
0x7c: {  	_ =	shalt  }
0x7d: {  	_ =	shalt  }
0x7e: {  	_ =	shalt  }
0x7f: {  	_ =	shalt  }
0x80: {  	_ =	shalt  }
0x81: {  	_ =	shalt  }
0x82: {  	_ =	shalt  }
0x83: {  	_ =	shalt  }
0x84: {  	_ =	shalt  }
0x85: {  	_ =	shalt  }
0x86: {  	_ =	shalt  }
0x87: {  	_ =	shalt  }
.Lfunc_end0:
.L_simem_size_0:
called_computation.1_lowered:
.L_overlay_start_0:
0x88: {  	s2 =	sld [smem:$0x3FD9]  }
0x89: {  	s3 =	sld [smem:$0x3FFE];
	_ =	sdelay $0x1  }
0x8a: {  	s1 =	srdreg.scid  }
0x8b: {  	s0 =	sand.u32 $0x1, s1  }
0x8c: {  	s14 =	sshll.u32 s0, $0xA;
	s2 =	sadd.s32 s3, s2  }
0x8d: {  	s2 =	sadd.s32 s2, s14  }
0x8e: {  	[smem:$0x3FC5] =	sst s2  }
0x8f: {  	_ = 	snop  }
0x90: {  	s2 =	sld [smem:$0x3FD0];
	_ =	sdelay $0x2  }
0x91: {  	s15 =	simm.s32 $0xA;
	s4 =	simm.s32 $0x10  }
0x92: {  	[smem:s4], [sflag:s15] =	dma.local [hbm:s2], $0x1  }
0x93: {  	_ =	swait.eq [sflag:s15], $0x1  }
0x94: {  	[sflag:s15] =	ssyncset.done $0x0  }
0x95: {  	s16 =	sld [smem:$0x10];
	[sflag:s15] =	ssyncadd.s32 $0xFFFFFFFF  }
0x96: {  	s17 =	sld [smem:$0x11];
	(tm) =	ssettm $0x1  }
0x97: {  	s18 =	sld [smem:$0x3FFB];
	_ =	sdelay $0x3  }
0x98: {  	_ =	strace s18  }
0x99: {  	s4 =	sld [smem:$0x3FFC];
	_ =	sdelay $0x3  }
0x9a: {  	_ =	strace s4  }
0x9b: {  	s4 =	sld [smem:$0x3FFD];
	_ =	sdelay $0x3  }
0x9c: {  	_ =	strace s4  }
0x9d: {  	_ =	strace $0x8FFFFFFF  }
0x9e: {  	s19 =	sld [smem:$0x3FDB];
	_ =	sdelay $0x1  }
0x9f: {  	s5 =	simm.s32 $_scs_section_size  }
0xa0: {  	s6 =	simm.s32 $_size__tile_overlayer_lowered;
	s7 =	simm.s32 $_tile_overlayer_lowered  }
0xa1: {  	s22 =	simm.s32 $0x1BFF;
	s21 =	sshll.u32 s7, $0x1;
	s4 =	sadd.s32 s5, s19  }
0xa2: {  	s8 =	simm.s32 $0x0;
	s20 =	sshll.u32 s6, $0x1;
	s6 =	sadd.s32 s21, s4  }
0xa3: {  	[timem:s8], [sflag:s22] =	dma.local [hbm:s6], s20  }
0xa4: {  	_ =	swait.ge [sflag:s22], s20  }
0xa5: {  	s5 =	ssub.s32 $0x0, s20;
	[sflag:s22] =	ssyncset.done $0x0  }
0xa6: {  	[sflag:s22] =	ssyncadd.s32 s5;
	_ =	sdelay $0x1  }
0xa7: {  	s23 =	simm.s32 $0x1B8B  }
0xa8: {  	_ =	swait.ge [sflag:s23], $0x1  }
0xa9: {  	[sflag:s23] =	ssyncset.done $0x0  }
0xaa: {  	s25 =	simm.s32 $0x1B8E;
	s24 =	sld [smem:$0x3FFE];
	[sflag:s23] =	ssyncadd.s32 $0xFFFFFFFF  }
0xab: {  	s26 =	simm.s32 $execute0_lowered;
	[smem:$0x3FD2] =	sst s25  }
0xac: {  	s6 =	sshll.u32 s26, $0x1;
	_ =	strace $0x80000046;
	[dreg:$0x1] =	wrdreg $0xFFFFFFFF  }
0xad: {  	s28 =	simm.s32 $_size_execute0_lowered;
	s4 =	sadd.s32 s4, s6;
	[dreg:$0x0] =	wrdreg $0x0  }
0xae: {  	s6 =	sshll.u32 s28, $0x1;
	[dreg:$0x2] =	wrdreg s4  }
0xaf: {  	[dreg:$0x3] =	wrdreg s6  }
0xb0: {  	[dreg:$0x4] =	wrdreg $0xC0  }
0xb1: {  	_ =	task [dreg:s8], $0x5FFFF  }
0xb2: {  	[dreg:$0x1] =	wrdreg $0xFFFFFFFF  }
0xb3: {  	[dreg:$0x0] =	wrdreg $0x60  }
0xb4: {  	[dreg:$0x2] =	wrdreg s24  }
0xb5: {  	[dreg:$0x3] =	wrdreg s16  }
0xb6: {  	[dreg:$0x4] =	wrdreg s17  }
0xb7: {  	[dreg:$0x5] =	wrdreg $0x8A000  }
0xb8: {  	[dreg:$0x6] =	wrdreg $0x9  }
0xb9: {  	_ =	task.clear_ibuf [dreg:s8], $0x7FFFF;
	_ =	strace $0x90000046  }
0xba: {  	s29 =	simm.s32 $0x9;
	_ =	strace $0x80000048  }
0xbb: {  	_ =	swait.ge [sflag:s29], $0x1  }
0xbc: {  	[sflag:s29] =	ssyncadd.s32 $0xFFFFFFFF  }
0xbd: {  	_ =	strace $0x90000048  }
0xbe: {  	_ =	sfence  }
0xbf: {  	s30 =	sld [smem:$0x0];
	_ =	sdelay $0x2  }
0xc0: {  	s31 =	sshll.u32 s1, $0xD;
	s1 =	sshrl.u32 s1, $0x2  }
0xc1: {  	s3 =	sand.u32 $0x4000, s31;
	s1 =	sadd.s32 s1, s30  }
0xc2: {  	s0 =	sor.u32 s3, s0;
	s1 =	sshll.u32 s1, $0x11  }
0xc3: {  	s0 =	sor.u32 s1, s0  }
0xc4: {  	s0 =	sadd.s32 $0x8F2B, s0  }
0xc5: {  	[sflag:s0] =	ssyncadd.remote.s32 $0x1  }
0xc6: {  	_ =	sfence.sel $0xFFFF  }
0xc7: {  	[dreg:$0x0] =	wrdreg $0xFFFFFFFF;
	(pc) =	sbr.abs _section_cstart, $3  }
0xc8: {  	[dreg:$0x1] =	wrdreg $0xFFFFFFFF  }
0xc9: {  	_ =	task.clear_ibuf [dreg:s8], $0x2FFFF;
	_ =	strace $0x9FFFFFFF  }
0xca: {  	(tm) =	ssettm $0x7FFFFFFF  }
0xcb: {  	_ =	shalt  }
tec
execute0_lowered:
.L_overlay_start_1:
0x0: {  	(tag) =	ssettag $0x1  }
0x1: {  	s4 =	rddreg [dreg:$0x0]  }
0x2: {  	s7 =	rddreg [dreg:$0x1]  }
0x3: {  	s8 =	rddreg [dreg:$0x2]  }
0x4: {  	s5 =	rddreg [dreg:$0x3]  }
0x5: {  	s0 =	rddreg [dreg:$0x4]  }
0x6: {  	s2 =	simm.s32 $0x0;
	s1 =	stileid.u32;
	s3 =	srdreg.scid  }
0x7: {  	s28 =	simm.s32 $0x400;
	s29 =	simm.s32 $0x100;
	s30 =	simm.s32 $0x180  }
0x8: {  	s31 =	simm.s32 $0x200;
	s15 =	simm.s32 $0x280;
	s16 =	simm.s32 $0x300  }
0x9: {  	s17 =	simm.s32 $0x380;
	s18 =	simm.s32 $0x96C0;
	[smem:$0x7FF] =	sst s2  }
0xa: {  	s19 =	simm.s32 $0xB040;
	_ =	strace $0x80000047;
	[dreg:$0x7] =	wrdreg s28  }
0xb: {  	s6 =	sshll.u32 s1, $0xC;
	s12 =	smul.u32 $0x3300, s1;
	[dreg:$0x8] =	wrdreg s29  }
0xc: {  	s9 =	sand.u32 $0x1, s3;
	s13 =	smul.u32 $0x3E800, s1;
	[dreg:$0x9] =	wrdreg s30  }
0xd: {  	s3 =	sadd.s32 $0x21200, s4;
	s26 =	smul.u32 $0x6400, s1;
	[dreg:$0xa] =	wrdreg s31  }
0xe: {  	s6 =	sadd.s32 s6, s4;
	s10 =	ssub.s32 $0x2, s9;
	[dreg:$0xb] =	wrdreg s15  }
0xf: {  	v0 =	vimm.f32 $0.0e+00;
	v19 =	vimm.s32 $0xBE;
	s4 =	sadd.s32 $0xF43600, s4;
	s14 =	smul.u32 $0x1F400, s9;
	[dreg:$0xc] =	wrdreg s16  }
0x10: {  	v20 =	vimm.s32 $0xC8;
	v21 =	vimm.s32 $0xD2;
	v22 =	vimm.s32 $0xDC;
	s24 =	sshll.u32 s9, $0xB;
	s9 =	smul.u32 $0x3200, s9;
	[dreg:$0xd] =	wrdreg s17  }
0x11: {  	v23 =	vimm.s32 $0xE6;
	v24 =	vimm.s32 $0xF0;
	v25 =	vimm.s32 $0xFA;
	s15 =	simm.s32 $0x4A00;
	s16 =	simm.s32 $0x6A00;
	[dreg:$0xe] =	wrdreg s18  }
0x12: {  	v26 =	vimm.s32 $0x104;
	v27 =	vimm.s32 $0x10E;
	v28 =	vimm.s32 $0x118;
	s17 =	simm.s32 $0x1;
	s18 =	simm.s32 $0x600;
	[dreg:$0xf] =	wrdreg s19  }
0x13: {  	v29 =	vimm.s32 $0x122;
	v30 =	vimm.s32 $0x12C;
	v31 =	vimm.s32 $0x136;
	s19 =	simm.s32 $0x0;
	s11 =	sshrl.u32 s10, $0x1;
	s12 =	sshrl.u32 s12, $0x2  }
0x14: {  	v32 =	vimm.s32 $0x140;
	v33 =	vimm.s32 $0x14A;
	v34 =	vimm.s32 $0x154;
	s7 =	sadd.s32 s13, s7;
	s8 =	sadd.s32 s26, s8;
	s13 =	simm.s32 $0xA00  }
0x15: {  	v35 =	vimm.s32 $0x15E;
	v36 =	vimm.s32 $0x168;
	v37 =	vimm.s32 $0x172;
	s10 =	ssub.s32 s10, s11;
	s11 =	sadd.s32 s24, s6;
	s5 =	sadd.s32 s12, s5  }
0x16: {  	v38 =	vimm.s32 $0x17C;
	v39 =	vimm.s32 $0x186;
	v40 =	vimm.s32 $0x190;
	s7 =	sadd.s32 s14, s7;
	s8 =	sadd.s32 s9, s8;
	s9 =	simm.s32 $0x800  }
0x17: {  	v41 =	vimm.s32 $0x19A;
	v42 =	vimm.s32 $0x1A4;
	v43 =	vimm.s32 $0x1AE;
	s12 =	simm.s32 $0x80;
	s14 =	simm.s32 $0x2A00;
	s25 =	sadd.s32 $0x1200, s11  }
0x18: {  	v44 =	vimm.s32 $0x1B8;
	v45 =	vimm.s32 $0x1C2;
	v46 =	vimm.s32 $0x1CC;
	s6 =	smax.u32 s10, $0x1;
	s11 =	sadd.s32 $0x11200, s11;
	[dreg:$0x5] =	wrdreg s25  }
0x19: {  	v47 =	vimm.s32 $0x1D6;
	v48 =	vimm.s32 $0x1E0;
	v49 =	vimm.s32 $0x1EA;
	s10 =	simm.s32 $0x2;
	[dreg:$0x6] =	wrdreg s11;
	s11 =	simm.s32 $0xA380  }
.LBB2_1:
0x1a: {  	[tilespmem:s9], [sflag:$0x2] =	stream.linear.gather [hbm4b:s3+s2], $0x200, $0x38;
	[tilespmem:$0xBCC0] =	vst v63  }
0x1b: {  	_ =	swait.ge [sflag:s10], $0x200  }
0x1c: {  	[sflag:s10] =	ssyncset.done $0x0  }
0x1d: {  	[sflag:s10] =	ssyncadd.s32 $0xFFFFFE00  }
0x1e: {  	[tilespmem:$0xA380] =	vst v0  }
0x1f: {  	[tilespmem:$0xA390] =	vst v0  }
0x20: {  	[tilespmem:$0xA3A0] =	vst v0  }
0x21: {  	[tilespmem:$0xA3B0] =	vst v0  }
0x22: {  	[tilespmem:$0xA3C0] =	vst v0  }
0x23: {  	[tilespmem:$0xA3D0] =	vst v0  }
0x24: {  	[tilespmem:$0xA3E0] =	vst v0  }
0x25: {  	[tilespmem:$0xA3F0] =	vst v0  }
0x26: {  	[tilespmem:$0xA400] =	vst v0  }
0x27: {  	[tilespmem:$0xA410] =	vst v0  }
0x28: {  	[tilespmem:$0xA420] =	vst v0  }
0x29: {  	[tilespmem:$0xA430] =	vst v0  }
0x2a: {  	[tilespmem:$0xA440] =	vst v0  }
0x2b: {  	[tilespmem:$0xA450] =	vst v0  }
0x2c: {  	[tilespmem:$0xA460] =	vst v0  }
0x2d: {  	[tilespmem:$0xA470] =	vst v0  }
0x2e: {  	[tilespmem:$0xA480] =	vst v0  }
0x2f: {  	[tilespmem:$0xA490] =	vst v0  }
0x30: {  	[tilespmem:$0xA4A0] =	vst v0  }
0x31: {  	[tilespmem:$0xA4B0] =	vst v0  }
0x32: {  	[tilespmem:$0xA4C0] =	vst v0  }
0x33: {  	[tilespmem:$0xA4D0] =	vst v0  }
0x34: {  	[tilespmem:$0xA4E0] =	vst v0  }
0x35: {  	[tilespmem:$0xA4F0] =	vst v0  }
0x36: {  	[tilespmem:$0xA500] =	vst v0  }
0x37: {  	[tilespmem:$0xA510] =	vst v0  }
0x38: {  	[tilespmem:$0xA520] =	vst v0  }
0x39: {  	[tilespmem:$0xA530] =	vst v0  }
0x3a: {  	[tilespmem:$0xA540] =	vst v0  }
0x3b: {  	[tilespmem:$0xA550] =	vst v0  }
0x3c: {  	[tilespmem:$0xA560] =	vst v0  }
0x3d: {  	[tilespmem:$0xA570] =	vst v0  }
0x3e: {  	[tilespmem:$0xA580] =	vst v0  }
0x3f: {  	[tilespmem:$0xA590] =	vst v0  }
0x40: {  	[tilespmem:$0xA5A0] =	vst v0  }
0x41: {  	[tilespmem:$0xA5B0] =	vst v0  }
0x42: {  	[tilespmem:$0xA5C0] =	vst v0  }
0x43: {  	[tilespmem:$0xA5D0] =	vst v0  }
0x44: {  	[tilespmem:$0xA5E0] =	vst v0  }
0x45: {  	[tilespmem:$0xA5F0] =	vst v0  }
0x46: {  	[tilespmem:$0xA600] =	vst v0  }
0x47: {  	[tilespmem:$0xA610] =	vst v0  }
0x48: {  	[tilespmem:$0xA620] =	vst v0  }
0x49: {  	[tilespmem:$0xA630] =	vst v0  }
0x4a: {  	[tilespmem:$0xA640] =	vst v0  }
0x4b: {  	[tilespmem:$0xA650] =	vst v0  }
0x4c: {  	[tilespmem:$0xA660] =	vst v0  }
0x4d: {  	[tilespmem:$0xA670] =	vst v0  }
0x4e: {  	[tilespmem:$0xA680] =	vst v0  }
0x4f: {  	[tilespmem:$0xA690] =	vst v0  }
0x50: {  	[tilespmem:$0xA6A0] =	vst v0  }
0x51: {  	[tilespmem:$0xA6B0] =	vst v0  }
0x52: {  	[tilespmem:$0xA6C0] =	vst v0  }
0x53: {  	[tilespmem:$0xA6D0] =	vst v0  }
0x54: {  	[tilespmem:$0xA6E0] =	vst v0  }
0x55: {  	[tilespmem:$0xA6F0] =	vst v0  }
0x56: {  	[tilespmem:$0xA700] =	vst v0  }
0x57: {  	[tilespmem:$0xA710] =	vst v0  }
0x58: {  	[tilespmem:$0xA720] =	vst v0  }
0x59: {  	[tilespmem:$0xA730] =	vst v0  }
0x5a: {  	[tilespmem:$0xA740] =	vst v0  }
0x5b: {  	[tilespmem:$0xA750] =	vst v0  }
0x5c: {  	[tilespmem:$0xA760] =	vst v0  }
0x5d: {  	[tilespmem:$0xA770] =	vst v0  }
0x5e: {  	[tilespmem:$0xA780] =	vst v0  }
0x5f: {  	[tilespmem:$0xA790] =	vst v0  }
0x60: {  	[tilespmem:$0xA7A0] =	vst v0  }
0x61: {  	[tilespmem:$0xA7B0] =	vst v0  }
0x62: {  	[tilespmem:$0xA7C0] =	vst v0  }
0x63: {  	[tilespmem:$0xA7D0] =	vst v0  }
0x64: {  	[tilespmem:$0xA7E0] =	vst v0  }
0x65: {  	[tilespmem:$0xA7F0] =	vst v0  }
0x66: {  	[tilespmem:$0xA800] =	vst v0  }
0x67: {  	[tilespmem:$0xA810] =	vst v0  }
0x68: {  	[tilespmem:$0xA820] =	vst v0  }
0x69: {  	[tilespmem:$0xA830] =	vst v0  }
0x6a: {  	[tilespmem:$0xA840] =	vst v0  }
0x6b: {  	[tilespmem:$0xA850] =	vst v0  }
0x6c: {  	[tilespmem:$0xA860] =	vst v0  }
0x6d: {  	[tilespmem:$0xA870] =	vst v0  }
0x6e: {  	[tilespmem:$0xA880] =	vst v0  }
0x6f: {  	[tilespmem:$0xA890] =	vst v0  }
0x70: {  	[tilespmem:$0xA8A0] =	vst v0  }
0x71: {  	[tilespmem:$0xA8B0] =	vst v0  }
0x72: {  	[tilespmem:$0xA8C0] =	vst v0  }
0x73: {  	[tilespmem:$0xA8D0] =	vst v0  }
0x74: {  	[tilespmem:$0xA8E0] =	vst v0  }
0x75: {  	[tilespmem:$0xA8F0] =	vst v0  }
0x76: {  	[tilespmem:$0xA900] =	vst v0  }
0x77: {  	[tilespmem:$0xA910] =	vst v0  }
0x78: {  	[tilespmem:$0xA920] =	vst v0  }
0x79: {  	[tilespmem:$0xA930] =	vst v0  }
0x7a: {  	[tilespmem:$0xA940] =	vst v0  }
0x7b: {  	[tilespmem:$0xA950] =	vst v0  }
0x7c: {  	[tilespmem:$0xA960] =	vst v0  }
0x7d: {  	[tilespmem:$0xA970] =	vst v0  }
0x7e: {  	[tilespmem:$0xA980] =	vst v0  }
0x7f: {  	[tilespmem:$0xA990] =	vst v0  }
0x80: {  	[tilespmem:$0xA9A0] =	vst v0  }
0x81: {  	[tilespmem:$0xA9B0] =	vst v0  }
0x82: {  	[tilespmem:$0xA9C0] =	vst v0  }
0x83: {  	[tilespmem:$0xA9D0] =	vst v0  }
0x84: {  	[tilespmem:$0xA9E0] =	vst v0  }
0x85: {  	[tilespmem:$0xA9F0] =	vst v0  }
0x86: {  	[tilespmem:$0xAA00] =	vst v0  }
0x87: {  	[tilespmem:$0xAA10] =	vst v0  }
0x88: {  	[tilespmem:$0xAA20] =	vst v0  }
0x89: {  	[tilespmem:$0xAA30] =	vst v0  }
0x8a: {  	[tilespmem:$0xAA40] =	vst v0  }
0x8b: {  	[tilespmem:$0xAA50] =	vst v0  }
0x8c: {  	[tilespmem:$0xAA60] =	vst v0  }
0x8d: {  	[tilespmem:$0xAA70] =	vst v0  }
0x8e: {  	[tilespmem:$0xAA80] =	vst v0  }
0x8f: {  	[tilespmem:$0xAA90] =	vst v0  }
0x90: {  	[tilespmem:$0xAAA0] =	vst v0  }
0x91: {  	[tilespmem:$0xAAB0] =	vst v0  }
0x92: {  	[tilespmem:$0xAAC0] =	vst v0  }
0x93: {  	[tilespmem:$0xAAD0] =	vst v0  }
0x94: {  	[tilespmem:$0xAAE0] =	vst v0  }
0x95: {  	[tilespmem:$0xAAF0] =	vst v0  }
0x96: {  	[tilespmem:$0xAB00] =	vst v0  }
0x97: {  	[tilespmem:$0xAB10] =	vst v0  }
0x98: {  	[tilespmem:$0xAB20] =	vst v0  }
0x99: {  	[tilespmem:$0xAB30] =	vst v0  }
0x9a: {  	[tilespmem:$0xAB40] =	vst v0  }
0x9b: {  	[tilespmem:$0xAB50] =	vst v0  }
0x9c: {  	[tilespmem:$0xAB60] =	vst v0  }
0x9d: {  	[tilespmem:$0xAB70] =	vst v0  }
0x9e: {  	[tilespmem:$0xAB80] =	vst v0  }
0x9f: {  	[tilespmem:$0xAB90] =	vst v0  }
0xa0: {  	[tilespmem:$0xABA0] =	vst v0  }
0xa1: {  	[tilespmem:$0xABB0] =	vst v0  }
0xa2: {  	[tilespmem:$0xABC0] =	vst v0  }
0xa3: {  	[tilespmem:$0xABD0] =	vst v0  }
0xa4: {  	[tilespmem:$0xABE0] =	vst v0  }
0xa5: {  	[tilespmem:$0xABF0] =	vst v0  }
0xa6: {  	[tilespmem:$0xAC00] =	vst v0  }
0xa7: {  	[tilespmem:$0xAC10] =	vst v0  }
0xa8: {  	[tilespmem:$0xAC20] =	vst v0  }
0xa9: {  	[tilespmem:$0xAC30] =	vst v0  }
0xaa: {  	[tilespmem:$0xAC40] =	vst v0  }
0xab: {  	[tilespmem:$0xAC50] =	vst v0  }
0xac: {  	[tilespmem:$0xAC60] =	vst v0  }
0xad: {  	[tilespmem:$0xAC70] =	vst v0  }
0xae: {  	[tilespmem:$0xAC80] =	vst v0  }
0xaf: {  	[tilespmem:$0xAC90] =	vst v0  }
0xb0: {  	[tilespmem:$0xACA0] =	vst v0  }
0xb1: {  	[tilespmem:$0xACB0] =	vst v0  }
0xb2: {  	[tilespmem:$0xACC0] =	vst v0  }
0xb3: {  	[tilespmem:$0xACD0] =	vst v0  }
0xb4: {  	[tilespmem:$0xACE0] =	vst v0  }
0xb5: {  	[tilespmem:$0xACF0] =	vst v0  }
0xb6: {  	[tilespmem:$0xAD00] =	vst v0  }
0xb7: {  	[tilespmem:$0xAD10] =	vst v0  }
0xb8: {  	[tilespmem:$0xAD20] =	vst v0  }
0xb9: {  	[tilespmem:$0xAD30] =	vst v0  }
0xba: {  	[tilespmem:$0xAD40] =	vst v0  }
0xbb: {  	[tilespmem:$0xAD50] =	vst v0  }
0xbc: {  	[tilespmem:$0xAD60] =	vst v0  }
0xbd: {  	[tilespmem:$0xAD70] =	vst v0  }
0xbe: {  	[tilespmem:$0xAD80] =	vst v0  }
0xbf: {  	[tilespmem:$0xAD90] =	vst v0  }
0xc0: {  	[tilespmem:$0xADA0] =	vst v0  }
0xc1: {  	[tilespmem:$0xADB0] =	vst v0  }
0xc2: {  	[tilespmem:$0xADC0] =	vst v0  }
0xc3: {  	[tilespmem:$0xADD0] =	vst v0  }
0xc4: {  	[tilespmem:$0xADE0] =	vst v0  }
0xc5: {  	[tilespmem:$0xADF0] =	vst v0  }
0xc6: {  	[tilespmem:$0xAE00] =	vst v0  }
0xc7: {  	[tilespmem:$0xAE10] =	vst v0  }
0xc8: {  	[tilespmem:$0xAE20] =	vst v0  }
0xc9: {  	[tilespmem:$0xAE30] =	vst v0  }
0xca: {  	[tilespmem:$0xAE40] =	vst v0  }
0xcb: {  	[tilespmem:$0xAE50] =	vst v0  }
0xcc: {  	[tilespmem:$0xAE60] =	vst v0  }
0xcd: {  	[tilespmem:$0xAE70] =	vst v0  }
0xce: {  	[tilespmem:$0xAE80] =	vst v0  }
0xcf: {  	[tilespmem:$0xAE90] =	vst v0  }
0xd0: {  	[tilespmem:$0xAEA0] =	vst v0  }
0xd1: {  	[tilespmem:$0xAEB0] =	vst v0  }
0xd2: {  	[tilespmem:$0xAEC0] =	vst v0  }
0xd3: {  	[tilespmem:$0xAED0] =	vst v0  }
0xd4: {  	[tilespmem:$0xAEE0] =	vst v0  }
0xd5: {  	[tilespmem:$0xAEF0] =	vst v0  }
0xd6: {  	[tilespmem:$0xAF00] =	vst v0  }
0xd7: {  	[tilespmem:$0xAF10] =	vst v0  }
0xd8: {  	[tilespmem:$0xAF20] =	vst v0  }
0xd9: {  	[tilespmem:$0xAF30] =	vst v0  }
0xda: {  	[tilespmem:$0xAF40] =	vst v0  }
0xdb: {  	[tilespmem:$0xAF50] =	vst v0  }
0xdc: {  	[tilespmem:$0xAF60] =	vst v0  }
0xdd: {  	[tilespmem:$0xAF70] =	vst v0  }
0xde: {  	[tilespmem:$0xAF80] =	vst v0  }
0xdf: {  	[tilespmem:$0xAF90] =	vst v0  }
0xe0: {  	[tilespmem:$0xAFA0] =	vst v0  }
0xe1: {  	[tilespmem:$0xAFB0] =	vst v0  }
0xe2: {  	[tilespmem:$0xAFC0] =	vst v0  }
0xe3: {  	[tilespmem:$0xAFD0] =	vst v0  }
0xe4: {  	[tilespmem:$0xAFE0] =	vst v0  }
0xe5: {  	[tilespmem:$0xAFF0] =	vst v0  }
0xe6: {  	[tilespmem:$0xB000] =	vst v0  }
0xe7: {  	[tilespmem:$0xB010] =	vst v0  }
0xe8: {  	[tilespmem:$0xB020] =	vst v0  }
0xe9: {  	[tilespmem:$0xB030] =	vst v0  }
0xea: {  	[spmem:s5] =	stream.linear.scatter [tilespmem:s11], [sflag:$0x2], $0xCC0, $0x38;
	[tilespmem:$0xBCC0] =	vst v63  }
0xeb: {  	_ =	swait.ge [sflag:s10], $0xCC0  }
0xec: {  	s20 =	smov.u32 s8;
	[sflag:s10] =	ssyncset.done $0x0  }
0xed: {  	s21 =	smov.u32 s7;
	s22 =	simm.s32 $0x0;
	[sflag:s10] =	ssyncadd.s32 $0xFFFFF340  }
.LBB2_2:
0xee: {  	s23 =	rddreg [dreg:$0x6]  }
0xef: {  	s23 =	sadd.s32 s22, s23  }
0xf0: {  	[tilespmem:s2], [sflag:$0x2] =	stream.linear.gather [hbm4b:s23+s2], $0x200, $0x38;
	[tilespmem:$0xBCC0] =	vst v63  }
0xf1: {  	_ =	swait.ge [sflag:s10], $0x200  }
0xf2: {  	s29 =	rddreg [dreg:$0x5];
	[sflag:s10] =	ssyncset.done $0x0  }
0xf3: {  	s24 =	rddreg [dreg:$0x7];
	[sflag:s10] =	ssyncadd.s32 $0xFFFFFE00;
	s23 =	sadd.s32 s22, s29  }
0xf4: {  	[tilespmem:s24], [sflag:$0x2] =	stream.linear.gather [hbm4b:s23+s2], $0x200, $0x38;
	[tilespmem:$0xBCC0] =	vst v63  }
0xf5: {  	_ =	swait.ge [sflag:s10], $0x200  }
0xf6: {  	[sflag:s10] =	ssyncset.done $0x0  }
0xf7: {  	[sflag:s10] =	ssyncadd.s32 $0xFFFFFE00  }
0xf8: {  	[tilespmem:s13], [sflag:$0x1] =	stream.indirect.gather [hbm4b:s4+s12], $0x40, s2, s12, $0xb8;
	[tilespmem:$0xBCC0] =	vst v63  }
0xf9: {  	_ = 	snop  }
0xfa: {  	[tilespmem:s14], [sflag:$0x1] =	stream.indirect.gather [hbm4b:s4+s12], $0x40, s12, s12, $0xb8;
	[tilespmem:$0xBCC0] =	vst v63  }
0xfb: {  	s30 =	rddreg [dreg:$0x8]  }
0xfc: {  	[tilespmem:s15], [sflag:$0x1] =	stream.indirect.gather [hbm4b:s4+s12], $0x40, s30, s12, $0xb8;
	[tilespmem:$0xBCC0] =	vst v63  }
0xfd: {  	s31 =	rddreg [dreg:$0x9]  }
0xfe: {  	[tilespmem:s16], [sflag:$0x1] =	stream.indirect.gather [hbm4b:s4+s12], $0x40, s31, s12, $0xb8;
	[tilespmem:$0xBCC0] =	vst v63  }
0xff: {  	_ =	swait.ge [sflag:s17], $0x2000  }
0x100: {  	[sflag:s17] =	ssyncset.done $0x0  }
0x101: {  	[sflag:s17] =	ssyncadd.s32 $0xFFFFE000  }
0x102: {  	_ =	swait.ge [sflag:s17], $0x2000  }
0x103: {  	[sflag:s17] =	ssyncset.done $0x0  }
0x104: {  	[sflag:s17] =	ssyncadd.s32 $0xFFFFE000  }
0x105: {  	_ =	swait.ge [sflag:s17], $0x2000  }
0x106: {  	[sflag:s17] =	ssyncset.done $0x0  }
0x107: {  	[sflag:s17] =	ssyncadd.s32 $0xFFFFE000  }
0x108: {  	_ =	swait.ge [sflag:s17], $0x2000  }
0x109: {  	[sflag:s17] =	ssyncset.done $0x0  }
0x10a: {  	[sflag:s17] =	ssyncadd.s32 $0xFFFFE000  }
0x10b: {  	v51 =	vld [tilespmem:$0x400];
	_ =	sdelay $0x1  }
0x10c: {  	v53 =	vld [tilespmem:$0x410];
	_ =	sdelay $0x1  }
0x10d: {  	v54 =	vld [tilespmem:$0x420]  }
0x10e: {  	(xrf2) =	vadd.scan.msk.f32 $0xffff, v51  }
0x10f: {  	v56 =	vld [tilespmem:$0x430]  }
0x110: {  	(xrf2) =	vadd.scan.msk.f32 $0xffff, v53;
	_ =	sdelay $0x1  }
0x111: {  	v57 =	vld [tilespmem:$0x440];
	(xrf2) =	vadd.scan.msk.f32 $0xffff, v54;
	_ =	sdelay $0x1  }
0x112: {  	v59 =	vld [tilespmem:$0x450];
	(xrf2) =	vadd.scan.msk.f32 $0xffff, v56;
	_ =	sdelay $0x1  }
0x113: {  	v60 =	vld [tilespmem:$0x460]  }
0x114: {  	v62 =	vld [tilespmem:$0x470];
	(xrf2) =	vadd.scan.msk.f32 $0xffff, v57  }
0x115: {  	v50, _, _ =	vpop (xrf2)  }
0x116: {  	(xrf2) =	vadd.scan.msk.f32 $0xffff, v59;
	(v2sf) =	vpush v50, $0xF  }
0x117: {  	v63 =	vld [tilespmem:$0x480];
	v5, _, _ =	vpop (xrf2)  }
0x118: {  	(xrf2) =	vadd.scan.msk.f32 $0xffff, v60;
	(v2sf) =	vpush v5, $0xF  }
0x119: {  	v2 =	vld [tilespmem:$0x490];
	v6, _, _ =	vpop (xrf2);
	(xrf2) =	vadd.scan.msk.f32 $0xffff, v62  }
0x11a: {  	(v2sf) =	vpush v6, $0xF  }
0x11b: {  	v3 =	vld [tilespmem:$0x4A0];
	v7, _, _ =	vpop (xrf2)  }
0x11c: {  	(xrf2) =	vadd.scan.msk.f32 $0xffff, v63;
	(v2sf) =	vpush v7, $0xF  }
0x11d: {  	v4 =	vld [tilespmem:$0x4B0]  }
0x11e: {  	v1 =	vld [tilespmem:$0x4C0];
	v8, _, _ =	vpop (xrf2);
	(xrf2) =	vadd.scan.msk.f32 $0xffff, v2  }
0x11f: {  	(v2sf) =	vpush v8, $0xF  }
0x120: {  	v9, _, _ =	vpop (xrf2);
	(xrf2) =	vadd.scan.msk.f32 $0xffff, v3  }
0x121: {  	v61 =	vld [tilespmem:$0x4D0];
	(v2sf) =	vpush v9, $0xF  }
0x122: {  	v58 =	vld [tilespmem:$0x4E0];
	v10, _, _ =	vpop (xrf2);
	(xrf2) =	vadd.scan.msk.f32 $0xffff, v4  }
0x123: {  	v55 =	vld [tilespmem:$0x4F0];
	(v2sf) =	vpush v10, $0xF;
	v11, _, _ =	vpop (xrf2);
	(xrf2) =	vadd.scan.msk.f32 $0xffff, v1  }
0x124: {  	v12 =	vld [tilespmem:$0x800]  }
0x125: {  	v14 =	vld [tilespmem:$0x810];
	(v2sf) =	vpush v11, $0xF;
	s24 =	spop (v2sf)  }
0x126: {  	v50 =	vadd.f32 $0.0e+00, v50;
	v13, _, _ =	vpop (xrf2);
	s23 =	sadd.f32 $0.0e+00, s24  }
0x127: {  	v52 =	vld [tilespmem:$0x500];
	(xrf2) =	vadd.scan.msk.f32 $0xffff, v61;
	(v2sf) =	vpush v13, $0xF;
	s25 =	spop (v2sf)  }
0x128: {  	vm0 =	vgt.f32 v51, $0.0e+00;
	v16 =	vsub.f32 v50, v51;
	v50 =	vld [tilespmem:$0x510];
	v15, _, _ =	vpop (xrf2);
	v5 =	vadd.f32 s23, v5;
	s23 =	sadd.f32 s25, s23  }
0x129: {  	v17 =	vld [tilespmem:$0x820];
	vm9 =	vgt.f32 v53, $0.0e+00;
	v12 =	vnsel vm0, $0x32, v12;
	(xrf2) =	vadd.scan.msk.f32 $0xffff, v58;
	s26 =	spop (v2sf);
	(v2sf) =	vpush v15, $0xF  }
0x12a: {  	v14 =	vnsel vm9, $0x32, v14;
	[tilespmem:$0x200] =	vst v12;
	v12 =	vld [tilespmem:$0x830];
	v18, _, _ =	vpop (xrf2);
	(xrf2) =	vadd.scan.msk.f32 $0xffff, v55;
	s24 =	sadd.f32 s26, s23;
	v6 =	vadd.f32 s23, v6  }
0x12b: {  	vm10 =	vgt.f32 v54, $0.0e+00;
	[tilespmem:$0x210] =	vst v14;
	s28 =	spop (v2sf);
	v5 =	vsub.f32 v5, v53;
	(v2sf) =	vpush v18, $0xF  }
0x12c: {  	v51 =	vld [tilespmem:$0x520];
	[tilespmem:$0x600] =	vst v16;
	v16, _, _ =	vpop (xrf2);
	(xrf2) =	vadd.scan.msk.f32 $0xffff, v52;
	v7 =	vadd.f32 s24, v7;
	v6 =	vsub.f32 v6, v54;
	s23 =	sadd.f32 s28, s24  }
0x12d: {  	vm11 =	vgt.f32 v56, $0.0e+00;
	v53 =	vld [tilespmem:$0x530];
	(v2sf) =	vpush v16, $0xF;
	v14, _, _ =	vpop (xrf2);
	(xrf2) =	vadd.scan.msk.f32 $0xffff, v50;
	[tilespmem:$0x610] =	vst v5  }
0x12e: {  	s29 =	spop (v2sf);
	v5 =	vsub.f32 v7, v56;
	v7 =	vld [tilespmem:$0x840];
	[tilespmem:$0x620] =	vst v6;
	v6 =	vnsel vm10, $0x32, v17;
	v8 =	vadd.f32 s23, v8  }
0x12f: {  	v54 =	vld [tilespmem:$0x540];
	s23 =	sadd.f32 s29, s23;
	v56 =	vnsel vm11, $0x32, v12;
	[tilespmem:$0x220] =	vst v6  }
0x130: {  	(v2sf) =	vpush v14, $0xF;
	v12 =	vld [tilespmem:$0x850];
	s30 =	spop (v2sf);
	[tilespmem:$0x230] =	vst v56;
	v8 =	vsub.f32 v8, v57  }
0x131: {  	v56 =	vld [tilespmem:$0x550];
	[tilespmem:$0x630] =	vst v5;
	s24 =	sadd.f32 s30, s23;
	v5 =	vadd.f32 s23, v9;
	v6, _, _ =	vpop (xrf2);
	(xrf2) =	vadd.scan.msk.f32 $0xffff, v51  }
0x132: {  	vm12 =	vgt.f32 v57, $0.0e+00;
	s31 =	spop (v2sf);
	(v2sf) =	vpush v6, $0xF;
	[tilespmem:$0x640] =	vst v8;
	v8 =	vld [tilespmem:$0x860]  }
0x133: {  	v57 =	vld [tilespmem:$0x560];
	v9, _, _ =	vpop (xrf2);
	(xrf2) =	vadd.scan.msk.f32 $0xffff, v53;
	s23 =	sadd.f32 s31, s24;
	v5 =	vsub.f32 v5, v59;
	v10 =	vadd.f32 s24, v10;
	v7 =	vnsel vm12, $0x32, v7  }
0x134: {  	vm13 =	vgt.f32 v59, $0.0e+00;
	s25 =	spop (v2sf);
	(v2sf) =	vpush v9, $0xF;
	v17, _, _ =	vpop (xrf2);
	(xrf2) =	vadd.scan.msk.f32 $0xffff, v54;
	[tilespmem:$0x240] =	vst v7;
	v7 =	vld [tilespmem:$0x870]  }
0x135: {  	s24 =	sadd.f32 s25, s23;
	[tilespmem:$0x650] =	vst v5;
	v5 =	vnsel vm13, $0x32, v12;
	v10 =	vsub.f32 v10, v60;
	v11 =	vadd.f32 s23, v11  }
0x136: {  	vm14 =	vgt.f32 v60, $0.0e+00;
	v59 =	vld [tilespmem:$0x570];
	(v2sf) =	vpush v17, $0xF;
	s26 =	spop (v2sf);
	v12, _, _ =	vpop (xrf2);
	(xrf2) =	vadd.scan.msk.f32 $0xffff, v56;
	[tilespmem:$0x250] =	vst v5  }
0x137: {  	v60 =	vld [tilespmem:$0x580];
	s23 =	sadd.f32 s26, s24;
	[tilespmem:$0x660] =	vst v10;
	v10 =	vsub.f32 v11, v62;
	v11 =	vadd.f32 s24, v13;
	v8 =	vnsel vm14, $0x32, v8  }
0x138: {  	vm15 =	vgt.f32 v62, $0.0e+00;
	v5 =	vld [tilespmem:$0x880];
	(v2sf) =	vpush v12, $0xF;
	s28 =	spop (v2sf);
	v13, _, _ =	vpop (xrf2);
	(xrf2) =	vadd.scan.msk.f32 $0xffff, v57;
	[tilespmem:$0x260] =	vst v8  }
0x139: {  	v62 =	vld [tilespmem:$0x590];
	s24 =	sadd.f32 s28, s23;
	[tilespmem:$0x670] =	vst v10;
	v10 =	vsub.f32 v11, v63;
	v11 =	vadd.f32 s23, v15;
	v7 =	vnsel vm15, $0x32, v7  }
0x13a: {  	(v2sf) =	vpush v13, $0xF;
	v8 =	vld [tilespmem:$0x890];
	s29 =	spop (v2sf);
	[tilespmem:$0x270] =	vst v7  }
0x13b: {  	s23 =	sadd.f32 s29, s24;
	v7 =	vld [tilespmem:$0x8A0];
	[tilespmem:$0x680] =	vst v10;
	v10 =	vsub.f32 v11, v2;
	v11 =	vadd.f32 s24, v18;
	v15, _, _ =	vpop (xrf2)  }
0x13c: {  	vm4 =	vgt.f32 v63, $0.0e+00;
	vm5 =	vgt.f32 v2, $0.0e+00;
	v63 =	vld [tilespmem:$0x5A0];
	s30 =	spop (v2sf);
	(xrf2) =	vadd.scan.msk.f32 $0xffff, v59;
	(v2sf) =	vpush v15, $0xF  }
0x13d: {  	v5 =	vnsel vm4, $0x32, v5;
	v2 =	vld [tilespmem:$0x5B0];
	v18, _, _ =	vpop (xrf2);
	s24 =	sadd.f32 s30, s23;
	[tilespmem:$0x690] =	vst v10;
	v10 =	vsub.f32 v11, v3;
	v11 =	vadd.f32 s23, v16  }
0x13e: {  	vm6 =	vgt.f32 v3, $0.0e+00;
	[tilespmem:$0x280] =	vst v5;
	v5 =	vld [tilespmem:$0x8B0];
	(xrf2) =	vadd.scan.msk.f32 $0xffff, v60;
	(v2sf) =	vpush v18, $0xF  }
0x13f: {  	s31 =	spop (v2sf);
	v8 =	vnsel vm5, $0x32, v8;
	[tilespmem:$0x6A0] =	vst v10;
	v10 =	vsub.f32 v11, v4;
	v11 =	vadd.f32 s24, v14  }
0x140: {  	v16, _, _ =	vpop (xrf2);
	(xrf2) =	vadd.scan.msk.f32 $0xffff, v62;
	[tilespmem:$0x290] =	vst v8;
	s23 =	sadd.f32 s31, s24;
	v8 =	vld [tilespmem:$0x8C0];
	v7 =	vnsel vm6, $0x32, v7  }
0x141: {  	v3 =	vld [tilespmem:$0x5C0];
	(v2sf) =	vpush v16, $0xF;
	[tilespmem:$0x2A0] =	vst v7;
	s25 =	spop (v2sf)  }
0x142: {  	vm7 =	vgt.f32 v4, $0.0e+00;
	v14, _, _ =	vpop (xrf2);
	(xrf2) =	vadd.scan.msk.f32 $0xffff, v63;
	v6 =	vadd.f32 s23, v6;
	v7 =	vld [tilespmem:$0x8D0];
	[tilespmem:$0x6B0] =	vst v10;
	s23 =	sadd.f32 s25, s23  }
0x143: {  	v4 =	vld [tilespmem:$0x5D0];
	v5 =	vnsel vm7, $0x32, v5;
	v10 =	vsub.f32 v11, v1;
	s26 =	spop (v2sf);
	(v2sf) =	vpush v14, $0xF;
	v11, _, _ =	vpop (xrf2);
	(xrf2) =	vadd.scan.msk.f32 $0xffff, v2  }
0x144: {  	vm8 =	vgt.f32 v1, $0.0e+00;
	[tilespmem:$0x2B0] =	vst v5;
	v5 =	vsub.f32 v6, v61;
	v6 =	vld [tilespmem:$0x8E0];
	s24 =	sadd.f32 s26, s23;
	v9 =	vadd.f32 s23, v9  }
0x145: {  	v1 =	vld [tilespmem:$0x5E0];
	[tilespmem:$0x6C0] =	vst v10;
	v8 =	vnsel vm8, $0x32, v8;
	s28 =	spop (v2sf);
	(v2sf) =	vpush v11, $0xF  }
0x146: {  	vm9 =	vgt.f32 v61, $0.0e+00;
	v10 =	vld [tilespmem:$0x8F0];
	[tilespmem:$0x2C0] =	vst v8;
	v8 =	vadd.f32 s24, v17;
	s23 =	sadd.f32 s28, s24;
	v17, _, _ =	vpop (xrf2);
	(xrf2) =	vadd.scan.msk.f32 $0xffff, v3  }
0x147: {  	[tilespmem:$0x6D0] =	vst v5;
	s29 =	spop (v2sf);
	v61 =	vnsel vm9, $0x32, v7;
	v7 =	vsub.f32 v9, v58;
	(v2sf) =	vpush v17, $0xF  }
0x148: {  	vm10 =	vgt.f32 v58, $0.0e+00;
	[tilespmem:$0x2D0] =	vst v61;
	v61 =	vsub.f32 v8, v55;
	s24 =	sadd.f32 s29, s23;
	v8 =	vld [tilespmem:$0x900];
	v9, _, _ =	vpop (xrf2);
	(xrf2) =	vadd.scan.msk.f32 $0xffff, v4  }
0x149: {  	s30 =	spop (v2sf);
	v6 =	vnsel vm10, $0x32, v6;
	[tilespmem:$0x6E0] =	vst v7;
	v7 =	vadd.f32 s23, v12;
	(v2sf) =	vpush v9, $0xF  }
0x14a: {  	vm11 =	vgt.f32 v55, $0.0e+00;
	[tilespmem:$0x2E0] =	vst v6;
	v12 =	vld [tilespmem:$0x910];
	v58 =	vadd.f32 s24, v13;
	v13, _, _ =	vpop (xrf2);
	(xrf2) =	vadd.scan.msk.f32 $0xffff, v1  }
0x14b: {  	s23 =	sadd.f32 s30, s24;
	[tilespmem:$0x6F0] =	vst v61;
	v61 =	vnsel vm11, $0x32, v10;
	v7 =	vsub.f32 v7, v52;
	s31 =	spop (v2sf);
	(v2sf) =	vpush v13, $0xF  }
0x14c: {  	vm12 =	vgt.f32 v52, $0.0e+00;
	v52 =	vld [tilespmem:$0x920];
	v10, _, _ =	vpop (xrf2);
	[tilespmem:$0x2F0] =	vst v61;
	v5 =	vsub.f32 v58, v50  }
0x14d: {  	s24 =	sadd.f32 s31, s23;
	[tilespmem:$0x700] =	vst v7;
	v58 =	vadd.f32 s23, v15;
	(v2sf) =	vpush v10, $0xF;
	v15, _, _ =	vpop (xrf2);
	v55 =	vnsel vm12, $0x32, v8  }
0x14e: {  	vm13 =	vgt.f32 v50, $0.0e+00;
	s25 =	spop (v2sf);
	v7 =	vld [tilespmem:$0x940];
	(v2sf) =	vpush v15, $0xF;
	[tilespmem:$0x300] =	vst v55  }
0x14f: {  	v50 =	vnsel vm13, $0x32, v12;
	v61 =	vadd.f32 s24, v18;
	s23 =	sadd.f32 s25, s24;
	v18 =	vld [tilespmem:$0x930];
	[tilespmem:$0x710] =	vst v5;
	v8 =	vsub.f32 v58, v51  }
0x150: {  	vm14 =	vgt.f32 v51, $0.0e+00;
	s26 =	spop (v2sf);
	[tilespmem:$0x310] =	vst v50;
	v12, _, _ =	vpop (xrf2)  }
0x151: {  	v58 =	vld [tilespmem:$0x950];
	v6 =	vnsel vm14, $0x32, v52;
	v51 =	vsub.f32 v61, v53;
	s24 =	sadd.f32 s26, s23;
	[tilespmem:$0x720] =	vst v8;
	(v2sf) =	vpush v12, $0xF  }
0x152: {  	vm4 =	vgt.f32 v54, $0.0e+00;
	v52 =	vadd.f32 s23, v16;
	[tilespmem:$0x320] =	vst v6;
	s28 =	spop (v2sf);
	v16, _, _ =	vpop (xrf2)  }
0x153: {  	vm15 =	vgt.f32 v53, $0.0e+00;
	v53 =	vld [tilespmem:$0x970];
	v7 =	vnsel vm4, $0x32, v7;
	[tilespmem:$0x730] =	vst v51;
	s23 =	sadd.f32 s28, s24;
	(v2sf) =	vpush v16, $0xF  }
0x154: {  	v55 =	vadd.f32 s24, v14;
	v8 =	vsub.f32 v52, v54;
	s29 =	spop (v2sf);
	[tilespmem:$0x340] =	vst v7;
	v61 =	vnsel vm15, $0x32, v18  }
0x155: {  	vm5 =	vgt.f32 v56, $0.0e+00;
	v51 =	vld [tilespmem:$0x960];
	[tilespmem:$0x330] =	vst v61;
	v18, _, _ =	vpop (xrf2);
	v52 =	vadd.f32 s23, v11;
	s23 =	sadd.f32 s29, s23  }
0x156: {  	v54 =	vnsel vm5, $0x32, v58;
	v58 =	vld [tilespmem:$0x990];
	v50 =	vsub.f32 v55, v56;
	[tilespmem:$0x740] =	vst v8;
	(v2sf) =	vpush v18, $0xF;
	s30 =	spop (v2sf)  }
0x157: {  	vm7 =	vgt.f32 v59, $0.0e+00;
	v14 =	vld [tilespmem:$0x5F0];
	[tilespmem:$0x350] =	vst v54;
	v55 =	vadd.f32 s23, v17;
	s23 =	sadd.f32 s30, s23  }
0x158: {  	v56 =	vld [tilespmem:$0x980];
	v7 =	vnsel vm7, $0x32, v53;
	[tilespmem:$0x750] =	vst v50;
	v8 =	vsub.f32 v52, v57;
	s31 =	spop (v2sf)  }
0x159: {  	vm6 =	vgt.f32 v57, $0.0e+00;
	[tilespmem:$0x370] =	vst v7;
	v52 =	vld [tilespmem:$0x9B0];
	v9 =	vadd.f32 s23, v9;
	s23 =	sadd.f32 s31, s23  }
0x15a: {  	vm9 =	vgt.f32 v62, $0.0e+00;
	v6 =	vnsel vm6, $0x32, v51;
	[tilespmem:$0x760] =	vst v8;
	s25 =	spop (v2sf)  }
0x15b: {  	v57 =	vsub.f32 v55, v59;
	[tilespmem:$0x360] =	vst v6;
	v6 =	vnsel vm9, $0x32, v58;
	v55 =	vld [tilespmem:$0x9C0];
	v61 =	vadd.f32 s23, v13;
	s23 =	sadd.f32 s25, s23  }
0x15c: {  	vm8 =	vgt.f32 v60, $0.0e+00;
	vm11 =	vgt.f32 v2, $0.0e+00;
	[tilespmem:$0x390] =	vst v6;
	s26 =	spop (v2sf)  }
0x15d: {  	(xrf2) =	vadd.scan.msk.f32 $0xffff, v14;
	v5 =	vnsel vm8, $0x32, v56;
	[tilespmem:$0x770] =	vst v57;
	v51 =	vadd.f32 s23, v10;
	s23 =	sadd.f32 s26, s23  }
0x15e: {  	[tilespmem:$0x380] =	vst v5;
	v59 =	vsub.f32 v9, v60;
	v13 =	vld [tilespmem:$0x9A0];
	v5 =	vnsel vm11, $0x32, v52;
	s28 =	spop (v2sf)  }
0x15f: {  	vm12 =	vgt.f32 v3, $0.0e+00;
	[tilespmem:$0x3B0] =	vst v5;
	v54 =	vadd.f32 s23, v15;
	s23 =	sadd.f32 s28, s23  }
0x160: {  	[tilespmem:$0x780] =	vst v59;
	v50 =	vsub.f32 v61, v62;
	v60 =	vnsel vm12, $0x32, v55;
	s29 =	spop (v2sf)  }
0x161: {  	[tilespmem:$0x3C0] =	vst v60;
	v53 =	vsub.f32 v51, v63;
	v57 =	vadd.f32 s23, v12;
	s23 =	sadd.f32 s29, s23  }
0x162: {  	vm10 =	vgt.f32 v63, $0.0e+00;
	[tilespmem:$0x790] =	vst v50;
	v56 =	vsub.f32 v54, v2;
	v2 =	vld [tilespmem:$0x9D0];
	s30 =	spop (v2sf)  }
0x163: {  	v7 =	vnsel vm10, $0x32, v13;
	[tilespmem:$0x7A0] =	vst v53;
	v59 =	vadd.f32 s23, v16;
	s23 =	sadd.f32 s30, s23  }
0x164: {  	[tilespmem:$0x3A0] =	vst v7;
	v58 =	vsub.f32 v57, v3;
	v3 =	vld [tilespmem:$0x9E0]  }
0x165: {  	v11 =	vld [tilespmem:$0x9F0];
	[tilespmem:$0x7B0] =	vst v56;
	s31 =	spop (v2sf);
	v61 =	vsub.f32 v59, v4;
	v62 =	vadd.f32 s23, v18  }
0x166: {  	vm13 =	vgt.f32 v4, $0.0e+00;
	[tilespmem:$0x7C0] =	vst v58;
	s23 =	sadd.f32 s31, s23  }
0x167: {  	v63, _, _ =	vpop (xrf2);
	v2 =	vnsel vm13, $0x32, v2;
	[tilespmem:$0x7D0] =	vst v61;
	v12 =	vsub.f32 v62, v1  }
0x168: {  	vm14 =	vgt.f32 v1, $0.0e+00;
	v4 =	vadd.f32 s23, v63;
	[tilespmem:$0x3D0] =	vst v2  }
0x169: {  	vm15 =	vgt.f32 v14, $0.0e+00;
	v1 =	vnsel vm14, $0x32, v3;
	[tilespmem:$0x7E0] =	vst v12  }
0x16a: {  	v2 =	vsub.f32 v4, v14;
	[tilespmem:$0x3E0] =	vst v1;
	v1 =	vnsel vm15, $0x32, v11  }
0x16b: {  	[tilespmem:$0x3F0] =	vst v1  }
0x16c: {  	[tilespmem:$0x7F0] =	vst v2  }
0x16d: {  	[hbm4b:s21+s2] =	stream.linear.scatter [tilespmem:s13], [sflag:$0x2], $0x7D00, $0x38;
	[tilespmem:$0xBCC0] =	vst v63  }
0x16e: {  	_ =	swait.ge [sflag:s10], $0x7D00  }
0x16f: {  	[sflag:s10] =	ssyncset.done $0x0  }
0x170: {  	s25 =	rddreg [dreg:$0xa];
	[sflag:s10] =	ssyncadd.s32 $0xFFFF8300  }
0x171: {  	[spmem:s5] =	stream.indirect.scatter.add.f32 [tilespmem:s13], [sflag:$0x2], $0x40, s25, s12, $0xb8;
	[tilespmem:$0xBCC0] =	vst v63  }
0x172: {  	_ =	swait.ge [sflag:s10], $0x2000  }
0x173: {  	[sflag:s10] =	ssyncset.done $0x0  }
0x174: {  	s26 =	rddreg [dreg:$0xb];
	[sflag:s10] =	ssyncadd.s32 $0xFFFFE000  }
0x175: {  	[spmem:s5] =	stream.indirect.scatter.add.f32 [tilespmem:s14], [sflag:$0x2], $0x40, s26, s12, $0xb8;
	[tilespmem:$0xBCC0] =	vst v63  }
0x176: {  	_ =	swait.ge [sflag:s10], $0x2000  }
0x177: {  	[sflag:s10] =	ssyncset.done $0x0  }
0x178: {  	s28 =	rddreg [dreg:$0xc];
	[sflag:s10] =	ssyncadd.s32 $0xFFFFE000  }
0x179: {  	[spmem:s5] =	stream.indirect.scatter.add.f32 [tilespmem:s15], [sflag:$0x2], $0x40, s28, s12, $0xb8;
	[tilespmem:$0xBCC0] =	vst v63  }
0x17a: {  	_ =	swait.ge [sflag:s10], $0x2000  }
0x17b: {  	[sflag:s10] =	ssyncset.done $0x0  }
0x17c: {  	s29 =	rddreg [dreg:$0xd];
	[sflag:s10] =	ssyncadd.s32 $0xFFFFE000  }
0x17d: {  	[spmem:s5] =	stream.indirect.scatter.add.f32 [tilespmem:s16], [sflag:$0x2], $0x40, s29, s12, $0xb8;
	[tilespmem:$0xBCC0] =	vst v63  }
0x17e: {  	_ =	swait.ge [sflag:s10], $0x2000  }
0x17f: {  	[sflag:s10] =	ssyncset.done $0x0  }
0x180: {  	s30 =	rddreg [dreg:$0xe];
	[sflag:s10] =	ssyncadd.s32 $0xFFFFE000  }
0x181: {  	[tilespmem:s30], [sflag:$0x2] =	stream.linear.gather [spmem:s5], $0xCC0, $0x38;
	[tilespmem:$0xBCC0] =	vst v63  }
0x182: {  	_ =	swait.ge [sflag:s10], $0xCC0  }
0x183: {  	[sflag:s10] =	ssyncset.done $0x0  }
0x184: {  	[sflag:s10] =	ssyncadd.s32 $0xFFFFF340  }
0x185: {  	[spmem:s5] =	stream.linear.scatter [tilespmem:s11], [sflag:$0x2], $0xCC0, $0x38;
	[tilespmem:$0xBCC0] =	vst v63  }
0x186: {  	_ =	swait.ge [sflag:s10], $0xCC0  }
0x187: {  	[sflag:s10] =	ssyncset.done $0x0  }
0x188: {  	[sflag:s10] =	ssyncadd.s32 $0xFFFFF340  }
0x189: {  	v1 =	vld.msk [tilespmem:s18+$0x0], $0xffff;
	_ =	sdelay $0x4  }
0x18a: {  	v1 =	vmax.f32 v1, $1.000000000e+00  }
0x18b: {  	(erf) = vrcp.f32 v1;
	_ =	sdelay $0x2  }
0x18c: {  	v1 =	vld [tilespmem:$0x96C0]  }
0x18d: {  	v2 =	vld [tilespmem:$0x96D0]  }
0x18e: {  	v3 =	vld [tilespmem:$0x96E0]  }
0x18f: {  	v13 =	vld [tilespmem:$0x96F0];
	_ =	sdelay $0x1  }
0x190: {  	v1 =	vadd.f32 $0.0e+00, v1  }
0x191: {  	v2 =	vadd.f32 $0.0e+00, v2;
	v14 =	vpop (erf)  }
0x192: {  	v3 =	vadd.f32 $0.0e+00, v3;
	v15 =	vmul.f32 v14, v1  }
0x193: {  	v10 =	vimm.s32 $0xA;
	v4 =	vadd.f32 $0.0e+00, v13;
	v50 =	vmul.f32 v2, v14  }
0x194: {  	v51 =	vmul.f32 v3, v14;
	[tilespmem:$0xB040] =	vst v15  }
0x195: {  	v5 =	vmul.f32 v4, v14;
	[tilespmem:$0xB050] =	vst v50  }
0x196: {  	[tilespmem:$0xB060] =	vst v51  }
0x197: {  	[tilespmem:$0xB070] =	vst v5  }
0x198: {  	v5 =	vld.idx.msk [tilespmem:v10+s18+$0x0], $0xffff;
	_ =	sdelay $0x4  }
0x199: {  	v5 =	vmax.f32 v5, $1.000000000e+00  }
0x19a: {  	(erf) = vrcp.f32 v5;
	_ =	sdelay $0x2  }
0x19b: {  	v53 =	vld [tilespmem:$0x9700]  }
0x19c: {  	v54 =	vld [tilespmem:$0x9710]  }
0x19d: {  	v55 =	vld [tilespmem:$0x9720]  }
0x19e: {  	v56 =	vld [tilespmem:$0x9730];
	_ =	sdelay $0x1  }
0x19f: {  	v1 =	vadd.f32 v53, v1  }
0x1a0: {  	v2 =	vadd.f32 v54, v2;
	v57 =	vpop (erf)  }
0x1a1: {  	v3 =	vadd.f32 v55, v3;
	v58 =	vmul.f32 v57, v1  }
0x1a2: {  	v52 =	vimm.s32 $0x14;
	v4 =	vadd.f32 v56, v4;
	v59 =	vmul.f32 v2, v57  }
0x1a3: {  	v60 =	vmul.f32 v3, v57;
	[tilespmem:$0xB080] =	vst v58  }
0x1a4: {  	v5 =	vmul.f32 v4, v57;
	[tilespmem:$0xB090] =	vst v59  }
0x1a5: {  	[tilespmem:$0xB0A0] =	vst v60  }
0x1a6: {  	[tilespmem:$0xB0B0] =	vst v5  }
0x1a7: {  	v5 =	vld.idx.msk [tilespmem:v52+s18+$0x0], $0xffff;
	_ =	sdelay $0x4  }
0x1a8: {  	v5 =	vmax.f32 v5, $1.000000000e+00  }
0x1a9: {  	(erf) = vrcp.f32 v5;
	_ =	sdelay $0x2  }
0x1aa: {  	v62 =	vld [tilespmem:$0x9740]  }
0x1ab: {  	v63 =	vld [tilespmem:$0x9750]  }
0x1ac: {  	v12 =	vld [tilespmem:$0x9760]  }
0x1ad: {  	v13 =	vld [tilespmem:$0x9770];
	_ =	sdelay $0x1  }
0x1ae: {  	v1 =	vadd.f32 v62, v1  }
0x1af: {  	v2 =	vadd.f32 v63, v2;
	v14 =	vpop (erf)  }
0x1b0: {  	v3 =	vadd.f32 v12, v3;
	v15 =	vmul.f32 v14, v1  }
0x1b1: {  	v61 =	vimm.s32 $0x1E;
	v4 =	vadd.f32 v13, v4;
	v50 =	vmul.f32 v2, v14  }
0x1b2: {  	v51 =	vmul.f32 v3, v14;
	[tilespmem:$0xB0C0] =	vst v15  }
0x1b3: {  	v5 =	vmul.f32 v4, v14;
	[tilespmem:$0xB0D0] =	vst v50  }
0x1b4: {  	[tilespmem:$0xB0E0] =	vst v51  }
0x1b5: {  	[tilespmem:$0xB0F0] =	vst v5  }
0x1b6: {  	v5 =	vld.idx.msk [tilespmem:v61+s18+$0x0], $0xffff;
	_ =	sdelay $0x4  }
0x1b7: {  	v5 =	vmax.f32 v5, $1.000000000e+00  }
0x1b8: {  	(erf) = vrcp.f32 v5;
	_ =	sdelay $0x2  }
0x1b9: {  	v53 =	vld [tilespmem:$0x9780]  }
0x1ba: {  	v54 =	vld [tilespmem:$0x9790]  }
0x1bb: {  	v55 =	vld [tilespmem:$0x97A0]  }
0x1bc: {  	v56 =	vld [tilespmem:$0x97B0];
	_ =	sdelay $0x1  }
0x1bd: {  	v1 =	vadd.f32 v53, v1  }
0x1be: {  	v2 =	vadd.f32 v54, v2;
	v57 =	vpop (erf)  }
0x1bf: {  	v3 =	vadd.f32 v55, v3;
	v58 =	vmul.f32 v57, v1  }
0x1c0: {  	v52 =	vimm.s32 $0x28;
	v4 =	vadd.f32 v56, v4;
	v59 =	vmul.f32 v2, v57  }
0x1c1: {  	v60 =	vmul.f32 v3, v57;
	[tilespmem:$0xB100] =	vst v58  }
0x1c2: {  	v5 =	vmul.f32 v4, v57;
	[tilespmem:$0xB110] =	vst v59  }
0x1c3: {  	[tilespmem:$0xB120] =	vst v60  }
0x1c4: {  	[tilespmem:$0xB130] =	vst v5  }
0x1c5: {  	v5 =	vld.idx.msk [tilespmem:v52+s18+$0x0], $0xffff;
	_ =	sdelay $0x4  }
0x1c6: {  	v5 =	vmax.f32 v5, $1.000000000e+00  }
0x1c7: {  	(erf) = vrcp.f32 v5;
	_ =	sdelay $0x2  }
0x1c8: {  	v61 =	vld [tilespmem:$0x97C0]  }
0x1c9: {  	v62 =	vld [tilespmem:$0x97D0]  }
0x1ca: {  	v63 =	vld [tilespmem:$0x97E0]  }
0x1cb: {  	v12 =	vld [tilespmem:$0x97F0];
	_ =	sdelay $0x1  }
0x1cc: {  	v1 =	vadd.f32 v61, v1  }
0x1cd: {  	v2 =	vadd.f32 v62, v2;
	v13 =	vpop (erf)  }
0x1ce: {  	v3 =	vadd.f32 v63, v3;
	v14 =	vmul.f32 v13, v1  }
0x1cf: {  	v9 =	vimm.s32 $0x32;
	v4 =	vadd.f32 v12, v4;
	v15 =	vmul.f32 v2, v13  }
0x1d0: {  	v50 =	vmul.f32 v3, v13;
	[tilespmem:$0xB140] =	vst v14  }
0x1d1: {  	v5 =	vmul.f32 v4, v13;
	[tilespmem:$0xB150] =	vst v15  }
0x1d2: {  	[tilespmem:$0xB160] =	vst v50  }
0x1d3: {  	[tilespmem:$0xB170] =	vst v5  }
0x1d4: {  	v5 =	vld.idx.msk [tilespmem:v9+s18+$0x0], $0xffff;
	_ =	sdelay $0x4  }
0x1d5: {  	v5 =	vmax.f32 v5, $1.000000000e+00  }
0x1d6: {  	(erf) = vrcp.f32 v5;
	_ =	sdelay $0x2  }
0x1d7: {  	v52 =	vld [tilespmem:$0x9800]  }
0x1d8: {  	v53 =	vld [tilespmem:$0x9810]  }
0x1d9: {  	v54 =	vld [tilespmem:$0x9820]  }
0x1da: {  	v55 =	vld [tilespmem:$0x9830];
	_ =	sdelay $0x1  }
0x1db: {  	v1 =	vadd.f32 v52, v1  }
0x1dc: {  	v2 =	vadd.f32 v53, v2;
	v56 =	vpop (erf)  }
0x1dd: {  	v3 =	vadd.f32 v54, v3;
	v57 =	vmul.f32 v56, v1  }
0x1de: {  	v51 =	vimm.s32 $0x3C;
	v4 =	vadd.f32 v55, v4;
	v58 =	vmul.f32 v2, v56  }
0x1df: {  	v59 =	vmul.f32 v3, v56;
	[tilespmem:$0xB180] =	vst v57  }
0x1e0: {  	v5 =	vmul.f32 v4, v56;
	[tilespmem:$0xB190] =	vst v58  }
0x1e1: {  	[tilespmem:$0xB1A0] =	vst v59  }
0x1e2: {  	[tilespmem:$0xB1B0] =	vst v5  }
0x1e3: {  	v5 =	vld.idx.msk [tilespmem:v51+s18+$0x0], $0xffff;
	_ =	sdelay $0x4  }
0x1e4: {  	v5 =	vmax.f32 v5, $1.000000000e+00  }
0x1e5: {  	(erf) = vrcp.f32 v5;
	_ =	sdelay $0x2  }
0x1e6: {  	v61 =	vld [tilespmem:$0x9840]  }
0x1e7: {  	v62 =	vld [tilespmem:$0x9850]  }
0x1e8: {  	v63 =	vld [tilespmem:$0x9860]  }
0x1e9: {  	v12 =	vld [tilespmem:$0x9870];
	_ =	sdelay $0x1  }
0x1ea: {  	v1 =	vadd.f32 v61, v1  }
0x1eb: {  	v2 =	vadd.f32 v62, v2;
	v13 =	vpop (erf)  }
0x1ec: {  	v3 =	vadd.f32 v63, v3;
	v14 =	vmul.f32 v13, v1  }
0x1ed: {  	v60 =	vimm.s32 $0x46;
	v4 =	vadd.f32 v12, v4;
	v15 =	vmul.f32 v2, v13  }
0x1ee: {  	v50 =	vmul.f32 v3, v13;
	[tilespmem:$0xB1C0] =	vst v14  }
0x1ef: {  	v5 =	vmul.f32 v4, v13;
	[tilespmem:$0xB1D0] =	vst v15  }
0x1f0: {  	[tilespmem:$0xB1E0] =	vst v50  }
0x1f1: {  	[tilespmem:$0xB1F0] =	vst v5  }
0x1f2: {  	v5 =	vld.idx.msk [tilespmem:v60+s18+$0x0], $0xffff;
	_ =	sdelay $0x4  }
0x1f3: {  	v5 =	vmax.f32 v5, $1.000000000e+00  }
0x1f4: {  	(erf) = vrcp.f32 v5;
	_ =	sdelay $0x2  }
0x1f5: {  	v52 =	vld [tilespmem:$0x9880]  }
0x1f6: {  	v53 =	vld [tilespmem:$0x9890]  }
0x1f7: {  	v54 =	vld [tilespmem:$0x98A0]  }
0x1f8: {  	v55 =	vld [tilespmem:$0x98B0];
	_ =	sdelay $0x1  }
0x1f9: {  	v1 =	vadd.f32 v52, v1  }
0x1fa: {  	v2 =	vadd.f32 v53, v2;
	v56 =	vpop (erf)  }
0x1fb: {  	v3 =	vadd.f32 v54, v3;
	v57 =	vmul.f32 v56, v1  }
0x1fc: {  	v51 =	vimm.s32 $0x50;
	v4 =	vadd.f32 v55, v4;
	v58 =	vmul.f32 v2, v56  }
0x1fd: {  	v59 =	vmul.f32 v3, v56;
	[tilespmem:$0xB200] =	vst v57  }
0x1fe: {  	v5 =	vmul.f32 v4, v56;
	[tilespmem:$0xB210] =	vst v58  }
0x1ff: {  	[tilespmem:$0xB220] =	vst v59  }
0x200: {  	[tilespmem:$0xB230] =	vst v5  }
0x201: {  	v5 =	vld.idx.msk [tilespmem:v51+s18+$0x0], $0xffff;
	_ =	sdelay $0x4  }
0x202: {  	v5 =	vmax.f32 v5, $1.000000000e+00  }
0x203: {  	(erf) = vrcp.f32 v5;
	_ =	sdelay $0x2  }
0x204: {  	v61 =	vld [tilespmem:$0x98C0]  }
0x205: {  	v62 =	vld [tilespmem:$0x98D0]  }
0x206: {  	v63 =	vld [tilespmem:$0x98E0]  }
0x207: {  	v12 =	vld [tilespmem:$0x98F0];
	_ =	sdelay $0x1  }
0x208: {  	v1 =	vadd.f32 v61, v1  }
0x209: {  	v2 =	vadd.f32 v62, v2;
	v13 =	vpop (erf)  }
0x20a: {  	v3 =	vadd.f32 v63, v3;
	v14 =	vmul.f32 v13, v1  }
0x20b: {  	v60 =	vimm.s32 $0x5A;
	v4 =	vadd.f32 v12, v4;
	v15 =	vmul.f32 v2, v13  }
0x20c: {  	v50 =	vmul.f32 v3, v13;
	[tilespmem:$0xB240] =	vst v14  }
0x20d: {  	v5 =	vmul.f32 v4, v13;
	[tilespmem:$0xB250] =	vst v15  }
0x20e: {  	[tilespmem:$0xB260] =	vst v50  }
0x20f: {  	[tilespmem:$0xB270] =	vst v5  }
0x210: {  	v5 =	vld.idx.msk [tilespmem:v60+s18+$0x0], $0xffff;
	_ =	sdelay $0x4  }
0x211: {  	v5 =	vmax.f32 v5, $1.000000000e+00  }
0x212: {  	(erf) = vrcp.f32 v5;
	_ =	sdelay $0x2  }
0x213: {  	v52 =	vld [tilespmem:$0x9900]  }
0x214: {  	v53 =	vld [tilespmem:$0x9910]  }
0x215: {  	v54 =	vld [tilespmem:$0x9920]  }
0x216: {  	v55 =	vld [tilespmem:$0x9930];
	_ =	sdelay $0x1  }
0x217: {  	v1 =	vadd.f32 v52, v1  }
0x218: {  	v2 =	vadd.f32 v53, v2;
	v56 =	vpop (erf)  }
0x219: {  	v3 =	vadd.f32 v54, v3;
	v57 =	vmul.f32 v56, v1  }
0x21a: {  	v51 =	vimm.s32 $0x64;
	v4 =	vadd.f32 v55, v4;
	v58 =	vmul.f32 v2, v56  }
0x21b: {  	v59 =	vmul.f32 v3, v56;
	[tilespmem:$0xB280] =	vst v57  }
0x21c: {  	v5 =	vmul.f32 v4, v56;
	[tilespmem:$0xB290] =	vst v58  }
0x21d: {  	[tilespmem:$0xB2A0] =	vst v59  }
0x21e: {  	[tilespmem:$0xB2B0] =	vst v5  }
0x21f: {  	v5 =	vld.idx.msk [tilespmem:v51+s18+$0x0], $0xffff;
	_ =	sdelay $0x4  }
0x220: {  	v5 =	vmax.f32 v5, $1.000000000e+00  }
0x221: {  	(erf) = vrcp.f32 v5;
	_ =	sdelay $0x2  }
0x222: {  	v61 =	vld [tilespmem:$0x9940]  }
0x223: {  	v62 =	vld [tilespmem:$0x9950]  }
0x224: {  	v63 =	vld [tilespmem:$0x9960]  }
0x225: {  	v12 =	vld [tilespmem:$0x9970];
	_ =	sdelay $0x1  }
0x226: {  	v1 =	vadd.f32 v61, v1  }
0x227: {  	v2 =	vadd.f32 v62, v2;
	v13 =	vpop (erf)  }
0x228: {  	v3 =	vadd.f32 v63, v3;
	v14 =	vmul.f32 v13, v1  }
0x229: {  	v60 =	vimm.s32 $0x6E;
	v4 =	vadd.f32 v12, v4;
	v15 =	vmul.f32 v2, v13  }
0x22a: {  	v50 =	vmul.f32 v3, v13;
	[tilespmem:$0xB2C0] =	vst v14  }
0x22b: {  	v5 =	vmul.f32 v4, v13;
	[tilespmem:$0xB2D0] =	vst v15  }
0x22c: {  	[tilespmem:$0xB2E0] =	vst v50  }
0x22d: {  	[tilespmem:$0xB2F0] =	vst v5  }
0x22e: {  	v5 =	vld.idx.msk [tilespmem:v60+s18+$0x0], $0xffff;
	_ =	sdelay $0x4  }
0x22f: {  	v5 =	vmax.f32 v5, $1.000000000e+00  }
0x230: {  	(erf) = vrcp.f32 v5;
	_ =	sdelay $0x2  }
0x231: {  	v52 =	vld [tilespmem:$0x9980]  }
0x232: {  	v53 =	vld [tilespmem:$0x9990]  }
0x233: {  	v54 =	vld [tilespmem:$0x99A0]  }
0x234: {  	v55 =	vld [tilespmem:$0x99B0];
	_ =	sdelay $0x1  }
0x235: {  	v1 =	vadd.f32 v52, v1  }
0x236: {  	v2 =	vadd.f32 v53, v2;
	v56 =	vpop (erf)  }
0x237: {  	v3 =	vadd.f32 v54, v3;
	v57 =	vmul.f32 v56, v1  }
0x238: {  	v51 =	vimm.s32 $0x78;
	v4 =	vadd.f32 v55, v4;
	v58 =	vmul.f32 v2, v56  }
0x239: {  	v59 =	vmul.f32 v3, v56;
	[tilespmem:$0xB300] =	vst v57  }
0x23a: {  	v5 =	vmul.f32 v4, v56;
	[tilespmem:$0xB310] =	vst v58  }
0x23b: {  	[tilespmem:$0xB320] =	vst v59  }
0x23c: {  	[tilespmem:$0xB330] =	vst v5  }
0x23d: {  	v5 =	vld.idx.msk [tilespmem:v51+s18+$0x0], $0xffff;
	_ =	sdelay $0x4  }
0x23e: {  	v5 =	vmax.f32 v5, $1.000000000e+00  }
0x23f: {  	(erf) = vrcp.f32 v5;
	_ =	sdelay $0x2  }
0x240: {  	v61 =	vld [tilespmem:$0x99C0]  }
0x241: {  	v62 =	vld [tilespmem:$0x99D0]  }
0x242: {  	v63 =	vld [tilespmem:$0x99E0]  }
0x243: {  	v12 =	vld [tilespmem:$0x99F0];
	_ =	sdelay $0x1  }
0x244: {  	v1 =	vadd.f32 v61, v1  }
0x245: {  	v2 =	vadd.f32 v62, v2;
	v13 =	vpop (erf)  }
0x246: {  	v3 =	vadd.f32 v63, v3;
	v14 =	vmul.f32 v13, v1  }
0x247: {  	v60 =	vimm.s32 $0x82;
	v4 =	vadd.f32 v12, v4;
	v15 =	vmul.f32 v2, v13  }
0x248: {  	v50 =	vmul.f32 v3, v13;
	[tilespmem:$0xB340] =	vst v14  }
0x249: {  	v5 =	vmul.f32 v4, v13;
	[tilespmem:$0xB350] =	vst v15  }
0x24a: {  	[tilespmem:$0xB360] =	vst v50  }
0x24b: {  	[tilespmem:$0xB370] =	vst v5  }
0x24c: {  	v5 =	vld.idx.msk [tilespmem:v60+s18+$0x0], $0xffff;
	_ =	sdelay $0x4  }
0x24d: {  	v5 =	vmax.f32 v5, $1.000000000e+00  }
0x24e: {  	(erf) = vrcp.f32 v5;
	_ =	sdelay $0x2  }
0x24f: {  	v52 =	vld [tilespmem:$0x9A00]  }
0x250: {  	v53 =	vld [tilespmem:$0x9A10]  }
0x251: {  	v54 =	vld [tilespmem:$0x9A20]  }
0x252: {  	v55 =	vld [tilespmem:$0x9A30];
	_ =	sdelay $0x1  }
0x253: {  	v1 =	vadd.f32 v52, v1  }
0x254: {  	v2 =	vadd.f32 v53, v2;
	v56 =	vpop (erf)  }
0x255: {  	v3 =	vadd.f32 v54, v3;
	v57 =	vmul.f32 v56, v1  }
0x256: {  	v51 =	vimm.s32 $0x8C;
	v4 =	vadd.f32 v55, v4;
	v58 =	vmul.f32 v2, v56  }
0x257: {  	v59 =	vmul.f32 v3, v56;
	[tilespmem:$0xB380] =	vst v57  }
0x258: {  	v5 =	vmul.f32 v4, v56;
	[tilespmem:$0xB390] =	vst v58  }
0x259: {  	[tilespmem:$0xB3A0] =	vst v59  }
0x25a: {  	[tilespmem:$0xB3B0] =	vst v5  }
0x25b: {  	v5 =	vld.idx.msk [tilespmem:v51+s18+$0x0], $0xffff;
	_ =	sdelay $0x4  }
0x25c: {  	v5 =	vmax.f32 v5, $1.000000000e+00  }
0x25d: {  	(erf) = vrcp.f32 v5;
	_ =	sdelay $0x2  }
0x25e: {  	v61 =	vld [tilespmem:$0x9A40]  }
0x25f: {  	v62 =	vld [tilespmem:$0x9A50]  }
0x260: {  	v63 =	vld [tilespmem:$0x9A60]  }
0x261: {  	v12 =	vld [tilespmem:$0x9A70];
	_ =	sdelay $0x1  }
0x262: {  	v1 =	vadd.f32 v61, v1  }
0x263: {  	v2 =	vadd.f32 v62, v2;
	v13 =	vpop (erf)  }
0x264: {  	v3 =	vadd.f32 v63, v3;
	v14 =	vmul.f32 v13, v1  }
0x265: {  	v60 =	vimm.s32 $0x96;
	v4 =	vadd.f32 v12, v4;
	v15 =	vmul.f32 v2, v13  }
0x266: {  	v50 =	vmul.f32 v3, v13;
	[tilespmem:$0xB3C0] =	vst v14  }
0x267: {  	v5 =	vmul.f32 v4, v13;
	[tilespmem:$0xB3D0] =	vst v15  }
0x268: {  	[tilespmem:$0xB3E0] =	vst v50  }
0x269: {  	[tilespmem:$0xB3F0] =	vst v5  }
0x26a: {  	v5 =	vld.idx.msk [tilespmem:v60+s18+$0x0], $0xffff;
	_ =	sdelay $0x4  }
0x26b: {  	v5 =	vmax.f32 v5, $1.000000000e+00  }
0x26c: {  	(erf) = vrcp.f32 v5;
	_ =	sdelay $0x2  }
0x26d: {  	v52 =	vld [tilespmem:$0x9A80]  }
0x26e: {  	v53 =	vld [tilespmem:$0x9A90]  }
0x26f: {  	v54 =	vld [tilespmem:$0x9AA0]  }
0x270: {  	v55 =	vld [tilespmem:$0x9AB0];
	_ =	sdelay $0x1  }
0x271: {  	v1 =	vadd.f32 v52, v1  }
0x272: {  	v2 =	vadd.f32 v53, v2;
	v56 =	vpop (erf)  }
0x273: {  	v3 =	vadd.f32 v54, v3;
	v57 =	vmul.f32 v56, v1  }
0x274: {  	v51 =	vimm.s32 $0xA0;
	v4 =	vadd.f32 v55, v4;
	v58 =	vmul.f32 v2, v56  }
0x275: {  	v59 =	vmul.f32 v3, v56;
	[tilespmem:$0xB400] =	vst v57  }
0x276: {  	v5 =	vmul.f32 v4, v56;
	[tilespmem:$0xB410] =	vst v58  }
0x277: {  	[tilespmem:$0xB420] =	vst v59  }
0x278: {  	[tilespmem:$0xB430] =	vst v5  }
0x279: {  	v5 =	vld.idx.msk [tilespmem:v51+s18+$0x0], $0xffff;
	_ =	sdelay $0x4  }
0x27a: {  	v5 =	vmax.f32 v5, $1.000000000e+00  }
0x27b: {  	(erf) = vrcp.f32 v5;
	_ =	sdelay $0x2  }
0x27c: {  	v61 =	vld [tilespmem:$0x9AC0]  }
0x27d: {  	v62 =	vld [tilespmem:$0x9AD0]  }
0x27e: {  	v63 =	vld [tilespmem:$0x9AE0]  }
0x27f: {  	v12 =	vld [tilespmem:$0x9AF0];
	_ =	sdelay $0x1  }
0x280: {  	v1 =	vadd.f32 v61, v1  }
0x281: {  	v2 =	vadd.f32 v62, v2;
	v13 =	vpop (erf)  }
0x282: {  	v3 =	vadd.f32 v63, v3;
	v14 =	vmul.f32 v13, v1  }
0x283: {  	v60 =	vimm.s32 $0xAA;
	v4 =	vadd.f32 v12, v4;
	v15 =	vmul.f32 v2, v13  }
0x284: {  	v50 =	vmul.f32 v3, v13;
	[tilespmem:$0xB440] =	vst v14  }
0x285: {  	v5 =	vmul.f32 v4, v13;
	[tilespmem:$0xB450] =	vst v15  }
0x286: {  	[tilespmem:$0xB460] =	vst v50  }
0x287: {  	[tilespmem:$0xB470] =	vst v5  }
0x288: {  	v5 =	vld.idx.msk [tilespmem:v60+s18+$0x0], $0xffff;
	_ =	sdelay $0x4  }
0x289: {  	v5 =	vmax.f32 v5, $1.000000000e+00  }
0x28a: {  	(erf) = vrcp.f32 v5;
	_ =	sdelay $0x2  }
0x28b: {  	v52 =	vld [tilespmem:$0x9B00]  }
0x28c: {  	v53 =	vld [tilespmem:$0x9B10]  }
0x28d: {  	v54 =	vld [tilespmem:$0x9B20]  }
0x28e: {  	v55 =	vld [tilespmem:$0x9B30];
	_ =	sdelay $0x1  }
0x28f: {  	v1 =	vadd.f32 v52, v1  }
0x290: {  	v2 =	vadd.f32 v53, v2;
	v56 =	vpop (erf)  }
0x291: {  	v3 =	vadd.f32 v54, v3;
	v57 =	vmul.f32 v56, v1  }
0x292: {  	v51 =	vimm.s32 $0xB4;
	v4 =	vadd.f32 v55, v4;
	v58 =	vmul.f32 v2, v56  }
0x293: {  	v59 =	vmul.f32 v3, v56;
	[tilespmem:$0xB480] =	vst v57  }
0x294: {  	v5 =	vmul.f32 v4, v56;
	[tilespmem:$0xB490] =	vst v58  }
0x295: {  	[tilespmem:$0xB4A0] =	vst v59  }
0x296: {  	[tilespmem:$0xB4B0] =	vst v5  }
0x297: {  	v5 =	vld.idx.msk [tilespmem:v51+s18+$0x0], $0xffff;
	_ =	sdelay $0x4  }
0x298: {  	v5 =	vmax.f32 v5, $1.000000000e+00  }
0x299: {  	(erf) = vrcp.f32 v5;
	_ =	sdelay $0x2  }
0x29a: {  	v60 =	vld [tilespmem:$0x9B40]  }
0x29b: {  	v61 =	vld [tilespmem:$0x9B50]  }
0x29c: {  	v62 =	vld [tilespmem:$0x9B60]  }
0x29d: {  	v63 =	vld [tilespmem:$0x9B70];
	_ =	sdelay $0x1  }
0x29e: {  	v1 =	vadd.f32 v60, v1  }
0x29f: {  	v2 =	vadd.f32 v61, v2;
	v9 =	vpop (erf)  }
0x2a0: {  	v3 =	vadd.f32 v62, v3;
	v10 =	vmul.f32 v9, v1  }
0x2a1: {  	v4 =	vadd.f32 v63, v4;
	v11 =	vmul.f32 v2, v9  }
0x2a2: {  	v12 =	vmul.f32 v3, v9;
	[tilespmem:$0xB4C0] =	vst v10  }
0x2a3: {  	v5 =	vmul.f32 v4, v9;
	[tilespmem:$0xB4D0] =	vst v11  }
0x2a4: {  	[tilespmem:$0xB4E0] =	vst v12  }
0x2a5: {  	[tilespmem:$0xB4F0] =	vst v5  }
0x2a6: {  	v5 =	vld.idx.msk [tilespmem:v19+s18+$0x0], $0xffff;
	_ =	sdelay $0x4  }
0x2a7: {  	v5 =	vmax.f32 v5, $1.000000000e+00  }
0x2a8: {  	(erf) = vrcp.f32 v5;
	_ =	sdelay $0x2  }
0x2a9: {  	v13 =	vld [tilespmem:$0x9B80]  }
0x2aa: {  	v14 =	vld [tilespmem:$0x9B90]  }
0x2ab: {  	v15 =	vld [tilespmem:$0x9BA0]  }
0x2ac: {  	v50 =	vld [tilespmem:$0x9BB0];
	_ =	sdelay $0x1  }
0x2ad: {  	v1 =	vadd.f32 v13, v1  }
0x2ae: {  	v2 =	vadd.f32 v14, v2;
	v51 =	vpop (erf)  }
0x2af: {  	v3 =	vadd.f32 v15, v3;
	v52 =	vmul.f32 v51, v1  }
0x2b0: {  	v4 =	vadd.f32 v50, v4;
	v53 =	vmul.f32 v2, v51  }
0x2b1: {  	v54 =	vmul.f32 v3, v51;
	[tilespmem:$0xB500] =	vst v52  }
0x2b2: {  	v5 =	vmul.f32 v4, v51;
	[tilespmem:$0xB510] =	vst v53  }
0x2b3: {  	[tilespmem:$0xB520] =	vst v54  }
0x2b4: {  	[tilespmem:$0xB530] =	vst v5  }
0x2b5: {  	v5 =	vld.idx.msk [tilespmem:v20+s18+$0x0], $0xffff;
	_ =	sdelay $0x4  }
0x2b6: {  	v5 =	vmax.f32 v5, $1.000000000e+00  }
0x2b7: {  	(erf) = vrcp.f32 v5;
	_ =	sdelay $0x2  }
0x2b8: {  	v55 =	vld [tilespmem:$0x9BC0]  }
0x2b9: {  	v56 =	vld [tilespmem:$0x9BD0]  }
0x2ba: {  	v57 =	vld [tilespmem:$0x9BE0]  }
0x2bb: {  	v58 =	vld [tilespmem:$0x9BF0];
	_ =	sdelay $0x1  }
0x2bc: {  	v1 =	vadd.f32 v55, v1  }
0x2bd: {  	v2 =	vadd.f32 v56, v2;
	v59 =	vpop (erf)  }
0x2be: {  	v3 =	vadd.f32 v57, v3;
	v60 =	vmul.f32 v59, v1  }
0x2bf: {  	v4 =	vadd.f32 v58, v4;
	v61 =	vmul.f32 v2, v59  }
0x2c0: {  	v62 =	vmul.f32 v3, v59;
	[tilespmem:$0xB540] =	vst v60  }
0x2c1: {  	v5 =	vmul.f32 v4, v59;
	[tilespmem:$0xB550] =	vst v61  }
0x2c2: {  	[tilespmem:$0xB560] =	vst v62  }
0x2c3: {  	[tilespmem:$0xB570] =	vst v5  }
0x2c4: {  	v5 =	vld.idx.msk [tilespmem:v21+s18+$0x0], $0xffff;
	_ =	sdelay $0x4  }
0x2c5: {  	v5 =	vmax.f32 v5, $1.000000000e+00  }
0x2c6: {  	(erf) = vrcp.f32 v5;
	_ =	sdelay $0x2  }
0x2c7: {  	v63 =	vld [tilespmem:$0x9C00]  }
0x2c8: {  	v12 =	vld [tilespmem:$0x9C10]  }
0x2c9: {  	v13 =	vld [tilespmem:$0x9C20]  }
0x2ca: {  	v14 =	vld [tilespmem:$0x9C30];
	_ =	sdelay $0x1  }
0x2cb: {  	v1 =	vadd.f32 v63, v1  }
0x2cc: {  	v2 =	vadd.f32 v12, v2;
	v15 =	vpop (erf)  }
0x2cd: {  	v3 =	vadd.f32 v13, v3;
	v50 =	vmul.f32 v15, v1  }
0x2ce: {  	v4 =	vadd.f32 v14, v4;
	v51 =	vmul.f32 v2, v15  }
0x2cf: {  	v52 =	vmul.f32 v3, v15;
	[tilespmem:$0xB580] =	vst v50  }
0x2d0: {  	v5 =	vmul.f32 v4, v15;
	[tilespmem:$0xB590] =	vst v51  }
0x2d1: {  	[tilespmem:$0xB5A0] =	vst v52  }
0x2d2: {  	[tilespmem:$0xB5B0] =	vst v5  }
0x2d3: {  	v5 =	vld.idx.msk [tilespmem:v22+s18+$0x0], $0xffff;
	_ =	sdelay $0x4  }
0x2d4: {  	v5 =	vmax.f32 v5, $1.000000000e+00  }
0x2d5: {  	(erf) = vrcp.f32 v5;
	_ =	sdelay $0x2  }
0x2d6: {  	v53 =	vld [tilespmem:$0x9C40]  }
0x2d7: {  	v54 =	vld [tilespmem:$0x9C50]  }
0x2d8: {  	v55 =	vld [tilespmem:$0x9C60]  }
0x2d9: {  	v56 =	vld [tilespmem:$0x9C70];
	_ =	sdelay $0x1  }
0x2da: {  	v1 =	vadd.f32 v53, v1  }
0x2db: {  	v2 =	vadd.f32 v54, v2;
	v57 =	vpop (erf)  }
0x2dc: {  	v3 =	vadd.f32 v55, v3;
	v58 =	vmul.f32 v57, v1  }
0x2dd: {  	v4 =	vadd.f32 v56, v4;
	v59 =	vmul.f32 v2, v57  }
0x2de: {  	v60 =	vmul.f32 v3, v57;
	[tilespmem:$0xB5C0] =	vst v58  }
0x2df: {  	v5 =	vmul.f32 v4, v57;
	[tilespmem:$0xB5D0] =	vst v59  }
0x2e0: {  	[tilespmem:$0xB5E0] =	vst v60  }
0x2e1: {  	[tilespmem:$0xB5F0] =	vst v5  }
0x2e2: {  	v5 =	vld.idx.msk [tilespmem:v23+s18+$0x0], $0xffff;
	_ =	sdelay $0x4  }
0x2e3: {  	v5 =	vmax.f32 v5, $1.000000000e+00  }
0x2e4: {  	(erf) = vrcp.f32 v5;
	_ =	sdelay $0x2  }
0x2e5: {  	v61 =	vld [tilespmem:$0x9C80]  }
0x2e6: {  	v62 =	vld [tilespmem:$0x9C90]  }
0x2e7: {  	v63 =	vld [tilespmem:$0x9CA0]  }
0x2e8: {  	v12 =	vld [tilespmem:$0x9CB0];
	_ =	sdelay $0x1  }
0x2e9: {  	v1 =	vadd.f32 v61, v1  }
0x2ea: {  	v2 =	vadd.f32 v62, v2;
	v13 =	vpop (erf)  }
0x2eb: {  	v3 =	vadd.f32 v63, v3;
	v14 =	vmul.f32 v13, v1  }
0x2ec: {  	v4 =	vadd.f32 v12, v4;
	v15 =	vmul.f32 v2, v13  }
0x2ed: {  	v50 =	vmul.f32 v3, v13;
	[tilespmem:$0xB600] =	vst v14  }
0x2ee: {  	v5 =	vmul.f32 v4, v13;
	[tilespmem:$0xB610] =	vst v15  }
0x2ef: {  	[tilespmem:$0xB620] =	vst v50  }
0x2f0: {  	[tilespmem:$0xB630] =	vst v5  }
0x2f1: {  	v5 =	vld.idx.msk [tilespmem:v24+s18+$0x0], $0xffff;
	_ =	sdelay $0x4  }
0x2f2: {  	v5 =	vmax.f32 v5, $1.000000000e+00  }
0x2f3: {  	(erf) = vrcp.f32 v5;
	_ =	sdelay $0x2  }
0x2f4: {  	v51 =	vld [tilespmem:$0x9CC0]  }
0x2f5: {  	v52 =	vld [tilespmem:$0x9CD0]  }
0x2f6: {  	v53 =	vld [tilespmem:$0x9CE0]  }
0x2f7: {  	v54 =	vld [tilespmem:$0x9CF0];
	_ =	sdelay $0x1  }
0x2f8: {  	v1 =	vadd.f32 v51, v1  }
0x2f9: {  	v2 =	vadd.f32 v52, v2;
	v55 =	vpop (erf)  }
0x2fa: {  	v3 =	vadd.f32 v53, v3;
	v56 =	vmul.f32 v55, v1  }
0x2fb: {  	v4 =	vadd.f32 v54, v4;
	v57 =	vmul.f32 v2, v55  }
0x2fc: {  	v58 =	vmul.f32 v3, v55;
	[tilespmem:$0xB640] =	vst v56  }
0x2fd: {  	v5 =	vmul.f32 v4, v55;
	[tilespmem:$0xB650] =	vst v57  }
0x2fe: {  	[tilespmem:$0xB660] =	vst v58  }
0x2ff: {  	[tilespmem:$0xB670] =	vst v5  }
0x300: {  	v5 =	vld.idx.msk [tilespmem:v25+s18+$0x0], $0xffff;
	_ =	sdelay $0x4  }
0x301: {  	v5 =	vmax.f32 v5, $1.000000000e+00  }
0x302: {  	(erf) = vrcp.f32 v5;
	_ =	sdelay $0x2  }
0x303: {  	v59 =	vld [tilespmem:$0x9D00]  }
0x304: {  	v60 =	vld [tilespmem:$0x9D10]  }
0x305: {  	v61 =	vld [tilespmem:$0x9D20]  }
0x306: {  	v62 =	vld [tilespmem:$0x9D30];
	_ =	sdelay $0x1  }
0x307: {  	v1 =	vadd.f32 v59, v1  }
0x308: {  	v2 =	vadd.f32 v60, v2;
	v63 =	vpop (erf)  }
0x309: {  	v3 =	vadd.f32 v61, v3;
	v9 =	vmul.f32 v63, v1  }
0x30a: {  	v4 =	vadd.f32 v62, v4;
	v10 =	vmul.f32 v2, v63  }
0x30b: {  	v11 =	vmul.f32 v3, v63;
	[tilespmem:$0xB680] =	vst v9  }
0x30c: {  	v5 =	vmul.f32 v4, v63;
	[tilespmem:$0xB690] =	vst v10  }
0x30d: {  	[tilespmem:$0xB6A0] =	vst v11  }
0x30e: {  	[tilespmem:$0xB6B0] =	vst v5  }
0x30f: {  	v5 =	vld.idx.msk [tilespmem:v26+s18+$0x0], $0xffff;
	_ =	sdelay $0x4  }
0x310: {  	v5 =	vmax.f32 v5, $1.000000000e+00  }
0x311: {  	(erf) = vrcp.f32 v5;
	_ =	sdelay $0x2  }
0x312: {  	v12 =	vld [tilespmem:$0x9D40]  }
0x313: {  	v13 =	vld [tilespmem:$0x9D50]  }
0x314: {  	v14 =	vld [tilespmem:$0x9D60]  }
0x315: {  	v15 =	vld [tilespmem:$0x9D70];
	_ =	sdelay $0x1  }
0x316: {  	v1 =	vadd.f32 v12, v1  }
0x317: {  	v2 =	vadd.f32 v13, v2;
	v50 =	vpop (erf)  }
0x318: {  	v3 =	vadd.f32 v14, v3;
	v51 =	vmul.f32 v50, v1  }
0x319: {  	v4 =	vadd.f32 v15, v4;
	v52 =	vmul.f32 v2, v50  }
0x31a: {  	v53 =	vmul.f32 v3, v50;
	[tilespmem:$0xB6C0] =	vst v51  }
0x31b: {  	v5 =	vmul.f32 v4, v50;
	[tilespmem:$0xB6D0] =	vst v52  }
0x31c: {  	[tilespmem:$0xB6E0] =	vst v53  }
0x31d: {  	[tilespmem:$0xB6F0] =	vst v5  }
0x31e: {  	v5 =	vld.idx.msk [tilespmem:v27+s18+$0x0], $0xffff;
	_ =	sdelay $0x4  }
0x31f: {  	v5 =	vmax.f32 v5, $1.000000000e+00  }
0x320: {  	(erf) = vrcp.f32 v5;
	_ =	sdelay $0x2  }
0x321: {  	v54 =	vld [tilespmem:$0x9D80]  }
0x322: {  	v55 =	vld [tilespmem:$0x9D90]  }
0x323: {  	v56 =	vld [tilespmem:$0x9DA0]  }
0x324: {  	v57 =	vld [tilespmem:$0x9DB0];
	_ =	sdelay $0x1  }
0x325: {  	v1 =	vadd.f32 v54, v1  }
0x326: {  	v2 =	vadd.f32 v55, v2;
	v58 =	vpop (erf)  }
0x327: {  	v3 =	vadd.f32 v56, v3;
	v59 =	vmul.f32 v58, v1  }
0x328: {  	v4 =	vadd.f32 v57, v4;
	v60 =	vmul.f32 v2, v58  }
0x329: {  	v61 =	vmul.f32 v3, v58;
	[tilespmem:$0xB700] =	vst v59  }
0x32a: {  	v5 =	vmul.f32 v4, v58;
	[tilespmem:$0xB710] =	vst v60  }
0x32b: {  	[tilespmem:$0xB720] =	vst v61  }
0x32c: {  	[tilespmem:$0xB730] =	vst v5  }
0x32d: {  	v5 =	vld.idx.msk [tilespmem:v28+s18+$0x0], $0xffff;
	_ =	sdelay $0x4  }
0x32e: {  	v5 =	vmax.f32 v5, $1.000000000e+00  }
0x32f: {  	(erf) = vrcp.f32 v5;
	_ =	sdelay $0x2  }
0x330: {  	v62 =	vld [tilespmem:$0x9DC0]  }
0x331: {  	v63 =	vld [tilespmem:$0x9DD0]  }
0x332: {  	v12 =	vld [tilespmem:$0x9DE0]  }
0x333: {  	v13 =	vld [tilespmem:$0x9DF0];
	_ =	sdelay $0x1  }
0x334: {  	v1 =	vadd.f32 v62, v1  }
0x335: {  	v2 =	vadd.f32 v63, v2;
	v14 =	vpop (erf)  }
0x336: {  	v3 =	vadd.f32 v12, v3;
	v15 =	vmul.f32 v14, v1  }
0x337: {  	v4 =	vadd.f32 v13, v4;
	v50 =	vmul.f32 v2, v14  }
0x338: {  	v51 =	vmul.f32 v3, v14;
	[tilespmem:$0xB740] =	vst v15  }
0x339: {  	v5 =	vmul.f32 v4, v14;
	[tilespmem:$0xB750] =	vst v50  }
0x33a: {  	[tilespmem:$0xB760] =	vst v51  }
0x33b: {  	[tilespmem:$0xB770] =	vst v5  }
0x33c: {  	v5 =	vld.idx.msk [tilespmem:v29+s18+$0x0], $0xffff;
	_ =	sdelay $0x4  }
0x33d: {  	v5 =	vmax.f32 v5, $1.000000000e+00  }
0x33e: {  	(erf) = vrcp.f32 v5;
	_ =	sdelay $0x2  }
0x33f: {  	v52 =	vld [tilespmem:$0x9E00]  }
0x340: {  	v53 =	vld [tilespmem:$0x9E10]  }
0x341: {  	v54 =	vld [tilespmem:$0x9E20]  }
0x342: {  	v55 =	vld [tilespmem:$0x9E30];
	_ =	sdelay $0x1  }
0x343: {  	v1 =	vadd.f32 v52, v1  }
0x344: {  	v2 =	vadd.f32 v53, v2;
	v56 =	vpop (erf)  }
0x345: {  	v3 =	vadd.f32 v54, v3;
	v57 =	vmul.f32 v56, v1  }
0x346: {  	v4 =	vadd.f32 v55, v4;
	v58 =	vmul.f32 v2, v56  }
0x347: {  	v59 =	vmul.f32 v3, v56;
	[tilespmem:$0xB780] =	vst v57  }
0x348: {  	v5 =	vmul.f32 v4, v56;
	[tilespmem:$0xB790] =	vst v58  }
0x349: {  	[tilespmem:$0xB7A0] =	vst v59  }
0x34a: {  	[tilespmem:$0xB7B0] =	vst v5  }
0x34b: {  	v5 =	vld.idx.msk [tilespmem:v30+s18+$0x0], $0xffff;
	_ =	sdelay $0x4  }
0x34c: {  	v5 =	vmax.f32 v5, $1.000000000e+00  }
0x34d: {  	(erf) = vrcp.f32 v5;
	_ =	sdelay $0x2  }
0x34e: {  	v60 =	vld [tilespmem:$0x9E40]  }
0x34f: {  	v61 =	vld [tilespmem:$0x9E50]  }
0x350: {  	v62 =	vld [tilespmem:$0x9E60]  }
0x351: {  	v63 =	vld [tilespmem:$0x9E70];
	_ =	sdelay $0x1  }
0x352: {  	v1 =	vadd.f32 v60, v1  }
0x353: {  	v2 =	vadd.f32 v61, v2;
	v9 =	vpop (erf)  }
0x354: {  	v3 =	vadd.f32 v62, v3;
	v10 =	vmul.f32 v9, v1  }
0x355: {  	v4 =	vadd.f32 v63, v4;
	v11 =	vmul.f32 v2, v9  }
0x356: {  	v12 =	vmul.f32 v3, v9;
	[tilespmem:$0xB7C0] =	vst v10  }
0x357: {  	v5 =	vmul.f32 v4, v9;
	[tilespmem:$0xB7D0] =	vst v11  }
0x358: {  	[tilespmem:$0xB7E0] =	vst v12  }
0x359: {  	[tilespmem:$0xB7F0] =	vst v5  }
0x35a: {  	v5 =	vld.idx.msk [tilespmem:v31+s18+$0x0], $0xffff;
	_ =	sdelay $0x4  }
0x35b: {  	v5 =	vmax.f32 v5, $1.000000000e+00  }
0x35c: {  	(erf) = vrcp.f32 v5;
	_ =	sdelay $0x2  }
0x35d: {  	v13 =	vld [tilespmem:$0x9E80]  }
0x35e: {  	v14 =	vld [tilespmem:$0x9E90]  }
0x35f: {  	v15 =	vld [tilespmem:$0x9EA0]  }
0x360: {  	v50 =	vld [tilespmem:$0x9EB0];
	_ =	sdelay $0x1  }
0x361: {  	v1 =	vadd.f32 v13, v1  }
0x362: {  	v2 =	vadd.f32 v14, v2;
	v51 =	vpop (erf)  }
0x363: {  	v3 =	vadd.f32 v15, v3;
	v52 =	vmul.f32 v51, v1  }
0x364: {  	v4 =	vadd.f32 v50, v4;
	v53 =	vmul.f32 v2, v51  }
0x365: {  	v54 =	vmul.f32 v3, v51;
	[tilespmem:$0xB800] =	vst v52  }
0x366: {  	v5 =	vmul.f32 v4, v51;
	[tilespmem:$0xB810] =	vst v53  }
0x367: {  	[tilespmem:$0xB820] =	vst v54  }
0x368: {  	[tilespmem:$0xB830] =	vst v5  }
0x369: {  	v5 =	vld.idx.msk [tilespmem:v32+s18+$0x0], $0xffff;
	_ =	sdelay $0x4  }
0x36a: {  	v5 =	vmax.f32 v5, $1.000000000e+00  }
0x36b: {  	(erf) = vrcp.f32 v5;
	_ =	sdelay $0x2  }
0x36c: {  	v55 =	vld [tilespmem:$0x9EC0]  }
0x36d: {  	v56 =	vld [tilespmem:$0x9ED0]  }
0x36e: {  	v57 =	vld [tilespmem:$0x9EE0]  }
0x36f: {  	v58 =	vld [tilespmem:$0x9EF0];
	_ =	sdelay $0x1  }
0x370: {  	v1 =	vadd.f32 v55, v1  }
0x371: {  	v2 =	vadd.f32 v56, v2;
	v59 =	vpop (erf)  }
0x372: {  	v3 =	vadd.f32 v57, v3;
	v60 =	vmul.f32 v59, v1  }
0x373: {  	v4 =	vadd.f32 v58, v4;
	v61 =	vmul.f32 v2, v59  }
0x374: {  	v62 =	vmul.f32 v3, v59;
	[tilespmem:$0xB840] =	vst v60  }
0x375: {  	v5 =	vmul.f32 v4, v59;
	[tilespmem:$0xB850] =	vst v61  }
0x376: {  	[tilespmem:$0xB860] =	vst v62  }
0x377: {  	[tilespmem:$0xB870] =	vst v5  }
0x378: {  	v5 =	vld.idx.msk [tilespmem:v33+s18+$0x0], $0xffff;
	_ =	sdelay $0x4  }
0x379: {  	v5 =	vmax.f32 v5, $1.000000000e+00  }
0x37a: {  	(erf) = vrcp.f32 v5;
	_ =	sdelay $0x2  }
0x37b: {  	v63 =	vld [tilespmem:$0x9F00]  }
0x37c: {  	v12 =	vld [tilespmem:$0x9F10]  }
0x37d: {  	v13 =	vld [tilespmem:$0x9F20]  }
0x37e: {  	v14 =	vld [tilespmem:$0x9F30];
	_ =	sdelay $0x1  }
0x37f: {  	v1 =	vadd.f32 v63, v1  }
0x380: {  	v2 =	vadd.f32 v12, v2;
	v15 =	vpop (erf)  }
0x381: {  	v3 =	vadd.f32 v13, v3;
	v50 =	vmul.f32 v15, v1  }
0x382: {  	v4 =	vadd.f32 v14, v4;
	v51 =	vmul.f32 v2, v15  }
0x383: {  	v52 =	vmul.f32 v3, v15;
	[tilespmem:$0xB880] =	vst v50  }
0x384: {  	v5 =	vmul.f32 v4, v15;
	[tilespmem:$0xB890] =	vst v51  }
0x385: {  	[tilespmem:$0xB8A0] =	vst v52  }
0x386: {  	[tilespmem:$0xB8B0] =	vst v5  }
0x387: {  	v5 =	vld.idx.msk [tilespmem:v34+s18+$0x0], $0xffff;
	_ =	sdelay $0x4  }
0x388: {  	v5 =	vmax.f32 v5, $1.000000000e+00  }
0x389: {  	(erf) = vrcp.f32 v5;
	_ =	sdelay $0x2  }
0x38a: {  	v53 =	vld [tilespmem:$0x9F40]  }
0x38b: {  	v54 =	vld [tilespmem:$0x9F50]  }
0x38c: {  	v55 =	vld [tilespmem:$0x9F60]  }
0x38d: {  	v56 =	vld [tilespmem:$0x9F70];
	_ =	sdelay $0x1  }
0x38e: {  	v1 =	vadd.f32 v53, v1  }
0x38f: {  	v2 =	vadd.f32 v54, v2;
	v57 =	vpop (erf)  }
0x390: {  	v3 =	vadd.f32 v55, v3;
	v58 =	vmul.f32 v57, v1  }
0x391: {  	v4 =	vadd.f32 v56, v4;
	v59 =	vmul.f32 v2, v57  }
0x392: {  	v60 =	vmul.f32 v3, v57;
	[tilespmem:$0xB8C0] =	vst v58  }
0x393: {  	v5 =	vmul.f32 v4, v57;
	[tilespmem:$0xB8D0] =	vst v59  }
0x394: {  	[tilespmem:$0xB8E0] =	vst v60  }
0x395: {  	[tilespmem:$0xB8F0] =	vst v5  }
0x396: {  	v5 =	vld.idx.msk [tilespmem:v35+s18+$0x0], $0xffff;
	_ =	sdelay $0x4  }
0x397: {  	v5 =	vmax.f32 v5, $1.000000000e+00  }
0x398: {  	(erf) = vrcp.f32 v5;
	_ =	sdelay $0x2  }
0x399: {  	v61 =	vld [tilespmem:$0x9F80]  }
0x39a: {  	v62 =	vld [tilespmem:$0x9F90]  }
0x39b: {  	v63 =	vld [tilespmem:$0x9FA0]  }
0x39c: {  	v12 =	vld [tilespmem:$0x9FB0];
	_ =	sdelay $0x1  }
0x39d: {  	v1 =	vadd.f32 v61, v1  }
0x39e: {  	v2 =	vadd.f32 v62, v2;
	v13 =	vpop (erf)  }
0x39f: {  	v3 =	vadd.f32 v63, v3;
	v14 =	vmul.f32 v13, v1  }
0x3a0: {  	v4 =	vadd.f32 v12, v4;
	v15 =	vmul.f32 v2, v13  }
0x3a1: {  	v50 =	vmul.f32 v3, v13;
	[tilespmem:$0xB900] =	vst v14  }
0x3a2: {  	v5 =	vmul.f32 v4, v13;
	[tilespmem:$0xB910] =	vst v15  }
0x3a3: {  	[tilespmem:$0xB920] =	vst v50  }
0x3a4: {  	[tilespmem:$0xB930] =	vst v5  }
0x3a5: {  	v5 =	vld.idx.msk [tilespmem:v36+s18+$0x0], $0xffff;
	_ =	sdelay $0x4  }
0x3a6: {  	v5 =	vmax.f32 v5, $1.000000000e+00  }
0x3a7: {  	(erf) = vrcp.f32 v5;
	_ =	sdelay $0x2  }
0x3a8: {  	v51 =	vld [tilespmem:$0x9FC0]  }
0x3a9: {  	v52 =	vld [tilespmem:$0x9FD0]  }
0x3aa: {  	v53 =	vld [tilespmem:$0x9FE0]  }
0x3ab: {  	v54 =	vld [tilespmem:$0x9FF0];
	_ =	sdelay $0x1  }
0x3ac: {  	v1 =	vadd.f32 v51, v1  }
0x3ad: {  	v2 =	vadd.f32 v52, v2;
	v55 =	vpop (erf)  }
0x3ae: {  	v3 =	vadd.f32 v53, v3;
	v56 =	vmul.f32 v55, v1  }
0x3af: {  	v4 =	vadd.f32 v54, v4;
	v57 =	vmul.f32 v2, v55  }
0x3b0: {  	v58 =	vmul.f32 v3, v55;
	[tilespmem:$0xB940] =	vst v56  }
0x3b1: {  	v5 =	vmul.f32 v4, v55;
	[tilespmem:$0xB950] =	vst v57  }
0x3b2: {  	[tilespmem:$0xB960] =	vst v58  }
0x3b3: {  	[tilespmem:$0xB970] =	vst v5  }
0x3b4: {  	v5 =	vld.idx.msk [tilespmem:v37+s18+$0x0], $0xffff;
	_ =	sdelay $0x4  }
0x3b5: {  	v5 =	vmax.f32 v5, $1.000000000e+00  }
0x3b6: {  	(erf) = vrcp.f32 v5;
	_ =	sdelay $0x2  }
0x3b7: {  	v59 =	vld [tilespmem:$0xA000]  }
0x3b8: {  	v60 =	vld [tilespmem:$0xA010]  }
0x3b9: {  	v61 =	vld [tilespmem:$0xA020]  }
0x3ba: {  	v62 =	vld [tilespmem:$0xA030];
	_ =	sdelay $0x1  }
0x3bb: {  	v1 =	vadd.f32 v59, v1  }
0x3bc: {  	v2 =	vadd.f32 v60, v2;
	v63 =	vpop (erf)  }
0x3bd: {  	v3 =	vadd.f32 v61, v3;
	v9 =	vmul.f32 v63, v1  }
0x3be: {  	v4 =	vadd.f32 v62, v4;
	v10 =	vmul.f32 v2, v63  }
0x3bf: {  	v11 =	vmul.f32 v3, v63;
	[tilespmem:$0xB980] =	vst v9  }
0x3c0: {  	v5 =	vmul.f32 v4, v63;
	[tilespmem:$0xB990] =	vst v10  }
0x3c1: {  	[tilespmem:$0xB9A0] =	vst v11  }
0x3c2: {  	[tilespmem:$0xB9B0] =	vst v5  }
0x3c3: {  	v5 =	vld.idx.msk [tilespmem:v38+s18+$0x0], $0xffff;
	_ =	sdelay $0x4  }
0x3c4: {  	v5 =	vmax.f32 v5, $1.000000000e+00  }
0x3c5: {  	(erf) = vrcp.f32 v5;
	_ =	sdelay $0x2  }
0x3c6: {  	v12 =	vld [tilespmem:$0xA040]  }
0x3c7: {  	v13 =	vld [tilespmem:$0xA050]  }
0x3c8: {  	v14 =	vld [tilespmem:$0xA060]  }
0x3c9: {  	v15 =	vld [tilespmem:$0xA070];
	_ =	sdelay $0x1  }
0x3ca: {  	v1 =	vadd.f32 v12, v1  }
0x3cb: {  	v2 =	vadd.f32 v13, v2;
	v50 =	vpop (erf)  }
0x3cc: {  	v3 =	vadd.f32 v14, v3;
	v51 =	vmul.f32 v50, v1  }
0x3cd: {  	v4 =	vadd.f32 v15, v4;
	v52 =	vmul.f32 v2, v50  }
0x3ce: {  	v53 =	vmul.f32 v3, v50;
	[tilespmem:$0xB9C0] =	vst v51  }
0x3cf: {  	v5 =	vmul.f32 v4, v50;
	[tilespmem:$0xB9D0] =	vst v52  }
0x3d0: {  	[tilespmem:$0xB9E0] =	vst v53  }
0x3d1: {  	[tilespmem:$0xB9F0] =	vst v5  }
0x3d2: {  	v5 =	vld.idx.msk [tilespmem:v39+s18+$0x0], $0xffff;
	_ =	sdelay $0x4  }
0x3d3: {  	v5 =	vmax.f32 v5, $1.000000000e+00  }
0x3d4: {  	(erf) = vrcp.f32 v5;
	_ =	sdelay $0x2  }
0x3d5: {  	v54 =	vld [tilespmem:$0xA080]  }
0x3d6: {  	v55 =	vld [tilespmem:$0xA090]  }
0x3d7: {  	v56 =	vld [tilespmem:$0xA0A0]  }
0x3d8: {  	v57 =	vld [tilespmem:$0xA0B0];
	_ =	sdelay $0x1  }
0x3d9: {  	v1 =	vadd.f32 v54, v1  }
0x3da: {  	v2 =	vadd.f32 v55, v2;
	v58 =	vpop (erf)  }
0x3db: {  	v3 =	vadd.f32 v56, v3;
	v59 =	vmul.f32 v58, v1  }
0x3dc: {  	v4 =	vadd.f32 v57, v4;
	v60 =	vmul.f32 v2, v58  }
0x3dd: {  	v61 =	vmul.f32 v3, v58;
	[tilespmem:$0xBA00] =	vst v59  }
0x3de: {  	v5 =	vmul.f32 v4, v58;
	[tilespmem:$0xBA10] =	vst v60  }
0x3df: {  	[tilespmem:$0xBA20] =	vst v61  }
0x3e0: {  	[tilespmem:$0xBA30] =	vst v5  }
0x3e1: {  	v5 =	vld.idx.msk [tilespmem:v40+s18+$0x0], $0xffff;
	_ =	sdelay $0x4  }
0x3e2: {  	v5 =	vmax.f32 v5, $1.000000000e+00  }
0x3e3: {  	(erf) = vrcp.f32 v5;
	_ =	sdelay $0x2  }
0x3e4: {  	v62 =	vld [tilespmem:$0xA0C0]  }
0x3e5: {  	v63 =	vld [tilespmem:$0xA0D0]  }
0x3e6: {  	v12 =	vld [tilespmem:$0xA0E0]  }
0x3e7: {  	v13 =	vld [tilespmem:$0xA0F0];
	_ =	sdelay $0x1  }
0x3e8: {  	v1 =	vadd.f32 v62, v1  }
0x3e9: {  	v2 =	vadd.f32 v63, v2;
	v14 =	vpop (erf)  }
0x3ea: {  	v3 =	vadd.f32 v12, v3;
	v15 =	vmul.f32 v14, v1  }
0x3eb: {  	v4 =	vadd.f32 v13, v4;
	v50 =	vmul.f32 v2, v14  }
0x3ec: {  	v51 =	vmul.f32 v3, v14;
	[tilespmem:$0xBA40] =	vst v15  }
0x3ed: {  	v5 =	vmul.f32 v4, v14;
	[tilespmem:$0xBA50] =	vst v50  }
0x3ee: {  	[tilespmem:$0xBA60] =	vst v51  }
0x3ef: {  	[tilespmem:$0xBA70] =	vst v5  }
0x3f0: {  	v5 =	vld.idx.msk [tilespmem:v41+s18+$0x0], $0xffff;
	_ =	sdelay $0x4  }
0x3f1: {  	v5 =	vmax.f32 v5, $1.000000000e+00  }
0x3f2: {  	(erf) = vrcp.f32 v5;
	_ =	sdelay $0x2  }
0x3f3: {  	v52 =	vld [tilespmem:$0xA100]  }
0x3f4: {  	v53 =	vld [tilespmem:$0xA110]  }
0x3f5: {  	v54 =	vld [tilespmem:$0xA120]  }
0x3f6: {  	v55 =	vld [tilespmem:$0xA130];
	_ =	sdelay $0x1  }
0x3f7: {  	v1 =	vadd.f32 v52, v1  }
0x3f8: {  	v2 =	vadd.f32 v53, v2;
	v56 =	vpop (erf)  }
0x3f9: {  	v3 =	vadd.f32 v54, v3;
	v57 =	vmul.f32 v56, v1  }
0x3fa: {  	v4 =	vadd.f32 v55, v4;
	v58 =	vmul.f32 v2, v56  }
0x3fb: {  	v59 =	vmul.f32 v3, v56;
	[tilespmem:$0xBA80] =	vst v57  }
0x3fc: {  	v5 =	vmul.f32 v4, v56;
	[tilespmem:$0xBA90] =	vst v58  }
0x3fd: {  	[tilespmem:$0xBAA0] =	vst v59  }
0x3fe: {  	[tilespmem:$0xBAB0] =	vst v5  }
0x3ff: {  	v5 =	vld.idx.msk [tilespmem:v42+s18+$0x0], $0xffff;
	_ =	sdelay $0x4  }
0x400: {  	v5 =	vmax.f32 v5, $1.000000000e+00  }
0x401: {  	(erf) = vrcp.f32 v5;
	_ =	sdelay $0x2  }
0x402: {  	v60 =	vld [tilespmem:$0xA140]  }
0x403: {  	v61 =	vld [tilespmem:$0xA150]  }
0x404: {  	v62 =	vld [tilespmem:$0xA160]  }
0x405: {  	v63 =	vld [tilespmem:$0xA170];
	_ =	sdelay $0x1  }
0x406: {  	v1 =	vadd.f32 v60, v1  }
0x407: {  	v2 =	vadd.f32 v61, v2;
	v9 =	vpop (erf)  }
0x408: {  	v3 =	vadd.f32 v62, v3;
	v10 =	vmul.f32 v9, v1  }
0x409: {  	v4 =	vadd.f32 v63, v4;
	v11 =	vmul.f32 v2, v9  }
0x40a: {  	v12 =	vmul.f32 v3, v9;
	[tilespmem:$0xBAC0] =	vst v10  }
0x40b: {  	v5 =	vmul.f32 v4, v9;
	[tilespmem:$0xBAD0] =	vst v11  }
0x40c: {  	[tilespmem:$0xBAE0] =	vst v12  }
0x40d: {  	[tilespmem:$0xBAF0] =	vst v5  }
0x40e: {  	v5 =	vld.idx.msk [tilespmem:v43+s18+$0x0], $0xffff;
	_ =	sdelay $0x4  }
0x40f: {  	v5 =	vmax.f32 v5, $1.000000000e+00  }
0x410: {  	(erf) = vrcp.f32 v5;
	_ =	sdelay $0x2  }
0x411: {  	v13 =	vld [tilespmem:$0xA180]  }
0x412: {  	v14 =	vld [tilespmem:$0xA190]  }
0x413: {  	v15 =	vld [tilespmem:$0xA1A0]  }
0x414: {  	v50 =	vld [tilespmem:$0xA1B0];
	_ =	sdelay $0x1  }
0x415: {  	v1 =	vadd.f32 v13, v1  }
0x416: {  	v2 =	vadd.f32 v14, v2;
	v51 =	vpop (erf)  }
0x417: {  	v3 =	vadd.f32 v15, v3;
	v52 =	vmul.f32 v51, v1  }
0x418: {  	v4 =	vadd.f32 v50, v4;
	v53 =	vmul.f32 v2, v51  }
0x419: {  	v54 =	vmul.f32 v3, v51;
	[tilespmem:$0xBB00] =	vst v52  }
0x41a: {  	v5 =	vmul.f32 v4, v51;
	[tilespmem:$0xBB10] =	vst v53  }
0x41b: {  	[tilespmem:$0xBB20] =	vst v54  }
0x41c: {  	[tilespmem:$0xBB30] =	vst v5  }
0x41d: {  	v5 =	vld.idx.msk [tilespmem:v44+s18+$0x0], $0xffff;
	_ =	sdelay $0x4  }
0x41e: {  	v5 =	vmax.f32 v5, $1.000000000e+00  }
0x41f: {  	(erf) = vrcp.f32 v5;
	_ =	sdelay $0x2  }
0x420: {  	v55 =	vld [tilespmem:$0xA1C0]  }
0x421: {  	v56 =	vld [tilespmem:$0xA1D0]  }
0x422: {  	v57 =	vld [tilespmem:$0xA1E0]  }
0x423: {  	v58 =	vld [tilespmem:$0xA1F0];
	_ =	sdelay $0x1  }
0x424: {  	v1 =	vadd.f32 v55, v1  }
0x425: {  	v2 =	vadd.f32 v56, v2;
	v59 =	vpop (erf)  }
0x426: {  	v3 =	vadd.f32 v57, v3;
	v60 =	vmul.f32 v59, v1  }
0x427: {  	v4 =	vadd.f32 v58, v4;
	v61 =	vmul.f32 v2, v59  }
0x428: {  	v62 =	vmul.f32 v3, v59;
	[tilespmem:$0xBB40] =	vst v60  }
0x429: {  	v5 =	vmul.f32 v4, v59;
	[tilespmem:$0xBB50] =	vst v61  }
0x42a: {  	[tilespmem:$0xBB60] =	vst v62  }
0x42b: {  	[tilespmem:$0xBB70] =	vst v5  }
0x42c: {  	v5 =	vld.idx.msk [tilespmem:v45+s18+$0x0], $0xffff;
	_ =	sdelay $0x4  }
0x42d: {  	v5 =	vmax.f32 v5, $1.000000000e+00  }
0x42e: {  	(erf) = vrcp.f32 v5;
	_ =	sdelay $0x2  }
0x42f: {  	v63 =	vld [tilespmem:$0xA200]  }
0x430: {  	v12 =	vld [tilespmem:$0xA210]  }
0x431: {  	v13 =	vld [tilespmem:$0xA220]  }
0x432: {  	v14 =	vld [tilespmem:$0xA230];
	_ =	sdelay $0x1  }
0x433: {  	v1 =	vadd.f32 v63, v1  }
0x434: {  	v2 =	vadd.f32 v12, v2;
	v15 =	vpop (erf)  }
0x435: {  	v3 =	vadd.f32 v13, v3;
	v50 =	vmul.f32 v15, v1  }
0x436: {  	v4 =	vadd.f32 v14, v4;
	v51 =	vmul.f32 v2, v15  }
0x437: {  	v52 =	vmul.f32 v3, v15;
	[tilespmem:$0xBB80] =	vst v50  }
0x438: {  	v5 =	vmul.f32 v4, v15;
	[tilespmem:$0xBB90] =	vst v51  }
0x439: {  	[tilespmem:$0xBBA0] =	vst v52  }
0x43a: {  	[tilespmem:$0xBBB0] =	vst v5  }
0x43b: {  	v5 =	vld.idx.msk [tilespmem:v46+s18+$0x0], $0xffff;
	_ =	sdelay $0x4  }
0x43c: {  	v5 =	vmax.f32 v5, $1.000000000e+00  }
0x43d: {  	(erf) = vrcp.f32 v5;
	_ =	sdelay $0x2  }
0x43e: {  	v53 =	vld [tilespmem:$0xA240]  }
0x43f: {  	v54 =	vld [tilespmem:$0xA250]  }
0x440: {  	v55 =	vld [tilespmem:$0xA260]  }
0x441: {  	v56 =	vld [tilespmem:$0xA270];
	_ =	sdelay $0x1  }
0x442: {  	v1 =	vadd.f32 v53, v1  }
0x443: {  	v2 =	vadd.f32 v54, v2;
	v57 =	vpop (erf)  }
0x444: {  	v3 =	vadd.f32 v55, v3;
	v58 =	vmul.f32 v57, v1  }
0x445: {  	v4 =	vadd.f32 v56, v4;
	v59 =	vmul.f32 v2, v57  }
0x446: {  	v60 =	vmul.f32 v3, v57;
	[tilespmem:$0xBBC0] =	vst v58  }
0x447: {  	v5 =	vmul.f32 v4, v57;
	[tilespmem:$0xBBD0] =	vst v59  }
0x448: {  	[tilespmem:$0xBBE0] =	vst v60  }
0x449: {  	[tilespmem:$0xBBF0] =	vst v5  }
0x44a: {  	v5 =	vld.idx.msk [tilespmem:v47+s18+$0x0], $0xffff;
	_ =	sdelay $0x4  }
0x44b: {  	v5 =	vmax.f32 v5, $1.000000000e+00  }
0x44c: {  	(erf) = vrcp.f32 v5;
	_ =	sdelay $0x2  }
0x44d: {  	v61 =	vld [tilespmem:$0xA280]  }
0x44e: {  	v62 =	vld [tilespmem:$0xA290]  }
0x44f: {  	v63 =	vld [tilespmem:$0xA2A0]  }
0x450: {  	v12 =	vld [tilespmem:$0xA2B0];
	_ =	sdelay $0x1  }
0x451: {  	v1 =	vadd.f32 v61, v1  }
0x452: {  	v2 =	vadd.f32 v62, v2;
	v13 =	vpop (erf)  }
0x453: {  	v3 =	vadd.f32 v63, v3;
	v14 =	vmul.f32 v13, v1  }
0x454: {  	v4 =	vadd.f32 v12, v4;
	v15 =	vmul.f32 v2, v13  }
0x455: {  	v50 =	vmul.f32 v3, v13;
	[tilespmem:$0xBC00] =	vst v14  }
0x456: {  	v5 =	vmul.f32 v4, v13;
	[tilespmem:$0xBC10] =	vst v15  }
0x457: {  	[tilespmem:$0xBC20] =	vst v50  }
0x458: {  	[tilespmem:$0xBC30] =	vst v5  }
0x459: {  	v5 =	vld.idx.msk [tilespmem:v48+s18+$0x0], $0xffff;
	_ =	sdelay $0x4  }
0x45a: {  	v5 =	vmax.f32 v5, $1.000000000e+00  }
0x45b: {  	(erf) = vrcp.f32 v5;
	_ =	sdelay $0x2  }
0x45c: {  	v51 =	vld [tilespmem:$0xA2C0]  }
0x45d: {  	v52 =	vld [tilespmem:$0xA2D0]  }
0x45e: {  	v53 =	vld [tilespmem:$0xA2E0]  }
0x45f: {  	v54 =	vld [tilespmem:$0xA2F0];
	_ =	sdelay $0x1  }
0x460: {  	v1 =	vadd.f32 v51, v1  }
0x461: {  	v2 =	vadd.f32 v52, v2;
	v55 =	vpop (erf)  }
0x462: {  	v3 =	vadd.f32 v53, v3;
	v56 =	vmul.f32 v55, v1  }
0x463: {  	v4 =	vadd.f32 v54, v4;
	v57 =	vmul.f32 v2, v55  }
0x464: {  	v58 =	vmul.f32 v3, v55;
	[tilespmem:$0xBC40] =	vst v56  }
0x465: {  	v5 =	vmul.f32 v4, v55;
	[tilespmem:$0xBC50] =	vst v57  }
0x466: {  	[tilespmem:$0xBC60] =	vst v58  }
0x467: {  	[tilespmem:$0xBC70] =	vst v5  }
0x468: {  	v5 =	vld.idx.msk [tilespmem:v49+s18+$0x0], $0xffff;
	_ =	sdelay $0x4  }
0x469: {  	v5 =	vmax.f32 v5, $1.000000000e+00  }
0x46a: {  	(erf) = vrcp.f32 v5;
	_ =	sdelay $0x2  }
0x46b: {  	v59 =	vld [tilespmem:$0xA300]  }
0x46c: {  	v60 =	vld [tilespmem:$0xA310]  }
0x46d: {  	v61 =	vld [tilespmem:$0xA320]  }
0x46e: {  	v62 =	vld [tilespmem:$0xA330];
	_ =	sdelay $0x1  }
0x46f: {  	v1 =	vadd.f32 v59, v1  }
0x470: {  	v2 =	vadd.f32 v60, v2;
	v63 =	vpop (erf)  }
0x471: {  	v3 =	vadd.f32 v61, v3;
	v1 =	vmul.f32 v63, v1  }
0x472: {  	v4 =	vadd.f32 v62, v4;
	v2 =	vmul.f32 v2, v63  }
0x473: {  	[tilespmem:$0xBC80] =	vst v1;
	v1 =	vmul.f32 v3, v63  }
0x474: {  	[tilespmem:$0xBC90] =	vst v2;
	v2 =	vmul.f32 v4, v63  }
0x475: {  	p0 =	sne.s32 s22, $0x7C0;
	[tilespmem:$0xBCA0] =	vst v1  }
.Ltmp0:
0x476: {  	s31 =	rddreg [dreg:$0xf];
	[tilespmem:$0xBCB0] =	vst v2;
	(pc) =	sbr.rel @p0 .LBB2_2-.Ltmp0, $4  }
0x477: {  	[hbm4b:s20+s2] =	stream.linear.scatter [tilespmem:s31], [sflag:$0x2], $0xC80, $0x38;
	[tilespmem:$0xBCC0] =	vst v63  }
0x478: {  	_ =	swait.ge [sflag:s10], $0xC80  }
0x479: {  	s22 =	sadd.s32 $0x40, s22;
	[sflag:s10] =	ssyncset.done $0x0  }
0x47a: {  	s21 =	sadd.s32 $0xFA0, s21;
	s20 =	sadd.s32 $0x190, s20;
	[sflag:s10] =	ssyncadd.s32 $0xFFFFF380  }
0x47b: {  	s19 =	sadd.s32 $0x1, s19  }
0x47c: {  	p0 =	sne.s32 s19, s6  }
.Ltmp1:
0x47d: {  	_ = 	snop;
	(pc) =	sbr.rel @p0 .LBB2_1-.Ltmp1, $1  }
0x47e: {  	_ =	sdelay $0x3  }
0x47f: {  	_ =	sfence.sel $0x180000  }
0x480: {  	[bflag:$0x0] =	sbarrier.arrive $0xFFFF  }
0x481: {  	p0 =	sne.s32 s1, $0x0;
	_ =	strace $0x90000047  }
0x482: {  	s0 =	sadd.s32 @!p0 $0x100000, s0;
	[bflag:$0x2] =	sbarrier.arrive $0xFFFF  }
0x483: {  	[sflag:s0] =	ssyncadd.tile.s32 @!p0 $0x1;
	_ =	shalt  }
.Lfunc_end2:
_tile_overlayer_lowered:
.L_overlay_start_2:
0x484: {  	(tag) =	ssettag $0x2  }
0x485: {  	s0 =	rddreg [dreg:$0x0];
	s2 =	stileid.u32  }
0x486: {  	s1 =	rddreg [dreg:$0x1];
	p0 =	sne.s32 s2, $0x0  }
0x487: {  	s3 =	rddreg [dreg:$0x2];
	[bflag:$0x3] =	sbarrier.arrive $0xFFFF;
	s2 =	simm.s32 @!p0 $0x1C02  }
0x488: {  	[timem:s3], [sflag:s2] =	dma.local @!p0 [hbm:s0], s1  }
0x489: {  	s0 =	simm.s32 @!p0 $0x2  }
0x48a: {  	_ =	swait.ge @!p0 [sflag:s0], s1  }
0x48b: {  	s1 =	ssub.s32 @!p0 $0x0, s1;
	[sflag:s0] =	ssyncset.done @!p0 $0x0  }
0x48c: {  	[sflag:s0] =	ssyncadd.s32 @!p0 s1  }
0x48d: {  	[bflag:$0x3] =	sbarrier.arrive $0xFFFF  }
0x48e: {  	_ =	shalt  }

// kernel: sparse-core-data-format-call.cloned.1.call-start
scs
called_computation_lowered:
.L_overlay_start_0:
0x0: {  	s2 =	sld [smem:$0x3FD9]  }
0x1: {  	s3 =	sld [smem:$0x3FFE];
	_ =	sdelay $0x1  }
0x2: {  	s1 =	srdreg.scid  }
0x3: {  	s0 =	sand.u32 $0x1, s1  }
0x4: {  	s15 =	sshll.u32 s0, $0xA;
	s2 =	sadd.s32 s3, s2  }
0x5: {  	s2 =	sadd.s32 s2, s15  }
0x6: {  	[smem:$0x3FC5] =	sst s2  }
0x7: {  	_ = 	snop  }
0x8: {  	s2 =	sld [smem:$0x3FD0];
	_ =	sdelay $0x2  }
0x9: {  	s16 =	simm.s32 $0xA;
	s4 =	simm.s32 $0x10  }
0xa: {  	[smem:s4], [sflag:s16] =	dma.local [hbm:s2], $0x1  }
0xb: {  	_ =	swait.eq [sflag:s16], $0x1  }
0xc: {  	[sflag:s16] =	ssyncset.done $0x0  }
0xd: {  	[sflag:s16] =	ssyncadd.s32 $0xFFFFFFFF  }
0xe: {  	s17 =	sld [smem:$0x10];
	(tm) =	ssettm $0x1  }
0xf: {  	s18 =	sld [smem:$0x3FFB];
	_ =	sdelay $0x3  }
0x10: {  	_ =	strace s18  }
0x11: {  	s3 =	sld [smem:$0x3FFC];
	_ =	sdelay $0x3  }
0x12: {  	_ =	strace s3  }
0x13: {  	s3 =	sld [smem:$0x3FFD];
	_ =	sdelay $0x3  }
0x14: {  	_ =	strace s3  }
0x15: {  	_ =	strace $0x8FFFFFFF  }
0x16: {  	s19 =	sld [smem:$0x3FDB];
	_ =	sdelay $0x1  }
0x17: {  	s20 =	simm.s32 $_scs_section_size  }
0x18: {  	s5 =	simm.s32 $_size__tile_overlayer_lowered;
	s6 =	simm.s32 $_tile_overlayer_lowered  }
0x19: {  	s23 =	simm.s32 $0x1BFF;
	s22 =	sshll.u32 s6, $0x1;
	s3 =	sadd.s32 s20, s19  }
0x1a: {  	s7 =	simm.s32 $0x0;
	s21 =	sshll.u32 s5, $0x1;
	s5 =	sadd.s32 s22, s3  }
0x1b: {  	[timem:s7], [sflag:s23] =	dma.local [hbm:s5], s21  }
0x1c: {  	_ =	swait.ge [sflag:s23], s21  }
0x1d: {  	s4 =	ssub.s32 $0x0, s21;
	[sflag:s23] =	ssyncset.done $0x0  }
0x1e: {  	[sflag:s23] =	ssyncadd.s32 s4;
	_ =	sdelay $0x1  }
0x1f: {  	s24 =	simm.s32 $0x1B8B  }
0x20: {  	_ =	swait.ge [sflag:s24], $0x1  }
0x21: {  	[sflag:s24] =	ssyncset.done $0x0  }
0x22: {  	s26 =	simm.s32 $0x1B8E;
	s25 =	sld [smem:$0x3FFE];
	[sflag:s24] =	ssyncadd.s32 $0xFFFFFFFF  }
0x23: {  	s27 =	simm.s32 $execute0_lowered;
	[smem:$0x3FD2] =	sst s26  }
0x24: {  	s5 =	sshll.u32 s27, $0x1;
	_ =	strace $0x80000049;
	[dreg:$0x1] =	wrdreg $0xFFFFFFFF  }
0x25: {  	s28 =	simm.s32 $_size_execute0_lowered;
	s3 =	sadd.s32 s3, s5;
	[dreg:$0x0] =	wrdreg $0x0  }
0x26: {  	s5 =	sshll.u32 s28, $0x1;
	[dreg:$0x2] =	wrdreg s3  }
0x27: {  	[dreg:$0x3] =	wrdreg s5  }
0x28: {  	[dreg:$0x4] =	wrdreg $0xC0  }
0x29: {  	_ =	task [dreg:s7], $0x5FFFF  }
0x2a: {  	[dreg:$0x1] =	wrdreg $0xFFFFFFFF  }
0x2b: {  	[dreg:$0x0] =	wrdreg $0x60  }
0x2c: {  	[dreg:$0x2] =	wrdreg s25  }
0x2d: {  	[dreg:$0x3] =	wrdreg s17  }
0x2e: {  	[dreg:$0x4] =	wrdreg $0x9  }
0x2f: {  	_ =	task.clear_ibuf [dreg:s7], $0x5FFFF;
	_ =	strace $0x90000049  }
0x30: {  	s29 =	simm.s32 $0x9;
	_ =	strace $0x8000004B  }
0x31: {  	_ =	swait.ge [sflag:s29], $0x1  }
0x32: {  	[sflag:s29] =	ssyncadd.s32 $0xFFFFFFFF  }
0x33: {  	_ =	strace $0x9000004B  }
0x34: {  	_ =	sfence  }
0x35: {  	s30 =	sld [smem:$0x0];
	_ =	sdelay $0x2  }
0x36: {  	s31 =	sshll.u32 s1, $0xD;
	s1 =	sshrl.u32 s1, $0x2  }
0x37: {  	s3 =	sand.u32 $0x4000, s31;
	s1 =	sadd.s32 s1, s30  }
0x38: {  	s0 =	sor.u32 s3, s0;
	s1 =	sshll.u32 s1, $0x11  }
0x39: {  	s0 =	sor.u32 s1, s0  }
0x3a: {  	s0 =	sadd.s32 $0x8F2B, s0  }
0x3b: {  	[sflag:s0] =	ssyncadd.remote.s32 $0x1  }
0x3c: {  	_ =	sfence.sel $0xFFFF  }
0x3d: {  	[dreg:$0x0] =	wrdreg $0xFFFFFFFF;
	(pc) =	sbr.abs _section_cstart, $3  }
0x3e: {  	[dreg:$0x1] =	wrdreg $0xFFFFFFFF  }
0x3f: {  	_ =	task.clear_ibuf [dreg:s7], $0x2FFFF;
	_ =	strace $0x9FFFFFFF  }
0x40: {  	(tm) =	ssettm $0x7FFFFFFF  }
0x41: {  	_ =	shalt  }
tec
execute0_lowered:
.L_overlay_start_1:
0x0: {  	(tag) =	ssettag $0x1  }
0x1: {  	s0 =	stileid.u32;
	s6 =	rddreg [dreg:$0x0]  }
0x2: {  	s2 =	rddreg [dreg:$0x1];
	s5 =	srdreg.scid  }
0x3: {  	s31 =	simm.s32 $0x2;
	s13 =	simm.s32 $0x0;
	s1 =	sshll.u32 s0, $0x7  }
0x4: {  	s14 =	simm.s32 $0x0;
	s12 =	simm.s32 $0x0;
	s3 =	sand.u32 $0x380, s1  }
0x5: {  	s5 =	sshll.u32 s5, $0x4;
	s6 =	sadd.s32 $0x1200, s6;
	s4 =	ssub.s32 $0x400, s3  }
0x6: {  	s1 =	rddreg [dreg:$0x2];
	_ =	strace $0x8000004A;
	s7 =	sand.u32 $0x380, s4  }
0x7: {  	s5 =	sand.u32 $0x10, s5;
	p0 =	sne.s32 s7, $0x0;
	s7 =	simm.s32 $0x1  }
.Ltmp0:
0x8: {  	s8 =	sshrl.u32 s4, $0xA;
	s7 =	simm.s32 @!p0 $0x0;
	(pc) =	sbr.rel .LBB1_1-.Ltmp0, $4  }
0x9: {  	s9 =	sor.u32 s0, s5;
	s4 =	simm.s32 $0x1;
	s30 =	sadd.s32 s7, s8  }
0xa: {  	s11 =	smov.u32 s3;
	[sflag:s4] =	ssyncpa.u1 $0x0;
	s5 =	smul.u32 $0x7D, s30  }
0xb: {  	[sflag:s31] =	ssyncpa.u1 $0x0;
	p0 =	por $0x0, $0x0;
	s7 =	sshrl.u32 s9, $0x3  }
0xc: {  	s9 =	simm.s32 $0x2000;
	s10 =	smov.u32 s7;
	s8 =	sadd.s32 $0x1, s5  }
.LBB1_4:
0xd: {  	s17 =	sand.u32 $0x1F80, s14;
	s13 =	sshll.u32 s13, $0xD  }
0xe: {  	[tilespmem:s16+$0x810 ss:$0x81] =	vst.msk $0xffff, v2;
	s18 =	sshrl.u32 s14, $0x3;
	s31 =	sand.u32 $0x7, s14;
	s17 =	sadd.s32 s2, s17  }
0xf: {  	[tilespmem:s16+$0x1020 ss:$0x81] =	vst.msk $0xffff, v0;
	s18 =	sand.u32 $0xF, s18;
	s14 =	sshll.u32 s31, $0x12;
	s13 =	sadd.s32 s13, s17  }
0x10: {  	[tilespmem:s16+$0x0 ss:$0x81] =	vst.msk $0xffff, v1;
	s14 =	sor.u32 $0x400, s14;
	s13 =	sadd.s32 s18, s13  }
0x11: {  	[hbm4b:s13+s14] =	stream.strided.scatter [tilespmem:s15], [sflag:$0x2], $0x2000, s9, s14, $0x20;
	[tilespmem:$0x8080] =	vst v63  }
.LBB1_5:
0x12: {  	s15 =	sadd.s32 $0x4, s10  }
0x13: {  	s13 =	sadd.s32 $0x400, s11;
	s17 =	smov.u32 s11;
	p2 =	sgt.s32 s15, $0x1F3  }
0x14: {  	s17 =	smov.u32 @p2 s13  }
0x15: {  	s15 =	smov.u32 @p2 s7;
	p2 =	sgt.s32 s17, $0x3FF  }
0x16: {  	s17 =	smov.u32 @p2 s3;
	p2 =	sne.s32 s12, s8  }
.Ltmp1:
0x17: {  	p1 =	slt.u32 s12, $0x2;
	(pc) =	sbr.rel @!p2 .LBB1_6-.Ltmp1, $4  }
0x18: {  	s16 =	simm.s32 @!p1 $0x2  }
0x19: {  	s14 =	smov.u32 s11;
	p0 =	por !p0, !p0;
	_ =	swait.ge @!p1 [sflag:s16], $0x2000  }
0x1a: {  	s13 =	smov.u32 s10;
	[sflag:s16] =	ssyncset.done @!p1 $0x0;
	s10 =	smov.u32 s15  }
0x1b: {  	s12 =	sadd.s32 $0x1, s12;
	[sflag:s16] =	ssyncadd.s32 @!p1 $0xFFFFE000;
	s11 =	smov.u32 s17  }
.LBB1_1:
0x1c: {  	p1 =	sge.u32 s12, s5  }
0x1d: {  	s15 =	sand.u32 @!p1 $0x1FFFFFF, s10  }
0x1e: {  	s16 =	smulhi.u32 @!p1 $0x2082083, s15;
	_ =	sdelay $0x1  }
0x1f: {  	s16 =	sshrl.u32 @!p1 s16, $0x2  }
0x20: {  	s16 =	smul.u32 @!p1 $0x1F8, s16  }
0x21: {  	s17 =	sxor.u32 @!p1 $0xFFFFFFFF, s12;
	s18 =	smul.u32 @!p1 $0x1F80, s11  }
0x22: {  	s31 =	sadd.s32 $0xFFFFFFFF, s12;
	s17 =	sshll.u32 @!p1 s17, $0xD;
	s15 =	ssub.s32 @!p1 s15, s16  }
0x23: {  	s16 =	sand.u32 @!p1 $0x2000, s17;
	s17 =	sadd.s32 @!p1 s6, s18;
	s15 =	sshll.u32 @!p1 s15, $0x4  }
0x24: {  	s18 =	simm.s32 @!p1 $0xFC00;
	s15 =	sadd.s32 @!p1 s15, s17;
	s17 =	simm.s32 @!p1 $0x40  }
0x25: {  	[tilespmem:s16], [sflag:$0x1] =	stream.strided.gather @!p1 [hbm4b:s15+s17], $0x2000, s18, s17, $0x38;
	[tilespmem:$0x8080] =	vst v63  }
0x26: {  	p1 =	sge.u32 s31, s5  }
.Ltmp2:
0x27: {  	_ = 	snop;
	(pc) =	sbr.rel @p1 .LBB1_5-.Ltmp2, $1  }
0x28: {  	_ =	sdelay $0x3  }
0x29: {  	s15 =	simm.s32 $0x1  }
0x2a: {  	_ =	swait.ge [sflag:s4], $0x2000;
	s15 =	simm.s32 @!p0 $0x0  }
0x2b: {  	[sflag:s4] =	ssyncset.done $0x0;
	s16 =	sshll.u32 s15, $0xD  }
0x2c: {  	[sflag:s4] =	ssyncadd.s32 $0xFFFFE000;
	s19 =	sor.u32 $0x20, s16  }
0x2d: {  	s15 =	smul.u32 $0x8100, s15;
	v3 =	vld [tilespmem:s19+$0x10]  }
0x2e: {  	s30 =	sand.u32 $0x1, s12;
	v2 =	vld [tilespmem:s19+$0xFFFFFFF0]  }
0x2f: {  	s16 =	smul.u32 $0x8100, s30;
	s15 =	sshrl.u32 s15, $0x2;
	v0 =	vld [tilespmem:s19+$0x0]  }
0x30: {  	v1 =	vld [tilespmem:s19+$0xFFFFFFE0];
	s17 =	sor.u32 $0x4000, s15  }
0x31: {  	s31 =	sshrl.u32 s16, $0x2;
	s16 =	sadd.s32 $0x0, s17  }
0x32: {  	s18 =	simm.s32 $0x4;
	s19 =	sadd.s32 $0x40, s19;
	s15 =	sor.u32 $0x4000, s31;
	[tilespmem:s16+$0x1830 ss:$0x81] =	vst.msk $0xffff, v3  }
.LBB1_3:
0x33: {  	v3 =	vld [tilespmem:s19+$0x10];
	p1 =	sne.s32 s18, $0x1FC;
	[tilespmem:s16+$0x810 ss:$0x81] =	vst.msk $0xffff, v2;
	s20 =	smov.u32 s18;
	s18 =	sadd.s32 $0x4, s18  }
.Ltmp3:
0x34: {  	v2 =	vld [tilespmem:s19+$0xFFFFFFF0];
	[tilespmem:s16+$0x1020 ss:$0x81] =	vst.msk $0xffff, v0;
	(pc) =	sbr.rel @p1 .LBB1_3-.Ltmp3, $4  }
0x35: {  	v0 =	vld [tilespmem:s19+$0x0];
	[tilespmem:s16+$0x0 ss:$0x81] =	vst.msk $0xffff, v1  }
0x36: {  	s16 =	sshra.s32 s20, $0x2;
	v1 =	vld [tilespmem:s19+$0xFFFFFFE0]  }
0x37: {  	s16 =	sadd.s32 s16, s17  }
0x38: {  	s19 =	sadd.s32 $0x40, s19;
	[tilespmem:s16+$0x1830 ss:$0x81] =	vst.msk $0xffff, v3  }
.Ltmp4:
0x39: {  	_ = 	snop;
	(pc) =	sbr.rel .LBB1_4-.Ltmp4, $1  }
0x3a: {  	_ =	sdelay $0x3  }
.LBB1_6:
0x3b: {  	_ =	sfence.sel $0x180000  }
0x3c: {  	s2 =	simm.s32 $0x1;
	[bflag:$0x0] =	sbarrier.arrive $0xFFFF  }
0x3d: {  	s31 =	simm.s32 $0x2;
	[sflag:s2] =	ssyncpa.u1 $0x1  }
0x3e: {  	[sflag:s31] =	ssyncpa.u1 $0x1  }
0x3f: {  	p0 =	sne.s32 s0, $0x0;
	_ =	strace $0x9000004A  }
0x40: {  	s0 =	sadd.s32 @!p0 $0x100000, s1;
	[bflag:$0x2] =	sbarrier.arrive $0xFFFF  }
0x41: {  	[sflag:s0] =	ssyncadd.tile.s32 @!p0 $0x1;
	_ =	shalt  }
.Lfunc_end1:
_tile_overlayer_lowered:
.L_overlay_start_2:
0x42: {  	(tag) =	ssettag $0x2  }
0x43: {  	s0 =	rddreg [dreg:$0x0];
	s2 =	stileid.u32  }
0x44: {  	s1 =	rddreg [dreg:$0x1];
	p0 =	sne.s32 s2, $0x0  }
0x45: {  	s3 =	rddreg [dreg:$0x2];
	[bflag:$0x3] =	sbarrier.arrive $0xFFFF;
	s2 =	simm.s32 @!p0 $0x1C01  }
0x46: {  	[timem:s3], [sflag:s2] =	dma.local @!p0 [hbm:s0], s1  }
0x47: {  	s0 =	simm.s32 @!p0 $0x1  }
0x48: {  	_ =	swait.ge @!p0 [sflag:s0], s1  }
0x49: {  	s1 =	ssub.s32 @!p0 $0x0, s1;
	[sflag:s0] =	ssyncset.done @!p0 $0x0  }
0x4a: {  	[sflag:s0] =	ssyncadd.s32 @!p0 s1  }
0x4b: {  	[bflag:$0x3] =	sbarrier.arrive $0xFFFF  }
0x4c: {  	_ =	shalt  }

</sc_bundles>
